<compile_context>
chip_gen: v7x
topology: tpu7x:2x2x1
jax: 0.10.2.dev20260603
libtpu: 0.0.44.dev20260713+nightly
codegen_flags: <defaults>
</compile_context>

<pallas_src>
import jax
import jax.numpy as jnp
from jax import lax
from jax.experimental import pallas as pl
from jax.experimental.pallas import tpu as pltpu
from jax.experimental.pallas import tpu_sc as plsc

N = 10000
E = 320000
D = 128
EPS = 1e-5

NC = 2
NS = 16
NW = NC * NS
CHUNK = 128
NCHT = E // CHUNK
CPW = NCHT // NW
EXTRA = (6, 14, 22, 30)
R0 = 624
RLAST = N - (NS - 1) * R0


NIB = 6


def _segsum_body(src_hbm, dst_hbm, z_hbm, zeros_hbm, out_hbm,
                 s0, d0, s1, d1, s2, d2, s3, d3, s4, d4, s5, d5,
                 rows_a, rows_b, rows_c,
                 is0, id0, is1, id1, is2, id2, is3, id3, is4, id4, is5, id5,
                 gsem_a, gsem_b, gsem_c, ssem_a, ssem_b, ssem_c, agg):
    c = lax.axis_index("c")
    s = lax.axis_index("s")
    w = c * NS + s
    nxtra = sum((w > e).astype(jnp.int32) for e in EXTRA)
    nch = CPW + sum((w == e).astype(jnp.int32) for e in EXTRA)
    base = pl.multiple_of((CPW * w + nxtra) * CHUNK, 8)
    row0 = pl.multiple_of(s * R0, 8)

    @pl.when(s < NS - 1)
    def _():
        pltpu.sync_copy(zeros_hbm.at[pl.ds(0, R0)], agg.at[pl.ds(row0, R0)])

    @pl.when(s == NS - 1)
    def _():
        pltpu.sync_copy(zeros_hbm, agg.at[pl.ds((NS - 1) * R0, RLAST)])

    plsc.subcore_barrier()

    rbufs = ((rows_a, gsem_a, ssem_a),
             (rows_b, gsem_b, ssem_b),
             (rows_c, gsem_c, ssem_c))
    ibufs = ((s0, d0, is0, id0), (s1, d1, is1, id1), (s2, d2, is2, id2),
             (s3, d3, is3, id3), (s4, d4, is4, id4), (s5, d5, is5, id5))

    def idx_load(off, p):
        sidx, didx, isem, idsem = ibufs[p]
        pltpu.async_copy(src_hbm.at[pl.ds(off, CHUNK)], sidx, isem)
        pltpu.async_copy(dst_hbm.at[pl.ds(off, CHUNK)], didx, idsem)

    def idx_wait(off, p):
        sidx, didx, isem, idsem = ibufs[p]
        pltpu.make_async_copy(src_hbm.at[pl.ds(off, CHUNK)], sidx, isem).wait()
        pltpu.make_async_copy(dst_hbm.at[pl.ds(off, CHUNK)], didx, idsem).wait()

    def gather(p, b):
        sidx = ibufs[p][0]
        rows, gsem, _ = rbufs[b]
        pltpu.async_copy(z_hbm.at[sidx], rows, gsem)

    def wait_scatter(p, b):
        didx = ibufs[p][1]
        rows, _, ssem = rbufs[b]
        pltpu.make_async_copy(rows, agg.at[didx], ssem).wait()

    idx_load(base, 0)
    idx_load(base + CHUNK, 1)
    idx_wait(base, 0)
    gather(0, 0)

    def body(i, carry):
        off1 = base + (i + 1) * CHUNK
        off2 = base + (i + 2) * CHUNK
        for p in range(NIB):
            @pl.when(i % NIB == p)
            def _(p=p):
                b = p % 3
                np_, nb = (p + 1) % NIB, (p + 1) % 3
                pp = (p + 2) % NIB
                prev_p = (p + 4) % NIB
                rows, gsem, _ = rbufs[b]
                didx = ibufs[p][1]
                ssem = rbufs[b][2]

                @pl.when(i + 1 < nch)
                def _():
                    @pl.when(i >= 2)
                    def _():
                        wait_scatter(prev_p, nb)

                    idx_wait(off1, np_)
                    gather(np_, nb)

                @pl.when(i + 2 < nch)
                def _():
                    idx_load(off2, pp)

                pltpu.make_async_copy(z_hbm.at[ibufs[p][0]], rows, gsem).wait()
                pltpu.async_copy(rows, agg.at[didx], ssem, add=True)

        return carry

    lax.fori_loop(0, nch, body, 0)

    for k in range(3):
        ch = nch - 3 + k
        for p in range(NIB):
            @pl.when(ch % NIB == p)
            def _(p=p):
                wait_scatter(p, p % 3)

    plsc.subcore_barrier()
    obase = pl.multiple_of(c * N + row0, 8)

    @pl.when(s < NS - 1)
    def _():
        pltpu.sync_copy(agg.at[pl.ds(row0, R0)], out_hbm.at[pl.ds(obase, R0)])

    @pl.when(s == NS - 1)
    def _():
        pltpu.sync_copy(agg.at[pl.ds((NS - 1) * R0, RLAST)],
                        out_hbm.at[pl.ds(c * N + (NS - 1) * R0, RLAST)])


def _segment_sum(z, src, dst, zeros):
    mesh = plsc.VectorSubcoreMesh(core_axis_name="c", subcore_axis_name="s")
    k = pl.kernel(
        _segsum_body,
        mesh=mesh,
        out_type=jax.ShapeDtypeStruct((2 * N, D), jnp.float32),
        scratch_types=(
            [pltpu.VMEM((CHUNK,), jnp.int32)] * (2 * NIB)
            + [pltpu.VMEM((CHUNK, D), jnp.float32)] * 3
            + [pltpu.SemaphoreType.DMA] * (2 * NIB)
            + [pltpu.SemaphoreType.DMA] * 6
            + [pltpu.VMEM_SHARED((N, D), jnp.float32)]
        ),
    )
    return k(src, dst, z, zeros)


BM = 1000


def _mlp_body(x_ref, p0_ref, p1_ref, w1_ref, b1_ref, w2_ref, b2_ref, o_ref):
    h = x_ref[...] + p0_ref[...] + p1_ref[...]
    h = jnp.dot(h, w1_ref[...], preferred_element_type=jnp.float32) + b1_ref[...]
    h = jnp.maximum(h, 0.0)
    h = jnp.dot(h, w2_ref[...], preferred_element_type=jnp.float32) + b2_ref[...]
    o_ref[...] = jnp.maximum(h, 0.0)


def _gin_mlp(x, parts, w1, b1, w2, b2):
    nb = N // BM
    return pl.pallas_call(
        _mlp_body,
        grid=(nb,),
        in_specs=[
            pl.BlockSpec((BM, D), lambda i: (i, 0)),
            pl.BlockSpec((BM, D), lambda i: (i, 0)),
            pl.BlockSpec((BM, D), lambda i, nb=nb: (i + nb, 0)),
            pl.BlockSpec((D, D), lambda i: (0, 0)),
            pl.BlockSpec((1, D), lambda i: (0, 0)),
            pl.BlockSpec((D, D), lambda i: (0, 0)),
            pl.BlockSpec((1, D), lambda i: (0, 0)),
        ],
        out_specs=pl.BlockSpec((BM, D), lambda i: (i, 0)),
        out_shape=jax.ShapeDtypeStruct((N, D), jnp.float32),
    )(x, parts, parts, w1, b1.reshape(1, D), w2, b2.reshape(1, D))


def _final_body(z1_ref, p0_ref, p1_ref, w1_ref, b1_ref, w2_ref, b2_ref,
                wp_ref, bp_ref, bng_ref, bnb_ref, png_ref, pnb_ref,
                pw_ref, z_ref, p_ref):
    h = z1_ref[...] + p0_ref[...] + p1_ref[...]
    h = jnp.dot(h, w1_ref[...], preferred_element_type=jnp.float32) + b1_ref[...]
    h = jnp.maximum(h, 0.0)
    h = jnp.dot(h, w2_ref[...], preferred_element_type=jnp.float32) + b2_ref[...]
    z2 = jnp.maximum(h, 0.0)
    m = jnp.mean(z2, axis=0, keepdims=True)
    v = jnp.mean((z2 - m) ** 2, axis=0, keepdims=True)
    z = (z2 - m) / jnp.sqrt(v + EPS) * bng_ref[...] + bnb_ref[...]
    z_ref[...] = z
    pp = jnp.dot(z, wp_ref[...], preferred_element_type=jnp.float32) + bp_ref[...]
    m2 = jnp.mean(pp, axis=0, keepdims=True)
    v2 = jnp.mean((pp - m2) ** 2, axis=0, keepdims=True)
    p = (pp - m2) / jnp.sqrt(v2 + EPS) * png_ref[...] + pnb_ref[...]
    p_ref[...] = jnp.where(p >= 0.0, p, pw_ref[0, 0] * p)


def _final(z1, parts, w1, b1, w2, b2, wp, bp, bn_g, bn_b, pn_g, pn_b,
           prelu_w):
    p0 = parts[:N]
    p1 = parts[N:]
    return pl.pallas_call(
        _final_body,
        out_shape=(
            jax.ShapeDtypeStruct((N, D), jnp.float32),
            jax.ShapeDtypeStruct((N, D), jnp.float32),
        ),
    )(z1, p0, p1, w1, b1.reshape(1, D), w2, b2.reshape(1, D),
      wp, bp.reshape(1, D), bn_g.reshape(1, D), bn_b.reshape(1, D),
      pn_g.reshape(1, D), pn_b.reshape(1, D), prelu_w.reshape(1, 1))


def kernel(x, edge_index, W1_0, b1_0, W2_0, b2_0, W1_1, b1_1, W2_1, b2_1,
           bn_g, bn_b, Wp, bp, pn_g, pn_b, prelu_w):
    src = edge_index[0]
    dst = edge_index[1]
    zeros = jnp.zeros((RLAST, D), jnp.float32)
    parts0 = _segment_sum(x, src, dst, zeros)
    z1 = _gin_mlp(x, parts0, W1_0, b1_0, W2_0, b2_0)
    parts1 = _segment_sum(z1, src, dst, zeros)
    z, p = _final(z1, parts1, W1_1, b1_1, W2_1, b2_1, Wp, bp,
                  bn_g, bn_b, pn_g, pn_b, prelu_w)
    return (z, p)

# --- scband reference (transcript-rebuilt; emitter-appended) ---
"""Pipeline reference for scband-gconv-87883620811274 (READ-ONLY COPY).

The authoritative reference and input builder live on the scoring server;
editing this copy changes nothing except your own understanding.
"""

import jax, jax.numpy as jnp
import numpy as np

N = 10000
E = 320000
D = 128
EPS = 1e-5


def setup_inputs(seed: int = 0) -> dict:
    key = jax.random.key(seed)
    ks = jax.random.split(key, 24)
    inp = {}
    inp["x"] = jax.random.normal(ks[0], (N, D), dtype=jnp.float32)
    inp["edge_index"] = jax.random.randint(ks[1], (2, E), 0, N, dtype=jnp.int32)
    s = 1.0 / np.sqrt(D)
    # GIN layer 0 MLP: Linear(D->D), ReLU, Linear(D->D)
    inp["W1_0"] = jax.random.uniform(ks[2], (D, D), jnp.float32, -s, s)
    inp["b1_0"] = jax.random.uniform(ks[3], (D,), jnp.float32, -s, s)
    inp["W2_0"] = jax.random.uniform(ks[4], (D, D), jnp.float32, -s, s)
    inp["b2_0"] = jax.random.uniform(ks[5], (D,), jnp.float32, -s, s)
    # GIN layer 1 MLP
    inp["W1_1"] = jax.random.uniform(ks[6], (D, D), jnp.float32, -s, s)
    inp["b1_1"] = jax.random.uniform(ks[7], (D,), jnp.float32, -s, s)
    inp["W2_1"] = jax.random.uniform(ks[8], (D, D), jnp.float32, -s, s)
    inp["b2_1"] = jax.random.uniform(ks[9], (D,), jnp.float32, -s, s)
    # encoder batch norm affine params
    inp["bn_g"] = jnp.ones((D,), jnp.float32)
    inp["bn_b"] = jnp.zeros((D,), jnp.float32)
    # projection head: Linear(D->D), BatchNorm, PReLU
    inp["Wp"] = jax.random.uniform(ks[10], (D, D), jnp.float32, -s, s)
    inp["bp"] = jax.random.uniform(ks[11], (D,), jnp.float32, -s, s)
    inp["pn_g"] = jnp.ones((D,), jnp.float32)
    inp["pn_b"] = jnp.zeros((D,), jnp.float32)
    inp["prelu_w"] = jnp.full((1,), 0.25, jnp.float32)
    return inp


def _batch_norm(z, g, b):
    m = jnp.mean(z, axis=0)
    v = jnp.var(z, axis=0)
    return (z - m) / jnp.sqrt(v + EPS) * g + b


def _gin_conv(z, edge_index, W1, b1, W2, b2):
    # sum-aggregate messages from src -> dst, eps = 0
    src, dst = edge_index[0], edge_index[1]
    agg = jnp.zeros_like(z).at[dst].add(z[src])
    h = z + agg
    h = jnp.maximum(h @ W1 + b1, 0.0) @ W2 + b2
    return h


def reference(x, edge_index, W1_0, b1_0, W2_0, b2_0, W1_1, b1_1, W2_1, b2_1,
              bn_g, bn_b, Wp, bp, pn_g, pn_b, prelu_w):
    z = x
    for (W1, b1, W2, b2) in ((W1_0, b1_0, W2_0, b2_0), (W1_1, b1_1, W2_1, b2_1)):
        z = _gin_conv(z, edge_index, W1, b1, W2, b2)
        z = jnp.maximum(z, 0.0)  # ReLU activation; dropout p=0.0 is a no-op
    z = _batch_norm(z, bn_g, bn_b)
    p = z @ Wp + bp
    p = _batch_norm(p, pn_g, pn_b)
    p = jnp.where(p >= 0.0, p, prelu_w * p)  # PReLU; dropout p=0.0 no-op
    return (z, p)

if __name__ == "__main__":
    import jax
    _d = setup_inputs()
    print(jax.jit(kernel)(*tuple(_d.values())))

</pallas_src>

<mosaic_0001>
#map = affine_map<(d0, d1) -> (0)>
#map1 = affine_map<(d0, d1) -> (0, 0)>
module attributes {stable_mosaic.version = 14 : i64} {
  func.func @_segsum_body(%arg0: i32, %arg1: i32, %arg2: memref<320000xi32, #tpu.memory_space<hbm>>, %arg3: memref<320000xi32, #tpu.memory_space<hbm>>, %arg4: memref<10000x128xf32, #tpu.memory_space<hbm>>, %arg5: memref<640x128xf32, #tpu.memory_space<hbm>>, %arg6: memref<20000x128xf32, #tpu.memory_space<hbm>>, %arg7: memref<128xi32, #tpu.memory_space<vmem>>, %arg8: memref<128xi32, #tpu.memory_space<vmem>>, %arg9: memref<128xi32, #tpu.memory_space<vmem>>, %arg10: memref<128xi32, #tpu.memory_space<vmem>>, %arg11: memref<128xi32, #tpu.memory_space<vmem>>, %arg12: memref<128xi32, #tpu.memory_space<vmem>>, %arg13: memref<128xi32, #tpu.memory_space<vmem>>, %arg14: memref<128xi32, #tpu.memory_space<vmem>>, %arg15: memref<128xi32, #tpu.memory_space<vmem>>, %arg16: memref<128xi32, #tpu.memory_space<vmem>>, %arg17: memref<128xi32, #tpu.memory_space<vmem>>, %arg18: memref<128xi32, #tpu.memory_space<vmem>>, %arg19: memref<128x128xf32, #tpu.memory_space<vmem>>, %arg20: memref<128x128xf32, #tpu.memory_space<vmem>>, %arg21: memref<128x128xf32, #tpu.memory_space<vmem>>, %arg22: memref<!tpu.dma_semaphore, #tpu.memory_space<semaphore_mem>>, %arg23: memref<!tpu.dma_semaphore, #tpu.memory_space<semaphore_mem>>, %arg24: memref<!tpu.dma_semaphore, #tpu.memory_space<semaphore_mem>>, %arg25: memref<!tpu.dma_semaphore, #tpu.memory_space<semaphore_mem>>, %arg26: memref<!tpu.dma_semaphore, #tpu.memory_space<semaphore_mem>>, %arg27: memref<!tpu.dma_semaphore, #tpu.memory_space<semaphore_mem>>, %arg28: memref<!tpu.dma_semaphore, #tpu.memory_space<semaphore_mem>>, %arg29: memref<!tpu.dma_semaphore, #tpu.memory_space<semaphore_mem>>, %arg30: memref<!tpu.dma_semaphore, #tpu.memory_space<semaphore_mem>>, %arg31: memref<!tpu.dma_semaphore, #tpu.memory_space<semaphore_mem>>, %arg32: memref<!tpu.dma_semaphore, #tpu.memory_space<semaphore_mem>>, %arg33: memref<!tpu.dma_semaphore, #tpu.memory_space<semaphore_mem>>, %arg34: memref<!tpu.dma_semaphore, #tpu.memory_space<semaphore_mem>>, %arg35: memref<!tpu.dma_semaphore, #tpu.memory_space<semaphore_mem>>, %arg36: memref<!tpu.dma_semaphore, #tpu.memory_space<semaphore_mem>>, %arg37: memref<!tpu.dma_semaphore, #tpu.memory_space<semaphore_mem>>, %arg38: memref<!tpu.dma_semaphore, #tpu.memory_space<semaphore_mem>>, %arg39: memref<!tpu.dma_semaphore, #tpu.memory_space<semaphore_mem>>, %arg40: memref<10000x128xf32, #tpu.memory_space<vmem_shared>>) attributes {dimension_semantics = [#tpu.dimension_semantics<core_parallel>, #tpu.dimension_semantics<subcore_parallel>], iteration_bounds = array<i64: 2, 16>, scalar_prefetch = 0 : i64, scratch_operands = 34 : i64, tpu.core_type = #tpu.core_type<sc_vector_subcore>, window_params = [{transform_indices = #map}, {transform_indices = #map}, {transform_indices = #map1}, {transform_indices = #map1}, {transform_indices = #map1}]} {
    %mul3A = arith.constant 16 : i32
    %mul3A_0 = arith.muli %arg0, %mul3A : i32
    %add3A = arith.addi %mul3A_0, %arg1 : i32
    %gt3A = arith.constant 6 : i32
    %gt3A_1 = arith.cmpi sgt, %add3A, %gt3A : i32
    %convert_element_type3A = arith.extui %gt3A_1 : i1 to i32
    %add3A_2 = arith.constant 0 : i32
    %add3A_3 = arith.addi %add3A_2, %convert_element_type3A : i32
    %gt3A_4 = arith.constant 14 : i32
    %gt3A_5 = arith.cmpi sgt, %add3A, %gt3A_4 : i32
    %convert_element_type3A_6 = arith.extui %gt3A_5 : i1 to i32
    %add3A_7 = arith.addi %add3A_3, %convert_element_type3A_6 : i32
    %gt3A_8 = arith.constant 22 : i32
    %gt3A_9 = arith.cmpi sgt, %add3A, %gt3A_8 : i32
    %convert_element_type3A_10 = arith.extui %gt3A_9 : i1 to i32
    %add3A_11 = arith.addi %add3A_7, %convert_element_type3A_10 : i32
    %gt3A_12 = arith.constant 30 : i32
    %gt3A_13 = arith.cmpi sgt, %add3A, %gt3A_12 : i32
    %convert_element_type3A_14 = arith.extui %gt3A_13 : i1 to i32
    %add3A_15 = arith.addi %add3A_11, %convert_element_type3A_14 : i32
    %eq3A = arith.constant 6 : i32
    %eq3A_16 = arith.cmpi eq, %add3A, %eq3A : i32
    %convert_element_type3A_17 = arith.extui %eq3A_16 : i1 to i32
    %add3A_18 = arith.constant 0 : i32
    %add3A_19 = arith.addi %add3A_18, %convert_element_type3A_17 : i32
    %eq3A_20 = arith.constant 14 : i32
    %eq3A_21 = arith.cmpi eq, %add3A, %eq3A_20 : i32
    %convert_element_type3A_22 = arith.extui %eq3A_21 : i1 to i32
    %add3A_23 = arith.addi %add3A_19, %convert_element_type3A_22 : i32
    %eq3A_24 = arith.constant 22 : i32
    %eq3A_25 = arith.cmpi eq, %add3A, %eq3A_24 : i32
    %convert_element_type3A_26 = arith.extui %eq3A_25 : i1 to i32
    %add3A_27 = arith.addi %add3A_23, %convert_element_type3A_26 : i32
    %eq3A_28 = arith.constant 30 : i32
    %eq3A_29 = arith.cmpi eq, %add3A, %eq3A_28 : i32
    %convert_element_type3A_30 = arith.extui %eq3A_29 : i1 to i32
    %add3A_31 = arith.addi %add3A_27, %convert_element_type3A_30 : i32
    %add3A_32 = arith.constant 78 : i32
    %add3A_33 = arith.addi %add3A_32, %add3A_31 : i32
    %mul3A_34 = arith.constant 78 : i32
    %mul3A_35 = arith.muli %mul3A_34, %add3A : i32
    %add3A_36 = arith.addi %mul3A_35, %add3A_15 : i32
    %mul3A_37 = arith.constant 128 : i32
    %mul3A_38 = arith.muli %add3A_36, %mul3A_37 : i32
    %multiple_of3A = tpu.assume_multiple %mul3A_38, 8 : i32
    %mul3A_39 = arith.constant 624 : i32
    %mul3A_40 = arith.muli %arg1, %mul3A_39 : i32
    %multiple_of3A_41 = tpu.assume_multiple %mul3A_40, 8 : i32
    %lt3A = arith.constant 15 : i32
    %lt3A_42 = arith.cmpi slt, %arg1, %lt3A : i32
    %convert_element_type3A_43 = arith.extui %lt3A_42 : i1 to i32
    %cond3A = arith.constant 0 : i32
    %cond3A_44 = arith.cmpi ne, %convert_element_type3A_43, %cond3A : i32
    scf.if %cond3A_44 {
      "tpu.region"() ({
        %run_scoped3A = tpu.sem_alloc : memref<!tpu.dma_semaphore, #tpu.memory_space<semaphore_mem>>
        %dma_start3A_473 = arith.constant 0 : i32
        %dma_start3A_474 = tpu.memref_slice %arg40[%multiple_of3A_41, %dma_start3A_473] : memref<10000x128xf32, #tpu.memory_space<vmem_shared>> -> memref<624x128xf32, #tpu.memory_space<vmem_shared>>
        %dma_start3A_475 = arith.constant 0 : i32
        %dma_start3A_476 = arith.constant 0 : i32
        %dma_start3A_477 = tpu.memref_slice %arg5[%dma_start3A_475, %dma_start3A_476] : memref<640x128xf32, #tpu.memory_space<hbm>> -> memref<624x128xf32, #tpu.memory_space<hbm>>
        tpu.enqueue_dma source(%dma_start3A_477 : memref<624x128xf32, #tpu.memory_space<hbm>>) target(%dma_start3A_474 : memref<624x128xf32, #tpu.memory_space<vmem_shared>>) target_semaphore(%run_scoped3A : memref<!tpu.dma_semaphore, #tpu.memory_space<semaphore_mem>>)
        %dma_wait3A_478 = arith.constant 0 : i32
        %dma_wait3A_479 = tpu.memref_slice %arg40[%multiple_of3A_41, %dma_wait3A_478] : memref<10000x128xf32, #tpu.memory_space<vmem_shared>> -> memref<624x128xf32, #tpu.memory_space<vmem_shared>>
        %dma_wait3A_480 = arith.constant 0 : i32
        %dma_wait3A_481 = arith.constant 0 : i32
        %dma_wait3A_482 = tpu.memref_slice %arg5[%dma_wait3A_480, %dma_wait3A_481] : memref<640x128xf32, #tpu.memory_space<hbm>> -> memref<624x128xf32, #tpu.memory_space<hbm>>
        tpu.wait_dma2 semaphore(%run_scoped3A : memref<!tpu.dma_semaphore, #tpu.memory_space<semaphore_mem>>) src(%dma_wait3A_482 : memref<624x128xf32, #tpu.memory_space<hbm>>) dst(%dma_wait3A_479 : memref<624x128xf32, #tpu.memory_space<vmem_shared>>)
        tpu.yield
      }) : () -> ()
    } else {
    }
    %eq3A_45 = arith.constant 15 : i32
    %eq3A_46 = arith.cmpi eq, %arg1, %eq3A_45 : i32
    %convert_element_type3A_47 = arith.extui %eq3A_46 : i1 to i32
    %cond3A_48 = arith.constant 0 : i32
    %cond3A_49 = arith.cmpi ne, %convert_element_type3A_47, %cond3A_48 : i32
    scf.if %cond3A_49 {
      "tpu.region"() ({
        %run_scoped3A = tpu.sem_alloc : memref<!tpu.dma_semaphore, #tpu.memory_space<semaphore_mem>>
        %dma_start3A_473 = arith.constant 9360 : i32
        %dma_start3A_474 = arith.constant 0 : i32
        %dma_start3A_475 = tpu.memref_slice %arg40[%dma_start3A_473, %dma_start3A_474] : memref<10000x128xf32, #tpu.memory_space<vmem_shared>> -> memref<640x128xf32, #tpu.memory_space<vmem_shared>>
        tpu.enqueue_dma source(%arg5 : memref<640x128xf32, #tpu.memory_space<hbm>>) target(%dma_start3A_475 : memref<640x128xf32, #tpu.memory_space<vmem_shared>>) target_semaphore(%run_scoped3A : memref<!tpu.dma_semaphore, #tpu.memory_space<semaphore_mem>>)
        %dma_wait3A_476 = arith.constant 9360 : i32
        %dma_wait3A_477 = arith.constant 0 : i32
        %dma_wait3A_478 = tpu.memref_slice %arg40[%dma_wait3A_476, %dma_wait3A_477] : memref<10000x128xf32, #tpu.memory_space<vmem_shared>> -> memref<640x128xf32, #tpu.memory_space<vmem_shared>>
        tpu.wait_dma2 semaphore(%run_scoped3A : memref<!tpu.dma_semaphore, #tpu.memory_space<semaphore_mem>>) src(%arg5 : memref<640x128xf32, #tpu.memory_space<hbm>>) dst(%dma_wait3A_478 : memref<640x128xf32, #tpu.memory_space<vmem_shared>>)
        tpu.yield
      }) : () -> ()
    } else {
    }
    %barrier3A = arith.constant 0 : index
    tpu.barrier barrier_id(%barrier3A)
    %dma_start3A = tpu.memref_slice %arg2[%multiple_of3A] : memref<320000xi32, #tpu.memory_space<hbm>> -> memref<128xi32, #tpu.memory_space<hbm>>
    %dma_start3A_50 = tpu.memref_slice %arg2[%multiple_of3A] : memref<320000xi32, #tpu.memory_space<hbm>> -> memref<128xi32, #tpu.memory_space<hbm>>
    tpu.enqueue_dma source(%dma_start3A_50 : memref<128xi32, #tpu.memory_space<hbm>>) target(%arg7 : memref<128xi32, #tpu.memory_space<vmem>>) target_semaphore(%arg22 : memref<!tpu.dma_semaphore, #tpu.memory_space<semaphore_mem>>)
    %dma_start3A_51 = tpu.memref_slice %arg3[%multiple_of3A] : memref<320000xi32, #tpu.memory_space<hbm>> -> memref<128xi32, #tpu.memory_space<hbm>>
    %dma_start3A_52 = tpu.memref_slice %arg3[%multiple_of3A] : memref<320000xi32, #tpu.memory_space<hbm>> -> memref<128xi32, #tpu.memory_space<hbm>>
    tpu.enqueue_dma source(%dma_start3A_52 : memref<128xi32, #tpu.memory_space<hbm>>) target(%arg8 : memref<128xi32, #tpu.memory_space<vmem>>) target_semaphore(%arg23 : memref<!tpu.dma_semaphore, #tpu.memory_space<semaphore_mem>>)
    %add3A_53 = arith.constant 128 : i32
    %add3A_54 = arith.addi %multiple_of3A, %add3A_53 : i32
    %dma_start3A_55 = tpu.memref_slice %arg2[%add3A_54] : memref<320000xi32, #tpu.memory_space<hbm>> -> memref<128xi32, #tpu.memory_space<hbm>>
    %dma_start3A_56 = tpu.memref_slice %arg2[%add3A_54] : memref<320000xi32, #tpu.memory_space<hbm>> -> memref<128xi32, #tpu.memory_space<hbm>>
    tpu.enqueue_dma source(%dma_start3A_56 : memref<128xi32, #tpu.memory_space<hbm>>) target(%arg9 : memref<128xi32, #tpu.memory_space<vmem>>) target_semaphore(%arg24 : memref<!tpu.dma_semaphore, #tpu.memory_space<semaphore_mem>>)
    %dma_start3A_57 = tpu.memref_slice %arg3[%add3A_54] : memref<320000xi32, #tpu.memory_space<hbm>> -> memref<128xi32, #tpu.memory_space<hbm>>
    %dma_start3A_58 = tpu.memref_slice %arg3[%add3A_54] : memref<320000xi32, #tpu.memory_space<hbm>> -> memref<128xi32, #tpu.memory_space<hbm>>
    tpu.enqueue_dma source(%dma_start3A_58 : memref<128xi32, #tpu.memory_space<hbm>>) target(%arg10 : memref<128xi32, #tpu.memory_space<vmem>>) target_semaphore(%arg25 : memref<!tpu.dma_semaphore, #tpu.memory_space<semaphore_mem>>)
    %dma_wait3A = tpu.memref_slice %arg2[%multiple_of3A] : memref<320000xi32, #tpu.memory_space<hbm>> -> memref<128xi32, #tpu.memory_space<hbm>>
    %dma_wait3A_59 = tpu.memref_slice %arg2[%multiple_of3A] : memref<320000xi32, #tpu.memory_space<hbm>> -> memref<128xi32, #tpu.memory_space<hbm>>
    tpu.wait_dma2 semaphore(%arg22 : memref<!tpu.dma_semaphore, #tpu.memory_space<semaphore_mem>>) src(%dma_wait3A_59 : memref<128xi32, #tpu.memory_space<hbm>>) dst(%arg7 : memref<128xi32, #tpu.memory_space<vmem>>)
    %dma_wait3A_60 = tpu.memref_slice %arg3[%multiple_of3A] : memref<320000xi32, #tpu.memory_space<hbm>> -> memref<128xi32, #tpu.memory_space<hbm>>
    %dma_wait3A_61 = tpu.memref_slice %arg3[%multiple_of3A] : memref<320000xi32, #tpu.memory_space<hbm>> -> memref<128xi32, #tpu.memory_space<hbm>>
    tpu.wait_dma2 semaphore(%arg23 : memref<!tpu.dma_semaphore, #tpu.memory_space<semaphore_mem>>) src(%dma_wait3A_61 : memref<128xi32, #tpu.memory_space<hbm>>) dst(%arg8 : memref<128xi32, #tpu.memory_space<vmem>>)
    %dma_start3A_62 = arith.constant 0 : i32
    %dma_start3A_63 = arith.constant 0 : i32
    %dma_start3A_64 = tpu.memref_slice %arg4[%dma_start3A_62, %dma_start3A_63] : memref<10000x128xf32, #tpu.memory_space<hbm>> -> memref<10000x128xf32, #tpu.memory_space<hbm>>
    tpu.enqueue_indirect_dma source(%dma_start3A_64 : memref<10000x128xf32, #tpu.memory_space<hbm>>) target(%arg19 : memref<128x128xf32, #tpu.memory_space<vmem>>) offsets(%arg7 : memref<128xi32, #tpu.memory_space<vmem>>) semaphore(%arg34 : memref<!tpu.dma_semaphore, #tpu.memory_space<semaphore_mem>>)
    %while3A = arith.constant 0 : i32
    %while3A_65 = arith.constant 0 : i32
    %while3A_66 = arith.subi %add3A_33, %while3A_65 : i32
    %while3A_67 = arith.addi %while3A_65, %while3A_66 : i32
    %while3A_68 = arith.constant 1 : i32
    %while3A_69 = arith.divsi %while3A_66, %while3A_68 : i32
    %while3A_70 = arith.muli %while3A_69, %while3A_68 : i32
    %while3A_71 = arith.addi %while3A_65, %while3A_70 : i32
    %while3A_72 = arith.constant 1 : i32
    scf.for %while3A_473 = %while3A_65 to %while3A_71 step %while3A_72  : i32 {
      %add3A_474 = arith.constant 1 : i32
      %add3A_475 = arith.addi %while3A_473, %add3A_474 : i32
      %mul3A_476 = arith.constant 128 : i32
      %mul3A_477 = arith.muli %add3A_475, %mul3A_476 : i32
      %add3A_478 = arith.addi %multiple_of3A, %mul3A_477 : i32
      %add3A_479 = arith.constant 2 : i32
      %add3A_480 = arith.addi %while3A_473, %add3A_479 : i32
      %mul3A_481 = arith.constant 128 : i32
      %mul3A_482 = arith.muli %add3A_480, %mul3A_481 : i32
      %add3A_483 = arith.addi %multiple_of3A, %mul3A_482 : i32
      %jit3A_484 = arith.constant 6 : i32
      %eq3A_485 = arith.constant 0 : i32
      %eq3A_486 = arith.cmpi eq, %jit3A_484, %eq3A_485 : i32
      %jit3A_487 = arith.constant 1 : i32
      %select_n3A_488 = arith.select %eq3A_486, %jit3A_487, %jit3A_484 : i32
      %rem3A_489 = arith.remsi %while3A_473, %select_n3A_488 : i32
      %ne3A_490 = arith.constant 0 : i32
      %ne3A_491 = arith.cmpi ne, %rem3A_489, %ne3A_490 : i32
      %lt3A_492 = arith.constant 0 : i32
      %lt3A_493 = arith.cmpi slt, %rem3A_489, %lt3A_492 : i32
      %lt3A_494 = arith.constant 0 : i32
      %lt3A_495 = arith.cmpi slt, %select_n3A_488, %lt3A_494 : i32
      %ne3A_496 = arith.xori %lt3A_493, %lt3A_495 : i1
      %and3A_497 = arith.andi %ne3A_496, %ne3A_491 : i1
      %add3A_498 = arith.addi %rem3A_489, %select_n3A_488 : i32
      %select_n3A_499 = arith.select %and3A_497, %add3A_498, %rem3A_489 : i32
      %eq3A_500 = arith.constant 0 : i32
      %eq3A_501 = arith.cmpi eq, %select_n3A_499, %eq3A_500 : i32
      %convert_element_type3A_502 = arith.extui %eq3A_501 : i1 to i32
      %cond3A_503 = arith.constant 0 : i32
      %cond3A_504 = arith.cmpi ne, %convert_element_type3A_502, %cond3A_503 : i32
      scf.if %cond3A_504 {
        %add3A_610 = arith.constant 1 : i32
        %add3A_611 = arith.addi %while3A_473, %add3A_610 : i32
        %lt3A_612 = arith.cmpi slt, %add3A_611, %add3A_33 : i32
        %convert_element_type3A_613 = arith.extui %lt3A_612 : i1 to i32
        %cond3A_614 = arith.constant 0 : i32
        %cond3A_615 = arith.cmpi ne, %convert_element_type3A_613, %cond3A_614 : i32
        scf.if %cond3A_615 {
          %ge3A = arith.constant 2 : i32
          %ge3A_628 = arith.cmpi sge, %while3A_473, %ge3A : i32
          %convert_element_type3A_629 = arith.extui %ge3A_628 : i1 to i32
          %cond3A_630 = arith.constant 0 : i32
          %cond3A_631 = arith.cmpi ne, %convert_element_type3A_629, %cond3A_630 : i32
          scf.if %cond3A_631 {
            %dma_wait3A_639 = arith.constant 0 : i32
            %dma_wait3A_640 = arith.constant 0 : i32
            %dma_wait3A_641 = tpu.memref_slice %arg40[%dma_wait3A_639, %dma_wait3A_640] : memref<10000x128xf32, #tpu.memory_space<vmem_shared>> -> memref<10000x128xf32, #tpu.memory_space<vmem_shared>>
            tpu.wait_indirect_dma semaphore(%arg38 : memref<!tpu.dma_semaphore, #tpu.memory_space<semaphore_mem>>) src(%arg20 : memref<128x128xf32, #tpu.memory_space<vmem>>) dst(%dma_wait3A_641 : memref<10000x128xf32, #tpu.memory_space<vmem_shared>>)
          } else {
          }
          %dma_wait3A_632 = tpu.memref_slice %arg2[%add3A_478] : memref<320000xi32, #tpu.memory_space<hbm>> -> memref<128xi32, #tpu.memory_space<hbm>>
          %dma_wait3A_633 = tpu.memref_slice %arg2[%add3A_478] : memref<320000xi32, #tpu.memory_space<hbm>> -> memref<128xi32, #tpu.memory_space<hbm>>
          tpu.wait_dma2 semaphore(%arg24 : memref<!tpu.dma_semaphore, #tpu.memory_space<semaphore_mem>>) src(%dma_wait3A_633 : memref<128xi32, #tpu.memory_space<hbm>>) dst(%arg9 : memref<128xi32, #tpu.memory_space<vmem>>)
          %dma_wait3A_634 = tpu.memref_slice %arg3[%add3A_478] : memref<320000xi32, #tpu.memory_space<hbm>> -> memref<128xi32, #tpu.memory_space<hbm>>
          %dma_wait3A_635 = tpu.memref_slice %arg3[%add3A_478] : memref<320000xi32, #tpu.memory_space<hbm>> -> memref<128xi32, #tpu.memory_space<hbm>>
          tpu.wait_dma2 semaphore(%arg25 : memref<!tpu.dma_semaphore, #tpu.memory_space<semaphore_mem>>) src(%dma_wait3A_635 : memref<128xi32, #tpu.memory_space<hbm>>) dst(%arg10 : memref<128xi32, #tpu.memory_space<vmem>>)
          %dma_start3A_636 = arith.constant 0 : i32
          %dma_start3A_637 = arith.constant 0 : i32
          %dma_start3A_638 = tpu.memref_slice %arg4[%dma_start3A_636, %dma_start3A_637] : memref<10000x128xf32, #tpu.memory_space<hbm>> -> memref<10000x128xf32, #tpu.memory_space<hbm>>
          tpu.enqueue_indirect_dma source(%dma_start3A_638 : memref<10000x128xf32, #tpu.memory_space<hbm>>) target(%arg20 : memref<128x128xf32, #tpu.memory_space<vmem>>) offsets(%arg9 : memref<128xi32, #tpu.memory_space<vmem>>) semaphore(%arg35 : memref<!tpu.dma_semaphore, #tpu.memory_space<semaphore_mem>>)
        } else {
        }
        %add3A_616 = arith.constant 2 : i32
        %add3A_617 = arith.addi %while3A_473, %add3A_616 : i32
        %lt3A_618 = arith.cmpi slt, %add3A_617, %add3A_33 : i32
        %convert_element_type3A_619 = arith.extui %lt3A_618 : i1 to i32
        %cond3A_620 = arith.constant 0 : i32
        %cond3A_621 = arith.cmpi ne, %convert_element_type3A_619, %cond3A_620 : i32
        scf.if %cond3A_621 {
          %dma_start3A_628 = tpu.memref_slice %arg2[%add3A_483] : memref<320000xi32, #tpu.memory_space<hbm>> -> memref<128xi32, #tpu.memory_space<hbm>>
          %dma_start3A_629 = tpu.memref_slice %arg2[%add3A_483] : memref<320000xi32, #tpu.memory_space<hbm>> -> memref<128xi32, #tpu.memory_space<hbm>>
          tpu.enqueue_dma source(%dma_start3A_629 : memref<128xi32, #tpu.memory_space<hbm>>) target(%arg11 : memref<128xi32, #tpu.memory_space<vmem>>) target_semaphore(%arg26 : memref<!tpu.dma_semaphore, #tpu.memory_space<semaphore_mem>>)
          %dma_start3A_630 = tpu.memref_slice %arg3[%add3A_483] : memref<320000xi32, #tpu.memory_space<hbm>> -> memref<128xi32, #tpu.memory_space<hbm>>
          %dma_start3A_631 = tpu.memref_slice %arg3[%add3A_483] : memref<320000xi32, #tpu.memory_space<hbm>> -> memref<128xi32, #tpu.memory_space<hbm>>
          tpu.enqueue_dma source(%dma_start3A_631 : memref<128xi32, #tpu.memory_space<hbm>>) target(%arg12 : memref<128xi32, #tpu.memory_space<vmem>>) target_semaphore(%arg27 : memref<!tpu.dma_semaphore, #tpu.memory_space<semaphore_mem>>)
        } else {
        }
        %dma_wait3A_622 = arith.constant 0 : i32
        %dma_wait3A_623 = arith.constant 0 : i32
        %dma_wait3A_624 = tpu.memref_slice %arg4[%dma_wait3A_622, %dma_wait3A_623] : memref<10000x128xf32, #tpu.memory_space<hbm>> -> memref<10000x128xf32, #tpu.memory_space<hbm>>
        tpu.wait_indirect_dma semaphore(%arg34 : memref<!tpu.dma_semaphore, #tpu.memory_space<semaphore_mem>>) src(%dma_wait3A_624 : memref<10000x128xf32, #tpu.memory_space<hbm>>) dst(%arg19 : memref<128x128xf32, #tpu.memory_space<vmem>>)
        %dma_start3A_625 = arith.constant 0 : i32
        %dma_start3A_626 = arith.constant 0 : i32
        %dma_start3A_627 = tpu.memref_slice %arg40[%dma_start3A_625, %dma_start3A_626] : memref<10000x128xf32, #tpu.memory_space<vmem_shared>> -> memref<10000x128xf32, #tpu.memory_space<vmem_shared>>
        tpu.enqueue_indirect_dma source(%arg19 : memref<128x128xf32, #tpu.memory_space<vmem>>) target(%dma_start3A_627 : memref<10000x128xf32, #tpu.memory_space<vmem_shared>>) offsets(%arg8 : memref<128xi32, #tpu.memory_space<vmem>>) semaphore(%arg37 : memref<!tpu.dma_semaphore, #tpu.memory_space<semaphore_mem>>) {add = true}
      } else {
      }
      %jit3A_505 = arith.constant 6 : i32
      %eq3A_506 = arith.constant 0 : i32
      %eq3A_507 = arith.cmpi eq, %jit3A_505, %eq3A_506 : i32
      %jit3A_508 = arith.constant 1 : i32
      %select_n3A_509 = arith.select %eq3A_507, %jit3A_508, %jit3A_505 : i32
      %rem3A_510 = arith.remsi %while3A_473, %select_n3A_509 : i32
      %ne3A_511 = arith.constant 0 : i32
      %ne3A_512 = arith.cmpi ne, %rem3A_510, %ne3A_511 : i32
      %lt3A_513 = arith.constant 0 : i32
      %lt3A_514 = arith.cmpi slt, %rem3A_510, %lt3A_513 : i32
      %lt3A_515 = arith.constant 0 : i32
      %lt3A_516 = arith.cmpi slt, %select_n3A_509, %lt3A_515 : i32
      %ne3A_517 = arith.xori %lt3A_514, %lt3A_516 : i1
      %and3A_518 = arith.andi %ne3A_517, %ne3A_512 : i1
      %add3A_519 = arith.addi %rem3A_510, %select_n3A_509 : i32
      %select_n3A_520 = arith.select %and3A_518, %add3A_519, %rem3A_510 : i32
      %eq3A_521 = arith.constant 1 : i32
      %eq3A_522 = arith.cmpi eq, %select_n3A_520, %eq3A_521 : i32
      %convert_element_type3A_523 = arith.extui %eq3A_522 : i1 to i32
      %cond3A_524 = arith.constant 0 : i32
      %cond3A_525 = arith.cmpi ne, %convert_element_type3A_523, %cond3A_524 : i32
      scf.if %cond3A_525 {
        %add3A_610 = arith.constant 1 : i32
        %add3A_611 = arith.addi %while3A_473, %add3A_610 : i32
        %lt3A_612 = arith.cmpi slt, %add3A_611, %add3A_33 : i32
        %convert_element_type3A_613 = arith.extui %lt3A_612 : i1 to i32
        %cond3A_614 = arith.constant 0 : i32
        %cond3A_615 = arith.cmpi ne, %convert_element_type3A_613, %cond3A_614 : i32
        scf.if %cond3A_615 {
          %ge3A = arith.constant 2 : i32
          %ge3A_628 = arith.cmpi sge, %while3A_473, %ge3A : i32
          %convert_element_type3A_629 = arith.extui %ge3A_628 : i1 to i32
          %cond3A_630 = arith.constant 0 : i32
          %cond3A_631 = arith.cmpi ne, %convert_element_type3A_629, %cond3A_630 : i32
          scf.if %cond3A_631 {
            %dma_wait3A_639 = arith.constant 0 : i32
            %dma_wait3A_640 = arith.constant 0 : i32
            %dma_wait3A_641 = tpu.memref_slice %arg40[%dma_wait3A_639, %dma_wait3A_640] : memref<10000x128xf32, #tpu.memory_space<vmem_shared>> -> memref<10000x128xf32, #tpu.memory_space<vmem_shared>>
            tpu.wait_indirect_dma semaphore(%arg39 : memref<!tpu.dma_semaphore, #tpu.memory_space<semaphore_mem>>) src(%arg21 : memref<128x128xf32, #tpu.memory_space<vmem>>) dst(%dma_wait3A_641 : memref<10000x128xf32, #tpu.memory_space<vmem_shared>>)
          } else {
          }
          %dma_wait3A_632 = tpu.memref_slice %arg2[%add3A_478] : memref<320000xi32, #tpu.memory_space<hbm>> -> memref<128xi32, #tpu.memory_space<hbm>>
          %dma_wait3A_633 = tpu.memref_slice %arg2[%add3A_478] : memref<320000xi32, #tpu.memory_space<hbm>> -> memref<128xi32, #tpu.memory_space<hbm>>
          tpu.wait_dma2 semaphore(%arg26 : memref<!tpu.dma_semaphore, #tpu.memory_space<semaphore_mem>>) src(%dma_wait3A_633 : memref<128xi32, #tpu.memory_space<hbm>>) dst(%arg11 : memref<128xi32, #tpu.memory_space<vmem>>)
          %dma_wait3A_634 = tpu.memref_slice %arg3[%add3A_478] : memref<320000xi32, #tpu.memory_space<hbm>> -> memref<128xi32, #tpu.memory_space<hbm>>
          %dma_wait3A_635 = tpu.memref_slice %arg3[%add3A_478] : memref<320000xi32, #tpu.memory_space<hbm>> -> memref<128xi32, #tpu.memory_space<hbm>>
          tpu.wait_dma2 semaphore(%arg27 : memref<!tpu.dma_semaphore, #tpu.memory_space<semaphore_mem>>) src(%dma_wait3A_635 : memref<128xi32, #tpu.memory_space<hbm>>) dst(%arg12 : memref<128xi32, #tpu.memory_space<vmem>>)
          %dma_start3A_636 = arith.constant 0 : i32
          %dma_start3A_637 = arith.constant 0 : i32
          %dma_start3A_638 = tpu.memref_slice %arg4[%dma_start3A_636, %dma_start3A_637] : memref<10000x128xf32, #tpu.memory_space<hbm>> -> memref<10000x128xf32, #tpu.memory_space<hbm>>
          tpu.enqueue_indirect_dma source(%dma_start3A_638 : memref<10000x128xf32, #tpu.memory_space<hbm>>) target(%arg21 : memref<128x128xf32, #tpu.memory_space<vmem>>) offsets(%arg11 : memref<128xi32, #tpu.memory_space<vmem>>) semaphore(%arg36 : memref<!tpu.dma_semaphore, #tpu.memory_space<semaphore_mem>>)
        } else {
        }
        %add3A_616 = arith.constant 2 : i32
        %add3A_617 = arith.addi %while3A_473, %add3A_616 : i32
        %lt3A_618 = arith.cmpi slt, %add3A_617, %add3A_33 : i32
        %convert_element_type3A_619 = arith.extui %lt3A_618 : i1 to i32
        %cond3A_620 = arith.constant 0 : i32
        %cond3A_621 = arith.cmpi ne, %convert_element_type3A_619, %cond3A_620 : i32
        scf.if %cond3A_621 {
          %dma_start3A_628 = tpu.memref_slice %arg2[%add3A_483] : memref<320000xi32, #tpu.memory_space<hbm>> -> memref<128xi32, #tpu.memory_space<hbm>>
          %dma_start3A_629 = tpu.memref_slice %arg2[%add3A_483] : memref<320000xi32, #tpu.memory_space<hbm>> -> memref<128xi32, #tpu.memory_space<hbm>>
          tpu.enqueue_dma source(%dma_start3A_629 : memref<128xi32, #tpu.memory_space<hbm>>) target(%arg13 : memref<128xi32, #tpu.memory_space<vmem>>) target_semaphore(%arg28 : memref<!tpu.dma_semaphore, #tpu.memory_space<semaphore_mem>>)
          %dma_start3A_630 = tpu.memref_slice %arg3[%add3A_483] : memref<320000xi32, #tpu.memory_space<hbm>> -> memref<128xi32, #tpu.memory_space<hbm>>
          %dma_start3A_631 = tpu.memref_slice %arg3[%add3A_483] : memref<320000xi32, #tpu.memory_space<hbm>> -> memref<128xi32, #tpu.memory_space<hbm>>
          tpu.enqueue_dma source(%dma_start3A_631 : memref<128xi32, #tpu.memory_space<hbm>>) target(%arg14 : memref<128xi32, #tpu.memory_space<vmem>>) target_semaphore(%arg29 : memref<!tpu.dma_semaphore, #tpu.memory_space<semaphore_mem>>)
        } else {
        }
        %dma_wait3A_622 = arith.constant 0 : i32
        %dma_wait3A_623 = arith.constant 0 : i32
        %dma_wait3A_624 = tpu.memref_slice %arg4[%dma_wait3A_622, %dma_wait3A_623] : memref<10000x128xf32, #tpu.memory_space<hbm>> -> memref<10000x128xf32, #tpu.memory_space<hbm>>
        tpu.wait_indirect_dma semaphore(%arg35 : memref<!tpu.dma_semaphore, #tpu.memory_space<semaphore_mem>>) src(%dma_wait3A_624 : memref<10000x128xf32, #tpu.memory_space<hbm>>) dst(%arg20 : memref<128x128xf32, #tpu.memory_space<vmem>>)
        %dma_start3A_625 = arith.constant 0 : i32
        %dma_start3A_626 = arith.constant 0 : i32
        %dma_start3A_627 = tpu.memref_slice %arg40[%dma_start3A_625, %dma_start3A_626] : memref<10000x128xf32, #tpu.memory_space<vmem_shared>> -> memref<10000x128xf32, #tpu.memory_space<vmem_shared>>
        tpu.enqueue_indirect_dma source(%arg20 : memref<128x128xf32, #tpu.memory_space<vmem>>) target(%dma_start3A_627 : memref<10000x128xf32, #tpu.memory_space<vmem_shared>>) offsets(%arg10 : memref<128xi32, #tpu.memory_space<vmem>>) semaphore(%arg38 : memref<!tpu.dma_semaphore, #tpu.memory_space<semaphore_mem>>) {add = true}
      } else {
      }
      %jit3A_526 = arith.constant 6 : i32
      %eq3A_527 = arith.constant 0 : i32
      %eq3A_528 = arith.cmpi eq, %jit3A_526, %eq3A_527 : i32
      %jit3A_529 = arith.constant 1 : i32
      %select_n3A_530 = arith.select %eq3A_528, %jit3A_529, %jit3A_526 : i32
      %rem3A_531 = arith.remsi %while3A_473, %select_n3A_530 : i32
      %ne3A_532 = arith.constant 0 : i32
      %ne3A_533 = arith.cmpi ne, %rem3A_531, %ne3A_532 : i32
      %lt3A_534 = arith.constant 0 : i32
      %lt3A_535 = arith.cmpi slt, %rem3A_531, %lt3A_534 : i32
      %lt3A_536 = arith.constant 0 : i32
      %lt3A_537 = arith.cmpi slt, %select_n3A_530, %lt3A_536 : i32
      %ne3A_538 = arith.xori %lt3A_535, %lt3A_537 : i1
      %and3A_539 = arith.andi %ne3A_538, %ne3A_533 : i1
      %add3A_540 = arith.addi %rem3A_531, %select_n3A_530 : i32
      %select_n3A_541 = arith.select %and3A_539, %add3A_540, %rem3A_531 : i32
      %eq3A_542 = arith.constant 2 : i32
      %eq3A_543 = arith.cmpi eq, %select_n3A_541, %eq3A_542 : i32
      %convert_element_type3A_544 = arith.extui %eq3A_543 : i1 to i32
      %cond3A_545 = arith.constant 0 : i32
      %cond3A_546 = arith.cmpi ne, %convert_element_type3A_544, %cond3A_545 : i32
      scf.if %cond3A_546 {
        %add3A_610 = arith.constant 1 : i32
        %add3A_611 = arith.addi %while3A_473, %add3A_610 : i32
        %lt3A_612 = arith.cmpi slt, %add3A_611, %add3A_33 : i32
        %convert_element_type3A_613 = arith.extui %lt3A_612 : i1 to i32
        %cond3A_614 = arith.constant 0 : i32
        %cond3A_615 = arith.cmpi ne, %convert_element_type3A_613, %cond3A_614 : i32
        scf.if %cond3A_615 {
          %ge3A = arith.constant 2 : i32
          %ge3A_628 = arith.cmpi sge, %while3A_473, %ge3A : i32
          %convert_element_type3A_629 = arith.extui %ge3A_628 : i1 to i32
          %cond3A_630 = arith.constant 0 : i32
          %cond3A_631 = arith.cmpi ne, %convert_element_type3A_629, %cond3A_630 : i32
          scf.if %cond3A_631 {
            %dma_wait3A_639 = arith.constant 0 : i32
            %dma_wait3A_640 = arith.constant 0 : i32
            %dma_wait3A_641 = tpu.memref_slice %arg40[%dma_wait3A_639, %dma_wait3A_640] : memref<10000x128xf32, #tpu.memory_space<vmem_shared>> -> memref<10000x128xf32, #tpu.memory_space<vmem_shared>>
            tpu.wait_indirect_dma semaphore(%arg37 : memref<!tpu.dma_semaphore, #tpu.memory_space<semaphore_mem>>) src(%arg19 : memref<128x128xf32, #tpu.memory_space<vmem>>) dst(%dma_wait3A_641 : memref<10000x128xf32, #tpu.memory_space<vmem_shared>>)
          } else {
          }
          %dma_wait3A_632 = tpu.memref_slice %arg2[%add3A_478] : memref<320000xi32, #tpu.memory_space<hbm>> -> memref<128xi32, #tpu.memory_space<hbm>>
          %dma_wait3A_633 = tpu.memref_slice %arg2[%add3A_478] : memref<320000xi32, #tpu.memory_space<hbm>> -> memref<128xi32, #tpu.memory_space<hbm>>
          tpu.wait_dma2 semaphore(%arg28 : memref<!tpu.dma_semaphore, #tpu.memory_space<semaphore_mem>>) src(%dma_wait3A_633 : memref<128xi32, #tpu.memory_space<hbm>>) dst(%arg13 : memref<128xi32, #tpu.memory_space<vmem>>)
          %dma_wait3A_634 = tpu.memref_slice %arg3[%add3A_478] : memref<320000xi32, #tpu.memory_space<hbm>> -> memref<128xi32, #tpu.memory_space<hbm>>
          %dma_wait3A_635 = tpu.memref_slice %arg3[%add3A_478] : memref<320000xi32, #tpu.memory_space<hbm>> -> memref<128xi32, #tpu.memory_space<hbm>>
          tpu.wait_dma2 semaphore(%arg29 : memref<!tpu.dma_semaphore, #tpu.memory_space<semaphore_mem>>) src(%dma_wait3A_635 : memref<128xi32, #tpu.memory_space<hbm>>) dst(%arg14 : memref<128xi32, #tpu.memory_space<vmem>>)
          %dma_start3A_636 = arith.constant 0 : i32
          %dma_start3A_637 = arith.constant 0 : i32
          %dma_start3A_638 = tpu.memref_slice %arg4[%dma_start3A_636, %dma_start3A_637] : memref<10000x128xf32, #tpu.memory_space<hbm>> -> memref<10000x128xf32, #tpu.memory_space<hbm>>
          tpu.enqueue_indirect_dma source(%dma_start3A_638 : memref<10000x128xf32, #tpu.memory_space<hbm>>) target(%arg19 : memref<128x128xf32, #tpu.memory_space<vmem>>) offsets(%arg13 : memref<128xi32, #tpu.memory_space<vmem>>) semaphore(%arg34 : memref<!tpu.dma_semaphore, #tpu.memory_space<semaphore_mem>>)
        } else {
        }
        %add3A_616 = arith.constant 2 : i32
        %add3A_617 = arith.addi %while3A_473, %add3A_616 : i32
        %lt3A_618 = arith.cmpi slt, %add3A_617, %add3A_33 : i32
        %convert_element_type3A_619 = arith.extui %lt3A_618 : i1 to i32
        %cond3A_620 = arith.constant 0 : i32
        %cond3A_621 = arith.cmpi ne, %convert_element_type3A_619, %cond3A_620 : i32
        scf.if %cond3A_621 {
          %dma_start3A_628 = tpu.memref_slice %arg2[%add3A_483] : memref<320000xi32, #tpu.memory_space<hbm>> -> memref<128xi32, #tpu.memory_space<hbm>>
          %dma_start3A_629 = tpu.memref_slice %arg2[%add3A_483] : memref<320000xi32, #tpu.memory_space<hbm>> -> memref<128xi32, #tpu.memory_space<hbm>>
          tpu.enqueue_dma source(%dma_start3A_629 : memref<128xi32, #tpu.memory_space<hbm>>) target(%arg15 : memref<128xi32, #tpu.memory_space<vmem>>) target_semaphore(%arg30 : memref<!tpu.dma_semaphore, #tpu.memory_space<semaphore_mem>>)
          %dma_start3A_630 = tpu.memref_slice %arg3[%add3A_483] : memref<320000xi32, #tpu.memory_space<hbm>> -> memref<128xi32, #tpu.memory_space<hbm>>
          %dma_start3A_631 = tpu.memref_slice %arg3[%add3A_483] : memref<320000xi32, #tpu.memory_space<hbm>> -> memref<128xi32, #tpu.memory_space<hbm>>
          tpu.enqueue_dma source(%dma_start3A_631 : memref<128xi32, #tpu.memory_space<hbm>>) target(%arg16 : memref<128xi32, #tpu.memory_space<vmem>>) target_semaphore(%arg31 : memref<!tpu.dma_semaphore, #tpu.memory_space<semaphore_mem>>)
        } else {
        }
        %dma_wait3A_622 = arith.constant 0 : i32
        %dma_wait3A_623 = arith.constant 0 : i32
        %dma_wait3A_624 = tpu.memref_slice %arg4[%dma_wait3A_622, %dma_wait3A_623] : memref<10000x128xf32, #tpu.memory_space<hbm>> -> memref<10000x128xf32, #tpu.memory_space<hbm>>
        tpu.wait_indirect_dma semaphore(%arg36 : memref<!tpu.dma_semaphore, #tpu.memory_space<semaphore_mem>>) src(%dma_wait3A_624 : memref<10000x128xf32, #tpu.memory_space<hbm>>) dst(%arg21 : memref<128x128xf32, #tpu.memory_space<vmem>>)
        %dma_start3A_625 = arith.constant 0 : i32
        %dma_start3A_626 = arith.constant 0 : i32
        %dma_start3A_627 = tpu.memref_slice %arg40[%dma_start3A_625, %dma_start3A_626] : memref<10000x128xf32, #tpu.memory_space<vmem_shared>> -> memref<10000x128xf32, #tpu.memory_space<vmem_shared>>
        tpu.enqueue_indirect_dma source(%arg21 : memref<128x128xf32, #tpu.memory_space<vmem>>) target(%dma_start3A_627 : memref<10000x128xf32, #tpu.memory_space<vmem_shared>>) offsets(%arg12 : memref<128xi32, #tpu.memory_space<vmem>>) semaphore(%arg39 : memref<!tpu.dma_semaphore, #tpu.memory_space<semaphore_mem>>) {add = true}
      } else {
      }
      %jit3A_547 = arith.constant 6 : i32
      %eq3A_548 = arith.constant 0 : i32
      %eq3A_549 = arith.cmpi eq, %jit3A_547, %eq3A_548 : i32
      %jit3A_550 = arith.constant 1 : i32
      %select_n3A_551 = arith.select %eq3A_549, %jit3A_550, %jit3A_547 : i32
      %rem3A_552 = arith.remsi %while3A_473, %select_n3A_551 : i32
      %ne3A_553 = arith.constant 0 : i32
      %ne3A_554 = arith.cmpi ne, %rem3A_552, %ne3A_553 : i32
      %lt3A_555 = arith.constant 0 : i32
      %lt3A_556 = arith.cmpi slt, %rem3A_552, %lt3A_555 : i32
      %lt3A_557 = arith.constant 0 : i32
      %lt3A_558 = arith.cmpi slt, %select_n3A_551, %lt3A_557 : i32
      %ne3A_559 = arith.xori %lt3A_556, %lt3A_558 : i1
      %and3A_560 = arith.andi %ne3A_559, %ne3A_554 : i1
      %add3A_561 = arith.addi %rem3A_552, %select_n3A_551 : i32
      %select_n3A_562 = arith.select %and3A_560, %add3A_561, %rem3A_552 : i32
      %eq3A_563 = arith.constant 3 : i32
      %eq3A_564 = arith.cmpi eq, %select_n3A_562, %eq3A_563 : i32
      %convert_element_type3A_565 = arith.extui %eq3A_564 : i1 to i32
      %cond3A_566 = arith.constant 0 : i32
      %cond3A_567 = arith.cmpi ne, %convert_element_type3A_565, %cond3A_566 : i32
      scf.if %cond3A_567 {
        %add3A_610 = arith.constant 1 : i32
        %add3A_611 = arith.addi %while3A_473, %add3A_610 : i32
        %lt3A_612 = arith.cmpi slt, %add3A_611, %add3A_33 : i32
        %convert_element_type3A_613 = arith.extui %lt3A_612 : i1 to i32
        %cond3A_614 = arith.constant 0 : i32
        %cond3A_615 = arith.cmpi ne, %convert_element_type3A_613, %cond3A_614 : i32
        scf.if %cond3A_615 {
          %ge3A = arith.constant 2 : i32
          %ge3A_628 = arith.cmpi sge, %while3A_473, %ge3A : i32
          %convert_element_type3A_629 = arith.extui %ge3A_628 : i1 to i32
          %cond3A_630 = arith.constant 0 : i32
          %cond3A_631 = arith.cmpi ne, %convert_element_type3A_629, %cond3A_630 : i32
          scf.if %cond3A_631 {
            %dma_wait3A_639 = arith.constant 0 : i32
            %dma_wait3A_640 = arith.constant 0 : i32
            %dma_wait3A_641 = tpu.memref_slice %arg40[%dma_wait3A_639, %dma_wait3A_640] : memref<10000x128xf32, #tpu.memory_space<vmem_shared>> -> memref<10000x128xf32, #tpu.memory_space<vmem_shared>>
            tpu.wait_indirect_dma semaphore(%arg38 : memref<!tpu.dma_semaphore, #tpu.memory_space<semaphore_mem>>) src(%arg20 : memref<128x128xf32, #tpu.memory_space<vmem>>) dst(%dma_wait3A_641 : memref<10000x128xf32, #tpu.memory_space<vmem_shared>>)
          } else {
          }
          %dma_wait3A_632 = tpu.memref_slice %arg2[%add3A_478] : memref<320000xi32, #tpu.memory_space<hbm>> -> memref<128xi32, #tpu.memory_space<hbm>>
          %dma_wait3A_633 = tpu.memref_slice %arg2[%add3A_478] : memref<320000xi32, #tpu.memory_space<hbm>> -> memref<128xi32, #tpu.memory_space<hbm>>
          tpu.wait_dma2 semaphore(%arg30 : memref<!tpu.dma_semaphore, #tpu.memory_space<semaphore_mem>>) src(%dma_wait3A_633 : memref<128xi32, #tpu.memory_space<hbm>>) dst(%arg15 : memref<128xi32, #tpu.memory_space<vmem>>)
          %dma_wait3A_634 = tpu.memref_slice %arg3[%add3A_478] : memref<320000xi32, #tpu.memory_space<hbm>> -> memref<128xi32, #tpu.memory_space<hbm>>
          %dma_wait3A_635 = tpu.memref_slice %arg3[%add3A_478] : memref<320000xi32, #tpu.memory_space<hbm>> -> memref<128xi32, #tpu.memory_space<hbm>>
          tpu.wait_dma2 semaphore(%arg31 : memref<!tpu.dma_semaphore, #tpu.memory_space<semaphore_mem>>) src(%dma_wait3A_635 : memref<128xi32, #tpu.memory_space<hbm>>) dst(%arg16 : memref<128xi32, #tpu.memory_space<vmem>>)
          %dma_start3A_636 = arith.constant 0 : i32
          %dma_start3A_637 = arith.constant 0 : i32
          %dma_start3A_638 = tpu.memref_slice %arg4[%dma_start3A_636, %dma_start3A_637] : memref<10000x128xf32, #tpu.memory_space<hbm>> -> memref<10000x128xf32, #tpu.memory_space<hbm>>
          tpu.enqueue_indirect_dma source(%dma_start3A_638 : memref<10000x128xf32, #tpu.memory_space<hbm>>) target(%arg20 : memref<128x128xf32, #tpu.memory_space<vmem>>) offsets(%arg15 : memref<128xi32, #tpu.memory_space<vmem>>) semaphore(%arg35 : memref<!tpu.dma_semaphore, #tpu.memory_space<semaphore_mem>>)
        } else {
        }
        %add3A_616 = arith.constant 2 : i32
        %add3A_617 = arith.addi %while3A_473, %add3A_616 : i32
        %lt3A_618 = arith.cmpi slt, %add3A_617, %add3A_33 : i32
        %convert_element_type3A_619 = arith.extui %lt3A_618 : i1 to i32
        %cond3A_620 = arith.constant 0 : i32
        %cond3A_621 = arith.cmpi ne, %convert_element_type3A_619, %cond3A_620 : i32
        scf.if %cond3A_621 {
          %dma_start3A_628 = tpu.memref_slice %arg2[%add3A_483] : memref<320000xi32, #tpu.memory_space<hbm>> -> memref<128xi32, #tpu.memory_space<hbm>>
          %dma_start3A_629 = tpu.memref_slice %arg2[%add3A_483] : memref<320000xi32, #tpu.memory_space<hbm>> -> memref<128xi32, #tpu.memory_space<hbm>>
          tpu.enqueue_dma source(%dma_start3A_629 : memref<128xi32, #tpu.memory_space<hbm>>) target(%arg17 : memref<128xi32, #tpu.memory_space<vmem>>) target_semaphore(%arg32 : memref<!tpu.dma_semaphore, #tpu.memory_space<semaphore_mem>>)
          %dma_start3A_630 = tpu.memref_slice %arg3[%add3A_483] : memref<320000xi32, #tpu.memory_space<hbm>> -> memref<128xi32, #tpu.memory_space<hbm>>
          %dma_start3A_631 = tpu.memref_slice %arg3[%add3A_483] : memref<320000xi32, #tpu.memory_space<hbm>> -> memref<128xi32, #tpu.memory_space<hbm>>
          tpu.enqueue_dma source(%dma_start3A_631 : memref<128xi32, #tpu.memory_space<hbm>>) target(%arg18 : memref<128xi32, #tpu.memory_space<vmem>>) target_semaphore(%arg33 : memref<!tpu.dma_semaphore, #tpu.memory_space<semaphore_mem>>)
        } else {
        }
        %dma_wait3A_622 = arith.constant 0 : i32
        %dma_wait3A_623 = arith.constant 0 : i32
        %dma_wait3A_624 = tpu.memref_slice %arg4[%dma_wait3A_622, %dma_wait3A_623] : memref<10000x128xf32, #tpu.memory_space<hbm>> -> memref<10000x128xf32, #tpu.memory_space<hbm>>
        tpu.wait_indirect_dma semaphore(%arg34 : memref<!tpu.dma_semaphore, #tpu.memory_space<semaphore_mem>>) src(%dma_wait3A_624 : memref<10000x128xf32, #tpu.memory_space<hbm>>) dst(%arg19 : memref<128x128xf32, #tpu.memory_space<vmem>>)
        %dma_start3A_625 = arith.constant 0 : i32
        %dma_start3A_626 = arith.constant 0 : i32
        %dma_start3A_627 = tpu.memref_slice %arg40[%dma_start3A_625, %dma_start3A_626] : memref<10000x128xf32, #tpu.memory_space<vmem_shared>> -> memref<10000x128xf32, #tpu.memory_space<vmem_shared>>
        tpu.enqueue_indirect_dma source(%arg19 : memref<128x128xf32, #tpu.memory_space<vmem>>) target(%dma_start3A_627 : memref<10000x128xf32, #tpu.memory_space<vmem_shared>>) offsets(%arg14 : memref<128xi32, #tpu.memory_space<vmem>>) semaphore(%arg37 : memref<!tpu.dma_semaphore, #tpu.memory_space<semaphore_mem>>) {add = true}
      } else {
      }
      %jit3A_568 = arith.constant 6 : i32
      %eq3A_569 = arith.constant 0 : i32
      %eq3A_570 = arith.cmpi eq, %jit3A_568, %eq3A_569 : i32
      %jit3A_571 = arith.constant 1 : i32
      %select_n3A_572 = arith.select %eq3A_570, %jit3A_571, %jit3A_568 : i32
      %rem3A_573 = arith.remsi %while3A_473, %select_n3A_572 : i32
      %ne3A_574 = arith.constant 0 : i32
      %ne3A_575 = arith.cmpi ne, %rem3A_573, %ne3A_574 : i32
      %lt3A_576 = arith.constant 0 : i32
      %lt3A_577 = arith.cmpi slt, %rem3A_573, %lt3A_576 : i32
      %lt3A_578 = arith.constant 0 : i32
      %lt3A_579 = arith.cmpi slt, %select_n3A_572, %lt3A_578 : i32
      %ne3A_580 = arith.xori %lt3A_577, %lt3A_579 : i1
      %and3A_581 = arith.andi %ne3A_580, %ne3A_575 : i1
      %add3A_582 = arith.addi %rem3A_573, %select_n3A_572 : i32
      %select_n3A_583 = arith.select %and3A_581, %add3A_582, %rem3A_573 : i32
      %eq3A_584 = arith.constant 4 : i32
      %eq3A_585 = arith.cmpi eq, %select_n3A_583, %eq3A_584 : i32
      %convert_element_type3A_586 = arith.extui %eq3A_585 : i1 to i32
      %cond3A_587 = arith.constant 0 : i32
      %cond3A_588 = arith.cmpi ne, %convert_element_type3A_586, %cond3A_587 : i32
      scf.if %cond3A_588 {
        %add3A_610 = arith.constant 1 : i32
        %add3A_611 = arith.addi %while3A_473, %add3A_610 : i32
        %lt3A_612 = arith.cmpi slt, %add3A_611, %add3A_33 : i32
        %convert_element_type3A_613 = arith.extui %lt3A_612 : i1 to i32
        %cond3A_614 = arith.constant 0 : i32
        %cond3A_615 = arith.cmpi ne, %convert_element_type3A_613, %cond3A_614 : i32
        scf.if %cond3A_615 {
          %ge3A = arith.constant 2 : i32
          %ge3A_628 = arith.cmpi sge, %while3A_473, %ge3A : i32
          %convert_element_type3A_629 = arith.extui %ge3A_628 : i1 to i32
          %cond3A_630 = arith.constant 0 : i32
          %cond3A_631 = arith.cmpi ne, %convert_element_type3A_629, %cond3A_630 : i32
          scf.if %cond3A_631 {
            %dma_wait3A_639 = arith.constant 0 : i32
            %dma_wait3A_640 = arith.constant 0 : i32
            %dma_wait3A_641 = tpu.memref_slice %arg40[%dma_wait3A_639, %dma_wait3A_640] : memref<10000x128xf32, #tpu.memory_space<vmem_shared>> -> memref<10000x128xf32, #tpu.memory_space<vmem_shared>>
            tpu.wait_indirect_dma semaphore(%arg39 : memref<!tpu.dma_semaphore, #tpu.memory_space<semaphore_mem>>) src(%arg21 : memref<128x128xf32, #tpu.memory_space<vmem>>) dst(%dma_wait3A_641 : memref<10000x128xf32, #tpu.memory_space<vmem_shared>>)
          } else {
          }
          %dma_wait3A_632 = tpu.memref_slice %arg2[%add3A_478] : memref<320000xi32, #tpu.memory_space<hbm>> -> memref<128xi32, #tpu.memory_space<hbm>>
          %dma_wait3A_633 = tpu.memref_slice %arg2[%add3A_478] : memref<320000xi32, #tpu.memory_space<hbm>> -> memref<128xi32, #tpu.memory_space<hbm>>
          tpu.wait_dma2 semaphore(%arg32 : memref<!tpu.dma_semaphore, #tpu.memory_space<semaphore_mem>>) src(%dma_wait3A_633 : memref<128xi32, #tpu.memory_space<hbm>>) dst(%arg17 : memref<128xi32, #tpu.memory_space<vmem>>)
          %dma_wait3A_634 = tpu.memref_slice %arg3[%add3A_478] : memref<320000xi32, #tpu.memory_space<hbm>> -> memref<128xi32, #tpu.memory_space<hbm>>
          %dma_wait3A_635 = tpu.memref_slice %arg3[%add3A_478] : memref<320000xi32, #tpu.memory_space<hbm>> -> memref<128xi32, #tpu.memory_space<hbm>>
          tpu.wait_dma2 semaphore(%arg33 : memref<!tpu.dma_semaphore, #tpu.memory_space<semaphore_mem>>) src(%dma_wait3A_635 : memref<128xi32, #tpu.memory_space<hbm>>) dst(%arg18 : memref<128xi32, #tpu.memory_space<vmem>>)
          %dma_start3A_636 = arith.constant 0 : i32
          %dma_start3A_637 = arith.constant 0 : i32
          %dma_start3A_638 = tpu.memref_slice %arg4[%dma_start3A_636, %dma_start3A_637] : memref<10000x128xf32, #tpu.memory_space<hbm>> -> memref<10000x128xf32, #tpu.memory_space<hbm>>
          tpu.enqueue_indirect_dma source(%dma_start3A_638 : memref<10000x128xf32, #tpu.memory_space<hbm>>) target(%arg21 : memref<128x128xf32, #tpu.memory_space<vmem>>) offsets(%arg17 : memref<128xi32, #tpu.memory_space<vmem>>) semaphore(%arg36 : memref<!tpu.dma_semaphore, #tpu.memory_space<semaphore_mem>>)
        } else {
        }
        %add3A_616 = arith.constant 2 : i32
        %add3A_617 = arith.addi %while3A_473, %add3A_616 : i32
        %lt3A_618 = arith.cmpi slt, %add3A_617, %add3A_33 : i32
        %convert_element_type3A_619 = arith.extui %lt3A_618 : i1 to i32
        %cond3A_620 = arith.constant 0 : i32
        %cond3A_621 = arith.cmpi ne, %convert_element_type3A_619, %cond3A_620 : i32
        scf.if %cond3A_621 {
          %dma_start3A_628 = tpu.memref_slice %arg2[%add3A_483] : memref<320000xi32, #tpu.memory_space<hbm>> -> memref<128xi32, #tpu.memory_space<hbm>>
          %dma_start3A_629 = tpu.memref_slice %arg2[%add3A_483] : memref<320000xi32, #tpu.memory_space<hbm>> -> memref<128xi32, #tpu.memory_space<hbm>>
          tpu.enqueue_dma source(%dma_start3A_629 : memref<128xi32, #tpu.memory_space<hbm>>) target(%arg7 : memref<128xi32, #tpu.memory_space<vmem>>) target_semaphore(%arg22 : memref<!tpu.dma_semaphore, #tpu.memory_space<semaphore_mem>>)
          %dma_start3A_630 = tpu.memref_slice %arg3[%add3A_483] : memref<320000xi32, #tpu.memory_space<hbm>> -> memref<128xi32, #tpu.memory_space<hbm>>
          %dma_start3A_631 = tpu.memref_slice %arg3[%add3A_483] : memref<320000xi32, #tpu.memory_space<hbm>> -> memref<128xi32, #tpu.memory_space<hbm>>
          tpu.enqueue_dma source(%dma_start3A_631 : memref<128xi32, #tpu.memory_space<hbm>>) target(%arg8 : memref<128xi32, #tpu.memory_space<vmem>>) target_semaphore(%arg23 : memref<!tpu.dma_semaphore, #tpu.memory_space<semaphore_mem>>)
        } else {
        }
        %dma_wait3A_622 = arith.constant 0 : i32
        %dma_wait3A_623 = arith.constant 0 : i32
        %dma_wait3A_624 = tpu.memref_slice %arg4[%dma_wait3A_622, %dma_wait3A_623] : memref<10000x128xf32, #tpu.memory_space<hbm>> -> memref<10000x128xf32, #tpu.memory_space<hbm>>
        tpu.wait_indirect_dma semaphore(%arg35 : memref<!tpu.dma_semaphore, #tpu.memory_space<semaphore_mem>>) src(%dma_wait3A_624 : memref<10000x128xf32, #tpu.memory_space<hbm>>) dst(%arg20 : memref<128x128xf32, #tpu.memory_space<vmem>>)
        %dma_start3A_625 = arith.constant 0 : i32
        %dma_start3A_626 = arith.constant 0 : i32
        %dma_start3A_627 = tpu.memref_slice %arg40[%dma_start3A_625, %dma_start3A_626] : memref<10000x128xf32, #tpu.memory_space<vmem_shared>> -> memref<10000x128xf32, #tpu.memory_space<vmem_shared>>
        tpu.enqueue_indirect_dma source(%arg20 : memref<128x128xf32, #tpu.memory_space<vmem>>) target(%dma_start3A_627 : memref<10000x128xf32, #tpu.memory_space<vmem_shared>>) offsets(%arg16 : memref<128xi32, #tpu.memory_space<vmem>>) semaphore(%arg38 : memref<!tpu.dma_semaphore, #tpu.memory_space<semaphore_mem>>) {add = true}
      } else {
      }
      %jit3A_589 = arith.constant 6 : i32
      %eq3A_590 = arith.constant 0 : i32
      %eq3A_591 = arith.cmpi eq, %jit3A_589, %eq3A_590 : i32
      %jit3A_592 = arith.constant 1 : i32
      %select_n3A_593 = arith.select %eq3A_591, %jit3A_592, %jit3A_589 : i32
      %rem3A_594 = arith.remsi %while3A_473, %select_n3A_593 : i32
      %ne3A_595 = arith.constant 0 : i32
      %ne3A_596 = arith.cmpi ne, %rem3A_594, %ne3A_595 : i32
      %lt3A_597 = arith.constant 0 : i32
      %lt3A_598 = arith.cmpi slt, %rem3A_594, %lt3A_597 : i32
      %lt3A_599 = arith.constant 0 : i32
      %lt3A_600 = arith.cmpi slt, %select_n3A_593, %lt3A_599 : i32
      %ne3A_601 = arith.xori %lt3A_598, %lt3A_600 : i1
      %and3A_602 = arith.andi %ne3A_601, %ne3A_596 : i1
      %add3A_603 = arith.addi %rem3A_594, %select_n3A_593 : i32
      %select_n3A_604 = arith.select %and3A_602, %add3A_603, %rem3A_594 : i32
      %eq3A_605 = arith.constant 5 : i32
      %eq3A_606 = arith.cmpi eq, %select_n3A_604, %eq3A_605 : i32
      %convert_element_type3A_607 = arith.extui %eq3A_606 : i1 to i32
      %cond3A_608 = arith.constant 0 : i32
      %cond3A_609 = arith.cmpi ne, %convert_element_type3A_607, %cond3A_608 : i32
      scf.if %cond3A_609 {
        %add3A_610 = arith.constant 1 : i32
        %add3A_611 = arith.addi %while3A_473, %add3A_610 : i32
        %lt3A_612 = arith.cmpi slt, %add3A_611, %add3A_33 : i32
        %convert_element_type3A_613 = arith.extui %lt3A_612 : i1 to i32
        %cond3A_614 = arith.constant 0 : i32
        %cond3A_615 = arith.cmpi ne, %convert_element_type3A_613, %cond3A_614 : i32
        scf.if %cond3A_615 {
          %ge3A = arith.constant 2 : i32
          %ge3A_628 = arith.cmpi sge, %while3A_473, %ge3A : i32
          %convert_element_type3A_629 = arith.extui %ge3A_628 : i1 to i32
          %cond3A_630 = arith.constant 0 : i32
          %cond3A_631 = arith.cmpi ne, %convert_element_type3A_629, %cond3A_630 : i32
          scf.if %cond3A_631 {
            %dma_wait3A_639 = arith.constant 0 : i32
            %dma_wait3A_640 = arith.constant 0 : i32
            %dma_wait3A_641 = tpu.memref_slice %arg40[%dma_wait3A_639, %dma_wait3A_640] : memref<10000x128xf32, #tpu.memory_space<vmem_shared>> -> memref<10000x128xf32, #tpu.memory_space<vmem_shared>>
            tpu.wait_indirect_dma semaphore(%arg37 : memref<!tpu.dma_semaphore, #tpu.memory_space<semaphore_mem>>) src(%arg19 : memref<128x128xf32, #tpu.memory_space<vmem>>) dst(%dma_wait3A_641 : memref<10000x128xf32, #tpu.memory_space<vmem_shared>>)
          } else {
          }
          %dma_wait3A_632 = tpu.memref_slice %arg2[%add3A_478] : memref<320000xi32, #tpu.memory_space<hbm>> -> memref<128xi32, #tpu.memory_space<hbm>>
          %dma_wait3A_633 = tpu.memref_slice %arg2[%add3A_478] : memref<320000xi32, #tpu.memory_space<hbm>> -> memref<128xi32, #tpu.memory_space<hbm>>
          tpu.wait_dma2 semaphore(%arg22 : memref<!tpu.dma_semaphore, #tpu.memory_space<semaphore_mem>>) src(%dma_wait3A_633 : memref<128xi32, #tpu.memory_space<hbm>>) dst(%arg7 : memref<128xi32, #tpu.memory_space<vmem>>)
          %dma_wait3A_634 = tpu.memref_slice %arg3[%add3A_478] : memref<320000xi32, #tpu.memory_space<hbm>> -> memref<128xi32, #tpu.memory_space<hbm>>
          %dma_wait3A_635 = tpu.memref_slice %arg3[%add3A_478] : memref<320000xi32, #tpu.memory_space<hbm>> -> memref<128xi32, #tpu.memory_space<hbm>>
          tpu.wait_dma2 semaphore(%arg23 : memref<!tpu.dma_semaphore, #tpu.memory_space<semaphore_mem>>) src(%dma_wait3A_635 : memref<128xi32, #tpu.memory_space<hbm>>) dst(%arg8 : memref<128xi32, #tpu.memory_space<vmem>>)
          %dma_start3A_636 = arith.constant 0 : i32
          %dma_start3A_637 = arith.constant 0 : i32
          %dma_start3A_638 = tpu.memref_slice %arg4[%dma_start3A_636, %dma_start3A_637] : memref<10000x128xf32, #tpu.memory_space<hbm>> -> memref<10000x128xf32, #tpu.memory_space<hbm>>
          tpu.enqueue_indirect_dma source(%dma_start3A_638 : memref<10000x128xf32, #tpu.memory_space<hbm>>) target(%arg19 : memref<128x128xf32, #tpu.memory_space<vmem>>) offsets(%arg7 : memref<128xi32, #tpu.memory_space<vmem>>) semaphore(%arg34 : memref<!tpu.dma_semaphore, #tpu.memory_space<semaphore_mem>>)
        } else {
        }
        %add3A_616 = arith.constant 2 : i32
        %add3A_617 = arith.addi %while3A_473, %add3A_616 : i32
        %lt3A_618 = arith.cmpi slt, %add3A_617, %add3A_33 : i32
        %convert_element_type3A_619 = arith.extui %lt3A_618 : i1 to i32
        %cond3A_620 = arith.constant 0 : i32
        %cond3A_621 = arith.cmpi ne, %convert_element_type3A_619, %cond3A_620 : i32
        scf.if %cond3A_621 {
          %dma_start3A_628 = tpu.memref_slice %arg2[%add3A_483] : memref<320000xi32, #tpu.memory_space<hbm>> -> memref<128xi32, #tpu.memory_space<hbm>>
          %dma_start3A_629 = tpu.memref_slice %arg2[%add3A_483] : memref<320000xi32, #tpu.memory_space<hbm>> -> memref<128xi32, #tpu.memory_space<hbm>>
          tpu.enqueue_dma source(%dma_start3A_629 : memref<128xi32, #tpu.memory_space<hbm>>) target(%arg9 : memref<128xi32, #tpu.memory_space<vmem>>) target_semaphore(%arg24 : memref<!tpu.dma_semaphore, #tpu.memory_space<semaphore_mem>>)
          %dma_start3A_630 = tpu.memref_slice %arg3[%add3A_483] : memref<320000xi32, #tpu.memory_space<hbm>> -> memref<128xi32, #tpu.memory_space<hbm>>
          %dma_start3A_631 = tpu.memref_slice %arg3[%add3A_483] : memref<320000xi32, #tpu.memory_space<hbm>> -> memref<128xi32, #tpu.memory_space<hbm>>
          tpu.enqueue_dma source(%dma_start3A_631 : memref<128xi32, #tpu.memory_space<hbm>>) target(%arg10 : memref<128xi32, #tpu.memory_space<vmem>>) target_semaphore(%arg25 : memref<!tpu.dma_semaphore, #tpu.memory_space<semaphore_mem>>)
        } else {
        }
        %dma_wait3A_622 = arith.constant 0 : i32
        %dma_wait3A_623 = arith.constant 0 : i32
        %dma_wait3A_624 = tpu.memref_slice %arg4[%dma_wait3A_622, %dma_wait3A_623] : memref<10000x128xf32, #tpu.memory_space<hbm>> -> memref<10000x128xf32, #tpu.memory_space<hbm>>
        tpu.wait_indirect_dma semaphore(%arg36 : memref<!tpu.dma_semaphore, #tpu.memory_space<semaphore_mem>>) src(%dma_wait3A_624 : memref<10000x128xf32, #tpu.memory_space<hbm>>) dst(%arg21 : memref<128x128xf32, #tpu.memory_space<vmem>>)
        %dma_start3A_625 = arith.constant 0 : i32
        %dma_start3A_626 = arith.constant 0 : i32
        %dma_start3A_627 = tpu.memref_slice %arg40[%dma_start3A_625, %dma_start3A_626] : memref<10000x128xf32, #tpu.memory_space<vmem_shared>> -> memref<10000x128xf32, #tpu.memory_space<vmem_shared>>
        tpu.enqueue_indirect_dma source(%arg21 : memref<128x128xf32, #tpu.memory_space<vmem>>) target(%dma_start3A_627 : memref<10000x128xf32, #tpu.memory_space<vmem_shared>>) offsets(%arg18 : memref<128xi32, #tpu.memory_space<vmem>>) semaphore(%arg39 : memref<!tpu.dma_semaphore, #tpu.memory_space<semaphore_mem>>) {add = true}
      } else {
      }
    }
    %while3A_73 = arith.constant 1 : i32
    scf.for %while3A_473 = %while3A_71 to %while3A_67 step %while3A_73  : i32 {
      %add3A_474 = arith.constant 1 : i32
      %add3A_475 = arith.addi %while3A_473, %add3A_474 : i32
      %mul3A_476 = arith.constant 128 : i32
      %mul3A_477 = arith.muli %add3A_475, %mul3A_476 : i32
      %add3A_478 = arith.addi %multiple_of3A, %mul3A_477 : i32
      %add3A_479 = arith.constant 2 : i32
      %add3A_480 = arith.addi %while3A_473, %add3A_479 : i32
      %mul3A_481 = arith.constant 128 : i32
      %mul3A_482 = arith.muli %add3A_480, %mul3A_481 : i32
      %add3A_483 = arith.addi %multiple_of3A, %mul3A_482 : i32
      %jit3A_484 = arith.constant 6 : i32
      %eq3A_485 = arith.constant 0 : i32
      %eq3A_486 = arith.cmpi eq, %jit3A_484, %eq3A_485 : i32
      %jit3A_487 = arith.constant 1 : i32
      %select_n3A_488 = arith.select %eq3A_486, %jit3A_487, %jit3A_484 : i32
      %rem3A_489 = arith.remsi %while3A_473, %select_n3A_488 : i32
      %ne3A_490 = arith.constant 0 : i32
      %ne3A_491 = arith.cmpi ne, %rem3A_489, %ne3A_490 : i32
      %lt3A_492 = arith.constant 0 : i32
      %lt3A_493 = arith.cmpi slt, %rem3A_489, %lt3A_492 : i32
      %lt3A_494 = arith.constant 0 : i32
      %lt3A_495 = arith.cmpi slt, %select_n3A_488, %lt3A_494 : i32
      %ne3A_496 = arith.xori %lt3A_493, %lt3A_495 : i1
      %and3A_497 = arith.andi %ne3A_496, %ne3A_491 : i1
      %add3A_498 = arith.addi %rem3A_489, %select_n3A_488 : i32
      %select_n3A_499 = arith.select %and3A_497, %add3A_498, %rem3A_489 : i32
      %eq3A_500 = arith.constant 0 : i32
      %eq3A_501 = arith.cmpi eq, %select_n3A_499, %eq3A_500 : i32
      %convert_element_type3A_502 = arith.extui %eq3A_501 : i1 to i32
      %cond3A_503 = arith.constant 0 : i32
      %cond3A_504 = arith.cmpi ne, %convert_element_type3A_502, %cond3A_503 : i32
      scf.if %cond3A_504 {
        %add3A_610 = arith.constant 1 : i32
        %add3A_611 = arith.addi %while3A_473, %add3A_610 : i32
        %lt3A_612 = arith.cmpi slt, %add3A_611, %add3A_33 : i32
        %convert_element_type3A_613 = arith.extui %lt3A_612 : i1 to i32
        %cond3A_614 = arith.constant 0 : i32
        %cond3A_615 = arith.cmpi ne, %convert_element_type3A_613, %cond3A_614 : i32
        scf.if %cond3A_615 {
          %ge3A = arith.constant 2 : i32
          %ge3A_628 = arith.cmpi sge, %while3A_473, %ge3A : i32
          %convert_element_type3A_629 = arith.extui %ge3A_628 : i1 to i32
          %cond3A_630 = arith.constant 0 : i32
          %cond3A_631 = arith.cmpi ne, %convert_element_type3A_629, %cond3A_630 : i32
          scf.if %cond3A_631 {
            %dma_wait3A_639 = arith.constant 0 : i32
            %dma_wait3A_640 = arith.constant 0 : i32
            %dma_wait3A_641 = tpu.memref_slice %arg40[%dma_wait3A_639, %dma_wait3A_640] : memref<10000x128xf32, #tpu.memory_space<vmem_shared>> -> memref<10000x128xf32, #tpu.memory_space<vmem_shared>>
            tpu.wait_indirect_dma semaphore(%arg38 : memref<!tpu.dma_semaphore, #tpu.memory_space<semaphore_mem>>) src(%arg20 : memref<128x128xf32, #tpu.memory_space<vmem>>) dst(%dma_wait3A_641 : memref<10000x128xf32, #tpu.memory_space<vmem_shared>>)
          } else {
          }
          %dma_wait3A_632 = tpu.memref_slice %arg2[%add3A_478] : memref<320000xi32, #tpu.memory_space<hbm>> -> memref<128xi32, #tpu.memory_space<hbm>>
          %dma_wait3A_633 = tpu.memref_slice %arg2[%add3A_478] : memref<320000xi32, #tpu.memory_space<hbm>> -> memref<128xi32, #tpu.memory_space<hbm>>
          tpu.wait_dma2 semaphore(%arg24 : memref<!tpu.dma_semaphore, #tpu.memory_space<semaphore_mem>>) src(%dma_wait3A_633 : memref<128xi32, #tpu.memory_space<hbm>>) dst(%arg9 : memref<128xi32, #tpu.memory_space<vmem>>)
          %dma_wait3A_634 = tpu.memref_slice %arg3[%add3A_478] : memref<320000xi32, #tpu.memory_space<hbm>> -> memref<128xi32, #tpu.memory_space<hbm>>
          %dma_wait3A_635 = tpu.memref_slice %arg3[%add3A_478] : memref<320000xi32, #tpu.memory_space<hbm>> -> memref<128xi32, #tpu.memory_space<hbm>>
          tpu.wait_dma2 semaphore(%arg25 : memref<!tpu.dma_semaphore, #tpu.memory_space<semaphore_mem>>) src(%dma_wait3A_635 : memref<128xi32, #tpu.memory_space<hbm>>) dst(%arg10 : memref<128xi32, #tpu.memory_space<vmem>>)
          %dma_start3A_636 = arith.constant 0 : i32
          %dma_start3A_637 = arith.constant 0 : i32
          %dma_start3A_638 = tpu.memref_slice %arg4[%dma_start3A_636, %dma_start3A_637] : memref<10000x128xf32, #tpu.memory_space<hbm>> -> memref<10000x128xf32, #tpu.memory_space<hbm>>
          tpu.enqueue_indirect_dma source(%dma_start3A_638 : memref<10000x128xf32, #tpu.memory_space<hbm>>) target(%arg20 : memref<128x128xf32, #tpu.memory_space<vmem>>) offsets(%arg9 : memref<128xi32, #tpu.memory_space<vmem>>) semaphore(%arg35 : memref<!tpu.dma_semaphore, #tpu.memory_space<semaphore_mem>>)
        } else {
        }
        %add3A_616 = arith.constant 2 : i32
        %add3A_617 = arith.addi %while3A_473, %add3A_616 : i32
        %lt3A_618 = arith.cmpi slt, %add3A_617, %add3A_33 : i32
        %convert_element_type3A_619 = arith.extui %lt3A_618 : i1 to i32
        %cond3A_620 = arith.constant 0 : i32
        %cond3A_621 = arith.cmpi ne, %convert_element_type3A_619, %cond3A_620 : i32
        scf.if %cond3A_621 {
          %dma_start3A_628 = tpu.memref_slice %arg2[%add3A_483] : memref<320000xi32, #tpu.memory_space<hbm>> -> memref<128xi32, #tpu.memory_space<hbm>>
          %dma_start3A_629 = tpu.memref_slice %arg2[%add3A_483] : memref<320000xi32, #tpu.memory_space<hbm>> -> memref<128xi32, #tpu.memory_space<hbm>>
          tpu.enqueue_dma source(%dma_start3A_629 : memref<128xi32, #tpu.memory_space<hbm>>) target(%arg11 : memref<128xi32, #tpu.memory_space<vmem>>) target_semaphore(%arg26 : memref<!tpu.dma_semaphore, #tpu.memory_space<semaphore_mem>>)
          %dma_start3A_630 = tpu.memref_slice %arg3[%add3A_483] : memref<320000xi32, #tpu.memory_space<hbm>> -> memref<128xi32, #tpu.memory_space<hbm>>
          %dma_start3A_631 = tpu.memref_slice %arg3[%add3A_483] : memref<320000xi32, #tpu.memory_space<hbm>> -> memref<128xi32, #tpu.memory_space<hbm>>
          tpu.enqueue_dma source(%dma_start3A_631 : memref<128xi32, #tpu.memory_space<hbm>>) target(%arg12 : memref<128xi32, #tpu.memory_space<vmem>>) target_semaphore(%arg27 : memref<!tpu.dma_semaphore, #tpu.memory_space<semaphore_mem>>)
        } else {
        }
        %dma_wait3A_622 = arith.constant 0 : i32
        %dma_wait3A_623 = arith.constant 0 : i32
        %dma_wait3A_624 = tpu.memref_slice %arg4[%dma_wait3A_622, %dma_wait3A_623] : memref<10000x128xf32, #tpu.memory_space<hbm>> -> memref<10000x128xf32, #tpu.memory_space<hbm>>
        tpu.wait_indirect_dma semaphore(%arg34 : memref<!tpu.dma_semaphore, #tpu.memory_space<semaphore_mem>>) src(%dma_wait3A_624 : memref<10000x128xf32, #tpu.memory_space<hbm>>) dst(%arg19 : memref<128x128xf32, #tpu.memory_space<vmem>>)
        %dma_start3A_625 = arith.constant 0 : i32
        %dma_start3A_626 = arith.constant 0 : i32
        %dma_start3A_627 = tpu.memref_slice %arg40[%dma_start3A_625, %dma_start3A_626] : memref<10000x128xf32, #tpu.memory_space<vmem_shared>> -> memref<10000x128xf32, #tpu.memory_space<vmem_shared>>
        tpu.enqueue_indirect_dma source(%arg19 : memref<128x128xf32, #tpu.memory_space<vmem>>) target(%dma_start3A_627 : memref<10000x128xf32, #tpu.memory_space<vmem_shared>>) offsets(%arg8 : memref<128xi32, #tpu.memory_space<vmem>>) semaphore(%arg37 : memref<!tpu.dma_semaphore, #tpu.memory_space<semaphore_mem>>) {add = true}
      } else {
      }
      %jit3A_505 = arith.constant 6 : i32
      %eq3A_506 = arith.constant 0 : i32
      %eq3A_507 = arith.cmpi eq, %jit3A_505, %eq3A_506 : i32
      %jit3A_508 = arith.constant 1 : i32
      %select_n3A_509 = arith.select %eq3A_507, %jit3A_508, %jit3A_505 : i32
      %rem3A_510 = arith.remsi %while3A_473, %select_n3A_509 : i32
      %ne3A_511 = arith.constant 0 : i32
      %ne3A_512 = arith.cmpi ne, %rem3A_510, %ne3A_511 : i32
      %lt3A_513 = arith.constant 0 : i32
      %lt3A_514 = arith.cmpi slt, %rem3A_510, %lt3A_513 : i32
      %lt3A_515 = arith.constant 0 : i32
      %lt3A_516 = arith.cmpi slt, %select_n3A_509, %lt3A_515 : i32
      %ne3A_517 = arith.xori %lt3A_514, %lt3A_516 : i1
      %and3A_518 = arith.andi %ne3A_517, %ne3A_512 : i1
      %add3A_519 = arith.addi %rem3A_510, %select_n3A_509 : i32
      %select_n3A_520 = arith.select %and3A_518, %add3A_519, %rem3A_510 : i32
      %eq3A_521 = arith.constant 1 : i32
      %eq3A_522 = arith.cmpi eq, %select_n3A_520, %eq3A_521 : i32
      %convert_element_type3A_523 = arith.extui %eq3A_522 : i1 to i32
      %cond3A_524 = arith.constant 0 : i32
      %cond3A_525 = arith.cmpi ne, %convert_element_type3A_523, %cond3A_524 : i32
      scf.if %cond3A_525 {
        %add3A_610 = arith.constant 1 : i32
        %add3A_611 = arith.addi %while3A_473, %add3A_610 : i32
        %lt3A_612 = arith.cmpi slt, %add3A_611, %add3A_33 : i32
        %convert_element_type3A_613 = arith.extui %lt3A_612 : i1 to i32
        %cond3A_614 = arith.constant 0 : i32
        %cond3A_615 = arith.cmpi ne, %convert_element_type3A_613, %cond3A_614 : i32
        scf.if %cond3A_615 {
          %ge3A = arith.constant 2 : i32
          %ge3A_628 = arith.cmpi sge, %while3A_473, %ge3A : i32
          %convert_element_type3A_629 = arith.extui %ge3A_628 : i1 to i32
          %cond3A_630 = arith.constant 0 : i32
          %cond3A_631 = arith.cmpi ne, %convert_element_type3A_629, %cond3A_630 : i32
          scf.if %cond3A_631 {
            %dma_wait3A_639 = arith.constant 0 : i32
            %dma_wait3A_640 = arith.constant 0 : i32
            %dma_wait3A_641 = tpu.memref_slice %arg40[%dma_wait3A_639, %dma_wait3A_640] : memref<10000x128xf32, #tpu.memory_space<vmem_shared>> -> memref<10000x128xf32, #tpu.memory_space<vmem_shared>>
            tpu.wait_indirect_dma semaphore(%arg39 : memref<!tpu.dma_semaphore, #tpu.memory_space<semaphore_mem>>) src(%arg21 : memref<128x128xf32, #tpu.memory_space<vmem>>) dst(%dma_wait3A_641 : memref<10000x128xf32, #tpu.memory_space<vmem_shared>>)
          } else {
          }
          %dma_wait3A_632 = tpu.memref_slice %arg2[%add3A_478] : memref<320000xi32, #tpu.memory_space<hbm>> -> memref<128xi32, #tpu.memory_space<hbm>>
          %dma_wait3A_633 = tpu.memref_slice %arg2[%add3A_478] : memref<320000xi32, #tpu.memory_space<hbm>> -> memref<128xi32, #tpu.memory_space<hbm>>
          tpu.wait_dma2 semaphore(%arg26 : memref<!tpu.dma_semaphore, #tpu.memory_space<semaphore_mem>>) src(%dma_wait3A_633 : memref<128xi32, #tpu.memory_space<hbm>>) dst(%arg11 : memref<128xi32, #tpu.memory_space<vmem>>)
          %dma_wait3A_634 = tpu.memref_slice %arg3[%add3A_478] : memref<320000xi32, #tpu.memory_space<hbm>> -> memref<128xi32, #tpu.memory_space<hbm>>
          %dma_wait3A_635 = tpu.memref_slice %arg3[%add3A_478] : memref<320000xi32, #tpu.memory_space<hbm>> -> memref<128xi32, #tpu.memory_space<hbm>>
          tpu.wait_dma2 semaphore(%arg27 : memref<!tpu.dma_semaphore, #tpu.memory_space<semaphore_mem>>) src(%dma_wait3A_635 : memref<128xi32, #tpu.memory_space<hbm>>) dst(%arg12 : memref<128xi32, #tpu.memory_space<vmem>>)
          %dma_start3A_636 = arith.constant 0 : i32
          %dma_start3A_637 = arith.constant 0 : i32
          %dma_start3A_638 = tpu.memref_slice %arg4[%dma_start3A_636, %dma_start3A_637] : memref<10000x128xf32, #tpu.memory_space<hbm>> -> memref<10000x128xf32, #tpu.memory_space<hbm>>
          tpu.enqueue_indirect_dma source(%dma_start3A_638 : memref<10000x128xf32, #tpu.memory_space<hbm>>) target(%arg21 : memref<128x128xf32, #tpu.memory_space<vmem>>) offsets(%arg11 : memref<128xi32, #tpu.memory_space<vmem>>) semaphore(%arg36 : memref<!tpu.dma_semaphore, #tpu.memory_space<semaphore_mem>>)
        } else {
        }
        %add3A_616 = arith.constant 2 : i32
        %add3A_617 = arith.addi %while3A_473, %add3A_616 : i32
        %lt3A_618 = arith.cmpi slt, %add3A_617, %add3A_33 : i32
        %convert_element_type3A_619 = arith.extui %lt3A_618 : i1 to i32
        %cond3A_620 = arith.constant 0 : i32
        %cond3A_621 = arith.cmpi ne, %convert_element_type3A_619, %cond3A_620 : i32
        scf.if %cond3A_621 {
          %dma_start3A_628 = tpu.memref_slice %arg2[%add3A_483] : memref<320000xi32, #tpu.memory_space<hbm>> -> memref<128xi32, #tpu.memory_space<hbm>>
          %dma_start3A_629 = tpu.memref_slice %arg2[%add3A_483] : memref<320000xi32, #tpu.memory_space<hbm>> -> memref<128xi32, #tpu.memory_space<hbm>>
          tpu.enqueue_dma source(%dma_start3A_629 : memref<128xi32, #tpu.memory_space<hbm>>) target(%arg13 : memref<128xi32, #tpu.memory_space<vmem>>) target_semaphore(%arg28 : memref<!tpu.dma_semaphore, #tpu.memory_space<semaphore_mem>>)
          %dma_start3A_630 = tpu.memref_slice %arg3[%add3A_483] : memref<320000xi32, #tpu.memory_space<hbm>> -> memref<128xi32, #tpu.memory_space<hbm>>
          %dma_start3A_631 = tpu.memref_slice %arg3[%add3A_483] : memref<320000xi32, #tpu.memory_space<hbm>> -> memref<128xi32, #tpu.memory_space<hbm>>
          tpu.enqueue_dma source(%dma_start3A_631 : memref<128xi32, #tpu.memory_space<hbm>>) target(%arg14 : memref<128xi32, #tpu.memory_space<vmem>>) target_semaphore(%arg29 : memref<!tpu.dma_semaphore, #tpu.memory_space<semaphore_mem>>)
        } else {
        }
        %dma_wait3A_622 = arith.constant 0 : i32
        %dma_wait3A_623 = arith.constant 0 : i32
        %dma_wait3A_624 = tpu.memref_slice %arg4[%dma_wait3A_622, %dma_wait3A_623] : memref<10000x128xf32, #tpu.memory_space<hbm>> -> memref<10000x128xf32, #tpu.memory_space<hbm>>
        tpu.wait_indirect_dma semaphore(%arg35 : memref<!tpu.dma_semaphore, #tpu.memory_space<semaphore_mem>>) src(%dma_wait3A_624 : memref<10000x128xf32, #tpu.memory_space<hbm>>) dst(%arg20 : memref<128x128xf32, #tpu.memory_space<vmem>>)
        %dma_start3A_625 = arith.constant 0 : i32
        %dma_start3A_626 = arith.constant 0 : i32
        %dma_start3A_627 = tpu.memref_slice %arg40[%dma_start3A_625, %dma_start3A_626] : memref<10000x128xf32, #tpu.memory_space<vmem_shared>> -> memref<10000x128xf32, #tpu.memory_space<vmem_shared>>
        tpu.enqueue_indirect_dma source(%arg20 : memref<128x128xf32, #tpu.memory_space<vmem>>) target(%dma_start3A_627 : memref<10000x128xf32, #tpu.memory_space<vmem_shared>>) offsets(%arg10 : memref<128xi32, #tpu.memory_space<vmem>>) semaphore(%arg38 : memref<!tpu.dma_semaphore, #tpu.memory_space<semaphore_mem>>) {add = true}
      } else {
      }
      %jit3A_526 = arith.constant 6 : i32
      %eq3A_527 = arith.constant 0 : i32
      %eq3A_528 = arith.cmpi eq, %jit3A_526, %eq3A_527 : i32
      %jit3A_529 = arith.constant 1 : i32
      %select_n3A_530 = arith.select %eq3A_528, %jit3A_529, %jit3A_526 : i32
      %rem3A_531 = arith.remsi %while3A_473, %select_n3A_530 : i32
      %ne3A_532 = arith.constant 0 : i32
      %ne3A_533 = arith.cmpi ne, %rem3A_531, %ne3A_532 : i32
      %lt3A_534 = arith.constant 0 : i32
      %lt3A_535 = arith.cmpi slt, %rem3A_531, %lt3A_534 : i32
      %lt3A_536 = arith.constant 0 : i32
      %lt3A_537 = arith.cmpi slt, %select_n3A_530, %lt3A_536 : i32
      %ne3A_538 = arith.xori %lt3A_535, %lt3A_537 : i1
      %and3A_539 = arith.andi %ne3A_538, %ne3A_533 : i1
      %add3A_540 = arith.addi %rem3A_531, %select_n3A_530 : i32
      %select_n3A_541 = arith.select %and3A_539, %add3A_540, %rem3A_531 : i32
      %eq3A_542 = arith.constant 2 : i32
      %eq3A_543 = arith.cmpi eq, %select_n3A_541, %eq3A_542 : i32
      %convert_element_type3A_544 = arith.extui %eq3A_543 : i1 to i32
      %cond3A_545 = arith.constant 0 : i32
      %cond3A_546 = arith.cmpi ne, %convert_element_type3A_544, %cond3A_545 : i32
      scf.if %cond3A_546 {
        %add3A_610 = arith.constant 1 : i32
        %add3A_611 = arith.addi %while3A_473, %add3A_610 : i32
        %lt3A_612 = arith.cmpi slt, %add3A_611, %add3A_33 : i32
        %convert_element_type3A_613 = arith.extui %lt3A_612 : i1 to i32
        %cond3A_614 = arith.constant 0 : i32
        %cond3A_615 = arith.cmpi ne, %convert_element_type3A_613, %cond3A_614 : i32
        scf.if %cond3A_615 {
          %ge3A = arith.constant 2 : i32
          %ge3A_628 = arith.cmpi sge, %while3A_473, %ge3A : i32
          %convert_element_type3A_629 = arith.extui %ge3A_628 : i1 to i32
          %cond3A_630 = arith.constant 0 : i32
          %cond3A_631 = arith.cmpi ne, %convert_element_type3A_629, %cond3A_630 : i32
          scf.if %cond3A_631 {
            %dma_wait3A_639 = arith.constant 0 : i32
            %dma_wait3A_640 = arith.constant 0 : i32
            %dma_wait3A_641 = tpu.memref_slice %arg40[%dma_wait3A_639, %dma_wait3A_640] : memref<10000x128xf32, #tpu.memory_space<vmem_shared>> -> memref<10000x128xf32, #tpu.memory_space<vmem_shared>>
            tpu.wait_indirect_dma semaphore(%arg37 : memref<!tpu.dma_semaphore, #tpu.memory_space<semaphore_mem>>) src(%arg19 : memref<128x128xf32, #tpu.memory_space<vmem>>) dst(%dma_wait3A_641 : memref<10000x128xf32, #tpu.memory_space<vmem_shared>>)
          } else {
          }
          %dma_wait3A_632 = tpu.memref_slice %arg2[%add3A_478] : memref<320000xi32, #tpu.memory_space<hbm>> -> memref<128xi32, #tpu.memory_space<hbm>>
          %dma_wait3A_633 = tpu.memref_slice %arg2[%add3A_478] : memref<320000xi32, #tpu.memory_space<hbm>> -> memref<128xi32, #tpu.memory_space<hbm>>
          tpu.wait_dma2 semaphore(%arg28 : memref<!tpu.dma_semaphore, #tpu.memory_space<semaphore_mem>>) src(%dma_wait3A_633 : memref<128xi32, #tpu.memory_space<hbm>>) dst(%arg13 : memref<128xi32, #tpu.memory_space<vmem>>)
          %dma_wait3A_634 = tpu.memref_slice %arg3[%add3A_478] : memref<320000xi32, #tpu.memory_space<hbm>> -> memref<128xi32, #tpu.memory_space<hbm>>
          %dma_wait3A_635 = tpu.memref_slice %arg3[%add3A_478] : memref<320000xi32, #tpu.memory_space<hbm>> -> memref<128xi32, #tpu.memory_space<hbm>>
          tpu.wait_dma2 semaphore(%arg29 : memref<!tpu.dma_semaphore, #tpu.memory_space<semaphore_mem>>) src(%dma_wait3A_635 : memref<128xi32, #tpu.memory_space<hbm>>) dst(%arg14 : memref<128xi32, #tpu.memory_space<vmem>>)
          %dma_start3A_636 = arith.constant 0 : i32
          %dma_start3A_637 = arith.constant 0 : i32
          %dma_start3A_638 = tpu.memref_slice %arg4[%dma_start3A_636, %dma_start3A_637] : memref<10000x128xf32, #tpu.memory_space<hbm>> -> memref<10000x128xf32, #tpu.memory_space<hbm>>
          tpu.enqueue_indirect_dma source(%dma_start3A_638 : memref<10000x128xf32, #tpu.memory_space<hbm>>) target(%arg19 : memref<128x128xf32, #tpu.memory_space<vmem>>) offsets(%arg13 : memref<128xi32, #tpu.memory_space<vmem>>) semaphore(%arg34 : memref<!tpu.dma_semaphore, #tpu.memory_space<semaphore_mem>>)
        } else {
        }
        %add3A_616 = arith.constant 2 : i32
        %add3A_617 = arith.addi %while3A_473, %add3A_616 : i32
        %lt3A_618 = arith.cmpi slt, %add3A_617, %add3A_33 : i32
        %convert_element_type3A_619 = arith.extui %lt3A_618 : i1 to i32
        %cond3A_620 = arith.constant 0 : i32
        %cond3A_621 = arith.cmpi ne, %convert_element_type3A_619, %cond3A_620 : i32
        scf.if %cond3A_621 {
          %dma_start3A_628 = tpu.memref_slice %arg2[%add3A_483] : memref<320000xi32, #tpu.memory_space<hbm>> -> memref<128xi32, #tpu.memory_space<hbm>>
          %dma_start3A_629 = tpu.memref_slice %arg2[%add3A_483] : memref<320000xi32, #tpu.memory_space<hbm>> -> memref<128xi32, #tpu.memory_space<hbm>>
          tpu.enqueue_dma source(%dma_start3A_629 : memref<128xi32, #tpu.memory_space<hbm>>) target(%arg15 : memref<128xi32, #tpu.memory_space<vmem>>) target_semaphore(%arg30 : memref<!tpu.dma_semaphore, #tpu.memory_space<semaphore_mem>>)
          %dma_start3A_630 = tpu.memref_slice %arg3[%add3A_483] : memref<320000xi32, #tpu.memory_space<hbm>> -> memref<128xi32, #tpu.memory_space<hbm>>
          %dma_start3A_631 = tpu.memref_slice %arg3[%add3A_483] : memref<320000xi32, #tpu.memory_space<hbm>> -> memref<128xi32, #tpu.memory_space<hbm>>
          tpu.enqueue_dma source(%dma_start3A_631 : memref<128xi32, #tpu.memory_space<hbm>>) target(%arg16 : memref<128xi32, #tpu.memory_space<vmem>>) target_semaphore(%arg31 : memref<!tpu.dma_semaphore, #tpu.memory_space<semaphore_mem>>)
        } else {
        }
        %dma_wait3A_622 = arith.constant 0 : i32
        %dma_wait3A_623 = arith.constant 0 : i32
        %dma_wait3A_624 = tpu.memref_slice %arg4[%dma_wait3A_622, %dma_wait3A_623] : memref<10000x128xf32, #tpu.memory_space<hbm>> -> memref<10000x128xf32, #tpu.memory_space<hbm>>
        tpu.wait_indirect_dma semaphore(%arg36 : memref<!tpu.dma_semaphore, #tpu.memory_space<semaphore_mem>>) src(%dma_wait3A_624 : memref<10000x128xf32, #tpu.memory_space<hbm>>) dst(%arg21 : memref<128x128xf32, #tpu.memory_space<vmem>>)
        %dma_start3A_625 = arith.constant 0 : i32
        %dma_start3A_626 = arith.constant 0 : i32
        %dma_start3A_627 = tpu.memref_slice %arg40[%dma_start3A_625, %dma_start3A_626] : memref<10000x128xf32, #tpu.memory_space<vmem_shared>> -> memref<10000x128xf32, #tpu.memory_space<vmem_shared>>
        tpu.enqueue_indirect_dma source(%arg21 : memref<128x128xf32, #tpu.memory_space<vmem>>) target(%dma_start3A_627 : memref<10000x128xf32, #tpu.memory_space<vmem_shared>>) offsets(%arg12 : memref<128xi32, #tpu.memory_space<vmem>>) semaphore(%arg39 : memref<!tpu.dma_semaphore, #tpu.memory_space<semaphore_mem>>) {add = true}
      } else {
      }
      %jit3A_547 = arith.constant 6 : i32
      %eq3A_548 = arith.constant 0 : i32
      %eq3A_549 = arith.cmpi eq, %jit3A_547, %eq3A_548 : i32
      %jit3A_550 = arith.constant 1 : i32
      %select_n3A_551 = arith.select %eq3A_549, %jit3A_550, %jit3A_547 : i32
      %rem3A_552 = arith.remsi %while3A_473, %select_n3A_551 : i32
      %ne3A_553 = arith.constant 0 : i32
      %ne3A_554 = arith.cmpi ne, %rem3A_552, %ne3A_553 : i32
      %lt3A_555 = arith.constant 0 : i32
      %lt3A_556 = arith.cmpi slt, %rem3A_552, %lt3A_555 : i32
      %lt3A_557 = arith.constant 0 : i32
      %lt3A_558 = arith.cmpi slt, %select_n3A_551, %lt3A_557 : i32
      %ne3A_559 = arith.xori %lt3A_556, %lt3A_558 : i1
      %and3A_560 = arith.andi %ne3A_559, %ne3A_554 : i1
      %add3A_561 = arith.addi %rem3A_552, %select_n3A_551 : i32
      %select_n3A_562 = arith.select %and3A_560, %add3A_561, %rem3A_552 : i32
      %eq3A_563 = arith.constant 3 : i32
      %eq3A_564 = arith.cmpi eq, %select_n3A_562, %eq3A_563 : i32
      %convert_element_type3A_565 = arith.extui %eq3A_564 : i1 to i32
      %cond3A_566 = arith.constant 0 : i32
      %cond3A_567 = arith.cmpi ne, %convert_element_type3A_565, %cond3A_566 : i32
      scf.if %cond3A_567 {
        %add3A_610 = arith.constant 1 : i32
        %add3A_611 = arith.addi %while3A_473, %add3A_610 : i32
        %lt3A_612 = arith.cmpi slt, %add3A_611, %add3A_33 : i32
        %convert_element_type3A_613 = arith.extui %lt3A_612 : i1 to i32
        %cond3A_614 = arith.constant 0 : i32
        %cond3A_615 = arith.cmpi ne, %convert_element_type3A_613, %cond3A_614 : i32
        scf.if %cond3A_615 {
          %ge3A = arith.constant 2 : i32
          %ge3A_628 = arith.cmpi sge, %while3A_473, %ge3A : i32
          %convert_element_type3A_629 = arith.extui %ge3A_628 : i1 to i32
          %cond3A_630 = arith.constant 0 : i32
          %cond3A_631 = arith.cmpi ne, %convert_element_type3A_629, %cond3A_630 : i32
          scf.if %cond3A_631 {
            %dma_wait3A_639 = arith.constant 0 : i32
            %dma_wait3A_640 = arith.constant 0 : i32
            %dma_wait3A_641 = tpu.memref_slice %arg40[%dma_wait3A_639, %dma_wait3A_640] : memref<10000x128xf32, #tpu.memory_space<vmem_shared>> -> memref<10000x128xf32, #tpu.memory_space<vmem_shared>>
            tpu.wait_indirect_dma semaphore(%arg38 : memref<!tpu.dma_semaphore, #tpu.memory_space<semaphore_mem>>) src(%arg20 : memref<128x128xf32, #tpu.memory_space<vmem>>) dst(%dma_wait3A_641 : memref<10000x128xf32, #tpu.memory_space<vmem_shared>>)
          } else {
          }
          %dma_wait3A_632 = tpu.memref_slice %arg2[%add3A_478] : memref<320000xi32, #tpu.memory_space<hbm>> -> memref<128xi32, #tpu.memory_space<hbm>>
          %dma_wait3A_633 = tpu.memref_slice %arg2[%add3A_478] : memref<320000xi32, #tpu.memory_space<hbm>> -> memref<128xi32, #tpu.memory_space<hbm>>
          tpu.wait_dma2 semaphore(%arg30 : memref<!tpu.dma_semaphore, #tpu.memory_space<semaphore_mem>>) src(%dma_wait3A_633 : memref<128xi32, #tpu.memory_space<hbm>>) dst(%arg15 : memref<128xi32, #tpu.memory_space<vmem>>)
          %dma_wait3A_634 = tpu.memref_slice %arg3[%add3A_478] : memref<320000xi32, #tpu.memory_space<hbm>> -> memref<128xi32, #tpu.memory_space<hbm>>
          %dma_wait3A_635 = tpu.memref_slice %arg3[%add3A_478] : memref<320000xi32, #tpu.memory_space<hbm>> -> memref<128xi32, #tpu.memory_space<hbm>>
          tpu.wait_dma2 semaphore(%arg31 : memref<!tpu.dma_semaphore, #tpu.memory_space<semaphore_mem>>) src(%dma_wait3A_635 : memref<128xi32, #tpu.memory_space<hbm>>) dst(%arg16 : memref<128xi32, #tpu.memory_space<vmem>>)
          %dma_start3A_636 = arith.constant 0 : i32
          %dma_start3A_637 = arith.constant 0 : i32
          %dma_start3A_638 = tpu.memref_slice %arg4[%dma_start3A_636, %dma_start3A_637] : memref<10000x128xf32, #tpu.memory_space<hbm>> -> memref<10000x128xf32, #tpu.memory_space<hbm>>
          tpu.enqueue_indirect_dma source(%dma_start3A_638 : memref<10000x128xf32, #tpu.memory_space<hbm>>) target(%arg20 : memref<128x128xf32, #tpu.memory_space<vmem>>) offsets(%arg15 : memref<128xi32, #tpu.memory_space<vmem>>) semaphore(%arg35 : memref<!tpu.dma_semaphore, #tpu.memory_space<semaphore_mem>>)
        } else {
        }
        %add3A_616 = arith.constant 2 : i32
        %add3A_617 = arith.addi %while3A_473, %add3A_616 : i32
        %lt3A_618 = arith.cmpi slt, %add3A_617, %add3A_33 : i32
        %convert_element_type3A_619 = arith.extui %lt3A_618 : i1 to i32
        %cond3A_620 = arith.constant 0 : i32
        %cond3A_621 = arith.cmpi ne, %convert_element_type3A_619, %cond3A_620 : i32
        scf.if %cond3A_621 {
          %dma_start3A_628 = tpu.memref_slice %arg2[%add3A_483] : memref<320000xi32, #tpu.memory_space<hbm>> -> memref<128xi32, #tpu.memory_space<hbm>>
          %dma_start3A_629 = tpu.memref_slice %arg2[%add3A_483] : memref<320000xi32, #tpu.memory_space<hbm>> -> memref<128xi32, #tpu.memory_space<hbm>>
          tpu.enqueue_dma source(%dma_start3A_629 : memref<128xi32, #tpu.memory_space<hbm>>) target(%arg17 : memref<128xi32, #tpu.memory_space<vmem>>) target_semaphore(%arg32 : memref<!tpu.dma_semaphore, #tpu.memory_space<semaphore_mem>>)
          %dma_start3A_630 = tpu.memref_slice %arg3[%add3A_483] : memref<320000xi32, #tpu.memory_space<hbm>> -> memref<128xi32, #tpu.memory_space<hbm>>
          %dma_start3A_631 = tpu.memref_slice %arg3[%add3A_483] : memref<320000xi32, #tpu.memory_space<hbm>> -> memref<128xi32, #tpu.memory_space<hbm>>
          tpu.enqueue_dma source(%dma_start3A_631 : memref<128xi32, #tpu.memory_space<hbm>>) target(%arg18 : memref<128xi32, #tpu.memory_space<vmem>>) target_semaphore(%arg33 : memref<!tpu.dma_semaphore, #tpu.memory_space<semaphore_mem>>)
        } else {
        }
        %dma_wait3A_622 = arith.constant 0 : i32
        %dma_wait3A_623 = arith.constant 0 : i32
        %dma_wait3A_624 = tpu.memref_slice %arg4[%dma_wait3A_622, %dma_wait3A_623] : memref<10000x128xf32, #tpu.memory_space<hbm>> -> memref<10000x128xf32, #tpu.memory_space<hbm>>
        tpu.wait_indirect_dma semaphore(%arg34 : memref<!tpu.dma_semaphore, #tpu.memory_space<semaphore_mem>>) src(%dma_wait3A_624 : memref<10000x128xf32, #tpu.memory_space<hbm>>) dst(%arg19 : memref<128x128xf32, #tpu.memory_space<vmem>>)
        %dma_start3A_625 = arith.constant 0 : i32
        %dma_start3A_626 = arith.constant 0 : i32
        %dma_start3A_627 = tpu.memref_slice %arg40[%dma_start3A_625, %dma_start3A_626] : memref<10000x128xf32, #tpu.memory_space<vmem_shared>> -> memref<10000x128xf32, #tpu.memory_space<vmem_shared>>
        tpu.enqueue_indirect_dma source(%arg19 : memref<128x128xf32, #tpu.memory_space<vmem>>) target(%dma_start3A_627 : memref<10000x128xf32, #tpu.memory_space<vmem_shared>>) offsets(%arg14 : memref<128xi32, #tpu.memory_space<vmem>>) semaphore(%arg37 : memref<!tpu.dma_semaphore, #tpu.memory_space<semaphore_mem>>) {add = true}
      } else {
      }
      %jit3A_568 = arith.constant 6 : i32
      %eq3A_569 = arith.constant 0 : i32
      %eq3A_570 = arith.cmpi eq, %jit3A_568, %eq3A_569 : i32
      %jit3A_571 = arith.constant 1 : i32
      %select_n3A_572 = arith.select %eq3A_570, %jit3A_571, %jit3A_568 : i32
      %rem3A_573 = arith.remsi %while3A_473, %select_n3A_572 : i32
      %ne3A_574 = arith.constant 0 : i32
      %ne3A_575 = arith.cmpi ne, %rem3A_573, %ne3A_574 : i32
      %lt3A_576 = arith.constant 0 : i32
      %lt3A_577 = arith.cmpi slt, %rem3A_573, %lt3A_576 : i32
      %lt3A_578 = arith.constant 0 : i32
      %lt3A_579 = arith.cmpi slt, %select_n3A_572, %lt3A_578 : i32
      %ne3A_580 = arith.xori %lt3A_577, %lt3A_579 : i1
      %and3A_581 = arith.andi %ne3A_580, %ne3A_575 : i1
      %add3A_582 = arith.addi %rem3A_573, %select_n3A_572 : i32
      %select_n3A_583 = arith.select %and3A_581, %add3A_582, %rem3A_573 : i32
      %eq3A_584 = arith.constant 4 : i32
      %eq3A_585 = arith.cmpi eq, %select_n3A_583, %eq3A_584 : i32
      %convert_element_type3A_586 = arith.extui %eq3A_585 : i1 to i32
      %cond3A_587 = arith.constant 0 : i32
      %cond3A_588 = arith.cmpi ne, %convert_element_type3A_586, %cond3A_587 : i32
      scf.if %cond3A_588 {
        %add3A_610 = arith.constant 1 : i32
        %add3A_611 = arith.addi %while3A_473, %add3A_610 : i32
        %lt3A_612 = arith.cmpi slt, %add3A_611, %add3A_33 : i32
        %convert_element_type3A_613 = arith.extui %lt3A_612 : i1 to i32
        %cond3A_614 = arith.constant 0 : i32
        %cond3A_615 = arith.cmpi ne, %convert_element_type3A_613, %cond3A_614 : i32
        scf.if %cond3A_615 {
          %ge3A = arith.constant 2 : i32
          %ge3A_628 = arith.cmpi sge, %while3A_473, %ge3A : i32
          %convert_element_type3A_629 = arith.extui %ge3A_628 : i1 to i32
          %cond3A_630 = arith.constant 0 : i32
          %cond3A_631 = arith.cmpi ne, %convert_element_type3A_629, %cond3A_630 : i32
          scf.if %cond3A_631 {
            %dma_wait3A_639 = arith.constant 0 : i32
            %dma_wait3A_640 = arith.constant 0 : i32
            %dma_wait3A_641 = tpu.memref_slice %arg40[%dma_wait3A_639, %dma_wait3A_640] : memref<10000x128xf32, #tpu.memory_space<vmem_shared>> -> memref<10000x128xf32, #tpu.memory_space<vmem_shared>>
            tpu.wait_indirect_dma semaphore(%arg39 : memref<!tpu.dma_semaphore, #tpu.memory_space<semaphore_mem>>) src(%arg21 : memref<128x128xf32, #tpu.memory_space<vmem>>) dst(%dma_wait3A_641 : memref<10000x128xf32, #tpu.memory_space<vmem_shared>>)
          } else {
          }
          %dma_wait3A_632 = tpu.memref_slice %arg2[%add3A_478] : memref<320000xi32, #tpu.memory_space<hbm>> -> memref<128xi32, #tpu.memory_space<hbm>>
          %dma_wait3A_633 = tpu.memref_slice %arg2[%add3A_478] : memref<320000xi32, #tpu.memory_space<hbm>> -> memref<128xi32, #tpu.memory_space<hbm>>
          tpu.wait_dma2 semaphore(%arg32 : memref<!tpu.dma_semaphore, #tpu.memory_space<semaphore_mem>>) src(%dma_wait3A_633 : memref<128xi32, #tpu.memory_space<hbm>>) dst(%arg17 : memref<128xi32, #tpu.memory_space<vmem>>)
          %dma_wait3A_634 = tpu.memref_slice %arg3[%add3A_478] : memref<320000xi32, #tpu.memory_space<hbm>> -> memref<128xi32, #tpu.memory_space<hbm>>
          %dma_wait3A_635 = tpu.memref_slice %arg3[%add3A_478] : memref<320000xi32, #tpu.memory_space<hbm>> -> memref<128xi32, #tpu.memory_space<hbm>>
          tpu.wait_dma2 semaphore(%arg33 : memref<!tpu.dma_semaphore, #tpu.memory_space<semaphore_mem>>) src(%dma_wait3A_635 : memref<128xi32, #tpu.memory_space<hbm>>) dst(%arg18 : memref<128xi32, #tpu.memory_space<vmem>>)
          %dma_start3A_636 = arith.constant 0 : i32
          %dma_start3A_637 = arith.constant 0 : i32
          %dma_start3A_638 = tpu.memref_slice %arg4[%dma_start3A_636, %dma_start3A_637] : memref<10000x128xf32, #tpu.memory_space<hbm>> -> memref<10000x128xf32, #tpu.memory_space<hbm>>
          tpu.enqueue_indirect_dma source(%dma_start3A_638 : memref<10000x128xf32, #tpu.memory_space<hbm>>) target(%arg21 : memref<128x128xf32, #tpu.memory_space<vmem>>) offsets(%arg17 : memref<128xi32, #tpu.memory_space<vmem>>) semaphore(%arg36 : memref<!tpu.dma_semaphore, #tpu.memory_space<semaphore_mem>>)
        } else {
        }
        %add3A_616 = arith.constant 2 : i32
        %add3A_617 = arith.addi %while3A_473, %add3A_616 : i32
        %lt3A_618 = arith.cmpi slt, %add3A_617, %add3A_33 : i32
        %convert_element_type3A_619 = arith.extui %lt3A_618 : i1 to i32
        %cond3A_620 = arith.constant 0 : i32
        %cond3A_621 = arith.cmpi ne, %convert_element_type3A_619, %cond3A_620 : i32
        scf.if %cond3A_621 {
          %dma_start3A_628 = tpu.memref_slice %arg2[%add3A_483] : memref<320000xi32, #tpu.memory_space<hbm>> -> memref<128xi32, #tpu.memory_space<hbm>>
          %dma_start3A_629 = tpu.memref_slice %arg2[%add3A_483] : memref<320000xi32, #tpu.memory_space<hbm>> -> memref<128xi32, #tpu.memory_space<hbm>>
          tpu.enqueue_dma source(%dma_start3A_629 : memref<128xi32, #tpu.memory_space<hbm>>) target(%arg7 : memref<128xi32, #tpu.memory_space<vmem>>) target_semaphore(%arg22 : memref<!tpu.dma_semaphore, #tpu.memory_space<semaphore_mem>>)
          %dma_start3A_630 = tpu.memref_slice %arg3[%add3A_483] : memref<320000xi32, #tpu.memory_space<hbm>> -> memref<128xi32, #tpu.memory_space<hbm>>
          %dma_start3A_631 = tpu.memref_slice %arg3[%add3A_483] : memref<320000xi32, #tpu.memory_space<hbm>> -> memref<128xi32, #tpu.memory_space<hbm>>
          tpu.enqueue_dma source(%dma_start3A_631 : memref<128xi32, #tpu.memory_space<hbm>>) target(%arg8 : memref<128xi32, #tpu.memory_space<vmem>>) target_semaphore(%arg23 : memref<!tpu.dma_semaphore, #tpu.memory_space<semaphore_mem>>)
        } else {
        }
        %dma_wait3A_622 = arith.constant 0 : i32
        %dma_wait3A_623 = arith.constant 0 : i32
        %dma_wait3A_624 = tpu.memref_slice %arg4[%dma_wait3A_622, %dma_wait3A_623] : memref<10000x128xf32, #tpu.memory_space<hbm>> -> memref<10000x128xf32, #tpu.memory_space<hbm>>
        tpu.wait_indirect_dma semaphore(%arg35 : memref<!tpu.dma_semaphore, #tpu.memory_space<semaphore_mem>>) src(%dma_wait3A_624 : memref<10000x128xf32, #tpu.memory_space<hbm>>) dst(%arg20 : memref<128x128xf32, #tpu.memory_space<vmem>>)
        %dma_start3A_625 = arith.constant 0 : i32
        %dma_start3A_626 = arith.constant 0 : i32
        %dma_start3A_627 = tpu.memref_slice %arg40[%dma_start3A_625, %dma_start3A_626] : memref<10000x128xf32, #tpu.memory_space<vmem_shared>> -> memref<10000x128xf32, #tpu.memory_space<vmem_shared>>
        tpu.enqueue_indirect_dma source(%arg20 : memref<128x128xf32, #tpu.memory_space<vmem>>) target(%dma_start3A_627 : memref<10000x128xf32, #tpu.memory_space<vmem_shared>>) offsets(%arg16 : memref<128xi32, #tpu.memory_space<vmem>>) semaphore(%arg38 : memref<!tpu.dma_semaphore, #tpu.memory_space<semaphore_mem>>) {add = true}
      } else {
      }
      %jit3A_589 = arith.constant 6 : i32
      %eq3A_590 = arith.constant 0 : i32
      %eq3A_591 = arith.cmpi eq, %jit3A_589, %eq3A_590 : i32
      %jit3A_592 = arith.constant 1 : i32
      %select_n3A_593 = arith.select %eq3A_591, %jit3A_592, %jit3A_589 : i32
      %rem3A_594 = arith.remsi %while3A_473, %select_n3A_593 : i32
      %ne3A_595 = arith.constant 0 : i32
      %ne3A_596 = arith.cmpi ne, %rem3A_594, %ne3A_595 : i32
      %lt3A_597 = arith.constant 0 : i32
      %lt3A_598 = arith.cmpi slt, %rem3A_594, %lt3A_597 : i32
      %lt3A_599 = arith.constant 0 : i32
      %lt3A_600 = arith.cmpi slt, %select_n3A_593, %lt3A_599 : i32
      %ne3A_601 = arith.xori %lt3A_598, %lt3A_600 : i1
      %and3A_602 = arith.andi %ne3A_601, %ne3A_596 : i1
      %add3A_603 = arith.addi %rem3A_594, %select_n3A_593 : i32
      %select_n3A_604 = arith.select %and3A_602, %add3A_603, %rem3A_594 : i32
      %eq3A_605 = arith.constant 5 : i32
      %eq3A_606 = arith.cmpi eq, %select_n3A_604, %eq3A_605 : i32
      %convert_element_type3A_607 = arith.extui %eq3A_606 : i1 to i32
      %cond3A_608 = arith.constant 0 : i32
      %cond3A_609 = arith.cmpi ne, %convert_element_type3A_607, %cond3A_608 : i32
      scf.if %cond3A_609 {
        %add3A_610 = arith.constant 1 : i32
        %add3A_611 = arith.addi %while3A_473, %add3A_610 : i32
        %lt3A_612 = arith.cmpi slt, %add3A_611, %add3A_33 : i32
        %convert_element_type3A_613 = arith.extui %lt3A_612 : i1 to i32
        %cond3A_614 = arith.constant 0 : i32
        %cond3A_615 = arith.cmpi ne, %convert_element_type3A_613, %cond3A_614 : i32
        scf.if %cond3A_615 {
          %ge3A = arith.constant 2 : i32
          %ge3A_628 = arith.cmpi sge, %while3A_473, %ge3A : i32
          %convert_element_type3A_629 = arith.extui %ge3A_628 : i1 to i32
          %cond3A_630 = arith.constant 0 : i32
          %cond3A_631 = arith.cmpi ne, %convert_element_type3A_629, %cond3A_630 : i32
          scf.if %cond3A_631 {
            %dma_wait3A_639 = arith.constant 0 : i32
            %dma_wait3A_640 = arith.constant 0 : i32
            %dma_wait3A_641 = tpu.memref_slice %arg40[%dma_wait3A_639, %dma_wait3A_640] : memref<10000x128xf32, #tpu.memory_space<vmem_shared>> -> memref<10000x128xf32, #tpu.memory_space<vmem_shared>>
            tpu.wait_indirect_dma semaphore(%arg37 : memref<!tpu.dma_semaphore, #tpu.memory_space<semaphore_mem>>) src(%arg19 : memref<128x128xf32, #tpu.memory_space<vmem>>) dst(%dma_wait3A_641 : memref<10000x128xf32, #tpu.memory_space<vmem_shared>>)
          } else {
          }
          %dma_wait3A_632 = tpu.memref_slice %arg2[%add3A_478] : memref<320000xi32, #tpu.memory_space<hbm>> -> memref<128xi32, #tpu.memory_space<hbm>>
          %dma_wait3A_633 = tpu.memref_slice %arg2[%add3A_478] : memref<320000xi32, #tpu.memory_space<hbm>> -> memref<128xi32, #tpu.memory_space<hbm>>
          tpu.wait_dma2 semaphore(%arg22 : memref<!tpu.dma_semaphore, #tpu.memory_space<semaphore_mem>>) src(%dma_wait3A_633 : memref<128xi32, #tpu.memory_space<hbm>>) dst(%arg7 : memref<128xi32, #tpu.memory_space<vmem>>)
          %dma_wait3A_634 = tpu.memref_slice %arg3[%add3A_478] : memref<320000xi32, #tpu.memory_space<hbm>> -> memref<128xi32, #tpu.memory_space<hbm>>
          %dma_wait3A_635 = tpu.memref_slice %arg3[%add3A_478] : memref<320000xi32, #tpu.memory_space<hbm>> -> memref<128xi32, #tpu.memory_space<hbm>>
          tpu.wait_dma2 semaphore(%arg23 : memref<!tpu.dma_semaphore, #tpu.memory_space<semaphore_mem>>) src(%dma_wait3A_635 : memref<128xi32, #tpu.memory_space<hbm>>) dst(%arg8 : memref<128xi32, #tpu.memory_space<vmem>>)
          %dma_start3A_636 = arith.constant 0 : i32
          %dma_start3A_637 = arith.constant 0 : i32
          %dma_start3A_638 = tpu.memref_slice %arg4[%dma_start3A_636, %dma_start3A_637] : memref<10000x128xf32, #tpu.memory_space<hbm>> -> memref<10000x128xf32, #tpu.memory_space<hbm>>
          tpu.enqueue_indirect_dma source(%dma_start3A_638 : memref<10000x128xf32, #tpu.memory_space<hbm>>) target(%arg19 : memref<128x128xf32, #tpu.memory_space<vmem>>) offsets(%arg7 : memref<128xi32, #tpu.memory_space<vmem>>) semaphore(%arg34 : memref<!tpu.dma_semaphore, #tpu.memory_space<semaphore_mem>>)
        } else {
        }
        %add3A_616 = arith.constant 2 : i32
        %add3A_617 = arith.addi %while3A_473, %add3A_616 : i32
        %lt3A_618 = arith.cmpi slt, %add3A_617, %add3A_33 : i32
        %convert_element_type3A_619 = arith.extui %lt3A_618 : i1 to i32
        %cond3A_620 = arith.constant 0 : i32
        %cond3A_621 = arith.cmpi ne, %convert_element_type3A_619, %cond3A_620 : i32
        scf.if %cond3A_621 {
          %dma_start3A_628 = tpu.memref_slice %arg2[%add3A_483] : memref<320000xi32, #tpu.memory_space<hbm>> -> memref<128xi32, #tpu.memory_space<hbm>>
          %dma_start3A_629 = tpu.memref_slice %arg2[%add3A_483] : memref<320000xi32, #tpu.memory_space<hbm>> -> memref<128xi32, #tpu.memory_space<hbm>>
          tpu.enqueue_dma source(%dma_start3A_629 : memref<128xi32, #tpu.memory_space<hbm>>) target(%arg9 : memref<128xi32, #tpu.memory_space<vmem>>) target_semaphore(%arg24 : memref<!tpu.dma_semaphore, #tpu.memory_space<semaphore_mem>>)
          %dma_start3A_630 = tpu.memref_slice %arg3[%add3A_483] : memref<320000xi32, #tpu.memory_space<hbm>> -> memref<128xi32, #tpu.memory_space<hbm>>
          %dma_start3A_631 = tpu.memref_slice %arg3[%add3A_483] : memref<320000xi32, #tpu.memory_space<hbm>> -> memref<128xi32, #tpu.memory_space<hbm>>
          tpu.enqueue_dma source(%dma_start3A_631 : memref<128xi32, #tpu.memory_space<hbm>>) target(%arg10 : memref<128xi32, #tpu.memory_space<vmem>>) target_semaphore(%arg25 : memref<!tpu.dma_semaphore, #tpu.memory_space<semaphore_mem>>)
        } else {
        }
        %dma_wait3A_622 = arith.constant 0 : i32
        %dma_wait3A_623 = arith.constant 0 : i32
        %dma_wait3A_624 = tpu.memref_slice %arg4[%dma_wait3A_622, %dma_wait3A_623] : memref<10000x128xf32, #tpu.memory_space<hbm>> -> memref<10000x128xf32, #tpu.memory_space<hbm>>
        tpu.wait_indirect_dma semaphore(%arg36 : memref<!tpu.dma_semaphore, #tpu.memory_space<semaphore_mem>>) src(%dma_wait3A_624 : memref<10000x128xf32, #tpu.memory_space<hbm>>) dst(%arg21 : memref<128x128xf32, #tpu.memory_space<vmem>>)
        %dma_start3A_625 = arith.constant 0 : i32
        %dma_start3A_626 = arith.constant 0 : i32
        %dma_start3A_627 = tpu.memref_slice %arg40[%dma_start3A_625, %dma_start3A_626] : memref<10000x128xf32, #tpu.memory_space<vmem_shared>> -> memref<10000x128xf32, #tpu.memory_space<vmem_shared>>
        tpu.enqueue_indirect_dma source(%arg21 : memref<128x128xf32, #tpu.memory_space<vmem>>) target(%dma_start3A_627 : memref<10000x128xf32, #tpu.memory_space<vmem_shared>>) offsets(%arg18 : memref<128xi32, #tpu.memory_space<vmem>>) semaphore(%arg39 : memref<!tpu.dma_semaphore, #tpu.memory_space<semaphore_mem>>) {add = true}
      } else {
      }
    }
    %sub3A = arith.constant 3 : i32
    %sub3A_74 = arith.subi %add3A_33, %sub3A : i32
    %add3A_75 = arith.constant 0 : i32
    %add3A_76 = arith.addi %sub3A_74, %add3A_75 : i32
    %jit3A = arith.constant 6 : i32
    %eq3A_77 = arith.constant 0 : i32
    %eq3A_78 = arith.cmpi eq, %jit3A, %eq3A_77 : i32
    %jit3A_79 = arith.constant 1 : i32
    %select_n3A = arith.select %eq3A_78, %jit3A_79, %jit3A : i32
    %rem3A = arith.remsi %add3A_76, %select_n3A : i32
    %ne3A = arith.constant 0 : i32
    %ne3A_80 = arith.cmpi ne, %rem3A, %ne3A : i32
    %lt3A_81 = arith.constant 0 : i32
    %lt3A_82 = arith.cmpi slt, %rem3A, %lt3A_81 : i32
    %lt3A_83 = arith.constant 0 : i32
    %lt3A_84 = arith.cmpi slt, %select_n3A, %lt3A_83 : i32
    %ne3A_85 = arith.xori %lt3A_82, %lt3A_84 : i1
    %and3A = arith.andi %ne3A_85, %ne3A_80 : i1
    %add3A_86 = arith.addi %rem3A, %select_n3A : i32
    %select_n3A_87 = arith.select %and3A, %add3A_86, %rem3A : i32
    %eq3A_88 = arith.constant 0 : i32
    %eq3A_89 = arith.cmpi eq, %select_n3A_87, %eq3A_88 : i32
    %convert_element_type3A_90 = arith.extui %eq3A_89 : i1 to i32
    %cond3A_91 = arith.constant 0 : i32
    %cond3A_92 = arith.cmpi ne, %convert_element_type3A_90, %cond3A_91 : i32
    scf.if %cond3A_92 {
      %dma_wait3A_473 = arith.constant 0 : i32
      %dma_wait3A_474 = arith.constant 0 : i32
      %dma_wait3A_475 = tpu.memref_slice %arg40[%dma_wait3A_473, %dma_wait3A_474] : memref<10000x128xf32, #tpu.memory_space<vmem_shared>> -> memref<10000x128xf32, #tpu.memory_space<vmem_shared>>
      tpu.wait_indirect_dma semaphore(%arg37 : memref<!tpu.dma_semaphore, #tpu.memory_space<semaphore_mem>>) src(%arg19 : memref<128x128xf32, #tpu.memory_space<vmem>>) dst(%dma_wait3A_475 : memref<10000x128xf32, #tpu.memory_space<vmem_shared>>)
    } else {
    }
    %jit3A_93 = arith.constant 6 : i32
    %eq3A_94 = arith.constant 0 : i32
    %eq3A_95 = arith.cmpi eq, %jit3A_93, %eq3A_94 : i32
    %jit3A_96 = arith.constant 1 : i32
    %select_n3A_97 = arith.select %eq3A_95, %jit3A_96, %jit3A_93 : i32
    %rem3A_98 = arith.remsi %add3A_76, %select_n3A_97 : i32
    %ne3A_99 = arith.constant 0 : i32
    %ne3A_100 = arith.cmpi ne, %rem3A_98, %ne3A_99 : i32
    %lt3A_101 = arith.constant 0 : i32
    %lt3A_102 = arith.cmpi slt, %rem3A_98, %lt3A_101 : i32
    %lt3A_103 = arith.constant 0 : i32
    %lt3A_104 = arith.cmpi slt, %select_n3A_97, %lt3A_103 : i32
    %ne3A_105 = arith.xori %lt3A_102, %lt3A_104 : i1
    %and3A_106 = arith.andi %ne3A_105, %ne3A_100 : i1
    %add3A_107 = arith.addi %rem3A_98, %select_n3A_97 : i32
    %select_n3A_108 = arith.select %and3A_106, %add3A_107, %rem3A_98 : i32
    %eq3A_109 = arith.constant 1 : i32
    %eq3A_110 = arith.cmpi eq, %select_n3A_108, %eq3A_109 : i32
    %convert_element_type3A_111 = arith.extui %eq3A_110 : i1 to i32
    %cond3A_112 = arith.constant 0 : i32
    %cond3A_113 = arith.cmpi ne, %convert_element_type3A_111, %cond3A_112 : i32
    scf.if %cond3A_113 {
      %dma_wait3A_473 = arith.constant 0 : i32
      %dma_wait3A_474 = arith.constant 0 : i32
      %dma_wait3A_475 = tpu.memref_slice %arg40[%dma_wait3A_473, %dma_wait3A_474] : memref<10000x128xf32, #tpu.memory_space<vmem_shared>> -> memref<10000x128xf32, #tpu.memory_space<vmem_shared>>
      tpu.wait_indirect_dma semaphore(%arg38 : memref<!tpu.dma_semaphore, #tpu.memory_space<semaphore_mem>>) src(%arg20 : memref<128x128xf32, #tpu.memory_space<vmem>>) dst(%dma_wait3A_475 : memref<10000x128xf32, #tpu.memory_space<vmem_shared>>)
    } else {
    }
    %jit3A_114 = arith.constant 6 : i32
    %eq3A_115 = arith.constant 0 : i32
    %eq3A_116 = arith.cmpi eq, %jit3A_114, %eq3A_115 : i32
    %jit3A_117 = arith.constant 1 : i32
    %select_n3A_118 = arith.select %eq3A_116, %jit3A_117, %jit3A_114 : i32
    %rem3A_119 = arith.remsi %add3A_76, %select_n3A_118 : i32
    %ne3A_120 = arith.constant 0 : i32
    %ne3A_121 = arith.cmpi ne, %rem3A_119, %ne3A_120 : i32
    %lt3A_122 = arith.constant 0 : i32
    %lt3A_123 = arith.cmpi slt, %rem3A_119, %lt3A_122 : i32
    %lt3A_124 = arith.constant 0 : i32
    %lt3A_125 = arith.cmpi slt, %select_n3A_118, %lt3A_124 : i32
    %ne3A_126 = arith.xori %lt3A_123, %lt3A_125 : i1
    %and3A_127 = arith.andi %ne3A_126, %ne3A_121 : i1
    %add3A_128 = arith.addi %rem3A_119, %select_n3A_118 : i32
    %select_n3A_129 = arith.select %and3A_127, %add3A_128, %rem3A_119 : i32
    %eq3A_130 = arith.constant 2 : i32
    %eq3A_131 = arith.cmpi eq, %select_n3A_129, %eq3A_130 : i32
    %convert_element_type3A_132 = arith.extui %eq3A_131 : i1 to i32
    %cond3A_133 = arith.constant 0 : i32
    %cond3A_134 = arith.cmpi ne, %convert_element_type3A_132, %cond3A_133 : i32
    scf.if %cond3A_134 {
      %dma_wait3A_473 = arith.constant 0 : i32
      %dma_wait3A_474 = arith.constant 0 : i32
      %dma_wait3A_475 = tpu.memref_slice %arg40[%dma_wait3A_473, %dma_wait3A_474] : memref<10000x128xf32, #tpu.memory_space<vmem_shared>> -> memref<10000x128xf32, #tpu.memory_space<vmem_shared>>
      tpu.wait_indirect_dma semaphore(%arg39 : memref<!tpu.dma_semaphore, #tpu.memory_space<semaphore_mem>>) src(%arg21 : memref<128x128xf32, #tpu.memory_space<vmem>>) dst(%dma_wait3A_475 : memref<10000x128xf32, #tpu.memory_space<vmem_shared>>)
    } else {
    }
    %jit3A_135 = arith.constant 6 : i32
    %eq3A_136 = arith.constant 0 : i32
    %eq3A_137 = arith.cmpi eq, %jit3A_135, %eq3A_136 : i32
    %jit3A_138 = arith.constant 1 : i32
    %select_n3A_139 = arith.select %eq3A_137, %jit3A_138, %jit3A_135 : i32
    %rem3A_140 = arith.remsi %add3A_76, %select_n3A_139 : i32
    %ne3A_141 = arith.constant 0 : i32
    %ne3A_142 = arith.cmpi ne, %rem3A_140, %ne3A_141 : i32
    %lt3A_143 = arith.constant 0 : i32
    %lt3A_144 = arith.cmpi slt, %rem3A_140, %lt3A_143 : i32
    %lt3A_145 = arith.constant 0 : i32
    %lt3A_146 = arith.cmpi slt, %select_n3A_139, %lt3A_145 : i32
    %ne3A_147 = arith.xori %lt3A_144, %lt3A_146 : i1
    %and3A_148 = arith.andi %ne3A_147, %ne3A_142 : i1
    %add3A_149 = arith.addi %rem3A_140, %select_n3A_139 : i32
    %select_n3A_150 = arith.select %and3A_148, %add3A_149, %rem3A_140 : i32
    %eq3A_151 = arith.constant 3 : i32
    %eq3A_152 = arith.cmpi eq, %select_n3A_150, %eq3A_151 : i32
    %convert_element_type3A_153 = arith.extui %eq3A_152 : i1 to i32
    %cond3A_154 = arith.constant 0 : i32
    %cond3A_155 = arith.cmpi ne, %convert_element_type3A_153, %cond3A_154 : i32
    scf.if %cond3A_155 {
      %dma_wait3A_473 = arith.constant 0 : i32
      %dma_wait3A_474 = arith.constant 0 : i32
      %dma_wait3A_475 = tpu.memref_slice %arg40[%dma_wait3A_473, %dma_wait3A_474] : memref<10000x128xf32, #tpu.memory_space<vmem_shared>> -> memref<10000x128xf32, #tpu.memory_space<vmem_shared>>
      tpu.wait_indirect_dma semaphore(%arg37 : memref<!tpu.dma_semaphore, #tpu.memory_space<semaphore_mem>>) src(%arg19 : memref<128x128xf32, #tpu.memory_space<vmem>>) dst(%dma_wait3A_475 : memref<10000x128xf32, #tpu.memory_space<vmem_shared>>)
    } else {
    }
    %jit3A_156 = arith.constant 6 : i32
    %eq3A_157 = arith.constant 0 : i32
    %eq3A_158 = arith.cmpi eq, %jit3A_156, %eq3A_157 : i32
    %jit3A_159 = arith.constant 1 : i32
    %select_n3A_160 = arith.select %eq3A_158, %jit3A_159, %jit3A_156 : i32
    %rem3A_161 = arith.remsi %add3A_76, %select_n3A_160 : i32
    %ne3A_162 = arith.constant 0 : i32
    %ne3A_163 = arith.cmpi ne, %rem3A_161, %ne3A_162 : i32
    %lt3A_164 = arith.constant 0 : i32
    %lt3A_165 = arith.cmpi slt, %rem3A_161, %lt3A_164 : i32
    %lt3A_166 = arith.constant 0 : i32
    %lt3A_167 = arith.cmpi slt, %select_n3A_160, %lt3A_166 : i32
    %ne3A_168 = arith.xori %lt3A_165, %lt3A_167 : i1
    %and3A_169 = arith.andi %ne3A_168, %ne3A_163 : i1
    %add3A_170 = arith.addi %rem3A_161, %select_n3A_160 : i32
    %select_n3A_171 = arith.select %and3A_169, %add3A_170, %rem3A_161 : i32
    %eq3A_172 = arith.constant 4 : i32
    %eq3A_173 = arith.cmpi eq, %select_n3A_171, %eq3A_172 : i32
    %convert_element_type3A_174 = arith.extui %eq3A_173 : i1 to i32
    %cond3A_175 = arith.constant 0 : i32
    %cond3A_176 = arith.cmpi ne, %convert_element_type3A_174, %cond3A_175 : i32
    scf.if %cond3A_176 {
      %dma_wait3A_473 = arith.constant 0 : i32
      %dma_wait3A_474 = arith.constant 0 : i32
      %dma_wait3A_475 = tpu.memref_slice %arg40[%dma_wait3A_473, %dma_wait3A_474] : memref<10000x128xf32, #tpu.memory_space<vmem_shared>> -> memref<10000x128xf32, #tpu.memory_space<vmem_shared>>
      tpu.wait_indirect_dma semaphore(%arg38 : memref<!tpu.dma_semaphore, #tpu.memory_space<semaphore_mem>>) src(%arg20 : memref<128x128xf32, #tpu.memory_space<vmem>>) dst(%dma_wait3A_475 : memref<10000x128xf32, #tpu.memory_space<vmem_shared>>)
    } else {
    }
    %jit3A_177 = arith.constant 6 : i32
    %eq3A_178 = arith.constant 0 : i32
    %eq3A_179 = arith.cmpi eq, %jit3A_177, %eq3A_178 : i32
    %jit3A_180 = arith.constant 1 : i32
    %select_n3A_181 = arith.select %eq3A_179, %jit3A_180, %jit3A_177 : i32
    %rem3A_182 = arith.remsi %add3A_76, %select_n3A_181 : i32
    %ne3A_183 = arith.constant 0 : i32
    %ne3A_184 = arith.cmpi ne, %rem3A_182, %ne3A_183 : i32
    %lt3A_185 = arith.constant 0 : i32
    %lt3A_186 = arith.cmpi slt, %rem3A_182, %lt3A_185 : i32
    %lt3A_187 = arith.constant 0 : i32
    %lt3A_188 = arith.cmpi slt, %select_n3A_181, %lt3A_187 : i32
    %ne3A_189 = arith.xori %lt3A_186, %lt3A_188 : i1
    %and3A_190 = arith.andi %ne3A_189, %ne3A_184 : i1
    %add3A_191 = arith.addi %rem3A_182, %select_n3A_181 : i32
    %select_n3A_192 = arith.select %and3A_190, %add3A_191, %rem3A_182 : i32
    %eq3A_193 = arith.constant 5 : i32
    %eq3A_194 = arith.cmpi eq, %select_n3A_192, %eq3A_193 : i32
    %convert_element_type3A_195 = arith.extui %eq3A_194 : i1 to i32
    %cond3A_196 = arith.constant 0 : i32
    %cond3A_197 = arith.cmpi ne, %convert_element_type3A_195, %cond3A_196 : i32
    scf.if %cond3A_197 {
      %dma_wait3A_473 = arith.constant 0 : i32
      %dma_wait3A_474 = arith.constant 0 : i32
      %dma_wait3A_475 = tpu.memref_slice %arg40[%dma_wait3A_473, %dma_wait3A_474] : memref<10000x128xf32, #tpu.memory_space<vmem_shared>> -> memref<10000x128xf32, #tpu.memory_space<vmem_shared>>
      tpu.wait_indirect_dma semaphore(%arg39 : memref<!tpu.dma_semaphore, #tpu.memory_space<semaphore_mem>>) src(%arg21 : memref<128x128xf32, #tpu.memory_space<vmem>>) dst(%dma_wait3A_475 : memref<10000x128xf32, #tpu.memory_space<vmem_shared>>)
    } else {
    }
    %sub3A_198 = arith.constant 3 : i32
    %sub3A_199 = arith.subi %add3A_33, %sub3A_198 : i32
    %add3A_200 = arith.constant 1 : i32
    %add3A_201 = arith.addi %sub3A_199, %add3A_200 : i32
    %jit3A_202 = arith.constant 6 : i32
    %eq3A_203 = arith.constant 0 : i32
    %eq3A_204 = arith.cmpi eq, %jit3A_202, %eq3A_203 : i32
    %jit3A_205 = arith.constant 1 : i32
    %select_n3A_206 = arith.select %eq3A_204, %jit3A_205, %jit3A_202 : i32
    %rem3A_207 = arith.remsi %add3A_201, %select_n3A_206 : i32
    %ne3A_208 = arith.constant 0 : i32
    %ne3A_209 = arith.cmpi ne, %rem3A_207, %ne3A_208 : i32
    %lt3A_210 = arith.constant 0 : i32
    %lt3A_211 = arith.cmpi slt, %rem3A_207, %lt3A_210 : i32
    %lt3A_212 = arith.constant 0 : i32
    %lt3A_213 = arith.cmpi slt, %select_n3A_206, %lt3A_212 : i32
    %ne3A_214 = arith.xori %lt3A_211, %lt3A_213 : i1
    %and3A_215 = arith.andi %ne3A_214, %ne3A_209 : i1
    %add3A_216 = arith.addi %rem3A_207, %select_n3A_206 : i32
    %select_n3A_217 = arith.select %and3A_215, %add3A_216, %rem3A_207 : i32
    %eq3A_218 = arith.constant 0 : i32
    %eq3A_219 = arith.cmpi eq, %select_n3A_217, %eq3A_218 : i32
    %convert_element_type3A_220 = arith.extui %eq3A_219 : i1 to i32
    %cond3A_221 = arith.constant 0 : i32
    %cond3A_222 = arith.cmpi ne, %convert_element_type3A_220, %cond3A_221 : i32
    scf.if %cond3A_222 {
      %dma_wait3A_473 = arith.constant 0 : i32
      %dma_wait3A_474 = arith.constant 0 : i32
      %dma_wait3A_475 = tpu.memref_slice %arg40[%dma_wait3A_473, %dma_wait3A_474] : memref<10000x128xf32, #tpu.memory_space<vmem_shared>> -> memref<10000x128xf32, #tpu.memory_space<vmem_shared>>
      tpu.wait_indirect_dma semaphore(%arg37 : memref<!tpu.dma_semaphore, #tpu.memory_space<semaphore_mem>>) src(%arg19 : memref<128x128xf32, #tpu.memory_space<vmem>>) dst(%dma_wait3A_475 : memref<10000x128xf32, #tpu.memory_space<vmem_shared>>)
    } else {
    }
    %jit3A_223 = arith.constant 6 : i32
    %eq3A_224 = arith.constant 0 : i32
    %eq3A_225 = arith.cmpi eq, %jit3A_223, %eq3A_224 : i32
    %jit3A_226 = arith.constant 1 : i32
    %select_n3A_227 = arith.select %eq3A_225, %jit3A_226, %jit3A_223 : i32
    %rem3A_228 = arith.remsi %add3A_201, %select_n3A_227 : i32
    %ne3A_229 = arith.constant 0 : i32
    %ne3A_230 = arith.cmpi ne, %rem3A_228, %ne3A_229 : i32
    %lt3A_231 = arith.constant 0 : i32
    %lt3A_232 = arith.cmpi slt, %rem3A_228, %lt3A_231 : i32
    %lt3A_233 = arith.constant 0 : i32
    %lt3A_234 = arith.cmpi slt, %select_n3A_227, %lt3A_233 : i32
    %ne3A_235 = arith.xori %lt3A_232, %lt3A_234 : i1
    %and3A_236 = arith.andi %ne3A_235, %ne3A_230 : i1
    %add3A_237 = arith.addi %rem3A_228, %select_n3A_227 : i32
    %select_n3A_238 = arith.select %and3A_236, %add3A_237, %rem3A_228 : i32
    %eq3A_239 = arith.constant 1 : i32
    %eq3A_240 = arith.cmpi eq, %select_n3A_238, %eq3A_239 : i32
    %convert_element_type3A_241 = arith.extui %eq3A_240 : i1 to i32
    %cond3A_242 = arith.constant 0 : i32
    %cond3A_243 = arith.cmpi ne, %convert_element_type3A_241, %cond3A_242 : i32
    scf.if %cond3A_243 {
      %dma_wait3A_473 = arith.constant 0 : i32
      %dma_wait3A_474 = arith.constant 0 : i32
      %dma_wait3A_475 = tpu.memref_slice %arg40[%dma_wait3A_473, %dma_wait3A_474] : memref<10000x128xf32, #tpu.memory_space<vmem_shared>> -> memref<10000x128xf32, #tpu.memory_space<vmem_shared>>
      tpu.wait_indirect_dma semaphore(%arg38 : memref<!tpu.dma_semaphore, #tpu.memory_space<semaphore_mem>>) src(%arg20 : memref<128x128xf32, #tpu.memory_space<vmem>>) dst(%dma_wait3A_475 : memref<10000x128xf32, #tpu.memory_space<vmem_shared>>)
    } else {
    }
    %jit3A_244 = arith.constant 6 : i32
    %eq3A_245 = arith.constant 0 : i32
    %eq3A_246 = arith.cmpi eq, %jit3A_244, %eq3A_245 : i32
    %jit3A_247 = arith.constant 1 : i32
    %select_n3A_248 = arith.select %eq3A_246, %jit3A_247, %jit3A_244 : i32
    %rem3A_249 = arith.remsi %add3A_201, %select_n3A_248 : i32
    %ne3A_250 = arith.constant 0 : i32
    %ne3A_251 = arith.cmpi ne, %rem3A_249, %ne3A_250 : i32
    %lt3A_252 = arith.constant 0 : i32
    %lt3A_253 = arith.cmpi slt, %rem3A_249, %lt3A_252 : i32
    %lt3A_254 = arith.constant 0 : i32
    %lt3A_255 = arith.cmpi slt, %select_n3A_248, %lt3A_254 : i32
    %ne3A_256 = arith.xori %lt3A_253, %lt3A_255 : i1
    %and3A_257 = arith.andi %ne3A_256, %ne3A_251 : i1
    %add3A_258 = arith.addi %rem3A_249, %select_n3A_248 : i32
    %select_n3A_259 = arith.select %and3A_257, %add3A_258, %rem3A_249 : i32
    %eq3A_260 = arith.constant 2 : i32
    %eq3A_261 = arith.cmpi eq, %select_n3A_259, %eq3A_260 : i32
    %convert_element_type3A_262 = arith.extui %eq3A_261 : i1 to i32
    %cond3A_263 = arith.constant 0 : i32
    %cond3A_264 = arith.cmpi ne, %convert_element_type3A_262, %cond3A_263 : i32
    scf.if %cond3A_264 {
      %dma_wait3A_473 = arith.constant 0 : i32
      %dma_wait3A_474 = arith.constant 0 : i32
      %dma_wait3A_475 = tpu.memref_slice %arg40[%dma_wait3A_473, %dma_wait3A_474] : memref<10000x128xf32, #tpu.memory_space<vmem_shared>> -> memref<10000x128xf32, #tpu.memory_space<vmem_shared>>
      tpu.wait_indirect_dma semaphore(%arg39 : memref<!tpu.dma_semaphore, #tpu.memory_space<semaphore_mem>>) src(%arg21 : memref<128x128xf32, #tpu.memory_space<vmem>>) dst(%dma_wait3A_475 : memref<10000x128xf32, #tpu.memory_space<vmem_shared>>)
    } else {
    }
    %jit3A_265 = arith.constant 6 : i32
    %eq3A_266 = arith.constant 0 : i32
    %eq3A_267 = arith.cmpi eq, %jit3A_265, %eq3A_266 : i32
    %jit3A_268 = arith.constant 1 : i32
    %select_n3A_269 = arith.select %eq3A_267, %jit3A_268, %jit3A_265 : i32
    %rem3A_270 = arith.remsi %add3A_201, %select_n3A_269 : i32
    %ne3A_271 = arith.constant 0 : i32
    %ne3A_272 = arith.cmpi ne, %rem3A_270, %ne3A_271 : i32
    %lt3A_273 = arith.constant 0 : i32
    %lt3A_274 = arith.cmpi slt, %rem3A_270, %lt3A_273 : i32
    %lt3A_275 = arith.constant 0 : i32
    %lt3A_276 = arith.cmpi slt, %select_n3A_269, %lt3A_275 : i32
    %ne3A_277 = arith.xori %lt3A_274, %lt3A_276 : i1
    %and3A_278 = arith.andi %ne3A_277, %ne3A_272 : i1
    %add3A_279 = arith.addi %rem3A_270, %select_n3A_269 : i32
    %select_n3A_280 = arith.select %and3A_278, %add3A_279, %rem3A_270 : i32
    %eq3A_281 = arith.constant 3 : i32
    %eq3A_282 = arith.cmpi eq, %select_n3A_280, %eq3A_281 : i32
    %convert_element_type3A_283 = arith.extui %eq3A_282 : i1 to i32
    %cond3A_284 = arith.constant 0 : i32
    %cond3A_285 = arith.cmpi ne, %convert_element_type3A_283, %cond3A_284 : i32
    scf.if %cond3A_285 {
      %dma_wait3A_473 = arith.constant 0 : i32
      %dma_wait3A_474 = arith.constant 0 : i32
      %dma_wait3A_475 = tpu.memref_slice %arg40[%dma_wait3A_473, %dma_wait3A_474] : memref<10000x128xf32, #tpu.memory_space<vmem_shared>> -> memref<10000x128xf32, #tpu.memory_space<vmem_shared>>
      tpu.wait_indirect_dma semaphore(%arg37 : memref<!tpu.dma_semaphore, #tpu.memory_space<semaphore_mem>>) src(%arg19 : memref<128x128xf32, #tpu.memory_space<vmem>>) dst(%dma_wait3A_475 : memref<10000x128xf32, #tpu.memory_space<vmem_shared>>)
    } else {
    }
    %jit3A_286 = arith.constant 6 : i32
    %eq3A_287 = arith.constant 0 : i32
    %eq3A_288 = arith.cmpi eq, %jit3A_286, %eq3A_287 : i32
    %jit3A_289 = arith.constant 1 : i32
    %select_n3A_290 = arith.select %eq3A_288, %jit3A_289, %jit3A_286 : i32
    %rem3A_291 = arith.remsi %add3A_201, %select_n3A_290 : i32
    %ne3A_292 = arith.constant 0 : i32
    %ne3A_293 = arith.cmpi ne, %rem3A_291, %ne3A_292 : i32
    %lt3A_294 = arith.constant 0 : i32
    %lt3A_295 = arith.cmpi slt, %rem3A_291, %lt3A_294 : i32
    %lt3A_296 = arith.constant 0 : i32
    %lt3A_297 = arith.cmpi slt, %select_n3A_290, %lt3A_296 : i32
    %ne3A_298 = arith.xori %lt3A_295, %lt3A_297 : i1
    %and3A_299 = arith.andi %ne3A_298, %ne3A_293 : i1
    %add3A_300 = arith.addi %rem3A_291, %select_n3A_290 : i32
    %select_n3A_301 = arith.select %and3A_299, %add3A_300, %rem3A_291 : i32
    %eq3A_302 = arith.constant 4 : i32
    %eq3A_303 = arith.cmpi eq, %select_n3A_301, %eq3A_302 : i32
    %convert_element_type3A_304 = arith.extui %eq3A_303 : i1 to i32
    %cond3A_305 = arith.constant 0 : i32
    %cond3A_306 = arith.cmpi ne, %convert_element_type3A_304, %cond3A_305 : i32
    scf.if %cond3A_306 {
      %dma_wait3A_473 = arith.constant 0 : i32
      %dma_wait3A_474 = arith.constant 0 : i32
      %dma_wait3A_475 = tpu.memref_slice %arg40[%dma_wait3A_473, %dma_wait3A_474] : memref<10000x128xf32, #tpu.memory_space<vmem_shared>> -> memref<10000x128xf32, #tpu.memory_space<vmem_shared>>
      tpu.wait_indirect_dma semaphore(%arg38 : memref<!tpu.dma_semaphore, #tpu.memory_space<semaphore_mem>>) src(%arg20 : memref<128x128xf32, #tpu.memory_space<vmem>>) dst(%dma_wait3A_475 : memref<10000x128xf32, #tpu.memory_space<vmem_shared>>)
    } else {
    }
    %jit3A_307 = arith.constant 6 : i32
    %eq3A_308 = arith.constant 0 : i32
    %eq3A_309 = arith.cmpi eq, %jit3A_307, %eq3A_308 : i32
    %jit3A_310 = arith.constant 1 : i32
    %select_n3A_311 = arith.select %eq3A_309, %jit3A_310, %jit3A_307 : i32
    %rem3A_312 = arith.remsi %add3A_201, %select_n3A_311 : i32
    %ne3A_313 = arith.constant 0 : i32
    %ne3A_314 = arith.cmpi ne, %rem3A_312, %ne3A_313 : i32
    %lt3A_315 = arith.constant 0 : i32
    %lt3A_316 = arith.cmpi slt, %rem3A_312, %lt3A_315 : i32
    %lt3A_317 = arith.constant 0 : i32
    %lt3A_318 = arith.cmpi slt, %select_n3A_311, %lt3A_317 : i32
    %ne3A_319 = arith.xori %lt3A_316, %lt3A_318 : i1
    %and3A_320 = arith.andi %ne3A_319, %ne3A_314 : i1
    %add3A_321 = arith.addi %rem3A_312, %select_n3A_311 : i32
    %select_n3A_322 = arith.select %and3A_320, %add3A_321, %rem3A_312 : i32
    %eq3A_323 = arith.constant 5 : i32
    %eq3A_324 = arith.cmpi eq, %select_n3A_322, %eq3A_323 : i32
    %convert_element_type3A_325 = arith.extui %eq3A_324 : i1 to i32
    %cond3A_326 = arith.constant 0 : i32
    %cond3A_327 = arith.cmpi ne, %convert_element_type3A_325, %cond3A_326 : i32
    scf.if %cond3A_327 {
      %dma_wait3A_473 = arith.constant 0 : i32
      %dma_wait3A_474 = arith.constant 0 : i32
      %dma_wait3A_475 = tpu.memref_slice %arg40[%dma_wait3A_473, %dma_wait3A_474] : memref<10000x128xf32, #tpu.memory_space<vmem_shared>> -> memref<10000x128xf32, #tpu.memory_space<vmem_shared>>
      tpu.wait_indirect_dma semaphore(%arg39 : memref<!tpu.dma_semaphore, #tpu.memory_space<semaphore_mem>>) src(%arg21 : memref<128x128xf32, #tpu.memory_space<vmem>>) dst(%dma_wait3A_475 : memref<10000x128xf32, #tpu.memory_space<vmem_shared>>)
    } else {
    }
    %sub3A_328 = arith.constant 3 : i32
    %sub3A_329 = arith.subi %add3A_33, %sub3A_328 : i32
    %add3A_330 = arith.constant 2 : i32
    %add3A_331 = arith.addi %sub3A_329, %add3A_330 : i32
    %jit3A_332 = arith.constant 6 : i32
    %eq3A_333 = arith.constant 0 : i32
    %eq3A_334 = arith.cmpi eq, %jit3A_332, %eq3A_333 : i32
    %jit3A_335 = arith.constant 1 : i32
    %select_n3A_336 = arith.select %eq3A_334, %jit3A_335, %jit3A_332 : i32
    %rem3A_337 = arith.remsi %add3A_331, %select_n3A_336 : i32
    %ne3A_338 = arith.constant 0 : i32
    %ne3A_339 = arith.cmpi ne, %rem3A_337, %ne3A_338 : i32
    %lt3A_340 = arith.constant 0 : i32
    %lt3A_341 = arith.cmpi slt, %rem3A_337, %lt3A_340 : i32
    %lt3A_342 = arith.constant 0 : i32
    %lt3A_343 = arith.cmpi slt, %select_n3A_336, %lt3A_342 : i32
    %ne3A_344 = arith.xori %lt3A_341, %lt3A_343 : i1
    %and3A_345 = arith.andi %ne3A_344, %ne3A_339 : i1
    %add3A_346 = arith.addi %rem3A_337, %select_n3A_336 : i32
    %select_n3A_347 = arith.select %and3A_345, %add3A_346, %rem3A_337 : i32
    %eq3A_348 = arith.constant 0 : i32
    %eq3A_349 = arith.cmpi eq, %select_n3A_347, %eq3A_348 : i32
    %convert_element_type3A_350 = arith.extui %eq3A_349 : i1 to i32
    %cond3A_351 = arith.constant 0 : i32
    %cond3A_352 = arith.cmpi ne, %convert_element_type3A_350, %cond3A_351 : i32
    scf.if %cond3A_352 {
      %dma_wait3A_473 = arith.constant 0 : i32
      %dma_wait3A_474 = arith.constant 0 : i32
      %dma_wait3A_475 = tpu.memref_slice %arg40[%dma_wait3A_473, %dma_wait3A_474] : memref<10000x128xf32, #tpu.memory_space<vmem_shared>> -> memref<10000x128xf32, #tpu.memory_space<vmem_shared>>
      tpu.wait_indirect_dma semaphore(%arg37 : memref<!tpu.dma_semaphore, #tpu.memory_space<semaphore_mem>>) src(%arg19 : memref<128x128xf32, #tpu.memory_space<vmem>>) dst(%dma_wait3A_475 : memref<10000x128xf32, #tpu.memory_space<vmem_shared>>)
    } else {
    }
    %jit3A_353 = arith.constant 6 : i32
    %eq3A_354 = arith.constant 0 : i32
    %eq3A_355 = arith.cmpi eq, %jit3A_353, %eq3A_354 : i32
    %jit3A_356 = arith.constant 1 : i32
    %select_n3A_357 = arith.select %eq3A_355, %jit3A_356, %jit3A_353 : i32
    %rem3A_358 = arith.remsi %add3A_331, %select_n3A_357 : i32
    %ne3A_359 = arith.constant 0 : i32
    %ne3A_360 = arith.cmpi ne, %rem3A_358, %ne3A_359 : i32
    %lt3A_361 = arith.constant 0 : i32
    %lt3A_362 = arith.cmpi slt, %rem3A_358, %lt3A_361 : i32
    %lt3A_363 = arith.constant 0 : i32
    %lt3A_364 = arith.cmpi slt, %select_n3A_357, %lt3A_363 : i32
    %ne3A_365 = arith.xori %lt3A_362, %lt3A_364 : i1
    %and3A_366 = arith.andi %ne3A_365, %ne3A_360 : i1
    %add3A_367 = arith.addi %rem3A_358, %select_n3A_357 : i32
    %select_n3A_368 = arith.select %and3A_366, %add3A_367, %rem3A_358 : i32
    %eq3A_369 = arith.constant 1 : i32
    %eq3A_370 = arith.cmpi eq, %select_n3A_368, %eq3A_369 : i32
    %convert_element_type3A_371 = arith.extui %eq3A_370 : i1 to i32
    %cond3A_372 = arith.constant 0 : i32
    %cond3A_373 = arith.cmpi ne, %convert_element_type3A_371, %cond3A_372 : i32
    scf.if %cond3A_373 {
      %dma_wait3A_473 = arith.constant 0 : i32
      %dma_wait3A_474 = arith.constant 0 : i32
      %dma_wait3A_475 = tpu.memref_slice %arg40[%dma_wait3A_473, %dma_wait3A_474] : memref<10000x128xf32, #tpu.memory_space<vmem_shared>> -> memref<10000x128xf32, #tpu.memory_space<vmem_shared>>
      tpu.wait_indirect_dma semaphore(%arg38 : memref<!tpu.dma_semaphore, #tpu.memory_space<semaphore_mem>>) src(%arg20 : memref<128x128xf32, #tpu.memory_space<vmem>>) dst(%dma_wait3A_475 : memref<10000x128xf32, #tpu.memory_space<vmem_shared>>)
    } else {
    }
    %jit3A_374 = arith.constant 6 : i32
    %eq3A_375 = arith.constant 0 : i32
    %eq3A_376 = arith.cmpi eq, %jit3A_374, %eq3A_375 : i32
    %jit3A_377 = arith.constant 1 : i32
    %select_n3A_378 = arith.select %eq3A_376, %jit3A_377, %jit3A_374 : i32
    %rem3A_379 = arith.remsi %add3A_331, %select_n3A_378 : i32
    %ne3A_380 = arith.constant 0 : i32
    %ne3A_381 = arith.cmpi ne, %rem3A_379, %ne3A_380 : i32
    %lt3A_382 = arith.constant 0 : i32
    %lt3A_383 = arith.cmpi slt, %rem3A_379, %lt3A_382 : i32
    %lt3A_384 = arith.constant 0 : i32
    %lt3A_385 = arith.cmpi slt, %select_n3A_378, %lt3A_384 : i32
    %ne3A_386 = arith.xori %lt3A_383, %lt3A_385 : i1
    %and3A_387 = arith.andi %ne3A_386, %ne3A_381 : i1
    %add3A_388 = arith.addi %rem3A_379, %select_n3A_378 : i32
    %select_n3A_389 = arith.select %and3A_387, %add3A_388, %rem3A_379 : i32
    %eq3A_390 = arith.constant 2 : i32
    %eq3A_391 = arith.cmpi eq, %select_n3A_389, %eq3A_390 : i32
    %convert_element_type3A_392 = arith.extui %eq3A_391 : i1 to i32
    %cond3A_393 = arith.constant 0 : i32
    %cond3A_394 = arith.cmpi ne, %convert_element_type3A_392, %cond3A_393 : i32
    scf.if %cond3A_394 {
      %dma_wait3A_473 = arith.constant 0 : i32
      %dma_wait3A_474 = arith.constant 0 : i32
      %dma_wait3A_475 = tpu.memref_slice %arg40[%dma_wait3A_473, %dma_wait3A_474] : memref<10000x128xf32, #tpu.memory_space<vmem_shared>> -> memref<10000x128xf32, #tpu.memory_space<vmem_shared>>
      tpu.wait_indirect_dma semaphore(%arg39 : memref<!tpu.dma_semaphore, #tpu.memory_space<semaphore_mem>>) src(%arg21 : memref<128x128xf32, #tpu.memory_space<vmem>>) dst(%dma_wait3A_475 : memref<10000x128xf32, #tpu.memory_space<vmem_shared>>)
    } else {
    }
    %jit3A_395 = arith.constant 6 : i32
    %eq3A_396 = arith.constant 0 : i32
    %eq3A_397 = arith.cmpi eq, %jit3A_395, %eq3A_396 : i32
    %jit3A_398 = arith.constant 1 : i32
    %select_n3A_399 = arith.select %eq3A_397, %jit3A_398, %jit3A_395 : i32
    %rem3A_400 = arith.remsi %add3A_331, %select_n3A_399 : i32
    %ne3A_401 = arith.constant 0 : i32
    %ne3A_402 = arith.cmpi ne, %rem3A_400, %ne3A_401 : i32
    %lt3A_403 = arith.constant 0 : i32
    %lt3A_404 = arith.cmpi slt, %rem3A_400, %lt3A_403 : i32
    %lt3A_405 = arith.constant 0 : i32
    %lt3A_406 = arith.cmpi slt, %select_n3A_399, %lt3A_405 : i32
    %ne3A_407 = arith.xori %lt3A_404, %lt3A_406 : i1
    %and3A_408 = arith.andi %ne3A_407, %ne3A_402 : i1
    %add3A_409 = arith.addi %rem3A_400, %select_n3A_399 : i32
    %select_n3A_410 = arith.select %and3A_408, %add3A_409, %rem3A_400 : i32
    %eq3A_411 = arith.constant 3 : i32
    %eq3A_412 = arith.cmpi eq, %select_n3A_410, %eq3A_411 : i32
    %convert_element_type3A_413 = arith.extui %eq3A_412 : i1 to i32
    %cond3A_414 = arith.constant 0 : i32
    %cond3A_415 = arith.cmpi ne, %convert_element_type3A_413, %cond3A_414 : i32
    scf.if %cond3A_415 {
      %dma_wait3A_473 = arith.constant 0 : i32
      %dma_wait3A_474 = arith.constant 0 : i32
      %dma_wait3A_475 = tpu.memref_slice %arg40[%dma_wait3A_473, %dma_wait3A_474] : memref<10000x128xf32, #tpu.memory_space<vmem_shared>> -> memref<10000x128xf32, #tpu.memory_space<vmem_shared>>
      tpu.wait_indirect_dma semaphore(%arg37 : memref<!tpu.dma_semaphore, #tpu.memory_space<semaphore_mem>>) src(%arg19 : memref<128x128xf32, #tpu.memory_space<vmem>>) dst(%dma_wait3A_475 : memref<10000x128xf32, #tpu.memory_space<vmem_shared>>)
    } else {
    }
    %jit3A_416 = arith.constant 6 : i32
    %eq3A_417 = arith.constant 0 : i32
    %eq3A_418 = arith.cmpi eq, %jit3A_416, %eq3A_417 : i32
    %jit3A_419 = arith.constant 1 : i32
    %select_n3A_420 = arith.select %eq3A_418, %jit3A_419, %jit3A_416 : i32
    %rem3A_421 = arith.remsi %add3A_331, %select_n3A_420 : i32
    %ne3A_422 = arith.constant 0 : i32
    %ne3A_423 = arith.cmpi ne, %rem3A_421, %ne3A_422 : i32
    %lt3A_424 = arith.constant 0 : i32
    %lt3A_425 = arith.cmpi slt, %rem3A_421, %lt3A_424 : i32
    %lt3A_426 = arith.constant 0 : i32
    %lt3A_427 = arith.cmpi slt, %select_n3A_420, %lt3A_426 : i32
    %ne3A_428 = arith.xori %lt3A_425, %lt3A_427 : i1
    %and3A_429 = arith.andi %ne3A_428, %ne3A_423 : i1
    %add3A_430 = arith.addi %rem3A_421, %select_n3A_420 : i32
    %select_n3A_431 = arith.select %and3A_429, %add3A_430, %rem3A_421 : i32
    %eq3A_432 = arith.constant 4 : i32
    %eq3A_433 = arith.cmpi eq, %select_n3A_431, %eq3A_432 : i32
    %convert_element_type3A_434 = arith.extui %eq3A_433 : i1 to i32
    %cond3A_435 = arith.constant 0 : i32
    %cond3A_436 = arith.cmpi ne, %convert_element_type3A_434, %cond3A_435 : i32
    scf.if %cond3A_436 {
      %dma_wait3A_473 = arith.constant 0 : i32
      %dma_wait3A_474 = arith.constant 0 : i32
      %dma_wait3A_475 = tpu.memref_slice %arg40[%dma_wait3A_473, %dma_wait3A_474] : memref<10000x128xf32, #tpu.memory_space<vmem_shared>> -> memref<10000x128xf32, #tpu.memory_space<vmem_shared>>
      tpu.wait_indirect_dma semaphore(%arg38 : memref<!tpu.dma_semaphore, #tpu.memory_space<semaphore_mem>>) src(%arg20 : memref<128x128xf32, #tpu.memory_space<vmem>>) dst(%dma_wait3A_475 : memref<10000x128xf32, #tpu.memory_space<vmem_shared>>)
    } else {
    }
    %jit3A_437 = arith.constant 6 : i32
    %eq3A_438 = arith.constant 0 : i32
    %eq3A_439 = arith.cmpi eq, %jit3A_437, %eq3A_438 : i32
    %jit3A_440 = arith.constant 1 : i32
    %select_n3A_441 = arith.select %eq3A_439, %jit3A_440, %jit3A_437 : i32
    %rem3A_442 = arith.remsi %add3A_331, %select_n3A_441 : i32
    %ne3A_443 = arith.constant 0 : i32
    %ne3A_444 = arith.cmpi ne, %rem3A_442, %ne3A_443 : i32
    %lt3A_445 = arith.constant 0 : i32
    %lt3A_446 = arith.cmpi slt, %rem3A_442, %lt3A_445 : i32
    %lt3A_447 = arith.constant 0 : i32
    %lt3A_448 = arith.cmpi slt, %select_n3A_441, %lt3A_447 : i32
    %ne3A_449 = arith.xori %lt3A_446, %lt3A_448 : i1
    %and3A_450 = arith.andi %ne3A_449, %ne3A_444 : i1
    %add3A_451 = arith.addi %rem3A_442, %select_n3A_441 : i32
    %select_n3A_452 = arith.select %and3A_450, %add3A_451, %rem3A_442 : i32
    %eq3A_453 = arith.constant 5 : i32
    %eq3A_454 = arith.cmpi eq, %select_n3A_452, %eq3A_453 : i32
    %convert_element_type3A_455 = arith.extui %eq3A_454 : i1 to i32
    %cond3A_456 = arith.constant 0 : i32
    %cond3A_457 = arith.cmpi ne, %convert_element_type3A_455, %cond3A_456 : i32
    scf.if %cond3A_457 {
      %dma_wait3A_473 = arith.constant 0 : i32
      %dma_wait3A_474 = arith.constant 0 : i32
      %dma_wait3A_475 = tpu.memref_slice %arg40[%dma_wait3A_473, %dma_wait3A_474] : memref<10000x128xf32, #tpu.memory_space<vmem_shared>> -> memref<10000x128xf32, #tpu.memory_space<vmem_shared>>
      tpu.wait_indirect_dma semaphore(%arg39 : memref<!tpu.dma_semaphore, #tpu.memory_space<semaphore_mem>>) src(%arg21 : memref<128x128xf32, #tpu.memory_space<vmem>>) dst(%dma_wait3A_475 : memref<10000x128xf32, #tpu.memory_space<vmem_shared>>)
    } else {
    }
    %barrier3A_458 = arith.constant 0 : index
    tpu.barrier barrier_id(%barrier3A_458)
    %mul3A_459 = arith.constant 10000 : i32
    %mul3A_460 = arith.muli %arg0, %mul3A_459 : i32
    %add3A_461 = arith.addi %mul3A_460, %multiple_of3A_41 : i32
    %multiple_of3A_462 = tpu.assume_multiple %add3A_461, 8 : i32
    %lt3A_463 = arith.constant 15 : i32
    %lt3A_464 = arith.cmpi slt, %arg1, %lt3A_463 : i32
    %convert_element_type3A_465 = arith.extui %lt3A_464 : i1 to i32
    %cond3A_466 = arith.constant 0 : i32
    %cond3A_467 = arith.cmpi ne, %convert_element_type3A_465, %cond3A_466 : i32
    scf.if %cond3A_467 {
      "tpu.region"() ({
        %run_scoped3A = tpu.sem_alloc : memref<!tpu.dma_semaphore, #tpu.memory_space<semaphore_mem>>
        %dma_start3A_473 = arith.constant 0 : i32
        %dma_start3A_474 = tpu.memref_slice %arg6[%multiple_of3A_462, %dma_start3A_473] : memref<20000x128xf32, #tpu.memory_space<hbm>> -> memref<624x128xf32, #tpu.memory_space<hbm>>
        %dma_start3A_475 = arith.constant 0 : i32
        %dma_start3A_476 = tpu.memref_slice %arg40[%multiple_of3A_41, %dma_start3A_475] : memref<10000x128xf32, #tpu.memory_space<vmem_shared>> -> memref<624x128xf32, #tpu.memory_space<vmem_shared>>
        tpu.enqueue_dma source(%dma_start3A_476 : memref<624x128xf32, #tpu.memory_space<vmem_shared>>) target(%dma_start3A_474 : memref<624x128xf32, #tpu.memory_space<hbm>>) target_semaphore(%run_scoped3A : memref<!tpu.dma_semaphore, #tpu.memory_space<semaphore_mem>>)
        %dma_wait3A_477 = arith.constant 0 : i32
        %dma_wait3A_478 = tpu.memref_slice %arg6[%multiple_of3A_462, %dma_wait3A_477] : memref<20000x128xf32, #tpu.memory_space<hbm>> -> memref<624x128xf32, #tpu.memory_space<hbm>>
        %dma_wait3A_479 = arith.constant 0 : i32
        %dma_wait3A_480 = tpu.memref_slice %arg40[%multiple_of3A_41, %dma_wait3A_479] : memref<10000x128xf32, #tpu.memory_space<vmem_shared>> -> memref<624x128xf32, #tpu.memory_space<vmem_shared>>
        tpu.wait_dma2 semaphore(%run_scoped3A : memref<!tpu.dma_semaphore, #tpu.memory_space<semaphore_mem>>) src(%dma_wait3A_480 : memref<624x128xf32, #tpu.memory_space<vmem_shared>>) dst(%dma_wait3A_478 : memref<624x128xf32, #tpu.memory_space<hbm>>)
        tpu.yield
      }) : () -> ()
    } else {
    }
    %eq3A_468 = arith.constant 15 : i32
    %eq3A_469 = arith.cmpi eq, %arg1, %eq3A_468 : i32
    %convert_element_type3A_470 = arith.extui %eq3A_469 : i1 to i32
    %cond3A_471 = arith.constant 0 : i32
    %cond3A_472 = arith.cmpi ne, %convert_element_type3A_470, %cond3A_471 : i32
    scf.if %cond3A_472 {
      %mul3A_473 = arith.constant 10000 : i32
      %mul3A_474 = arith.muli %arg0, %mul3A_473 : i32
      %add3A_475 = arith.constant 9360 : i32
      %add3A_476 = arith.addi %mul3A_474, %add3A_475 : i32
      "tpu.region"() ({
        %run_scoped3A = tpu.sem_alloc : memref<!tpu.dma_semaphore, #tpu.memory_space<semaphore_mem>>
        %dma_start3A_477 = arith.constant 0 : i32
        %dma_start3A_478 = tpu.memref_slice %arg6[%add3A_476, %dma_start3A_477] : memref<20000x128xf32, #tpu.memory_space<hbm>> -> memref<640x128xf32, #tpu.memory_space<hbm>>
        %dma_start3A_479 = arith.constant 9360 : i32
        %dma_start3A_480 = arith.constant 0 : i32
        %dma_start3A_481 = tpu.memref_slice %arg40[%dma_start3A_479, %dma_start3A_480] : memref<10000x128xf32, #tpu.memory_space<vmem_shared>> -> memref<640x128xf32, #tpu.memory_space<vmem_shared>>
        tpu.enqueue_dma source(%dma_start3A_481 : memref<640x128xf32, #tpu.memory_space<vmem_shared>>) target(%dma_start3A_478 : memref<640x128xf32, #tpu.memory_space<hbm>>) target_semaphore(%run_scoped3A : memref<!tpu.dma_semaphore, #tpu.memory_space<semaphore_mem>>)
        %dma_wait3A_482 = arith.constant 0 : i32
        %dma_wait3A_483 = tpu.memref_slice %arg6[%add3A_476, %dma_wait3A_482] : memref<20000x128xf32, #tpu.memory_space<hbm>> -> memref<640x128xf32, #tpu.memory_space<hbm>>
        %dma_wait3A_484 = arith.constant 9360 : i32
        %dma_wait3A_485 = arith.constant 0 : i32
        %dma_wait3A_486 = tpu.memref_slice %arg40[%dma_wait3A_484, %dma_wait3A_485] : memref<10000x128xf32, #tpu.memory_space<vmem_shared>> -> memref<640x128xf32, #tpu.memory_space<vmem_shared>>
        tpu.wait_dma2 semaphore(%run_scoped3A : memref<!tpu.dma_semaphore, #tpu.memory_space<semaphore_mem>>) src(%dma_wait3A_486 : memref<640x128xf32, #tpu.memory_space<vmem_shared>>) dst(%dma_wait3A_483 : memref<640x128xf32, #tpu.memory_space<hbm>>)
        tpu.yield
      }) : () -> ()
    } else {
    }
    return
  }
}

#map = affine_map<(d0, d1) -> (0)>
#map1 = affine_map<(d0, d1) -> (0, 0)>
module attributes {stable_mosaic.version = 14 : i64} {
  func.func @_segsum_body(%arg0: i32, %arg1: i32, %arg2: memref<320000xi32, #tpu.memory_space<hbm>>, %arg3: memref<320000xi32, #tpu.memory_space<hbm>>, %arg4: memref<10000x128xf32, #tpu.memory_space<hbm>>, %arg5: memref<640x128xf32, #tpu.memory_space<hbm>>, %arg6: memref<20000x128xf32, #tpu.memory_space<hbm>>, %arg7: memref<128xi32, #tpu.memory_space<vmem>>, %arg8: memref<128xi32, #tpu.memory_space<vmem>>, %arg9: memref<128xi32, #tpu.memory_space<vmem>>, %arg10: memref<128xi32, #tpu.memory_space<vmem>>, %arg11: memref<128xi32, #tpu.memory_space<vmem>>, %arg12: memref<128xi32, #tpu.memory_space<vmem>>, %arg13: memref<128xi32, #tpu.memory_space<vmem>>, %arg14: memref<128xi32, #tpu.memory_space<vmem>>, %arg15: memref<128xi32, #tpu.memory_space<vmem>>, %arg16: memref<128xi32, #tpu.memory_space<vmem>>, %arg17: memref<128xi32, #tpu.memory_space<vmem>>, %arg18: memref<128xi32, #tpu.memory_space<vmem>>, %arg19: memref<128x128xf32, #tpu.memory_space<vmem>>, %arg20: memref<128x128xf32, #tpu.memory_space<vmem>>, %arg21: memref<128x128xf32, #tpu.memory_space<vmem>>, %arg22: memref<!tpu.dma_semaphore, #tpu.memory_space<semaphore_mem>>, %arg23: memref<!tpu.dma_semaphore, #tpu.memory_space<semaphore_mem>>, %arg24: memref<!tpu.dma_semaphore, #tpu.memory_space<semaphore_mem>>, %arg25: memref<!tpu.dma_semaphore, #tpu.memory_space<semaphore_mem>>, %arg26: memref<!tpu.dma_semaphore, #tpu.memory_space<semaphore_mem>>, %arg27: memref<!tpu.dma_semaphore, #tpu.memory_space<semaphore_mem>>, %arg28: memref<!tpu.dma_semaphore, #tpu.memory_space<semaphore_mem>>, %arg29: memref<!tpu.dma_semaphore, #tpu.memory_space<semaphore_mem>>, %arg30: memref<!tpu.dma_semaphore, #tpu.memory_space<semaphore_mem>>, %arg31: memref<!tpu.dma_semaphore, #tpu.memory_space<semaphore_mem>>, %arg32: memref<!tpu.dma_semaphore, #tpu.memory_space<semaphore_mem>>, %arg33: memref<!tpu.dma_semaphore, #tpu.memory_space<semaphore_mem>>, %arg34: memref<!tpu.dma_semaphore, #tpu.memory_space<semaphore_mem>>, %arg35: memref<!tpu.dma_semaphore, #tpu.memory_space<semaphore_mem>>, %arg36: memref<!tpu.dma_semaphore, #tpu.memory_space<semaphore_mem>>, %arg37: memref<!tpu.dma_semaphore, #tpu.memory_space<semaphore_mem>>, %arg38: memref<!tpu.dma_semaphore, #tpu.memory_space<semaphore_mem>>, %arg39: memref<!tpu.dma_semaphore, #tpu.memory_space<semaphore_mem>>, %arg40: memref<10000x128xf32, #tpu.memory_space<vmem_shared>>) attributes {dimension_semantics = [#tpu.dimension_semantics<core_parallel>, #tpu.dimension_semantics<subcore_parallel>], iteration_bounds = array<i64: 2, 16>, scalar_prefetch = 0 : i64, scratch_operands = 34 : i64, tpu.core_type = #tpu.core_type<sc_vector_subcore>, window_params = [{transform_indices = #map}, {transform_indices = #map}, {transform_indices = #map1}, {transform_indices = #map1}, {transform_indices = #map1}]} {
    %mul3A = arith.constant 16 : i32
    %mul3A_0 = arith.muli %arg0, %mul3A : i32
    %add3A = arith.addi %mul3A_0, %arg1 : i32
    %gt3A = arith.constant 6 : i32
    %gt3A_1 = arith.cmpi sgt, %add3A, %gt3A : i32
    %convert_element_type3A = arith.extui %gt3A_1 : i1 to i32
    %add3A_2 = arith.constant 0 : i32
    %add3A_3 = arith.addi %add3A_2, %convert_element_type3A : i32
    %gt3A_4 = arith.constant 14 : i32
    %gt3A_5 = arith.cmpi sgt, %add3A, %gt3A_4 : i32
    %convert_element_type3A_6 = arith.extui %gt3A_5 : i1 to i32
    %add3A_7 = arith.addi %add3A_3, %convert_element_type3A_6 : i32
    %gt3A_8 = arith.constant 22 : i32
    %gt3A_9 = arith.cmpi sgt, %add3A, %gt3A_8 : i32
    %convert_element_type3A_10 = arith.extui %gt3A_9 : i1 to i32
    %add3A_11 = arith.addi %add3A_7, %convert_element_type3A_10 : i32
    %gt3A_12 = arith.constant 30 : i32
    %gt3A_13 = arith.cmpi sgt, %add3A, %gt3A_12 : i32
    %convert_element_type3A_14 = arith.extui %gt3A_13 : i1 to i32
    %add3A_15 = arith.addi %add3A_11, %convert_element_type3A_14 : i32
    %eq3A = arith.constant 6 : i32
    %eq3A_16 = arith.cmpi eq, %add3A, %eq3A : i32
    %convert_element_type3A_17 = arith.extui %eq3A_16 : i1 to i32
    %add3A_18 = arith.constant 0 : i32
    %add3A_19 = arith.addi %add3A_18, %convert_element_type3A_17 : i32
    %eq3A_20 = arith.constant 14 : i32
    %eq3A_21 = arith.cmpi eq, %add3A, %eq3A_20 : i32
    %convert_element_type3A_22 = arith.extui %eq3A_21 : i1 to i32
    %add3A_23 = arith.addi %add3A_19, %convert_element_type3A_22 : i32
    %eq3A_24 = arith.constant 22 : i32
    %eq3A_25 = arith.cmpi eq, %add3A, %eq3A_24 : i32
    %convert_element_type3A_26 = arith.extui %eq3A_25 : i1 to i32
    %add3A_27 = arith.addi %add3A_23, %convert_element_type3A_26 : i32
    %eq3A_28 = arith.constant 30 : i32
    %eq3A_29 = arith.cmpi eq, %add3A, %eq3A_28 : i32
    %convert_element_type3A_30 = arith.extui %eq3A_29 : i1 to i32
    %add3A_31 = arith.addi %add3A_27, %convert_element_type3A_30 : i32
    %add3A_32 = arith.constant 78 : i32
    %add3A_33 = arith.addi %add3A_32, %add3A_31 : i32
    %mul3A_34 = arith.constant 78 : i32
    %mul3A_35 = arith.muli %mul3A_34, %add3A : i32
    %add3A_36 = arith.addi %mul3A_35, %add3A_15 : i32
    %mul3A_37 = arith.constant 128 : i32
    %mul3A_38 = arith.muli %add3A_36, %mul3A_37 : i32
    %multiple_of3A = tpu.assume_multiple %mul3A_38, 8 : i32
    %mul3A_39 = arith.constant 624 : i32
    %mul3A_40 = arith.muli %arg1, %mul3A_39 : i32
    %multiple_of3A_41 = tpu.assume_multiple %mul3A_40, 8 : i32
    %lt3A = arith.constant 15 : i32
    %lt3A_42 = arith.cmpi slt, %arg1, %lt3A : i32
    %convert_element_type3A_43 = arith.extui %lt3A_42 : i1 to i32
    %cond3A = arith.constant 0 : i32
    %cond3A_44 = arith.cmpi ne, %convert_element_type3A_43, %cond3A : i32
    scf.if %cond3A_44 {
      "tpu.region"() ({
        %run_scoped3A = tpu.sem_alloc : memref<!tpu.dma_semaphore, #tpu.memory_space<semaphore_mem>>
        %dma_start3A_473 = arith.constant 0 : i32
        %dma_start3A_474 = tpu.memref_slice %arg40[%multiple_of3A_41, %dma_start3A_473] : memref<10000x128xf32, #tpu.memory_space<vmem_shared>> -> memref<624x128xf32, #tpu.memory_space<vmem_shared>>
        %dma_start3A_475 = arith.constant 0 : i32
        %dma_start3A_476 = arith.constant 0 : i32
        %dma_start3A_477 = tpu.memref_slice %arg5[%dma_start3A_475, %dma_start3A_476] : memref<640x128xf32, #tpu.memory_space<hbm>> -> memref<624x128xf32, #tpu.memory_space<hbm>>
        tpu.enqueue_dma source(%dma_start3A_477 : memref<624x128xf32, #tpu.memory_space<hbm>>) target(%dma_start3A_474 : memref<624x128xf32, #tpu.memory_space<vmem_shared>>) target_semaphore(%run_scoped3A : memref<!tpu.dma_semaphore, #tpu.memory_space<semaphore_mem>>)
        %dma_wait3A_478 = arith.constant 0 : i32
        %dma_wait3A_479 = tpu.memref_slice %arg40[%multiple_of3A_41, %dma_wait3A_478] : memref<10000x128xf32, #tpu.memory_space<vmem_shared>> -> memref<624x128xf32, #tpu.memory_space<vmem_shared>>
        %dma_wait3A_480 = arith.constant 0 : i32
        %dma_wait3A_481 = arith.constant 0 : i32
        %dma_wait3A_482 = tpu.memref_slice %arg5[%dma_wait3A_480, %dma_wait3A_481] : memref<640x128xf32, #tpu.memory_space<hbm>> -> memref<624x128xf32, #tpu.memory_space<hbm>>
        tpu.wait_dma2 semaphore(%run_scoped3A : memref<!tpu.dma_semaphore, #tpu.memory_space<semaphore_mem>>) src(%dma_wait3A_482 : memref<624x128xf32, #tpu.memory_space<hbm>>) dst(%dma_wait3A_479 : memref<624x128xf32, #tpu.memory_space<vmem_shared>>)
        tpu.yield
      }) : () -> ()
    } else {
    }
    %eq3A_45 = arith.constant 15 : i32
    %eq3A_46 = arith.cmpi eq, %arg1, %eq3A_45 : i32
    %convert_element_type3A_47 = arith.extui %eq3A_46 : i1 to i32
    %cond3A_48 = arith.constant 0 : i32
    %cond3A_49 = arith.cmpi ne, %convert_element_type3A_47, %cond3A_48 : i32
    scf.if %cond3A_49 {
      "tpu.region"() ({
        %run_scoped3A = tpu.sem_alloc : memref<!tpu.dma_semaphore, #tpu.memory_space<semaphore_mem>>
        %dma_start3A_473 = arith.constant 9360 : i32
        %dma_start3A_474 = arith.constant 0 : i32
        %dma_start3A_475 = tpu.memref_slice %arg40[%dma_start3A_473, %dma_start3A_474] : memref<10000x128xf32, #tpu.memory_space<vmem_shared>> -> memref<640x128xf32, #tpu.memory_space<vmem_shared>>
        tpu.enqueue_dma source(%arg5 : memref<640x128xf32, #tpu.memory_space<hbm>>) target(%dma_start3A_475 : memref<640x128xf32, #tpu.memory_space<vmem_shared>>) target_semaphore(%run_scoped3A : memref<!tpu.dma_semaphore, #tpu.memory_space<semaphore_mem>>)
        %dma_wait3A_476 = arith.constant 9360 : i32
        %dma_wait3A_477 = arith.constant 0 : i32
        %dma_wait3A_478 = tpu.memref_slice %arg40[%dma_wait3A_476, %dma_wait3A_477] : memref<10000x128xf32, #tpu.memory_space<vmem_shared>> -> memref<640x128xf32, #tpu.memory_space<vmem_shared>>
        tpu.wait_dma2 semaphore(%run_scoped3A : memref<!tpu.dma_semaphore, #tpu.memory_space<semaphore_mem>>) src(%arg5 : memref<640x128xf32, #tpu.memory_space<hbm>>) dst(%dma_wait3A_478 : memref<640x128xf32, #tpu.memory_space<vmem_shared>>)
        tpu.yield
      }) : () -> ()
    } else {
    }
    %barrier3A = arith.constant 0 : index
    tpu.barrier barrier_id(%barrier3A)
    %dma_start3A = tpu.memref_slice %arg2[%multiple_of3A] : memref<320000xi32, #tpu.memory_space<hbm>> -> memref<128xi32, #tpu.memory_space<hbm>>
    %dma_start3A_50 = tpu.memref_slice %arg2[%multiple_of3A] : memref<320000xi32, #tpu.memory_space<hbm>> -> memref<128xi32, #tpu.memory_space<hbm>>
    tpu.enqueue_dma source(%dma_start3A_50 : memref<128xi32, #tpu.memory_space<hbm>>) target(%arg7 : memref<128xi32, #tpu.memory_space<vmem>>) target_semaphore(%arg22 : memref<!tpu.dma_semaphore, #tpu.memory_space<semaphore_mem>>)
    %dma_start3A_51 = tpu.memref_slice %arg3[%multiple_of3A] : memref<320000xi32, #tpu.memory_space<hbm>> -> memref<128xi32, #tpu.memory_space<hbm>>
    %dma_start3A_52 = tpu.memref_slice %arg3[%multiple_of3A] : memref<320000xi32, #tpu.memory_space<hbm>> -> memref<128xi32, #tpu.memory_space<hbm>>
    tpu.enqueue_dma source(%dma_start3A_52 : memref<128xi32, #tpu.memory_space<hbm>>) target(%arg8 : memref<128xi32, #tpu.memory_space<vmem>>) target_semaphore(%arg23 : memref<!tpu.dma_semaphore, #tpu.memory_space<semaphore_mem>>)
    %add3A_53 = arith.constant 128 : i32
    %add3A_54 = arith.addi %multiple_of3A, %add3A_53 : i32
    %dma_start3A_55 = tpu.memref_slice %arg2[%add3A_54] : memref<320000xi32, #tpu.memory_space<hbm>> -> memref<128xi32, #tpu.memory_space<hbm>>
    %dma_start3A_56 = tpu.memref_slice %arg2[%add3A_54] : memref<320000xi32, #tpu.memory_space<hbm>> -> memref<128xi32, #tpu.memory_space<hbm>>
    tpu.enqueue_dma source(%dma_start3A_56 : memref<128xi32, #tpu.memory_space<hbm>>) target(%arg9 : memref<128xi32, #tpu.memory_space<vmem>>) target_semaphore(%arg24 : memref<!tpu.dma_semaphore, #tpu.memory_space<semaphore_mem>>)
    %dma_start3A_57 = tpu.memref_slice %arg3[%add3A_54] : memref<320000xi32, #tpu.memory_space<hbm>> -> memref<128xi32, #tpu.memory_space<hbm>>
    %dma_start3A_58 = tpu.memref_slice %arg3[%add3A_54] : memref<320000xi32, #tpu.memory_space<hbm>> -> memref<128xi32, #tpu.memory_space<hbm>>
    tpu.enqueue_dma source(%dma_start3A_58 : memref<128xi32, #tpu.memory_space<hbm>>) target(%arg10 : memref<128xi32, #tpu.memory_space<vmem>>) target_semaphore(%arg25 : memref<!tpu.dma_semaphore, #tpu.memory_space<semaphore_mem>>)
    %dma_wait3A = tpu.memref_slice %arg2[%multiple_of3A] : memref<320000xi32, #tpu.memory_space<hbm>> -> memref<128xi32, #tpu.memory_space<hbm>>
    %dma_wait3A_59 = tpu.memref_slice %arg2[%multiple_of3A] : memref<320000xi32, #tpu.memory_space<hbm>> -> memref<128xi32, #tpu.memory_space<hbm>>
    tpu.wait_dma2 semaphore(%arg22 : memref<!tpu.dma_semaphore, #tpu.memory_space<semaphore_mem>>) src(%dma_wait3A_59 : memref<128xi32, #tpu.memory_space<hbm>>) dst(%arg7 : memref<128xi32, #tpu.memory_space<vmem>>)
    %dma_wait3A_60 = tpu.memref_slice %arg3[%multiple_of3A] : memref<320000xi32, #tpu.memory_space<hbm>> -> memref<128xi32, #tpu.memory_space<hbm>>
    %dma_wait3A_61 = tpu.memref_slice %arg3[%multiple_of3A] : memref<320000xi32, #tpu.memory_space<hbm>> -> memref<128xi32, #tpu.memory_space<hbm>>
    tpu.wait_dma2 semaphore(%arg23 : memref<!tpu.dma_semaphore, #tpu.memory_space<semaphore_mem>>) src(%dma_wait3A_61 : memref<128xi32, #tpu.memory_space<hbm>>) dst(%arg8 : memref<128xi32, #tpu.memory_space<vmem>>)
    %dma_start3A_62 = arith.constant 0 : i32
    %dma_start3A_63 = arith.constant 0 : i32
    %dma_start3A_64 = tpu.memref_slice %arg4[%dma_start3A_62, %dma_start3A_63] : memref<10000x128xf32, #tpu.memory_space<hbm>> -> memref<10000x128xf32, #tpu.memory_space<hbm>>
    tpu.enqueue_indirect_dma source(%dma_start3A_64 : memref<10000x128xf32, #tpu.memory_space<hbm>>) target(%arg19 : memref<128x128xf32, #tpu.memory_space<vmem>>) offsets(%arg7 : memref<128xi32, #tpu.memory_space<vmem>>) semaphore(%arg34 : memref<!tpu.dma_semaphore, #tpu.memory_space<semaphore_mem>>)
    %while3A = arith.constant 0 : i32
    %while3A_65 = arith.constant 0 : i32
    %while3A_66 = arith.subi %add3A_33, %while3A_65 : i32
    %while3A_67 = arith.addi %while3A_65, %while3A_66 : i32
    %while3A_68 = arith.constant 1 : i32
    %while3A_69 = arith.divsi %while3A_66, %while3A_68 : i32
    %while3A_70 = arith.muli %while3A_69, %while3A_68 : i32
    %while3A_71 = arith.addi %while3A_65, %while3A_70 : i32
    %while3A_72 = arith.constant 1 : i32
    scf.for %while3A_473 = %while3A_65 to %while3A_71 step %while3A_72  : i32 {
      %add3A_474 = arith.constant 1 : i32
      %add3A_475 = arith.addi %while3A_473, %add3A_474 : i32
      %mul3A_476 = arith.constant 128 : i32
      %mul3A_477 = arith.muli %add3A_475, %mul3A_476 : i32
      %add3A_478 = arith.addi %multiple_of3A, %mul3A_477 : i32
      %add3A_479 = arith.constant 2 : i32
      %add3A_480 = arith.addi %while3A_473, %add3A_479 : i32
      %mul3A_481 = arith.constant 128 : i32
      %mul3A_482 = arith.muli %add3A_480, %mul3A_481 : i32
      %add3A_483 = arith.addi %multiple_of3A, %mul3A_482 : i32
      %jit3A_484 = arith.constant 6 : i32
      %eq3A_485 = arith.constant 0 : i32
      %eq3A_486 = arith.cmpi eq, %jit3A_484, %eq3A_485 : i32
      %jit3A_487 = arith.constant 1 : i32
      %select_n3A_488 = arith.select %eq3A_486, %jit3A_487, %jit3A_484 : i32
      %rem3A_489 = arith.remsi %while3A_473, %select_n3A_488 : i32
      %ne3A_490 = arith.constant 0 : i32
      %ne3A_491 = arith.cmpi ne, %rem3A_489, %ne3A_490 : i32
      %lt3A_492 = arith.constant 0 : i32
      %lt3A_493 = arith.cmpi slt, %rem3A_489, %lt3A_492 : i32
      %lt3A_494 = arith.constant 0 : i32
      %lt3A_495 = arith.cmpi slt, %select_n3A_488, %lt3A_494 : i32
      %ne3A_496 = arith.xori %lt3A_493, %lt3A_495 : i1
      %and3A_497 = arith.andi %ne3A_496, %ne3A_491 : i1
      %add3A_498 = arith.addi %rem3A_489, %select_n3A_488 : i32
      %select_n3A_499 = arith.select %and3A_497, %add3A_498, %rem3A_489 : i32
      %eq3A_500 = arith.constant 0 : i32
      %eq3A_501 = arith.cmpi eq, %select_n3A_499, %eq3A_500 : i32
      %convert_element_type3A_502 = arith.extui %eq3A_501 : i1 to i32
      %cond3A_503 = arith.constant 0 : i32
      %cond3A_504 = arith.cmpi ne, %convert_element_type3A_502, %cond3A_503 : i32
      scf.if %cond3A_504 {
        %add3A_610 = arith.constant 1 : i32
        %add3A_611 = arith.addi %while3A_473, %add3A_610 : i32
        %lt3A_612 = arith.cmpi slt, %add3A_611, %add3A_33 : i32
        %convert_element_type3A_613 = arith.extui %lt3A_612 : i1 to i32
        %cond3A_614 = arith.constant 0 : i32
        %cond3A_615 = arith.cmpi ne, %convert_element_type3A_613, %cond3A_614 : i32
        scf.if %cond3A_615 {
          %ge3A = arith.constant 2 : i32
          %ge3A_628 = arith.cmpi sge, %while3A_473, %ge3A : i32
          %convert_element_type3A_629 = arith.extui %ge3A_628 : i1 to i32
          %cond3A_630 = arith.constant 0 : i32
          %cond3A_631 = arith.cmpi ne, %convert_element_type3A_629, %cond3A_630 : i32
          scf.if %cond3A_631 {
            %dma_wait3A_639 = arith.constant 0 : i32
            %dma_wait3A_640 = arith.constant 0 : i32
            %dma_wait3A_641 = tpu.memref_slice %arg40[%dma_wait3A_639, %dma_wait3A_640] : memref<10000x128xf32, #tpu.memory_space<vmem_shared>> -> memref<10000x128xf32, #tpu.memory_space<vmem_shared>>
            tpu.wait_indirect_dma semaphore(%arg38 : memref<!tpu.dma_semaphore, #tpu.memory_space<semaphore_mem>>) src(%arg20 : memref<128x128xf32, #tpu.memory_space<vmem>>) dst(%dma_wait3A_641 : memref<10000x128xf32, #tpu.memory_space<vmem_shared>>)
          } else {
          }
          %dma_wait3A_632 = tpu.memref_slice %arg2[%add3A_478] : memref<320000xi32, #tpu.memory_space<hbm>> -> memref<128xi32, #tpu.memory_space<hbm>>
          %dma_wait3A_633 = tpu.memref_slice %arg2[%add3A_478] : memref<320000xi32, #tpu.memory_space<hbm>> -> memref<128xi32, #tpu.memory_space<hbm>>
          tpu.wait_dma2 semaphore(%arg24 : memref<!tpu.dma_semaphore, #tpu.memory_space<semaphore_mem>>) src(%dma_wait3A_633 : memref<128xi32, #tpu.memory_space<hbm>>) dst(%arg9 : memref<128xi32, #tpu.memory_space<vmem>>)
          %dma_wait3A_634 = tpu.memref_slice %arg3[%add3A_478] : memref<320000xi32, #tpu.memory_space<hbm>> -> memref<128xi32, #tpu.memory_space<hbm>>
          %dma_wait3A_635 = tpu.memref_slice %arg3[%add3A_478] : memref<320000xi32, #tpu.memory_space<hbm>> -> memref<128xi32, #tpu.memory_space<hbm>>
          tpu.wait_dma2 semaphore(%arg25 : memref<!tpu.dma_semaphore, #tpu.memory_space<semaphore_mem>>) src(%dma_wait3A_635 : memref<128xi32, #tpu.memory_space<hbm>>) dst(%arg10 : memref<128xi32, #tpu.memory_space<vmem>>)
          %dma_start3A_636 = arith.constant 0 : i32
          %dma_start3A_637 = arith.constant 0 : i32
          %dma_start3A_638 = tpu.memref_slice %arg4[%dma_start3A_636, %dma_start3A_637] : memref<10000x128xf32, #tpu.memory_space<hbm>> -> memref<10000x128xf32, #tpu.memory_space<hbm>>
          tpu.enqueue_indirect_dma source(%dma_start3A_638 : memref<10000x128xf32, #tpu.memory_space<hbm>>) target(%arg20 : memref<128x128xf32, #tpu.memory_space<vmem>>) offsets(%arg9 : memref<128xi32, #tpu.memory_space<vmem>>) semaphore(%arg35 : memref<!tpu.dma_semaphore, #tpu.memory_space<semaphore_mem>>)
        } else {
        }
        %add3A_616 = arith.constant 2 : i32
        %add3A_617 = arith.addi %while3A_473, %add3A_616 : i32
        %lt3A_618 = arith.cmpi slt, %add3A_617, %add3A_33 : i32
        %convert_element_type3A_619 = arith.extui %lt3A_618 : i1 to i32
        %cond3A_620 = arith.constant 0 : i32
        %cond3A_621 = arith.cmpi ne, %convert_element_type3A_619, %cond3A_620 : i32
        scf.if %cond3A_621 {
          %dma_start3A_628 = tpu.memref_slice %arg2[%add3A_483] : memref<320000xi32, #tpu.memory_space<hbm>> -> memref<128xi32, #tpu.memory_space<hbm>>
          %dma_start3A_629 = tpu.memref_slice %arg2[%add3A_483] : memref<320000xi32, #tpu.memory_space<hbm>> -> memref<128xi32, #tpu.memory_space<hbm>>
          tpu.enqueue_dma source(%dma_start3A_629 : memref<128xi32, #tpu.memory_space<hbm>>) target(%arg11 : memref<128xi32, #tpu.memory_space<vmem>>) target_semaphore(%arg26 : memref<!tpu.dma_semaphore, #tpu.memory_space<semaphore_mem>>)
          %dma_start3A_630 = tpu.memref_slice %arg3[%add3A_483] : memref<320000xi32, #tpu.memory_space<hbm>> -> memref<128xi32, #tpu.memory_space<hbm>>
          %dma_start3A_631 = tpu.memref_slice %arg3[%add3A_483] : memref<320000xi32, #tpu.memory_space<hbm>> -> memref<128xi32, #tpu.memory_space<hbm>>
          tpu.enqueue_dma source(%dma_start3A_631 : memref<128xi32, #tpu.memory_space<hbm>>) target(%arg12 : memref<128xi32, #tpu.memory_space<vmem>>) target_semaphore(%arg27 : memref<!tpu.dma_semaphore, #tpu.memory_space<semaphore_mem>>)
        } else {
        }
        %dma_wait3A_622 = arith.constant 0 : i32
        %dma_wait3A_623 = arith.constant 0 : i32
        %dma_wait3A_624 = tpu.memref_slice %arg4[%dma_wait3A_622, %dma_wait3A_623] : memref<10000x128xf32, #tpu.memory_space<hbm>> -> memref<10000x128xf32, #tpu.memory_space<hbm>>
        tpu.wait_indirect_dma semaphore(%arg34 : memref<!tpu.dma_semaphore, #tpu.memory_space<semaphore_mem>>) src(%dma_wait3A_624 : memref<10000x128xf32, #tpu.memory_space<hbm>>) dst(%arg19 : memref<128x128xf32, #tpu.memory_space<vmem>>)
        %dma_start3A_625 = arith.constant 0 : i32
        %dma_start3A_626 = arith.constant 0 : i32
        %dma_start3A_627 = tpu.memref_slice %arg40[%dma_start3A_625, %dma_start3A_626] : memref<10000x128xf32, #tpu.memory_space<vmem_shared>> -> memref<10000x128xf32, #tpu.memory_space<vmem_shared>>
        tpu.enqueue_indirect_dma source(%arg19 : memref<128x128xf32, #tpu.memory_space<vmem>>) target(%dma_start3A_627 : memref<10000x128xf32, #tpu.memory_space<vmem_shared>>) offsets(%arg8 : memref<128xi32, #tpu.memory_space<vmem>>) semaphore(%arg37 : memref<!tpu.dma_semaphore, #tpu.memory_space<semaphore_mem>>) {add = true}
      } else {
      }
      %jit3A_505 = arith.constant 6 : i32
      %eq3A_506 = arith.constant 0 : i32
      %eq3A_507 = arith.cmpi eq, %jit3A_505, %eq3A_506 : i32
      %jit3A_508 = arith.constant 1 : i32
      %select_n3A_509 = arith.select %eq3A_507, %jit3A_508, %jit3A_505 : i32
      %rem3A_510 = arith.remsi %while3A_473, %select_n3A_509 : i32
      %ne3A_511 = arith.constant 0 : i32
      %ne3A_512 = arith.cmpi ne, %rem3A_510, %ne3A_511 : i32
      %lt3A_513 = arith.constant 0 : i32
      %lt3A_514 = arith.cmpi slt, %rem3A_510, %lt3A_513 : i32
      %lt3A_515 = arith.constant 0 : i32
      %lt3A_516 = arith.cmpi slt, %select_n3A_509, %lt3A_515 : i32
      %ne3A_517 = arith.xori %lt3A_514, %lt3A_516 : i1
      %and3A_518 = arith.andi %ne3A_517, %ne3A_512 : i1
      %add3A_519 = arith.addi %rem3A_510, %select_n3A_509 : i32
      %select_n3A_520 = arith.select %and3A_518, %add3A_519, %rem3A_510 : i32
      %eq3A_521 = arith.constant 1 : i32
      %eq3A_522 = arith.cmpi eq, %select_n3A_520, %eq3A_521 : i32
      %convert_element_type3A_523 = arith.extui %eq3A_522 : i1 to i32
      %cond3A_524 = arith.constant 0 : i32
      %cond3A_525 = arith.cmpi ne, %convert_element_type3A_523, %cond3A_524 : i32
      scf.if %cond3A_525 {
        %add3A_610 = arith.constant 1 : i32
        %add3A_611 = arith.addi %while3A_473, %add3A_610 : i32
        %lt3A_612 = arith.cmpi slt, %add3A_611, %add3A_33 : i32
        %convert_element_type3A_613 = arith.extui %lt3A_612 : i1 to i32
        %cond3A_614 = arith.constant 0 : i32
        %cond3A_615 = arith.cmpi ne, %convert_element_type3A_613, %cond3A_614 : i32
        scf.if %cond3A_615 {
          %ge3A = arith.constant 2 : i32
          %ge3A_628 = arith.cmpi sge, %while3A_473, %ge3A : i32
          %convert_element_type3A_629 = arith.extui %ge3A_628 : i1 to i32
          %cond3A_630 = arith.constant 0 : i32
          %cond3A_631 = arith.cmpi ne, %convert_element_type3A_629, %cond3A_630 : i32
          scf.if %cond3A_631 {
            %dma_wait3A_639 = arith.constant 0 : i32
            %dma_wait3A_640 = arith.constant 0 : i32
            %dma_wait3A_641 = tpu.memref_slice %arg40[%dma_wait3A_639, %dma_wait3A_640] : memref<10000x128xf32, #tpu.memory_space<vmem_shared>> -> memref<10000x128xf32, #tpu.memory_space<vmem_shared>>
            tpu.wait_indirect_dma semaphore(%arg39 : memref<!tpu.dma_semaphore, #tpu.memory_space<semaphore_mem>>) src(%arg21 : memref<128x128xf32, #tpu.memory_space<vmem>>) dst(%dma_wait3A_641 : memref<10000x128xf32, #tpu.memory_space<vmem_shared>>)
          } else {
          }
          %dma_wait3A_632 = tpu.memref_slice %arg2[%add3A_478] : memref<320000xi32, #tpu.memory_space<hbm>> -> memref<128xi32, #tpu.memory_space<hbm>>
          %dma_wait3A_633 = tpu.memref_slice %arg2[%add3A_478] : memref<320000xi32, #tpu.memory_space<hbm>> -> memref<128xi32, #tpu.memory_space<hbm>>
          tpu.wait_dma2 semaphore(%arg26 : memref<!tpu.dma_semaphore, #tpu.memory_space<semaphore_mem>>) src(%dma_wait3A_633 : memref<128xi32, #tpu.memory_space<hbm>>) dst(%arg11 : memref<128xi32, #tpu.memory_space<vmem>>)
          %dma_wait3A_634 = tpu.memref_slice %arg3[%add3A_478] : memref<320000xi32, #tpu.memory_space<hbm>> -> memref<128xi32, #tpu.memory_space<hbm>>
          %dma_wait3A_635 = tpu.memref_slice %arg3[%add3A_478] : memref<320000xi32, #tpu.memory_space<hbm>> -> memref<128xi32, #tpu.memory_space<hbm>>
          tpu.wait_dma2 semaphore(%arg27 : memref<!tpu.dma_semaphore, #tpu.memory_space<semaphore_mem>>) src(%dma_wait3A_635 : memref<128xi32, #tpu.memory_space<hbm>>) dst(%arg12 : memref<128xi32, #tpu.memory_space<vmem>>)
          %dma_start3A_636 = arith.constant 0 : i32
          %dma_start3A_637 = arith.constant 0 : i32
          %dma_start3A_638 = tpu.memref_slice %arg4[%dma_start3A_636, %dma_start3A_637] : memref<10000x128xf32, #tpu.memory_space<hbm>> -> memref<10000x128xf32, #tpu.memory_space<hbm>>
          tpu.enqueue_indirect_dma source(%dma_start3A_638 : memref<10000x128xf32, #tpu.memory_space<hbm>>) target(%arg21 : memref<128x128xf32, #tpu.memory_space<vmem>>) offsets(%arg11 : memref<128xi32, #tpu.memory_space<vmem>>) semaphore(%arg36 : memref<!tpu.dma_semaphore, #tpu.memory_space<semaphore_mem>>)
        } else {
        }
        %add3A_616 = arith.constant 2 : i32
        %add3A_617 = arith.addi %while3A_473, %add3A_616 : i32
        %lt3A_618 = arith.cmpi slt, %add3A_617, %add3A_33 : i32
        %convert_element_type3A_619 = arith.extui %lt3A_618 : i1 to i32
        %cond3A_620 = arith.constant 0 : i32
        %cond3A_621 = arith.cmpi ne, %convert_element_type3A_619, %cond3A_620 : i32
        scf.if %cond3A_621 {
          %dma_start3A_628 = tpu.memref_slice %arg2[%add3A_483] : memref<320000xi32, #tpu.memory_space<hbm>> -> memref<128xi32, #tpu.memory_space<hbm>>
          %dma_start3A_629 = tpu.memref_slice %arg2[%add3A_483] : memref<320000xi32, #tpu.memory_space<hbm>> -> memref<128xi32, #tpu.memory_space<hbm>>
          tpu.enqueue_dma source(%dma_start3A_629 : memref<128xi32, #tpu.memory_space<hbm>>) target(%arg13 : memref<128xi32, #tpu.memory_space<vmem>>) target_semaphore(%arg28 : memref<!tpu.dma_semaphore, #tpu.memory_space<semaphore_mem>>)
          %dma_start3A_630 = tpu.memref_slice %arg3[%add3A_483] : memref<320000xi32, #tpu.memory_space<hbm>> -> memref<128xi32, #tpu.memory_space<hbm>>
          %dma_start3A_631 = tpu.memref_slice %arg3[%add3A_483] : memref<320000xi32, #tpu.memory_space<hbm>> -> memref<128xi32, #tpu.memory_space<hbm>>
          tpu.enqueue_dma source(%dma_start3A_631 : memref<128xi32, #tpu.memory_space<hbm>>) target(%arg14 : memref<128xi32, #tpu.memory_space<vmem>>) target_semaphore(%arg29 : memref<!tpu.dma_semaphore, #tpu.memory_space<semaphore_mem>>)
        } else {
        }
        %dma_wait3A_622 = arith.constant 0 : i32
        %dma_wait3A_623 = arith.constant 0 : i32
        %dma_wait3A_624 = tpu.memref_slice %arg4[%dma_wait3A_622, %dma_wait3A_623] : memref<10000x128xf32, #tpu.memory_space<hbm>> -> memref<10000x128xf32, #tpu.memory_space<hbm>>
        tpu.wait_indirect_dma semaphore(%arg35 : memref<!tpu.dma_semaphore, #tpu.memory_space<semaphore_mem>>) src(%dma_wait3A_624 : memref<10000x128xf32, #tpu.memory_space<hbm>>) dst(%arg20 : memref<128x128xf32, #tpu.memory_space<vmem>>)
        %dma_start3A_625 = arith.constant 0 : i32
        %dma_start3A_626 = arith.constant 0 : i32
        %dma_start3A_627 = tpu.memref_slice %arg40[%dma_start3A_625, %dma_start3A_626] : memref<10000x128xf32, #tpu.memory_space<vmem_shared>> -> memref<10000x128xf32, #tpu.memory_space<vmem_shared>>
        tpu.enqueue_indirect_dma source(%arg20 : memref<128x128xf32, #tpu.memory_space<vmem>>) target(%dma_start3A_627 : memref<10000x128xf32, #tpu.memory_space<vmem_shared>>) offsets(%arg10 : memref<128xi32, #tpu.memory_space<vmem>>) semaphore(%arg38 : memref<!tpu.dma_semaphore, #tpu.memory_space<semaphore_mem>>) {add = true}
      } else {
      }
      %jit3A_526 = arith.constant 6 : i32
      %eq3A_527 = arith.constant 0 : i32
      %eq3A_528 = arith.cmpi eq, %jit3A_526, %eq3A_527 : i32
      %jit3A_529 = arith.constant 1 : i32
      %select_n3A_530 = arith.select %eq3A_528, %jit3A_529, %jit3A_526 : i32
      %rem3A_531 = arith.remsi %while3A_473, %select_n3A_530 : i32
      %ne3A_532 = arith.constant 0 : i32
      %ne3A_533 = arith.cmpi ne, %rem3A_531, %ne3A_532 : i32
      %lt3A_534 = arith.constant 0 : i32
      %lt3A_535 = arith.cmpi slt, %rem3A_531, %lt3A_534 : i32
      %lt3A_536 = arith.constant 0 : i32
      %lt3A_537 = arith.cmpi slt, %select_n3A_530, %lt3A_536 : i32
      %ne3A_538 = arith.xori %lt3A_535, %lt3A_537 : i1
      %and3A_539 = arith.andi %ne3A_538, %ne3A_533 : i1
      %add3A_540 = arith.addi %rem3A_531, %select_n3A_530 : i32
      %select_n3A_541 = arith.select %and3A_539, %add3A_540, %rem3A_531 : i32
      %eq3A_542 = arith.constant 2 : i32
      %eq3A_543 = arith.cmpi eq, %select_n3A_541, %eq3A_542 : i32
      %convert_element_type3A_544 = arith.extui %eq3A_543 : i1 to i32
      %cond3A_545 = arith.constant 0 : i32
      %cond3A_546 = arith.cmpi ne, %convert_element_type3A_544, %cond3A_545 : i32
      scf.if %cond3A_546 {
        %add3A_610 = arith.constant 1 : i32
        %add3A_611 = arith.addi %while3A_473, %add3A_610 : i32
        %lt3A_612 = arith.cmpi slt, %add3A_611, %add3A_33 : i32
        %convert_element_type3A_613 = arith.extui %lt3A_612 : i1 to i32
        %cond3A_614 = arith.constant 0 : i32
        %cond3A_615 = arith.cmpi ne, %convert_element_type3A_613, %cond3A_614 : i32
        scf.if %cond3A_615 {
          %ge3A = arith.constant 2 : i32
          %ge3A_628 = arith.cmpi sge, %while3A_473, %ge3A : i32
          %convert_element_type3A_629 = arith.extui %ge3A_628 : i1 to i32
          %cond3A_630 = arith.constant 0 : i32
          %cond3A_631 = arith.cmpi ne, %convert_element_type3A_629, %cond3A_630 : i32
          scf.if %cond3A_631 {
            %dma_wait3A_639 = arith.constant 0 : i32
            %dma_wait3A_640 = arith.constant 0 : i32
            %dma_wait3A_641 = tpu.memref_slice %arg40[%dma_wait3A_639, %dma_wait3A_640] : memref<10000x128xf32, #tpu.memory_space<vmem_shared>> -> memref<10000x128xf32, #tpu.memory_space<vmem_shared>>
            tpu.wait_indirect_dma semaphore(%arg37 : memref<!tpu.dma_semaphore, #tpu.memory_space<semaphore_mem>>) src(%arg19 : memref<128x128xf32, #tpu.memory_space<vmem>>) dst(%dma_wait3A_641 : memref<10000x128xf32, #tpu.memory_space<vmem_shared>>)
          } else {
          }
          %dma_wait3A_632 = tpu.memref_slice %arg2[%add3A_478] : memref<320000xi32, #tpu.memory_space<hbm>> -> memref<128xi32, #tpu.memory_space<hbm>>
          %dma_wait3A_633 = tpu.memref_slice %arg2[%add3A_478] : memref<320000xi32, #tpu.memory_space<hbm>> -> memref<128xi32, #tpu.memory_space<hbm>>
          tpu.wait_dma2 semaphore(%arg28 : memref<!tpu.dma_semaphore, #tpu.memory_space<semaphore_mem>>) src(%dma_wait3A_633 : memref<128xi32, #tpu.memory_space<hbm>>) dst(%arg13 : memref<128xi32, #tpu.memory_space<vmem>>)
          %dma_wait3A_634 = tpu.memref_slice %arg3[%add3A_478] : memref<320000xi32, #tpu.memory_space<hbm>> -> memref<128xi32, #tpu.memory_space<hbm>>
          %dma_wait3A_635 = tpu.memref_slice %arg3[%add3A_478] : memref<320000xi32, #tpu.memory_space<hbm>> -> memref<128xi32, #tpu.memory_space<hbm>>
          tpu.wait_dma2 semaphore(%arg29 : memref<!tpu.dma_semaphore, #tpu.memory_space<semaphore_mem>>) src(%dma_wait3A_635 : memref<128xi32, #tpu.memory_space<hbm>>) dst(%arg14 : memref<128xi32, #tpu.memory_space<vmem>>)
          %dma_start3A_636 = arith.constant 0 : i32
          %dma_start3A_637 = arith.constant 0 : i32
          %dma_start3A_638 = tpu.memref_slice %arg4[%dma_start3A_636, %dma_start3A_637] : memref<10000x128xf32, #tpu.memory_space<hbm>> -> memref<10000x128xf32, #tpu.memory_space<hbm>>
          tpu.enqueue_indirect_dma source(%dma_start3A_638 : memref<10000x128xf32, #tpu.memory_space<hbm>>) target(%arg19 : memref<128x128xf32, #tpu.memory_space<vmem>>) offsets(%arg13 : memref<128xi32, #tpu.memory_space<vmem>>) semaphore(%arg34 : memref<!tpu.dma_semaphore, #tpu.memory_space<semaphore_mem>>)
        } else {
        }
        %add3A_616 = arith.constant 2 : i32
        %add3A_617 = arith.addi %while3A_473, %add3A_616 : i32
        %lt3A_618 = arith.cmpi slt, %add3A_617, %add3A_33 : i32
        %convert_element_type3A_619 = arith.extui %lt3A_618 : i1 to i32
        %cond3A_620 = arith.constant 0 : i32
        %cond3A_621 = arith.cmpi ne, %convert_element_type3A_619, %cond3A_620 : i32
        scf.if %cond3A_621 {
          %dma_start3A_628 = tpu.memref_slice %arg2[%add3A_483] : memref<320000xi32, #tpu.memory_space<hbm>> -> memref<128xi32, #tpu.memory_space<hbm>>
          %dma_start3A_629 = tpu.memref_slice %arg2[%add3A_483] : memref<320000xi32, #tpu.memory_space<hbm>> -> memref<128xi32, #tpu.memory_space<hbm>>
          tpu.enqueue_dma source(%dma_start3A_629 : memref<128xi32, #tpu.memory_space<hbm>>) target(%arg15 : memref<128xi32, #tpu.memory_space<vmem>>) target_semaphore(%arg30 : memref<!tpu.dma_semaphore, #tpu.memory_space<semaphore_mem>>)
          %dma_start3A_630 = tpu.memref_slice %arg3[%add3A_483] : memref<320000xi32, #tpu.memory_space<hbm>> -> memref<128xi32, #tpu.memory_space<hbm>>
          %dma_start3A_631 = tpu.memref_slice %arg3[%add3A_483] : memref<320000xi32, #tpu.memory_space<hbm>> -> memref<128xi32, #tpu.memory_space<hbm>>
          tpu.enqueue_dma source(%dma_start3A_631 : memref<128xi32, #tpu.memory_space<hbm>>) target(%arg16 : memref<128xi32, #tpu.memory_space<vmem>>) target_semaphore(%arg31 : memref<!tpu.dma_semaphore, #tpu.memory_space<semaphore_mem>>)
        } else {
        }
        %dma_wait3A_622 = arith.constant 0 : i32
        %dma_wait3A_623 = arith.constant 0 : i32
        %dma_wait3A_624 = tpu.memref_slice %arg4[%dma_wait3A_622, %dma_wait3A_623] : memref<10000x128xf32, #tpu.memory_space<hbm>> -> memref<10000x128xf32, #tpu.memory_space<hbm>>
        tpu.wait_indirect_dma semaphore(%arg36 : memref<!tpu.dma_semaphore, #tpu.memory_space<semaphore_mem>>) src(%dma_wait3A_624 : memref<10000x128xf32, #tpu.memory_space<hbm>>) dst(%arg21 : memref<128x128xf32, #tpu.memory_space<vmem>>)
        %dma_start3A_625 = arith.constant 0 : i32
        %dma_start3A_626 = arith.constant 0 : i32
        %dma_start3A_627 = tpu.memref_slice %arg40[%dma_start3A_625, %dma_start3A_626] : memref<10000x128xf32, #tpu.memory_space<vmem_shared>> -> memref<10000x128xf32, #tpu.memory_space<vmem_shared>>
        tpu.enqueue_indirect_dma source(%arg21 : memref<128x128xf32, #tpu.memory_space<vmem>>) target(%dma_start3A_627 : memref<10000x128xf32, #tpu.memory_space<vmem_shared>>) offsets(%arg12 : memref<128xi32, #tpu.memory_space<vmem>>) semaphore(%arg39 : memref<!tpu.dma_semaphore, #tpu.memory_space<semaphore_mem>>) {add = true}
      } else {
      }
      %jit3A_547 = arith.constant 6 : i32
      %eq3A_548 = arith.constant 0 : i32
      %eq3A_549 = arith.cmpi eq, %jit3A_547, %eq3A_548 : i32
      %jit3A_550 = arith.constant 1 : i32
      %select_n3A_551 = arith.select %eq3A_549, %jit3A_550, %jit3A_547 : i32
      %rem3A_552 = arith.remsi %while3A_473, %select_n3A_551 : i32
      %ne3A_553 = arith.constant 0 : i32
      %ne3A_554 = arith.cmpi ne, %rem3A_552, %ne3A_553 : i32
      %lt3A_555 = arith.constant 0 : i32
      %lt3A_556 = arith.cmpi slt, %rem3A_552, %lt3A_555 : i32
      %lt3A_557 = arith.constant 0 : i32
      %lt3A_558 = arith.cmpi slt, %select_n3A_551, %lt3A_557 : i32
      %ne3A_559 = arith.xori %lt3A_556, %lt3A_558 : i1
      %and3A_560 = arith.andi %ne3A_559, %ne3A_554 : i1
      %add3A_561 = arith.addi %rem3A_552, %select_n3A_551 : i32
      %select_n3A_562 = arith.select %and3A_560, %add3A_561, %rem3A_552 : i32
      %eq3A_563 = arith.constant 3 : i32
      %eq3A_564 = arith.cmpi eq, %select_n3A_562, %eq3A_563 : i32
      %convert_element_type3A_565 = arith.extui %eq3A_564 : i1 to i32
      %cond3A_566 = arith.constant 0 : i32
      %cond3A_567 = arith.cmpi ne, %convert_element_type3A_565, %cond3A_566 : i32
      scf.if %cond3A_567 {
        %add3A_610 = arith.constant 1 : i32
        %add3A_611 = arith.addi %while3A_473, %add3A_610 : i32
        %lt3A_612 = arith.cmpi slt, %add3A_611, %add3A_33 : i32
        %convert_element_type3A_613 = arith.extui %lt3A_612 : i1 to i32
        %cond3A_614 = arith.constant 0 : i32
        %cond3A_615 = arith.cmpi ne, %convert_element_type3A_613, %cond3A_614 : i32
        scf.if %cond3A_615 {
          %ge3A = arith.constant 2 : i32
          %ge3A_628 = arith.cmpi sge, %while3A_473, %ge3A : i32
          %convert_element_type3A_629 = arith.extui %ge3A_628 : i1 to i32
          %cond3A_630 = arith.constant 0 : i32
          %cond3A_631 = arith.cmpi ne, %convert_element_type3A_629, %cond3A_630 : i32
          scf.if %cond3A_631 {
            %dma_wait3A_639 = arith.constant 0 : i32
            %dma_wait3A_640 = arith.constant 0 : i32
            %dma_wait3A_641 = tpu.memref_slice %arg40[%dma_wait3A_639, %dma_wait3A_640] : memref<10000x128xf32, #tpu.memory_space<vmem_shared>> -> memref<10000x128xf32, #tpu.memory_space<vmem_shared>>
            tpu.wait_indirect_dma semaphore(%arg38 : memref<!tpu.dma_semaphore, #tpu.memory_space<semaphore_mem>>) src(%arg20 : memref<128x128xf32, #tpu.memory_space<vmem>>) dst(%dma_wait3A_641 : memref<10000x128xf32, #tpu.memory_space<vmem_shared>>)
          } else {
          }
          %dma_wait3A_632 = tpu.memref_slice %arg2[%add3A_478] : memref<320000xi32, #tpu.memory_space<hbm>> -> memref<128xi32, #tpu.memory_space<hbm>>
          %dma_wait3A_633 = tpu.memref_slice %arg2[%add3A_478] : memref<320000xi32, #tpu.memory_space<hbm>> -> memref<128xi32, #tpu.memory_space<hbm>>
          tpu.wait_dma2 semaphore(%arg30 : memref<!tpu.dma_semaphore, #tpu.memory_space<semaphore_mem>>) src(%dma_wait3A_633 : memref<128xi32, #tpu.memory_space<hbm>>) dst(%arg15 : memref<128xi32, #tpu.memory_space<vmem>>)
          %dma_wait3A_634 = tpu.memref_slice %arg3[%add3A_478] : memref<320000xi32, #tpu.memory_space<hbm>> -> memref<128xi32, #tpu.memory_space<hbm>>
          %dma_wait3A_635 = tpu.memref_slice %arg3[%add3A_478] : memref<320000xi32, #tpu.memory_space<hbm>> -> memref<128xi32, #tpu.memory_space<hbm>>
          tpu.wait_dma2 semaphore(%arg31 : memref<!tpu.dma_semaphore, #tpu.memory_space<semaphore_mem>>) src(%dma_wait3A_635 : memref<128xi32, #tpu.memory_space<hbm>>) dst(%arg16 : memref<128xi32, #tpu.memory_space<vmem>>)
          %dma_start3A_636 = arith.constant 0 : i32
          %dma_start3A_637 = arith.constant 0 : i32
          %dma_start3A_638 = tpu.memref_slice %arg4[%dma_start3A_636, %dma_start3A_637] : memref<10000x128xf32, #tpu.memory_space<hbm>> -> memref<10000x128xf32, #tpu.memory_space<hbm>>
          tpu.enqueue_indirect_dma source(%dma_start3A_638 : memref<10000x128xf32, #tpu.memory_space<hbm>>) target(%arg20 : memref<128x128xf32, #tpu.memory_space<vmem>>) offsets(%arg15 : memref<128xi32, #tpu.memory_space<vmem>>) semaphore(%arg35 : memref<!tpu.dma_semaphore, #tpu.memory_space<semaphore_mem>>)
        } else {
        }
        %add3A_616 = arith.constant 2 : i32
        %add3A_617 = arith.addi %while3A_473, %add3A_616 : i32
        %lt3A_618 = arith.cmpi slt, %add3A_617, %add3A_33 : i32
        %convert_element_type3A_619 = arith.extui %lt3A_618 : i1 to i32
        %cond3A_620 = arith.constant 0 : i32
        %cond3A_621 = arith.cmpi ne, %convert_element_type3A_619, %cond3A_620 : i32
        scf.if %cond3A_621 {
          %dma_start3A_628 = tpu.memref_slice %arg2[%add3A_483] : memref<320000xi32, #tpu.memory_space<hbm>> -> memref<128xi32, #tpu.memory_space<hbm>>
          %dma_start3A_629 = tpu.memref_slice %arg2[%add3A_483] : memref<320000xi32, #tpu.memory_space<hbm>> -> memref<128xi32, #tpu.memory_space<hbm>>
          tpu.enqueue_dma source(%dma_start3A_629 : memref<128xi32, #tpu.memory_space<hbm>>) target(%arg17 : memref<128xi32, #tpu.memory_space<vmem>>) target_semaphore(%arg32 : memref<!tpu.dma_semaphore, #tpu.memory_space<semaphore_mem>>)
          %dma_start3A_630 = tpu.memref_slice %arg3[%add3A_483] : memref<320000xi32, #tpu.memory_space<hbm>> -> memref<128xi32, #tpu.memory_space<hbm>>
          %dma_start3A_631 = tpu.memref_slice %arg3[%add3A_483] : memref<320000xi32, #tpu.memory_space<hbm>> -> memref<128xi32, #tpu.memory_space<hbm>>
          tpu.enqueue_dma source(%dma_start3A_631 : memref<128xi32, #tpu.memory_space<hbm>>) target(%arg18 : memref<128xi32, #tpu.memory_space<vmem>>) target_semaphore(%arg33 : memref<!tpu.dma_semaphore, #tpu.memory_space<semaphore_mem>>)
        } else {
        }
        %dma_wait3A_622 = arith.constant 0 : i32
        %dma_wait3A_623 = arith.constant 0 : i32
        %dma_wait3A_624 = tpu.memref_slice %arg4[%dma_wait3A_622, %dma_wait3A_623] : memref<10000x128xf32, #tpu.memory_space<hbm>> -> memref<10000x128xf32, #tpu.memory_space<hbm>>
        tpu.wait_indirect_dma semaphore(%arg34 : memref<!tpu.dma_semaphore, #tpu.memory_space<semaphore_mem>>) src(%dma_wait3A_624 : memref<10000x128xf32, #tpu.memory_space<hbm>>) dst(%arg19 : memref<128x128xf32, #tpu.memory_space<vmem>>)
        %dma_start3A_625 = arith.constant 0 : i32
        %dma_start3A_626 = arith.constant 0 : i32
        %dma_start3A_627 = tpu.memref_slice %arg40[%dma_start3A_625, %dma_start3A_626] : memref<10000x128xf32, #tpu.memory_space<vmem_shared>> -> memref<10000x128xf32, #tpu.memory_space<vmem_shared>>
        tpu.enqueue_indirect_dma source(%arg19 : memref<128x128xf32, #tpu.memory_space<vmem>>) target(%dma_start3A_627 : memref<10000x128xf32, #tpu.memory_space<vmem_shared>>) offsets(%arg14 : memref<128xi32, #tpu.memory_space<vmem>>) semaphore(%arg37 : memref<!tpu.dma_semaphore, #tpu.memory_space<semaphore_mem>>) {add = true}
      } else {
      }
      %jit3A_568 = arith.constant 6 : i32
      %eq3A_569 = arith.constant 0 : i32
      %eq3A_570 = arith.cmpi eq, %jit3A_568, %eq3A_569 : i32
      %jit3A_571 = arith.constant 1 : i32
      %select_n3A_572 = arith.select %eq3A_570, %jit3A_571, %jit3A_568 : i32
      %rem3A_573 = arith.remsi %while3A_473, %select_n3A_572 : i32
      %ne3A_574 = arith.constant 0 : i32
      %ne3A_575 = arith.cmpi ne, %rem3A_573, %ne3A_574 : i32
      %lt3A_576 = arith.constant 0 : i32
      %lt3A_577 = arith.cmpi slt, %rem3A_573, %lt3A_576 : i32
      %lt3A_578 = arith.constant 0 : i32
      %lt3A_579 = arith.cmpi slt, %select_n3A_572, %lt3A_578 : i32
      %ne3A_580 = arith.xori %lt3A_577, %lt3A_579 : i1
      %and3A_581 = arith.andi %ne3A_580, %ne3A_575 : i1
      %add3A_582 = arith.addi %rem3A_573, %select_n3A_572 : i32
      %select_n3A_583 = arith.select %and3A_581, %add3A_582, %rem3A_573 : i32
      %eq3A_584 = arith.constant 4 : i32
      %eq3A_585 = arith.cmpi eq, %select_n3A_583, %eq3A_584 : i32
      %convert_element_type3A_586 = arith.extui %eq3A_585 : i1 to i32
      %cond3A_587 = arith.constant 0 : i32
      %cond3A_588 = arith.cmpi ne, %convert_element_type3A_586, %cond3A_587 : i32
      scf.if %cond3A_588 {
        %add3A_610 = arith.constant 1 : i32
        %add3A_611 = arith.addi %while3A_473, %add3A_610 : i32
        %lt3A_612 = arith.cmpi slt, %add3A_611, %add3A_33 : i32
        %convert_element_type3A_613 = arith.extui %lt3A_612 : i1 to i32
        %cond3A_614 = arith.constant 0 : i32
        %cond3A_615 = arith.cmpi ne, %convert_element_type3A_613, %cond3A_614 : i32
        scf.if %cond3A_615 {
          %ge3A = arith.constant 2 : i32
          %ge3A_628 = arith.cmpi sge, %while3A_473, %ge3A : i32
          %convert_element_type3A_629 = arith.extui %ge3A_628 : i1 to i32
          %cond3A_630 = arith.constant 0 : i32
          %cond3A_631 = arith.cmpi ne, %convert_element_type3A_629, %cond3A_630 : i32
          scf.if %cond3A_631 {
            %dma_wait3A_639 = arith.constant 0 : i32
            %dma_wait3A_640 = arith.constant 0 : i32
            %dma_wait3A_641 = tpu.memref_slice %arg40[%dma_wait3A_639, %dma_wait3A_640] : memref<10000x128xf32, #tpu.memory_space<vmem_shared>> -> memref<10000x128xf32, #tpu.memory_space<vmem_shared>>
            tpu.wait_indirect_dma semaphore(%arg39 : memref<!tpu.dma_semaphore, #tpu.memory_space<semaphore_mem>>) src(%arg21 : memref<128x128xf32, #tpu.memory_space<vmem>>) dst(%dma_wait3A_641 : memref<10000x128xf32, #tpu.memory_space<vmem_shared>>)
          } else {
          }
          %dma_wait3A_632 = tpu.memref_slice %arg2[%add3A_478] : memref<320000xi32, #tpu.memory_space<hbm>> -> memref<128xi32, #tpu.memory_space<hbm>>
          %dma_wait3A_633 = tpu.memref_slice %arg2[%add3A_478] : memref<320000xi32, #tpu.memory_space<hbm>> -> memref<128xi32, #tpu.memory_space<hbm>>
          tpu.wait_dma2 semaphore(%arg32 : memref<!tpu.dma_semaphore, #tpu.memory_space<semaphore_mem>>) src(%dma_wait3A_633 : memref<128xi32, #tpu.memory_space<hbm>>) dst(%arg17 : memref<128xi32, #tpu.memory_space<vmem>>)
          %dma_wait3A_634 = tpu.memref_slice %arg3[%add3A_478] : memref<320000xi32, #tpu.memory_space<hbm>> -> memref<128xi32, #tpu.memory_space<hbm>>
          %dma_wait3A_635 = tpu.memref_slice %arg3[%add3A_478] : memref<320000xi32, #tpu.memory_space<hbm>> -> memref<128xi32, #tpu.memory_space<hbm>>
          tpu.wait_dma2 semaphore(%arg33 : memref<!tpu.dma_semaphore, #tpu.memory_space<semaphore_mem>>) src(%dma_wait3A_635 : memref<128xi32, #tpu.memory_space<hbm>>) dst(%arg18 : memref<128xi32, #tpu.memory_space<vmem>>)
          %dma_start3A_636 = arith.constant 0 : i32
          %dma_start3A_637 = arith.constant 0 : i32
          %dma_start3A_638 = tpu.memref_slice %arg4[%dma_start3A_636, %dma_start3A_637] : memref<10000x128xf32, #tpu.memory_space<hbm>> -> memref<10000x128xf32, #tpu.memory_space<hbm>>
          tpu.enqueue_indirect_dma source(%dma_start3A_638 : memref<10000x128xf32, #tpu.memory_space<hbm>>) target(%arg21 : memref<128x128xf32, #tpu.memory_space<vmem>>) offsets(%arg17 : memref<128xi32, #tpu.memory_space<vmem>>) semaphore(%arg36 : memref<!tpu.dma_semaphore, #tpu.memory_space<semaphore_mem>>)
        } else {
        }
        %add3A_616 = arith.constant 2 : i32
        %add3A_617 = arith.addi %while3A_473, %add3A_616 : i32
        %lt3A_618 = arith.cmpi slt, %add3A_617, %add3A_33 : i32
        %convert_element_type3A_619 = arith.extui %lt3A_618 : i1 to i32
        %cond3A_620 = arith.constant 0 : i32
        %cond3A_621 = arith.cmpi ne, %convert_element_type3A_619, %cond3A_620 : i32
        scf.if %cond3A_621 {
          %dma_start3A_628 = tpu.memref_slice %arg2[%add3A_483] : memref<320000xi32, #tpu.memory_space<hbm>> -> memref<128xi32, #tpu.memory_space<hbm>>
          %dma_start3A_629 = tpu.memref_slice %arg2[%add3A_483] : memref<320000xi32, #tpu.memory_space<hbm>> -> memref<128xi32, #tpu.memory_space<hbm>>
          tpu.enqueue_dma source(%dma_start3A_629 : memref<128xi32, #tpu.memory_space<hbm>>) target(%arg7 : memref<128xi32, #tpu.memory_space<vmem>>) target_semaphore(%arg22 : memref<!tpu.dma_semaphore, #tpu.memory_space<semaphore_mem>>)
          %dma_start3A_630 = tpu.memref_slice %arg3[%add3A_483] : memref<320000xi32, #tpu.memory_space<hbm>> -> memref<128xi32, #tpu.memory_space<hbm>>
          %dma_start3A_631 = tpu.memref_slice %arg3[%add3A_483] : memref<320000xi32, #tpu.memory_space<hbm>> -> memref<128xi32, #tpu.memory_space<hbm>>
          tpu.enqueue_dma source(%dma_start3A_631 : memref<128xi32, #tpu.memory_space<hbm>>) target(%arg8 : memref<128xi32, #tpu.memory_space<vmem>>) target_semaphore(%arg23 : memref<!tpu.dma_semaphore, #tpu.memory_space<semaphore_mem>>)
        } else {
        }
        %dma_wait3A_622 = arith.constant 0 : i32
        %dma_wait3A_623 = arith.constant 0 : i32
        %dma_wait3A_624 = tpu.memref_slice %arg4[%dma_wait3A_622, %dma_wait3A_623] : memref<10000x128xf32, #tpu.memory_space<hbm>> -> memref<10000x128xf32, #tpu.memory_space<hbm>>
        tpu.wait_indirect_dma semaphore(%arg35 : memref<!tpu.dma_semaphore, #tpu.memory_space<semaphore_mem>>) src(%dma_wait3A_624 : memref<10000x128xf32, #tpu.memory_space<hbm>>) dst(%arg20 : memref<128x128xf32, #tpu.memory_space<vmem>>)
        %dma_start3A_625 = arith.constant 0 : i32
        %dma_start3A_626 = arith.constant 0 : i32
        %dma_start3A_627 = tpu.memref_slice %arg40[%dma_start3A_625, %dma_start3A_626] : memref<10000x128xf32, #tpu.memory_space<vmem_shared>> -> memref<10000x128xf32, #tpu.memory_space<vmem_shared>>
        tpu.enqueue_indirect_dma source(%arg20 : memref<128x128xf32, #tpu.memory_space<vmem>>) target(%dma_start3A_627 : memref<10000x128xf32, #tpu.memory_space<vmem_shared>>) offsets(%arg16 : memref<128xi32, #tpu.memory_space<vmem>>) semaphore(%arg38 : memref<!tpu.dma_semaphore, #tpu.memory_space<semaphore_mem>>) {add = true}
      } else {
      }
      %jit3A_589 = arith.constant 6 : i32
      %eq3A_590 = arith.constant 0 : i32
      %eq3A_591 = arith.cmpi eq, %jit3A_589, %eq3A_590 : i32
      %jit3A_592 = arith.constant 1 : i32
      %select_n3A_593 = arith.select %eq3A_591, %jit3A_592, %jit3A_589 : i32
      %rem3A_594 = arith.remsi %while3A_473, %select_n3A_593 : i32
      %ne3A_595 = arith.constant 0 : i32
      %ne3A_596 = arith.cmpi ne, %rem3A_594, %ne3A_595 : i32
      %lt3A_597 = arith.constant 0 : i32
      %lt3A_598 = arith.cmpi slt, %rem3A_594, %lt3A_597 : i32
      %lt3A_599 = arith.constant 0 : i32
      %lt3A_600 = arith.cmpi slt, %select_n3A_593, %lt3A_599 : i32
      %ne3A_601 = arith.xori %lt3A_598, %lt3A_600 : i1
      %and3A_602 = arith.andi %ne3A_601, %ne3A_596 : i1
      %add3A_603 = arith.addi %rem3A_594, %select_n3A_593 : i32
      %select_n3A_604 = arith.select %and3A_602, %add3A_603, %rem3A_594 : i32
      %eq3A_605 = arith.constant 5 : i32
      %eq3A_606 = arith.cmpi eq, %select_n3A_604, %eq3A_605 : i32
      %convert_element_type3A_607 = arith.extui %eq3A_606 : i1 to i32
      %cond3A_608 = arith.constant 0 : i32
      %cond3A_609 = arith.cmpi ne, %convert_element_type3A_607, %cond3A_608 : i32
      scf.if %cond3A_609 {
        %add3A_610 = arith.constant 1 : i32
        %add3A_611 = arith.addi %while3A_473, %add3A_610 : i32
        %lt3A_612 = arith.cmpi slt, %add3A_611, %add3A_33 : i32
        %convert_element_type3A_613 = arith.extui %lt3A_612 : i1 to i32
        %cond3A_614 = arith.constant 0 : i32
        %cond3A_615 = arith.cmpi ne, %convert_element_type3A_613, %cond3A_614 : i32
        scf.if %cond3A_615 {
          %ge3A = arith.constant 2 : i32
          %ge3A_628 = arith.cmpi sge, %while3A_473, %ge3A : i32
          %convert_element_type3A_629 = arith.extui %ge3A_628 : i1 to i32
          %cond3A_630 = arith.constant 0 : i32
          %cond3A_631 = arith.cmpi ne, %convert_element_type3A_629, %cond3A_630 : i32
          scf.if %cond3A_631 {
            %dma_wait3A_639 = arith.constant 0 : i32
            %dma_wait3A_640 = arith.constant 0 : i32
            %dma_wait3A_641 = tpu.memref_slice %arg40[%dma_wait3A_639, %dma_wait3A_640] : memref<10000x128xf32, #tpu.memory_space<vmem_shared>> -> memref<10000x128xf32, #tpu.memory_space<vmem_shared>>
            tpu.wait_indirect_dma semaphore(%arg37 : memref<!tpu.dma_semaphore, #tpu.memory_space<semaphore_mem>>) src(%arg19 : memref<128x128xf32, #tpu.memory_space<vmem>>) dst(%dma_wait3A_641 : memref<10000x128xf32, #tpu.memory_space<vmem_shared>>)
          } else {
          }
          %dma_wait3A_632 = tpu.memref_slice %arg2[%add3A_478] : memref<320000xi32, #tpu.memory_space<hbm>> -> memref<128xi32, #tpu.memory_space<hbm>>
          %dma_wait3A_633 = tpu.memref_slice %arg2[%add3A_478] : memref<320000xi32, #tpu.memory_space<hbm>> -> memref<128xi32, #tpu.memory_space<hbm>>
          tpu.wait_dma2 semaphore(%arg22 : memref<!tpu.dma_semaphore, #tpu.memory_space<semaphore_mem>>) src(%dma_wait3A_633 : memref<128xi32, #tpu.memory_space<hbm>>) dst(%arg7 : memref<128xi32, #tpu.memory_space<vmem>>)
          %dma_wait3A_634 = tpu.memref_slice %arg3[%add3A_478] : memref<320000xi32, #tpu.memory_space<hbm>> -> memref<128xi32, #tpu.memory_space<hbm>>
          %dma_wait3A_635 = tpu.memref_slice %arg3[%add3A_478] : memref<320000xi32, #tpu.memory_space<hbm>> -> memref<128xi32, #tpu.memory_space<hbm>>
          tpu.wait_dma2 semaphore(%arg23 : memref<!tpu.dma_semaphore, #tpu.memory_space<semaphore_mem>>) src(%dma_wait3A_635 : memref<128xi32, #tpu.memory_space<hbm>>) dst(%arg8 : memref<128xi32, #tpu.memory_space<vmem>>)
          %dma_start3A_636 = arith.constant 0 : i32
          %dma_start3A_637 = arith.constant 0 : i32
          %dma_start3A_638 = tpu.memref_slice %arg4[%dma_start3A_636, %dma_start3A_637] : memref<10000x128xf32, #tpu.memory_space<hbm>> -> memref<10000x128xf32, #tpu.memory_space<hbm>>
          tpu.enqueue_indirect_dma source(%dma_start3A_638 : memref<10000x128xf32, #tpu.memory_space<hbm>>) target(%arg19 : memref<128x128xf32, #tpu.memory_space<vmem>>) offsets(%arg7 : memref<128xi32, #tpu.memory_space<vmem>>) semaphore(%arg34 : memref<!tpu.dma_semaphore, #tpu.memory_space<semaphore_mem>>)
        } else {
        }
        %add3A_616 = arith.constant 2 : i32
        %add3A_617 = arith.addi %while3A_473, %add3A_616 : i32
        %lt3A_618 = arith.cmpi slt, %add3A_617, %add3A_33 : i32
        %convert_element_type3A_619 = arith.extui %lt3A_618 : i1 to i32
        %cond3A_620 = arith.constant 0 : i32
        %cond3A_621 = arith.cmpi ne, %convert_element_type3A_619, %cond3A_620 : i32
        scf.if %cond3A_621 {
          %dma_start3A_628 = tpu.memref_slice %arg2[%add3A_483] : memref<320000xi32, #tpu.memory_space<hbm>> -> memref<128xi32, #tpu.memory_space<hbm>>
          %dma_start3A_629 = tpu.memref_slice %arg2[%add3A_483] : memref<320000xi32, #tpu.memory_space<hbm>> -> memref<128xi32, #tpu.memory_space<hbm>>
          tpu.enqueue_dma source(%dma_start3A_629 : memref<128xi32, #tpu.memory_space<hbm>>) target(%arg9 : memref<128xi32, #tpu.memory_space<vmem>>) target_semaphore(%arg24 : memref<!tpu.dma_semaphore, #tpu.memory_space<semaphore_mem>>)
          %dma_start3A_630 = tpu.memref_slice %arg3[%add3A_483] : memref<320000xi32, #tpu.memory_space<hbm>> -> memref<128xi32, #tpu.memory_space<hbm>>
          %dma_start3A_631 = tpu.memref_slice %arg3[%add3A_483] : memref<320000xi32, #tpu.memory_space<hbm>> -> memref<128xi32, #tpu.memory_space<hbm>>
          tpu.enqueue_dma source(%dma_start3A_631 : memref<128xi32, #tpu.memory_space<hbm>>) target(%arg10 : memref<128xi32, #tpu.memory_space<vmem>>) target_semaphore(%arg25 : memref<!tpu.dma_semaphore, #tpu.memory_space<semaphore_mem>>)
        } else {
        }
        %dma_wait3A_622 = arith.constant 0 : i32
        %dma_wait3A_623 = arith.constant 0 : i32
        %dma_wait3A_624 = tpu.memref_slice %arg4[%dma_wait3A_622, %dma_wait3A_623] : memref<10000x128xf32, #tpu.memory_space<hbm>> -> memref<10000x128xf32, #tpu.memory_space<hbm>>
        tpu.wait_indirect_dma semaphore(%arg36 : memref<!tpu.dma_semaphore, #tpu.memory_space<semaphore_mem>>) src(%dma_wait3A_624 : memref<10000x128xf32, #tpu.memory_space<hbm>>) dst(%arg21 : memref<128x128xf32, #tpu.memory_space<vmem>>)
        %dma_start3A_625 = arith.constant 0 : i32
        %dma_start3A_626 = arith.constant 0 : i32
        %dma_start3A_627 = tpu.memref_slice %arg40[%dma_start3A_625, %dma_start3A_626] : memref<10000x128xf32, #tpu.memory_space<vmem_shared>> -> memref<10000x128xf32, #tpu.memory_space<vmem_shared>>
        tpu.enqueue_indirect_dma source(%arg21 : memref<128x128xf32, #tpu.memory_space<vmem>>) target(%dma_start3A_627 : memref<10000x128xf32, #tpu.memory_space<vmem_shared>>) offsets(%arg18 : memref<128xi32, #tpu.memory_space<vmem>>) semaphore(%arg39 : memref<!tpu.dma_semaphore, #tpu.memory_space<semaphore_mem>>) {add = true}
      } else {
      }
    }
    %while3A_73 = arith.constant 1 : i32
    scf.for %while3A_473 = %while3A_71 to %while3A_67 step %while3A_73  : i32 {
      %add3A_474 = arith.constant 1 : i32
      %add3A_475 = arith.addi %while3A_473, %add3A_474 : i32
      %mul3A_476 = arith.constant 128 : i32
      %mul3A_477 = arith.muli %add3A_475, %mul3A_476 : i32
      %add3A_478 = arith.addi %multiple_of3A, %mul3A_477 : i32
      %add3A_479 = arith.constant 2 : i32
      %add3A_480 = arith.addi %while3A_473, %add3A_479 : i32
      %mul3A_481 = arith.constant 128 : i32
      %mul3A_482 = arith.muli %add3A_480, %mul3A_481 : i32
      %add3A_483 = arith.addi %multiple_of3A, %mul3A_482 : i32
      %jit3A_484 = arith.constant 6 : i32
      %eq3A_485 = arith.constant 0 : i32
      %eq3A_486 = arith.cmpi eq, %jit3A_484, %eq3A_485 : i32
      %jit3A_487 = arith.constant 1 : i32
      %select_n3A_488 = arith.select %eq3A_486, %jit3A_487, %jit3A_484 : i32
      %rem3A_489 = arith.remsi %while3A_473, %select_n3A_488 : i32
      %ne3A_490 = arith.constant 0 : i32
      %ne3A_491 = arith.cmpi ne, %rem3A_489, %ne3A_490 : i32
      %lt3A_492 = arith.constant 0 : i32
      %lt3A_493 = arith.cmpi slt, %rem3A_489, %lt3A_492 : i32
      %lt3A_494 = arith.constant 0 : i32
      %lt3A_495 = arith.cmpi slt, %select_n3A_488, %lt3A_494 : i32
      %ne3A_496 = arith.xori %lt3A_493, %lt3A_495 : i1
      %and3A_497 = arith.andi %ne3A_496, %ne3A_491 : i1
      %add3A_498 = arith.addi %rem3A_489, %select_n3A_488 : i32
      %select_n3A_499 = arith.select %and3A_497, %add3A_498, %rem3A_489 : i32
      %eq3A_500 = arith.constant 0 : i32
      %eq3A_501 = arith.cmpi eq, %select_n3A_499, %eq3A_500 : i32
      %convert_element_type3A_502 = arith.extui %eq3A_501 : i1 to i32
      %cond3A_503 = arith.constant 0 : i32
      %cond3A_504 = arith.cmpi ne, %convert_element_type3A_502, %cond3A_503 : i32
      scf.if %cond3A_504 {
        %add3A_610 = arith.constant 1 : i32
        %add3A_611 = arith.addi %while3A_473, %add3A_610 : i32
        %lt3A_612 = arith.cmpi slt, %add3A_611, %add3A_33 : i32
        %convert_element_type3A_613 = arith.extui %lt3A_612 : i1 to i32
        %cond3A_614 = arith.constant 0 : i32
        %cond3A_615 = arith.cmpi ne, %convert_element_type3A_613, %cond3A_614 : i32
        scf.if %cond3A_615 {
          %ge3A = arith.constant 2 : i32
          %ge3A_628 = arith.cmpi sge, %while3A_473, %ge3A : i32
          %convert_element_type3A_629 = arith.extui %ge3A_628 : i1 to i32
          %cond3A_630 = arith.constant 0 : i32
          %cond3A_631 = arith.cmpi ne, %convert_element_type3A_629, %cond3A_630 : i32
          scf.if %cond3A_631 {
            %dma_wait3A_639 = arith.constant 0 : i32
            %dma_wait3A_640 = arith.constant 0 : i32
            %dma_wait3A_641 = tpu.memref_slice %arg40[%dma_wait3A_639, %dma_wait3A_640] : memref<10000x128xf32, #tpu.memory_space<vmem_shared>> -> memref<10000x128xf32, #tpu.memory_space<vmem_shared>>
            tpu.wait_indirect_dma semaphore(%arg38 : memref<!tpu.dma_semaphore, #tpu.memory_space<semaphore_mem>>) src(%arg20 : memref<128x128xf32, #tpu.memory_space<vmem>>) dst(%dma_wait3A_641 : memref<10000x128xf32, #tpu.memory_space<vmem_shared>>)
          } else {
          }
          %dma_wait3A_632 = tpu.memref_slice %arg2[%add3A_478] : memref<320000xi32, #tpu.memory_space<hbm>> -> memref<128xi32, #tpu.memory_space<hbm>>
          %dma_wait3A_633 = tpu.memref_slice %arg2[%add3A_478] : memref<320000xi32, #tpu.memory_space<hbm>> -> memref<128xi32, #tpu.memory_space<hbm>>
          tpu.wait_dma2 semaphore(%arg24 : memref<!tpu.dma_semaphore, #tpu.memory_space<semaphore_mem>>) src(%dma_wait3A_633 : memref<128xi32, #tpu.memory_space<hbm>>) dst(%arg9 : memref<128xi32, #tpu.memory_space<vmem>>)
          %dma_wait3A_634 = tpu.memref_slice %arg3[%add3A_478] : memref<320000xi32, #tpu.memory_space<hbm>> -> memref<128xi32, #tpu.memory_space<hbm>>
          %dma_wait3A_635 = tpu.memref_slice %arg3[%add3A_478] : memref<320000xi32, #tpu.memory_space<hbm>> -> memref<128xi32, #tpu.memory_space<hbm>>
          tpu.wait_dma2 semaphore(%arg25 : memref<!tpu.dma_semaphore, #tpu.memory_space<semaphore_mem>>) src(%dma_wait3A_635 : memref<128xi32, #tpu.memory_space<hbm>>) dst(%arg10 : memref<128xi32, #tpu.memory_space<vmem>>)
          %dma_start3A_636 = arith.constant 0 : i32
          %dma_start3A_637 = arith.constant 0 : i32
          %dma_start3A_638 = tpu.memref_slice %arg4[%dma_start3A_636, %dma_start3A_637] : memref<10000x128xf32, #tpu.memory_space<hbm>> -> memref<10000x128xf32, #tpu.memory_space<hbm>>
          tpu.enqueue_indirect_dma source(%dma_start3A_638 : memref<10000x128xf32, #tpu.memory_space<hbm>>) target(%arg20 : memref<128x128xf32, #tpu.memory_space<vmem>>) offsets(%arg9 : memref<128xi32, #tpu.memory_space<vmem>>) semaphore(%arg35 : memref<!tpu.dma_semaphore, #tpu.memory_space<semaphore_mem>>)
        } else {
        }
        %add3A_616 = arith.constant 2 : i32
        %add3A_617 = arith.addi %while3A_473, %add3A_616 : i32
        %lt3A_618 = arith.cmpi slt, %add3A_617, %add3A_33 : i32
        %convert_element_type3A_619 = arith.extui %lt3A_618 : i1 to i32
        %cond3A_620 = arith.constant 0 : i32
        %cond3A_621 = arith.cmpi ne, %convert_element_type3A_619, %cond3A_620 : i32
        scf.if %cond3A_621 {
          %dma_start3A_628 = tpu.memref_slice %arg2[%add3A_483] : memref<320000xi32, #tpu.memory_space<hbm>> -> memref<128xi32, #tpu.memory_space<hbm>>
          %dma_start3A_629 = tpu.memref_slice %arg2[%add3A_483] : memref<320000xi32, #tpu.memory_space<hbm>> -> memref<128xi32, #tpu.memory_space<hbm>>
          tpu.enqueue_dma source(%dma_start3A_629 : memref<128xi32, #tpu.memory_space<hbm>>) target(%arg11 : memref<128xi32, #tpu.memory_space<vmem>>) target_semaphore(%arg26 : memref<!tpu.dma_semaphore, #tpu.memory_space<semaphore_mem>>)
          %dma_start3A_630 = tpu.memref_slice %arg3[%add3A_483] : memref<320000xi32, #tpu.memory_space<hbm>> -> memref<128xi32, #tpu.memory_space<hbm>>
          %dma_start3A_631 = tpu.memref_slice %arg3[%add3A_483] : memref<320000xi32, #tpu.memory_space<hbm>> -> memref<128xi32, #tpu.memory_space<hbm>>
          tpu.enqueue_dma source(%dma_start3A_631 : memref<128xi32, #tpu.memory_space<hbm>>) target(%arg12 : memref<128xi32, #tpu.memory_space<vmem>>) target_semaphore(%arg27 : memref<!tpu.dma_semaphore, #tpu.memory_space<semaphore_mem>>)
        } else {
        }
        %dma_wait3A_622 = arith.constant 0 : i32
        %dma_wait3A_623 = arith.constant 0 : i32
        %dma_wait3A_624 = tpu.memref_slice %arg4[%dma_wait3A_622, %dma_wait3A_623] : memref<10000x128xf32, #tpu.memory_space<hbm>> -> memref<10000x128xf32, #tpu.memory_space<hbm>>
        tpu.wait_indirect_dma semaphore(%arg34 : memref<!tpu.dma_semaphore, #tpu.memory_space<semaphore_mem>>) src(%dma_wait3A_624 : memref<10000x128xf32, #tpu.memory_space<hbm>>) dst(%arg19 : memref<128x128xf32, #tpu.memory_space<vmem>>)
        %dma_start3A_625 = arith.constant 0 : i32
        %dma_start3A_626 = arith.constant 0 : i32
        %dma_start3A_627 = tpu.memref_slice %arg40[%dma_start3A_625, %dma_start3A_626] : memref<10000x128xf32, #tpu.memory_space<vmem_shared>> -> memref<10000x128xf32, #tpu.memory_space<vmem_shared>>
        tpu.enqueue_indirect_dma source(%arg19 : memref<128x128xf32, #tpu.memory_space<vmem>>) target(%dma_start3A_627 : memref<10000x128xf32, #tpu.memory_space<vmem_shared>>) offsets(%arg8 : memref<128xi32, #tpu.memory_space<vmem>>) semaphore(%arg37 : memref<!tpu.dma_semaphore, #tpu.memory_space<semaphore_mem>>) {add = true}
      } else {
      }
      %jit3A_505 = arith.constant 6 : i32
      %eq3A_506 = arith.constant 0 : i32
      %eq3A_507 = arith.cmpi eq, %jit3A_505, %eq3A_506 : i32
      %jit3A_508 = arith.constant 1 : i32
      %select_n3A_509 = arith.select %eq3A_507, %jit3A_508, %jit3A_505 : i32
      %rem3A_510 = arith.remsi %while3A_473, %select_n3A_509 : i32
      %ne3A_511 = arith.constant 0 : i32
      %ne3A_512 = arith.cmpi ne, %rem3A_510, %ne3A_511 : i32
      %lt3A_513 = arith.constant 0 : i32
      %lt3A_514 = arith.cmpi slt, %rem3A_510, %lt3A_513 : i32
      %lt3A_515 = arith.constant 0 : i32
      %lt3A_516 = arith.cmpi slt, %select_n3A_509, %lt3A_515 : i32
      %ne3A_517 = arith.xori %lt3A_514, %lt3A_516 : i1
      %and3A_518 = arith.andi %ne3A_517, %ne3A_512 : i1
      %add3A_519 = arith.addi %rem3A_510, %select_n3A_509 : i32
      %select_n3A_520 = arith.select %and3A_518, %add3A_519, %rem3A_510 : i32
      %eq3A_521 = arith.constant 1 : i32
      %eq3A_522 = arith.cmpi eq, %select_n3A_520, %eq3A_521 : i32
      %convert_element_type3A_523 = arith.extui %eq3A_522 : i1 to i32
      %cond3A_524 = arith.constant 0 : i32
      %cond3A_525 = arith.cmpi ne, %convert_element_type3A_523, %cond3A_524 : i32
      scf.if %cond3A_525 {
        %add3A_610 = arith.constant 1 : i32
        %add3A_611 = arith.addi %while3A_473, %add3A_610 : i32
        %lt3A_612 = arith.cmpi slt, %add3A_611, %add3A_33 : i32
        %convert_element_type3A_613 = arith.extui %lt3A_612 : i1 to i32
        %cond3A_614 = arith.constant 0 : i32
        %cond3A_615 = arith.cmpi ne, %convert_element_type3A_613, %cond3A_614 : i32
        scf.if %cond3A_615 {
          %ge3A = arith.constant 2 : i32
          %ge3A_628 = arith.cmpi sge, %while3A_473, %ge3A : i32
          %convert_element_type3A_629 = arith.extui %ge3A_628 : i1 to i32
          %cond3A_630 = arith.constant 0 : i32
          %cond3A_631 = arith.cmpi ne, %convert_element_type3A_629, %cond3A_630 : i32
          scf.if %cond3A_631 {
            %dma_wait3A_639 = arith.constant 0 : i32
            %dma_wait3A_640 = arith.constant 0 : i32
            %dma_wait3A_641 = tpu.memref_slice %arg40[%dma_wait3A_639, %dma_wait3A_640] : memref<10000x128xf32, #tpu.memory_space<vmem_shared>> -> memref<10000x128xf32, #tpu.memory_space<vmem_shared>>
            tpu.wait_indirect_dma semaphore(%arg39 : memref<!tpu.dma_semaphore, #tpu.memory_space<semaphore_mem>>) src(%arg21 : memref<128x128xf32, #tpu.memory_space<vmem>>) dst(%dma_wait3A_641 : memref<10000x128xf32, #tpu.memory_space<vmem_shared>>)
          } else {
          }
          %dma_wait3A_632 = tpu.memref_slice %arg2[%add3A_478] : memref<320000xi32, #tpu.memory_space<hbm>> -> memref<128xi32, #tpu.memory_space<hbm>>
          %dma_wait3A_633 = tpu.memref_slice %arg2[%add3A_478] : memref<320000xi32, #tpu.memory_space<hbm>> -> memref<128xi32, #tpu.memory_space<hbm>>
          tpu.wait_dma2 semaphore(%arg26 : memref<!tpu.dma_semaphore, #tpu.memory_space<semaphore_mem>>) src(%dma_wait3A_633 : memref<128xi32, #tpu.memory_space<hbm>>) dst(%arg11 : memref<128xi32, #tpu.memory_space<vmem>>)
          %dma_wait3A_634 = tpu.memref_slice %arg3[%add3A_478] : memref<320000xi32, #tpu.memory_space<hbm>> -> memref<128xi32, #tpu.memory_space<hbm>>
          %dma_wait3A_635 = tpu.memref_slice %arg3[%add3A_478] : memref<320000xi32, #tpu.memory_space<hbm>> -> memref<128xi32, #tpu.memory_space<hbm>>
          tpu.wait_dma2 semaphore(%arg27 : memref<!tpu.dma_semaphore, #tpu.memory_space<semaphore_mem>>) src(%dma_wait3A_635 : memref<128xi32, #tpu.memory_space<hbm>>) dst(%arg12 : memref<128xi32, #tpu.memory_space<vmem>>)
          %dma_start3A_636 = arith.constant 0 : i32
          %dma_start3A_637 = arith.constant 0 : i32
          %dma_start3A_638 = tpu.memref_slice %arg4[%dma_start3A_636, %dma_start3A_637] : memref<10000x128xf32, #tpu.memory_space<hbm>> -> memref<10000x128xf32, #tpu.memory_space<hbm>>
          tpu.enqueue_indirect_dma source(%dma_start3A_638 : memref<10000x128xf32, #tpu.memory_space<hbm>>) target(%arg21 : memref<128x128xf32, #tpu.memory_space<vmem>>) offsets(%arg11 : memref<128xi32, #tpu.memory_space<vmem>>) semaphore(%arg36 : memref<!tpu.dma_semaphore, #tpu.memory_space<semaphore_mem>>)
        } else {
        }
        %add3A_616 = arith.constant 2 : i32
        %add3A_617 = arith.addi %while3A_473, %add3A_616 : i32
        %lt3A_618 = arith.cmpi slt, %add3A_617, %add3A_33 : i32
        %convert_element_type3A_619 = arith.extui %lt3A_618 : i1 to i32
        %cond3A_620 = arith.constant 0 : i32
        %cond3A_621 = arith.cmpi ne, %convert_element_type3A_619, %cond3A_620 : i32
        scf.if %cond3A_621 {
          %dma_start3A_628 = tpu.memref_slice %arg2[%add3A_483] : memref<320000xi32, #tpu.memory_space<hbm>> -> memref<128xi32, #tpu.memory_space<hbm>>
          %dma_start3A_629 = tpu.memref_slice %arg2[%add3A_483] : memref<320000xi32, #tpu.memory_space<hbm>> -> memref<128xi32, #tpu.memory_space<hbm>>
          tpu.enqueue_dma source(%dma_start3A_629 : memref<128xi32, #tpu.memory_space<hbm>>) target(%arg13 : memref<128xi32, #tpu.memory_space<vmem>>) target_semaphore(%arg28 : memref<!tpu.dma_semaphore, #tpu.memory_space<semaphore_mem>>)
          %dma_start3A_630 = tpu.memref_slice %arg3[%add3A_483] : memref<320000xi32, #tpu.memory_space<hbm>> -> memref<128xi32, #tpu.memory_space<hbm>>
          %dma_start3A_631 = tpu.memref_slice %arg3[%add3A_483] : memref<320000xi32, #tpu.memory_space<hbm>> -> memref<128xi32, #tpu.memory_space<hbm>>
          tpu.enqueue_dma source(%dma_start3A_631 : memref<128xi32, #tpu.memory_space<hbm>>) target(%arg14 : memref<128xi32, #tpu.memory_space<vmem>>) target_semaphore(%arg29 : memref<!tpu.dma_semaphore, #tpu.memory_space<semaphore_mem>>)
        } else {
        }
        %dma_wait3A_622 = arith.constant 0 : i32
        %dma_wait3A_623 = arith.constant 0 : i32
        %dma_wait3A_624 = tpu.memref_slice %arg4[%dma_wait3A_622, %dma_wait3A_623] : memref<10000x128xf32, #tpu.memory_space<hbm>> -> memref<10000x128xf32, #tpu.memory_space<hbm>>
        tpu.wait_indirect_dma semaphore(%arg35 : memref<!tpu.dma_semaphore, #tpu.memory_space<semaphore_mem>>) src(%dma_wait3A_624 : memref<10000x128xf32, #tpu.memory_space<hbm>>) dst(%arg20 : memref<128x128xf32, #tpu.memory_space<vmem>>)
        %dma_start3A_625 = arith.constant 0 : i32
        %dma_start3A_626 = arith.constant 0 : i32
        %dma_start3A_627 = tpu.memref_slice %arg40[%dma_start3A_625, %dma_start3A_626] : memref<10000x128xf32, #tpu.memory_space<vmem_shared>> -> memref<10000x128xf32, #tpu.memory_space<vmem_shared>>
        tpu.enqueue_indirect_dma source(%arg20 : memref<128x128xf32, #tpu.memory_space<vmem>>) target(%dma_start3A_627 : memref<10000x128xf32, #tpu.memory_space<vmem_shared>>) offsets(%arg10 : memref<128xi32, #tpu.memory_space<vmem>>) semaphore(%arg38 : memref<!tpu.dma_semaphore, #tpu.memory_space<semaphore_mem>>) {add = true}
      } else {
      }
      %jit3A_526 = arith.constant 6 : i32
      %eq3A_527 = arith.constant 0 : i32
      %eq3A_528 = arith.cmpi eq, %jit3A_526, %eq3A_527 : i32
      %jit3A_529 = arith.constant 1 : i32
      %select_n3A_530 = arith.select %eq3A_528, %jit3A_529, %jit3A_526 : i32
      %rem3A_531 = arith.remsi %while3A_473, %select_n3A_530 : i32
      %ne3A_532 = arith.constant 0 : i32
      %ne3A_533 = arith.cmpi ne, %rem3A_531, %ne3A_532 : i32
      %lt3A_534 = arith.constant 0 : i32
      %lt3A_535 = arith.cmpi slt, %rem3A_531, %lt3A_534 : i32
      %lt3A_536 = arith.constant 0 : i32
      %lt3A_537 = arith.cmpi slt, %select_n3A_530, %lt3A_536 : i32
      %ne3A_538 = arith.xori %lt3A_535, %lt3A_537 : i1
      %and3A_539 = arith.andi %ne3A_538, %ne3A_533 : i1
      %add3A_540 = arith.addi %rem3A_531, %select_n3A_530 : i32
      %select_n3A_541 = arith.select %and3A_539, %add3A_540, %rem3A_531 : i32
      %eq3A_542 = arith.constant 2 : i32
      %eq3A_543 = arith.cmpi eq, %select_n3A_541, %eq3A_542 : i32
      %convert_element_type3A_544 = arith.extui %eq3A_543 : i1 to i32
      %cond3A_545 = arith.constant 0 : i32
      %cond3A_546 = arith.cmpi ne, %convert_element_type3A_544, %cond3A_545 : i32
      scf.if %cond3A_546 {
        %add3A_610 = arith.constant 1 : i32
        %add3A_611 = arith.addi %while3A_473, %add3A_610 : i32
        %lt3A_612 = arith.cmpi slt, %add3A_611, %add3A_33 : i32
        %convert_element_type3A_613 = arith.extui %lt3A_612 : i1 to i32
        %cond3A_614 = arith.constant 0 : i32
        %cond3A_615 = arith.cmpi ne, %convert_element_type3A_613, %cond3A_614 : i32
        scf.if %cond3A_615 {
          %ge3A = arith.constant 2 : i32
          %ge3A_628 = arith.cmpi sge, %while3A_473, %ge3A : i32
          %convert_element_type3A_629 = arith.extui %ge3A_628 : i1 to i32
          %cond3A_630 = arith.constant 0 : i32
          %cond3A_631 = arith.cmpi ne, %convert_element_type3A_629, %cond3A_630 : i32
          scf.if %cond3A_631 {
            %dma_wait3A_639 = arith.constant 0 : i32
            %dma_wait3A_640 = arith.constant 0 : i32
            %dma_wait3A_641 = tpu.memref_slice %arg40[%dma_wait3A_639, %dma_wait3A_640] : memref<10000x128xf32, #tpu.memory_space<vmem_shared>> -> memref<10000x128xf32, #tpu.memory_space<vmem_shared>>
            tpu.wait_indirect_dma semaphore(%arg37 : memref<!tpu.dma_semaphore, #tpu.memory_space<semaphore_mem>>) src(%arg19 : memref<128x128xf32, #tpu.memory_space<vmem>>) dst(%dma_wait3A_641 : memref<10000x128xf32, #tpu.memory_space<vmem_shared>>)
          } else {
          }
          %dma_wait3A_632 = tpu.memref_slice %arg2[%add3A_478] : memref<320000xi32, #tpu.memory_space<hbm>> -> memref<128xi32, #tpu.memory_space<hbm>>
          %dma_wait3A_633 = tpu.memref_slice %arg2[%add3A_478] : memref<320000xi32, #tpu.memory_space<hbm>> -> memref<128xi32, #tpu.memory_space<hbm>>
          tpu.wait_dma2 semaphore(%arg28 : memref<!tpu.dma_semaphore, #tpu.memory_space<semaphore_mem>>) src(%dma_wait3A_633 : memref<128xi32, #tpu.memory_space<hbm>>) dst(%arg13 : memref<128xi32, #tpu.memory_space<vmem>>)
          %dma_wait3A_634 = tpu.memref_slice %arg3[%add3A_478] : memref<320000xi32, #tpu.memory_space<hbm>> -> memref<128xi32, #tpu.memory_space<hbm>>
          %dma_wait3A_635 = tpu.memref_slice %arg3[%add3A_478] : memref<320000xi32, #tpu.memory_space<hbm>> -> memref<128xi32, #tpu.memory_space<hbm>>
          tpu.wait_dma2 semaphore(%arg29 : memref<!tpu.dma_semaphore, #tpu.memory_space<semaphore_mem>>) src(%dma_wait3A_635 : memref<128xi32, #tpu.memory_space<hbm>>) dst(%arg14 : memref<128xi32, #tpu.memory_space<vmem>>)
          %dma_start3A_636 = arith.constant 0 : i32
          %dma_start3A_637 = arith.constant 0 : i32
          %dma_start3A_638 = tpu.memref_slice %arg4[%dma_start3A_636, %dma_start3A_637] : memref<10000x128xf32, #tpu.memory_space<hbm>> -> memref<10000x128xf32, #tpu.memory_space<hbm>>
          tpu.enqueue_indirect_dma source(%dma_start3A_638 : memref<10000x128xf32, #tpu.memory_space<hbm>>) target(%arg19 : memref<128x128xf32, #tpu.memory_space<vmem>>) offsets(%arg13 : memref<128xi32, #tpu.memory_space<vmem>>) semaphore(%arg34 : memref<!tpu.dma_semaphore, #tpu.memory_space<semaphore_mem>>)
        } else {
        }
        %add3A_616 = arith.constant 2 : i32
        %add3A_617 = arith.addi %while3A_473, %add3A_616 : i32
        %lt3A_618 = arith.cmpi slt, %add3A_617, %add3A_33 : i32
        %convert_element_type3A_619 = arith.extui %lt3A_618 : i1 to i32
        %cond3A_620 = arith.constant 0 : i32
        %cond3A_621 = arith.cmpi ne, %convert_element_type3A_619, %cond3A_620 : i32
        scf.if %cond3A_621 {
          %dma_start3A_628 = tpu.memref_slice %arg2[%add3A_483] : memref<320000xi32, #tpu.memory_space<hbm>> -> memref<128xi32, #tpu.memory_space<hbm>>
          %dma_start3A_629 = tpu.memref_slice %arg2[%add3A_483] : memref<320000xi32, #tpu.memory_space<hbm>> -> memref<128xi32, #tpu.memory_space<hbm>>
          tpu.enqueue_dma source(%dma_start3A_629 : memref<128xi32, #tpu.memory_space<hbm>>) target(%arg15 : memref<128xi32, #tpu.memory_space<vmem>>) target_semaphore(%arg30 : memref<!tpu.dma_semaphore, #tpu.memory_space<semaphore_mem>>)
          %dma_start3A_630 = tpu.memref_slice %arg3[%add3A_483] : memref<320000xi32, #tpu.memory_space<hbm>> -> memref<128xi32, #tpu.memory_space<hbm>>
          %dma_start3A_631 = tpu.memref_slice %arg3[%add3A_483] : memref<320000xi32, #tpu.memory_space<hbm>> -> memref<128xi32, #tpu.memory_space<hbm>>
          tpu.enqueue_dma source(%dma_start3A_631 : memref<128xi32, #tpu.memory_space<hbm>>) target(%arg16 : memref<128xi32, #tpu.memory_space<vmem>>) target_semaphore(%arg31 : memref<!tpu.dma_semaphore, #tpu.memory_space<semaphore_mem>>)
        } else {
        }
        %dma_wait3A_622 = arith.constant 0 : i32
        %dma_wait3A_623 = arith.constant 0 : i32
        %dma_wait3A_624 = tpu.memref_slice %arg4[%dma_wait3A_622, %dma_wait3A_623] : memref<10000x128xf32, #tpu.memory_space<hbm>> -> memref<10000x128xf32, #tpu.memory_space<hbm>>
        tpu.wait_indirect_dma semaphore(%arg36 : memref<!tpu.dma_semaphore, #tpu.memory_space<semaphore_mem>>) src(%dma_wait3A_624 : memref<10000x128xf32, #tpu.memory_space<hbm>>) dst(%arg21 : memref<128x128xf32, #tpu.memory_space<vmem>>)
        %dma_start3A_625 = arith.constant 0 : i32
        %dma_start3A_626 = arith.constant 0 : i32
        %dma_start3A_627 = tpu.memref_slice %arg40[%dma_start3A_625, %dma_start3A_626] : memref<10000x128xf32, #tpu.memory_space<vmem_shared>> -> memref<10000x128xf32, #tpu.memory_space<vmem_shared>>
        tpu.enqueue_indirect_dma source(%arg21 : memref<128x128xf32, #tpu.memory_space<vmem>>) target(%dma_start3A_627 : memref<10000x128xf32, #tpu.memory_space<vmem_shared>>) offsets(%arg12 : memref<128xi32, #tpu.memory_space<vmem>>) semaphore(%arg39 : memref<!tpu.dma_semaphore, #tpu.memory_space<semaphore_mem>>) {add = true}
      } else {
      }
      %jit3A_547 = arith.constant 6 : i32
      %eq3A_548 = arith.constant 0 : i32
      %eq3A_549 = arith.cmpi eq, %jit3A_547, %eq3A_548 : i32
      %jit3A_550 = arith.constant 1 : i32
      %select_n3A_551 = arith.select %eq3A_549, %jit3A_550, %jit3A_547 : i32
      %rem3A_552 = arith.remsi %while3A_473, %select_n3A_551 : i32
      %ne3A_553 = arith.constant 0 : i32
      %ne3A_554 = arith.cmpi ne, %rem3A_552, %ne3A_553 : i32
      %lt3A_555 = arith.constant 0 : i32
      %lt3A_556 = arith.cmpi slt, %rem3A_552, %lt3A_555 : i32
      %lt3A_557 = arith.constant 0 : i32
      %lt3A_558 = arith.cmpi slt, %select_n3A_551, %lt3A_557 : i32
      %ne3A_559 = arith.xori %lt3A_556, %lt3A_558 : i1
      %and3A_560 = arith.andi %ne3A_559, %ne3A_554 : i1
      %add3A_561 = arith.addi %rem3A_552, %select_n3A_551 : i32
      %select_n3A_562 = arith.select %and3A_560, %add3A_561, %rem3A_552 : i32
      %eq3A_563 = arith.constant 3 : i32
      %eq3A_564 = arith.cmpi eq, %select_n3A_562, %eq3A_563 : i32
      %convert_element_type3A_565 = arith.extui %eq3A_564 : i1 to i32
      %cond3A_566 = arith.constant 0 : i32
      %cond3A_567 = arith.cmpi ne, %convert_element_type3A_565, %cond3A_566 : i32
      scf.if %cond3A_567 {
        %add3A_610 = arith.constant 1 : i32
        %add3A_611 = arith.addi %while3A_473, %add3A_610 : i32
        %lt3A_612 = arith.cmpi slt, %add3A_611, %add3A_33 : i32
        %convert_element_type3A_613 = arith.extui %lt3A_612 : i1 to i32
        %cond3A_614 = arith.constant 0 : i32
        %cond3A_615 = arith.cmpi ne, %convert_element_type3A_613, %cond3A_614 : i32
        scf.if %cond3A_615 {
          %ge3A = arith.constant 2 : i32
          %ge3A_628 = arith.cmpi sge, %while3A_473, %ge3A : i32
          %convert_element_type3A_629 = arith.extui %ge3A_628 : i1 to i32
          %cond3A_630 = arith.constant 0 : i32
          %cond3A_631 = arith.cmpi ne, %convert_element_type3A_629, %cond3A_630 : i32
          scf.if %cond3A_631 {
            %dma_wait3A_639 = arith.constant 0 : i32
            %dma_wait3A_640 = arith.constant 0 : i32
            %dma_wait3A_641 = tpu.memref_slice %arg40[%dma_wait3A_639, %dma_wait3A_640] : memref<10000x128xf32, #tpu.memory_space<vmem_shared>> -> memref<10000x128xf32, #tpu.memory_space<vmem_shared>>
            tpu.wait_indirect_dma semaphore(%arg38 : memref<!tpu.dma_semaphore, #tpu.memory_space<semaphore_mem>>) src(%arg20 : memref<128x128xf32, #tpu.memory_space<vmem>>) dst(%dma_wait3A_641 : memref<10000x128xf32, #tpu.memory_space<vmem_shared>>)
          } else {
          }
          %dma_wait3A_632 = tpu.memref_slice %arg2[%add3A_478] : memref<320000xi32, #tpu.memory_space<hbm>> -> memref<128xi32, #tpu.memory_space<hbm>>
          %dma_wait3A_633 = tpu.memref_slice %arg2[%add3A_478] : memref<320000xi32, #tpu.memory_space<hbm>> -> memref<128xi32, #tpu.memory_space<hbm>>
          tpu.wait_dma2 semaphore(%arg30 : memref<!tpu.dma_semaphore, #tpu.memory_space<semaphore_mem>>) src(%dma_wait3A_633 : memref<128xi32, #tpu.memory_space<hbm>>) dst(%arg15 : memref<128xi32, #tpu.memory_space<vmem>>)
          %dma_wait3A_634 = tpu.memref_slice %arg3[%add3A_478] : memref<320000xi32, #tpu.memory_space<hbm>> -> memref<128xi32, #tpu.memory_space<hbm>>
          %dma_wait3A_635 = tpu.memref_slice %arg3[%add3A_478] : memref<320000xi32, #tpu.memory_space<hbm>> -> memref<128xi32, #tpu.memory_space<hbm>>
          tpu.wait_dma2 semaphore(%arg31 : memref<!tpu.dma_semaphore, #tpu.memory_space<semaphore_mem>>) src(%dma_wait3A_635 : memref<128xi32, #tpu.memory_space<hbm>>) dst(%arg16 : memref<128xi32, #tpu.memory_space<vmem>>)
          %dma_start3A_636 = arith.constant 0 : i32
          %dma_start3A_637 = arith.constant 0 : i32
          %dma_start3A_638 = tpu.memref_slice %arg4[%dma_start3A_636, %dma_start3A_637] : memref<10000x128xf32, #tpu.memory_space<hbm>> -> memref<10000x128xf32, #tpu.memory_space<hbm>>
          tpu.enqueue_indirect_dma source(%dma_start3A_638 : memref<10000x128xf32, #tpu.memory_space<hbm>>) target(%arg20 : memref<128x128xf32, #tpu.memory_space<vmem>>) offsets(%arg15 : memref<128xi32, #tpu.memory_space<vmem>>) semaphore(%arg35 : memref<!tpu.dma_semaphore, #tpu.memory_space<semaphore_mem>>)
        } else {
        }
        %add3A_616 = arith.constant 2 : i32
        %add3A_617 = arith.addi %while3A_473, %add3A_616 : i32
        %lt3A_618 = arith.cmpi slt, %add3A_617, %add3A_33 : i32
        %convert_element_type3A_619 = arith.extui %lt3A_618 : i1 to i32
        %cond3A_620 = arith.constant 0 : i32
        %cond3A_621 = arith.cmpi ne, %convert_element_type3A_619, %cond3A_620 : i32
        scf.if %cond3A_621 {
          %dma_start3A_628 = tpu.memref_slice %arg2[%add3A_483] : memref<320000xi32, #tpu.memory_space<hbm>> -> memref<128xi32, #tpu.memory_space<hbm>>
          %dma_start3A_629 = tpu.memref_slice %arg2[%add3A_483] : memref<320000xi32, #tpu.memory_space<hbm>> -> memref<128xi32, #tpu.memory_space<hbm>>
          tpu.enqueue_dma source(%dma_start3A_629 : memref<128xi32, #tpu.memory_space<hbm>>) target(%arg17 : memref<128xi32, #tpu.memory_space<vmem>>) target_semaphore(%arg32 : memref<!tpu.dma_semaphore, #tpu.memory_space<semaphore_mem>>)
          %dma_start3A_630 = tpu.memref_slice %arg3[%add3A_483] : memref<320000xi32, #tpu.memory_space<hbm>> -> memref<128xi32, #tpu.memory_space<hbm>>
          %dma_start3A_631 = tpu.memref_slice %arg3[%add3A_483] : memref<320000xi32, #tpu.memory_space<hbm>> -> memref<128xi32, #tpu.memory_space<hbm>>
          tpu.enqueue_dma source(%dma_start3A_631 : memref<128xi32, #tpu.memory_space<hbm>>) target(%arg18 : memref<128xi32, #tpu.memory_space<vmem>>) target_semaphore(%arg33 : memref<!tpu.dma_semaphore, #tpu.memory_space<semaphore_mem>>)
        } else {
        }
        %dma_wait3A_622 = arith.constant 0 : i32
        %dma_wait3A_623 = arith.constant 0 : i32
        %dma_wait3A_624 = tpu.memref_slice %arg4[%dma_wait3A_622, %dma_wait3A_623] : memref<10000x128xf32, #tpu.memory_space<hbm>> -> memref<10000x128xf32, #tpu.memory_space<hbm>>
        tpu.wait_indirect_dma semaphore(%arg34 : memref<!tpu.dma_semaphore, #tpu.memory_space<semaphore_mem>>) src(%dma_wait3A_624 : memref<10000x128xf32, #tpu.memory_space<hbm>>) dst(%arg19 : memref<128x128xf32, #tpu.memory_space<vmem>>)
        %dma_start3A_625 = arith.constant 0 : i32
        %dma_start3A_626 = arith.constant 0 : i32
        %dma_start3A_627 = tpu.memref_slice %arg40[%dma_start3A_625, %dma_start3A_626] : memref<10000x128xf32, #tpu.memory_space<vmem_shared>> -> memref<10000x128xf32, #tpu.memory_space<vmem_shared>>
        tpu.enqueue_indirect_dma source(%arg19 : memref<128x128xf32, #tpu.memory_space<vmem>>) target(%dma_start3A_627 : memref<10000x128xf32, #tpu.memory_space<vmem_shared>>) offsets(%arg14 : memref<128xi32, #tpu.memory_space<vmem>>) semaphore(%arg37 : memref<!tpu.dma_semaphore, #tpu.memory_space<semaphore_mem>>) {add = true}
      } else {
      }
      %jit3A_568 = arith.constant 6 : i32
      %eq3A_569 = arith.constant 0 : i32
      %eq3A_570 = arith.cmpi eq, %jit3A_568, %eq3A_569 : i32
      %jit3A_571 = arith.constant 1 : i32
      %select_n3A_572 = arith.select %eq3A_570, %jit3A_571, %jit3A_568 : i32
      %rem3A_573 = arith.remsi %while3A_473, %select_n3A_572 : i32
      %ne3A_574 = arith.constant 0 : i32
      %ne3A_575 = arith.cmpi ne, %rem3A_573, %ne3A_574 : i32
      %lt3A_576 = arith.constant 0 : i32
      %lt3A_577 = arith.cmpi slt, %rem3A_573, %lt3A_576 : i32
      %lt3A_578 = arith.constant 0 : i32
      %lt3A_579 = arith.cmpi slt, %select_n3A_572, %lt3A_578 : i32
      %ne3A_580 = arith.xori %lt3A_577, %lt3A_579 : i1
      %and3A_581 = arith.andi %ne3A_580, %ne3A_575 : i1
      %add3A_582 = arith.addi %rem3A_573, %select_n3A_572 : i32
      %select_n3A_583 = arith.select %and3A_581, %add3A_582, %rem3A_573 : i32
      %eq3A_584 = arith.constant 4 : i32
      %eq3A_585 = arith.cmpi eq, %select_n3A_583, %eq3A_584 : i32
      %convert_element_type3A_586 = arith.extui %eq3A_585 : i1 to i32
      %cond3A_587 = arith.constant 0 : i32
      %cond3A_588 = arith.cmpi ne, %convert_element_type3A_586, %cond3A_587 : i32
      scf.if %cond3A_588 {
        %add3A_610 = arith.constant 1 : i32
        %add3A_611 = arith.addi %while3A_473, %add3A_610 : i32
        %lt3A_612 = arith.cmpi slt, %add3A_611, %add3A_33 : i32
        %convert_element_type3A_613 = arith.extui %lt3A_612 : i1 to i32
        %cond3A_614 = arith.constant 0 : i32
        %cond3A_615 = arith.cmpi ne, %convert_element_type3A_613, %cond3A_614 : i32
        scf.if %cond3A_615 {
          %ge3A = arith.constant 2 : i32
          %ge3A_628 = arith.cmpi sge, %while3A_473, %ge3A : i32
          %convert_element_type3A_629 = arith.extui %ge3A_628 : i1 to i32
          %cond3A_630 = arith.constant 0 : i32
          %cond3A_631 = arith.cmpi ne, %convert_element_type3A_629, %cond3A_630 : i32
          scf.if %cond3A_631 {
            %dma_wait3A_639 = arith.constant 0 : i32
            %dma_wait3A_640 = arith.constant 0 : i32
            %dma_wait3A_641 = tpu.memref_slice %arg40[%dma_wait3A_639, %dma_wait3A_640] : memref<10000x128xf32, #tpu.memory_space<vmem_shared>> -> memref<10000x128xf32, #tpu.memory_space<vmem_shared>>
            tpu.wait_indirect_dma semaphore(%arg39 : memref<!tpu.dma_semaphore, #tpu.memory_space<semaphore_mem>>) src(%arg21 : memref<128x128xf32, #tpu.memory_space<vmem>>) dst(%dma_wait3A_641 : memref<10000x128xf32, #tpu.memory_space<vmem_shared>>)
          } else {
          }
          %dma_wait3A_632 = tpu.memref_slice %arg2[%add3A_478] : memref<320000xi32, #tpu.memory_space<hbm>> -> memref<128xi32, #tpu.memory_space<hbm>>
          %dma_wait3A_633 = tpu.memref_slice %arg2[%add3A_478] : memref<320000xi32, #tpu.memory_space<hbm>> -> memref<128xi32, #tpu.memory_space<hbm>>
          tpu.wait_dma2 semaphore(%arg32 : memref<!tpu.dma_semaphore, #tpu.memory_space<semaphore_mem>>) src(%dma_wait3A_633 : memref<128xi32, #tpu.memory_space<hbm>>) dst(%arg17 : memref<128xi32, #tpu.memory_space<vmem>>)
          %dma_wait3A_634 = tpu.memref_slice %arg3[%add3A_478] : memref<320000xi32, #tpu.memory_space<hbm>> -> memref<128xi32, #tpu.memory_space<hbm>>
          %dma_wait3A_635 = tpu.memref_slice %arg3[%add3A_478] : memref<320000xi32, #tpu.memory_space<hbm>> -> memref<128xi32, #tpu.memory_space<hbm>>
          tpu.wait_dma2 semaphore(%arg33 : memref<!tpu.dma_semaphore, #tpu.memory_space<semaphore_mem>>) src(%dma_wait3A_635 : memref<128xi32, #tpu.memory_space<hbm>>) dst(%arg18 : memref<128xi32, #tpu.memory_space<vmem>>)
          %dma_start3A_636 = arith.constant 0 : i32
          %dma_start3A_637 = arith.constant 0 : i32
          %dma_start3A_638 = tpu.memref_slice %arg4[%dma_start3A_636, %dma_start3A_637] : memref<10000x128xf32, #tpu.memory_space<hbm>> -> memref<10000x128xf32, #tpu.memory_space<hbm>>
          tpu.enqueue_indirect_dma source(%dma_start3A_638 : memref<10000x128xf32, #tpu.memory_space<hbm>>) target(%arg21 : memref<128x128xf32, #tpu.memory_space<vmem>>) offsets(%arg17 : memref<128xi32, #tpu.memory_space<vmem>>) semaphore(%arg36 : memref<!tpu.dma_semaphore, #tpu.memory_space<semaphore_mem>>)
        } else {
        }
        %add3A_616 = arith.constant 2 : i32
        %add3A_617 = arith.addi %while3A_473, %add3A_616 : i32
        %lt3A_618 = arith.cmpi slt, %add3A_617, %add3A_33 : i32
        %convert_element_type3A_619 = arith.extui %lt3A_618 : i1 to i32
        %cond3A_620 = arith.constant 0 : i32
        %cond3A_621 = arith.cmpi ne, %convert_element_type3A_619, %cond3A_620 : i32
        scf.if %cond3A_621 {
          %dma_start3A_628 = tpu.memref_slice %arg2[%add3A_483] : memref<320000xi32, #tpu.memory_space<hbm>> -> memref<128xi32, #tpu.memory_space<hbm>>
          %dma_start3A_629 = tpu.memref_slice %arg2[%add3A_483] : memref<320000xi32, #tpu.memory_space<hbm>> -> memref<128xi32, #tpu.memory_space<hbm>>
          tpu.enqueue_dma source(%dma_start3A_629 : memref<128xi32, #tpu.memory_space<hbm>>) target(%arg7 : memref<128xi32, #tpu.memory_space<vmem>>) target_semaphore(%arg22 : memref<!tpu.dma_semaphore, #tpu.memory_space<semaphore_mem>>)
          %dma_start3A_630 = tpu.memref_slice %arg3[%add3A_483] : memref<320000xi32, #tpu.memory_space<hbm>> -> memref<128xi32, #tpu.memory_space<hbm>>
          %dma_start3A_631 = tpu.memref_slice %arg3[%add3A_483] : memref<320000xi32, #tpu.memory_space<hbm>> -> memref<128xi32, #tpu.memory_space<hbm>>
          tpu.enqueue_dma source(%dma_start3A_631 : memref<128xi32, #tpu.memory_space<hbm>>) target(%arg8 : memref<128xi32, #tpu.memory_space<vmem>>) target_semaphore(%arg23 : memref<!tpu.dma_semaphore, #tpu.memory_space<semaphore_mem>>)
        } else {
        }
        %dma_wait3A_622 = arith.constant 0 : i32
        %dma_wait3A_623 = arith.constant 0 : i32
        %dma_wait3A_624 = tpu.memref_slice %arg4[%dma_wait3A_622, %dma_wait3A_623] : memref<10000x128xf32, #tpu.memory_space<hbm>> -> memref<10000x128xf32, #tpu.memory_space<hbm>>
        tpu.wait_indirect_dma semaphore(%arg35 : memref<!tpu.dma_semaphore, #tpu.memory_space<semaphore_mem>>) src(%dma_wait3A_624 : memref<10000x128xf32, #tpu.memory_space<hbm>>) dst(%arg20 : memref<128x128xf32, #tpu.memory_space<vmem>>)
        %dma_start3A_625 = arith.constant 0 : i32
        %dma_start3A_626 = arith.constant 0 : i32
        %dma_start3A_627 = tpu.memref_slice %arg40[%dma_start3A_625, %dma_start3A_626] : memref<10000x128xf32, #tpu.memory_space<vmem_shared>> -> memref<10000x128xf32, #tpu.memory_space<vmem_shared>>
        tpu.enqueue_indirect_dma source(%arg20 : memref<128x128xf32, #tpu.memory_space<vmem>>) target(%dma_start3A_627 : memref<10000x128xf32, #tpu.memory_space<vmem_shared>>) offsets(%arg16 : memref<128xi32, #tpu.memory_space<vmem>>) semaphore(%arg38 : memref<!tpu.dma_semaphore, #tpu.memory_space<semaphore_mem>>) {add = true}
      } else {
      }
      %jit3A_589 = arith.constant 6 : i32
      %eq3A_590 = arith.constant 0 : i32
      %eq3A_591 = arith.cmpi eq, %jit3A_589, %eq3A_590 : i32
      %jit3A_592 = arith.constant 1 : i32
      %select_n3A_593 = arith.select %eq3A_591, %jit3A_592, %jit3A_589 : i32
      %rem3A_594 = arith.remsi %while3A_473, %select_n3A_593 : i32
      %ne3A_595 = arith.constant 0 : i32
      %ne3A_596 = arith.cmpi ne, %rem3A_594, %ne3A_595 : i32
      %lt3A_597 = arith.constant 0 : i32
      %lt3A_598 = arith.cmpi slt, %rem3A_594, %lt3A_597 : i32
      %lt3A_599 = arith.constant 0 : i32
      %lt3A_600 = arith.cmpi slt, %select_n3A_593, %lt3A_599 : i32
      %ne3A_601 = arith.xori %lt3A_598, %lt3A_600 : i1
      %and3A_602 = arith.andi %ne3A_601, %ne3A_596 : i1
      %add3A_603 = arith.addi %rem3A_594, %select_n3A_593 : i32
      %select_n3A_604 = arith.select %and3A_602, %add3A_603, %rem3A_594 : i32
      %eq3A_605 = arith.constant 5 : i32
      %eq3A_606 = arith.cmpi eq, %select_n3A_604, %eq3A_605 : i32
      %convert_element_type3A_607 = arith.extui %eq3A_606 : i1 to i32
      %cond3A_608 = arith.constant 0 : i32
      %cond3A_609 = arith.cmpi ne, %convert_element_type3A_607, %cond3A_608 : i32
      scf.if %cond3A_609 {
        %add3A_610 = arith.constant 1 : i32
        %add3A_611 = arith.addi %while3A_473, %add3A_610 : i32
        %lt3A_612 = arith.cmpi slt, %add3A_611, %add3A_33 : i32
        %convert_element_type3A_613 = arith.extui %lt3A_612 : i1 to i32
        %cond3A_614 = arith.constant 0 : i32
        %cond3A_615 = arith.cmpi ne, %convert_element_type3A_613, %cond3A_614 : i32
        scf.if %cond3A_615 {
          %ge3A = arith.constant 2 : i32
          %ge3A_628 = arith.cmpi sge, %while3A_473, %ge3A : i32
          %convert_element_type3A_629 = arith.extui %ge3A_628 : i1 to i32
          %cond3A_630 = arith.constant 0 : i32
          %cond3A_631 = arith.cmpi ne, %convert_element_type3A_629, %cond3A_630 : i32
          scf.if %cond3A_631 {
            %dma_wait3A_639 = arith.constant 0 : i32
            %dma_wait3A_640 = arith.constant 0 : i32
            %dma_wait3A_641 = tpu.memref_slice %arg40[%dma_wait3A_639, %dma_wait3A_640] : memref<10000x128xf32, #tpu.memory_space<vmem_shared>> -> memref<10000x128xf32, #tpu.memory_space<vmem_shared>>
            tpu.wait_indirect_dma semaphore(%arg37 : memref<!tpu.dma_semaphore, #tpu.memory_space<semaphore_mem>>) src(%arg19 : memref<128x128xf32, #tpu.memory_space<vmem>>) dst(%dma_wait3A_641 : memref<10000x128xf32, #tpu.memory_space<vmem_shared>>)
          } else {
          }
          %dma_wait3A_632 = tpu.memref_slice %arg2[%add3A_478] : memref<320000xi32, #tpu.memory_space<hbm>> -> memref<128xi32, #tpu.memory_space<hbm>>
          %dma_wait3A_633 = tpu.memref_slice %arg2[%add3A_478] : memref<320000xi32, #tpu.memory_space<hbm>> -> memref<128xi32, #tpu.memory_space<hbm>>
          tpu.wait_dma2 semaphore(%arg22 : memref<!tpu.dma_semaphore, #tpu.memory_space<semaphore_mem>>) src(%dma_wait3A_633 : memref<128xi32, #tpu.memory_space<hbm>>) dst(%arg7 : memref<128xi32, #tpu.memory_space<vmem>>)
          %dma_wait3A_634 = tpu.memref_slice %arg3[%add3A_478] : memref<320000xi32, #tpu.memory_space<hbm>> -> memref<128xi32, #tpu.memory_space<hbm>>
          %dma_wait3A_635 = tpu.memref_slice %arg3[%add3A_478] : memref<320000xi32, #tpu.memory_space<hbm>> -> memref<128xi32, #tpu.memory_space<hbm>>
          tpu.wait_dma2 semaphore(%arg23 : memref<!tpu.dma_semaphore, #tpu.memory_space<semaphore_mem>>) src(%dma_wait3A_635 : memref<128xi32, #tpu.memory_space<hbm>>) dst(%arg8 : memref<128xi32, #tpu.memory_space<vmem>>)
          %dma_start3A_636 = arith.constant 0 : i32
          %dma_start3A_637 = arith.constant 0 : i32
          %dma_start3A_638 = tpu.memref_slice %arg4[%dma_start3A_636, %dma_start3A_637] : memref<10000x128xf32, #tpu.memory_space<hbm>> -> memref<10000x128xf32, #tpu.memory_space<hbm>>
          tpu.enqueue_indirect_dma source(%dma_start3A_638 : memref<10000x128xf32, #tpu.memory_space<hbm>>) target(%arg19 : memref<128x128xf32, #tpu.memory_space<vmem>>) offsets(%arg7 : memref<128xi32, #tpu.memory_space<vmem>>) semaphore(%arg34 : memref<!tpu.dma_semaphore, #tpu.memory_space<semaphore_mem>>)
        } else {
        }
        %add3A_616 = arith.constant 2 : i32
        %add3A_617 = arith.addi %while3A_473, %add3A_616 : i32
        %lt3A_618 = arith.cmpi slt, %add3A_617, %add3A_33 : i32
        %convert_element_type3A_619 = arith.extui %lt3A_618 : i1 to i32
        %cond3A_620 = arith.constant 0 : i32
        %cond3A_621 = arith.cmpi ne, %convert_element_type3A_619, %cond3A_620 : i32
        scf.if %cond3A_621 {
          %dma_start3A_628 = tpu.memref_slice %arg2[%add3A_483] : memref<320000xi32, #tpu.memory_space<hbm>> -> memref<128xi32, #tpu.memory_space<hbm>>
          %dma_start3A_629 = tpu.memref_slice %arg2[%add3A_483] : memref<320000xi32, #tpu.memory_space<hbm>> -> memref<128xi32, #tpu.memory_space<hbm>>
          tpu.enqueue_dma source(%dma_start3A_629 : memref<128xi32, #tpu.memory_space<hbm>>) target(%arg9 : memref<128xi32, #tpu.memory_space<vmem>>) target_semaphore(%arg24 : memref<!tpu.dma_semaphore, #tpu.memory_space<semaphore_mem>>)
          %dma_start3A_630 = tpu.memref_slice %arg3[%add3A_483] : memref<320000xi32, #tpu.memory_space<hbm>> -> memref<128xi32, #tpu.memory_space<hbm>>
          %dma_start3A_631 = tpu.memref_slice %arg3[%add3A_483] : memref<320000xi32, #tpu.memory_space<hbm>> -> memref<128xi32, #tpu.memory_space<hbm>>
          tpu.enqueue_dma source(%dma_start3A_631 : memref<128xi32, #tpu.memory_space<hbm>>) target(%arg10 : memref<128xi32, #tpu.memory_space<vmem>>) target_semaphore(%arg25 : memref<!tpu.dma_semaphore, #tpu.memory_space<semaphore_mem>>)
        } else {
        }
        %dma_wait3A_622 = arith.constant 0 : i32
        %dma_wait3A_623 = arith.constant 0 : i32
        %dma_wait3A_624 = tpu.memref_slice %arg4[%dma_wait3A_622, %dma_wait3A_623] : memref<10000x128xf32, #tpu.memory_space<hbm>> -> memref<10000x128xf32, #tpu.memory_space<hbm>>
        tpu.wait_indirect_dma semaphore(%arg36 : memref<!tpu.dma_semaphore, #tpu.memory_space<semaphore_mem>>) src(%dma_wait3A_624 : memref<10000x128xf32, #tpu.memory_space<hbm>>) dst(%arg21 : memref<128x128xf32, #tpu.memory_space<vmem>>)
        %dma_start3A_625 = arith.constant 0 : i32
        %dma_start3A_626 = arith.constant 0 : i32
        %dma_start3A_627 = tpu.memref_slice %arg40[%dma_start3A_625, %dma_start3A_626] : memref<10000x128xf32, #tpu.memory_space<vmem_shared>> -> memref<10000x128xf32, #tpu.memory_space<vmem_shared>>
        tpu.enqueue_indirect_dma source(%arg21 : memref<128x128xf32, #tpu.memory_space<vmem>>) target(%dma_start3A_627 : memref<10000x128xf32, #tpu.memory_space<vmem_shared>>) offsets(%arg18 : memref<128xi32, #tpu.memory_space<vmem>>) semaphore(%arg39 : memref<!tpu.dma_semaphore, #tpu.memory_space<semaphore_mem>>) {add = true}
      } else {
      }
    }
    %sub3A = arith.constant 3 : i32
    %sub3A_74 = arith.subi %add3A_33, %sub3A : i32
    %add3A_75 = arith.constant 0 : i32
    %add3A_76 = arith.addi %sub3A_74, %add3A_75 : i32
    %jit3A = arith.constant 6 : i32
    %eq3A_77 = arith.constant 0 : i32
    %eq3A_78 = arith.cmpi eq, %jit3A, %eq3A_77 : i32
    %jit3A_79 = arith.constant 1 : i32
    %select_n3A = arith.select %eq3A_78, %jit3A_79, %jit3A : i32
    %rem3A = arith.remsi %add3A_76, %select_n3A : i32
    %ne3A = arith.constant 0 : i32
    %ne3A_80 = arith.cmpi ne, %rem3A, %ne3A : i32
    %lt3A_81 = arith.constant 0 : i32
    %lt3A_82 = arith.cmpi slt, %rem3A, %lt3A_81 : i32
    %lt3A_83 = arith.constant 0 : i32
    %lt3A_84 = arith.cmpi slt, %select_n3A, %lt3A_83 : i32
    %ne3A_85 = arith.xori %lt3A_82, %lt3A_84 : i1
    %and3A = arith.andi %ne3A_85, %ne3A_80 : i1
    %add3A_86 = arith.addi %rem3A, %select_n3A : i32
    %select_n3A_87 = arith.select %and3A, %add3A_86, %rem3A : i32
    %eq3A_88 = arith.constant 0 : i32
    %eq3A_89 = arith.cmpi eq, %select_n3A_87, %eq3A_88 : i32
    %convert_element_type3A_90 = arith.extui %eq3A_89 : i1 to i32
    %cond3A_91 = arith.constant 0 : i32
    %cond3A_92 = arith.cmpi ne, %convert_element_type3A_90, %cond3A_91 : i32
    scf.if %cond3A_92 {
      %dma_wait3A_473 = arith.constant 0 : i32
      %dma_wait3A_474 = arith.constant 0 : i32
      %dma_wait3A_475 = tpu.memref_slice %arg40[%dma_wait3A_473, %dma_wait3A_474] : memref<10000x128xf32, #tpu.memory_space<vmem_shared>> -> memref<10000x128xf32, #tpu.memory_space<vmem_shared>>
      tpu.wait_indirect_dma semaphore(%arg37 : memref<!tpu.dma_semaphore, #tpu.memory_space<semaphore_mem>>) src(%arg19 : memref<128x128xf32, #tpu.memory_space<vmem>>) dst(%dma_wait3A_475 : memref<10000x128xf32, #tpu.memory_space<vmem_shared>>)
    } else {
    }
    %jit3A_93 = arith.constant 6 : i32
    %eq3A_94 = arith.constant 0 : i32
    %eq3A_95 = arith.cmpi eq, %jit3A_93, %eq3A_94 : i32
    %jit3A_96 = arith.constant 1 : i32
    %select_n3A_97 = arith.select %eq3A_95, %jit3A_96, %jit3A_93 : i32
    %rem3A_98 = arith.remsi %add3A_76, %select_n3A_97 : i32
    %ne3A_99 = arith.constant 0 : i32
    %ne3A_100 = arith.cmpi ne, %rem3A_98, %ne3A_99 : i32
    %lt3A_101 = arith.constant 0 : i32
    %lt3A_102 = arith.cmpi slt, %rem3A_98, %lt3A_101 : i32
    %lt3A_103 = arith.constant 0 : i32
    %lt3A_104 = arith.cmpi slt, %select_n3A_97, %lt3A_103 : i32
    %ne3A_105 = arith.xori %lt3A_102, %lt3A_104 : i1
    %and3A_106 = arith.andi %ne3A_105, %ne3A_100 : i1
    %add3A_107 = arith.addi %rem3A_98, %select_n3A_97 : i32
    %select_n3A_108 = arith.select %and3A_106, %add3A_107, %rem3A_98 : i32
    %eq3A_109 = arith.constant 1 : i32
    %eq3A_110 = arith.cmpi eq, %select_n3A_108, %eq3A_109 : i32
    %convert_element_type3A_111 = arith.extui %eq3A_110 : i1 to i32
    %cond3A_112 = arith.constant 0 : i32
    %cond3A_113 = arith.cmpi ne, %convert_element_type3A_111, %cond3A_112 : i32
    scf.if %cond3A_113 {
      %dma_wait3A_473 = arith.constant 0 : i32
      %dma_wait3A_474 = arith.constant 0 : i32
      %dma_wait3A_475 = tpu.memref_slice %arg40[%dma_wait3A_473, %dma_wait3A_474] : memref<10000x128xf32, #tpu.memory_space<vmem_shared>> -> memref<10000x128xf32, #tpu.memory_space<vmem_shared>>
      tpu.wait_indirect_dma semaphore(%arg38 : memref<!tpu.dma_semaphore, #tpu.memory_space<semaphore_mem>>) src(%arg20 : memref<128x128xf32, #tpu.memory_space<vmem>>) dst(%dma_wait3A_475 : memref<10000x128xf32, #tpu.memory_space<vmem_shared>>)
    } else {
    }
    %jit3A_114 = arith.constant 6 : i32
    %eq3A_115 = arith.constant 0 : i32
    %eq3A_116 = arith.cmpi eq, %jit3A_114, %eq3A_115 : i32
    %jit3A_117 = arith.constant 1 : i32
    %select_n3A_118 = arith.select %eq3A_116, %jit3A_117, %jit3A_114 : i32
    %rem3A_119 = arith.remsi %add3A_76, %select_n3A_118 : i32
    %ne3A_120 = arith.constant 0 : i32
    %ne3A_121 = arith.cmpi ne, %rem3A_119, %ne3A_120 : i32
    %lt3A_122 = arith.constant 0 : i32
    %lt3A_123 = arith.cmpi slt, %rem3A_119, %lt3A_122 : i32
    %lt3A_124 = arith.constant 0 : i32
    %lt3A_125 = arith.cmpi slt, %select_n3A_118, %lt3A_124 : i32
    %ne3A_126 = arith.xori %lt3A_123, %lt3A_125 : i1
    %and3A_127 = arith.andi %ne3A_126, %ne3A_121 : i1
    %add3A_128 = arith.addi %rem3A_119, %select_n3A_118 : i32
    %select_n3A_129 = arith.select %and3A_127, %add3A_128, %rem3A_119 : i32
    %eq3A_130 = arith.constant 2 : i32
    %eq3A_131 = arith.cmpi eq, %select_n3A_129, %eq3A_130 : i32
    %convert_element_type3A_132 = arith.extui %eq3A_131 : i1 to i32
    %cond3A_133 = arith.constant 0 : i32
    %cond3A_134 = arith.cmpi ne, %convert_element_type3A_132, %cond3A_133 : i32
    scf.if %cond3A_134 {
      %dma_wait3A_473 = arith.constant 0 : i32
      %dma_wait3A_474 = arith.constant 0 : i32
      %dma_wait3A_475 = tpu.memref_slice %arg40[%dma_wait3A_473, %dma_wait3A_474] : memref<10000x128xf32, #tpu.memory_space<vmem_shared>> -> memref<10000x128xf32, #tpu.memory_space<vmem_shared>>
      tpu.wait_indirect_dma semaphore(%arg39 : memref<!tpu.dma_semaphore, #tpu.memory_space<semaphore_mem>>) src(%arg21 : memref<128x128xf32, #tpu.memory_space<vmem>>) dst(%dma_wait3A_475 : memref<10000x128xf32, #tpu.memory_space<vmem_shared>>)
    } else {
    }
    %jit3A_135 = arith.constant 6 : i32
    %eq3A_136 = arith.constant 0 : i32
    %eq3A_137 = arith.cmpi eq, %jit3A_135, %eq3A_136 : i32
    %jit3A_138 = arith.constant 1 : i32
    %select_n3A_139 = arith.select %eq3A_137, %jit3A_138, %jit3A_135 : i32
    %rem3A_140 = arith.remsi %add3A_76, %select_n3A_139 : i32
    %ne3A_141 = arith.constant 0 : i32
    %ne3A_142 = arith.cmpi ne, %rem3A_140, %ne3A_141 : i32
    %lt3A_143 = arith.constant 0 : i32
    %lt3A_144 = arith.cmpi slt, %rem3A_140, %lt3A_143 : i32
    %lt3A_145 = arith.constant 0 : i32
    %lt3A_146 = arith.cmpi slt, %select_n3A_139, %lt3A_145 : i32
    %ne3A_147 = arith.xori %lt3A_144, %lt3A_146 : i1
    %and3A_148 = arith.andi %ne3A_147, %ne3A_142 : i1
    %add3A_149 = arith.addi %rem3A_140, %select_n3A_139 : i32
    %select_n3A_150 = arith.select %and3A_148, %add3A_149, %rem3A_140 : i32
    %eq3A_151 = arith.constant 3 : i32
    %eq3A_152 = arith.cmpi eq, %select_n3A_150, %eq3A_151 : i32
    %convert_element_type3A_153 = arith.extui %eq3A_152 : i1 to i32
    %cond3A_154 = arith.constant 0 : i32
    %cond3A_155 = arith.cmpi ne, %convert_element_type3A_153, %cond3A_154 : i32
    scf.if %cond3A_155 {
      %dma_wait3A_473 = arith.constant 0 : i32
      %dma_wait3A_474 = arith.constant 0 : i32
      %dma_wait3A_475 = tpu.memref_slice %arg40[%dma_wait3A_473, %dma_wait3A_474] : memref<10000x128xf32, #tpu.memory_space<vmem_shared>> -> memref<10000x128xf32, #tpu.memory_space<vmem_shared>>
      tpu.wait_indirect_dma semaphore(%arg37 : memref<!tpu.dma_semaphore, #tpu.memory_space<semaphore_mem>>) src(%arg19 : memref<128x128xf32, #tpu.memory_space<vmem>>) dst(%dma_wait3A_475 : memref<10000x128xf32, #tpu.memory_space<vmem_shared>>)
    } else {
    }
    %jit3A_156 = arith.constant 6 : i32
    %eq3A_157 = arith.constant 0 : i32
    %eq3A_158 = arith.cmpi eq, %jit3A_156, %eq3A_157 : i32
    %jit3A_159 = arith.constant 1 : i32
    %select_n3A_160 = arith.select %eq3A_158, %jit3A_159, %jit3A_156 : i32
    %rem3A_161 = arith.remsi %add3A_76, %select_n3A_160 : i32
    %ne3A_162 = arith.constant 0 : i32
    %ne3A_163 = arith.cmpi ne, %rem3A_161, %ne3A_162 : i32
    %lt3A_164 = arith.constant 0 : i32
    %lt3A_165 = arith.cmpi slt, %rem3A_161, %lt3A_164 : i32
    %lt3A_166 = arith.constant 0 : i32
    %lt3A_167 = arith.cmpi slt, %select_n3A_160, %lt3A_166 : i32
    %ne3A_168 = arith.xori %lt3A_165, %lt3A_167 : i1
    %and3A_169 = arith.andi %ne3A_168, %ne3A_163 : i1
    %add3A_170 = arith.addi %rem3A_161, %select_n3A_160 : i32
    %select_n3A_171 = arith.select %and3A_169, %add3A_170, %rem3A_161 : i32
    %eq3A_172 = arith.constant 4 : i32
    %eq3A_173 = arith.cmpi eq, %select_n3A_171, %eq3A_172 : i32
    %convert_element_type3A_174 = arith.extui %eq3A_173 : i1 to i32
    %cond3A_175 = arith.constant 0 : i32
    %cond3A_176 = arith.cmpi ne, %convert_element_type3A_174, %cond3A_175 : i32
    scf.if %cond3A_176 {
      %dma_wait3A_473 = arith.constant 0 : i32
      %dma_wait3A_474 = arith.constant 0 : i32
      %dma_wait3A_475 = tpu.memref_slice %arg40[%dma_wait3A_473, %dma_wait3A_474] : memref<10000x128xf32, #tpu.memory_space<vmem_shared>> -> memref<10000x128xf32, #tpu.memory_space<vmem_shared>>
      tpu.wait_indirect_dma semaphore(%arg38 : memref<!tpu.dma_semaphore, #tpu.memory_space<semaphore_mem>>) src(%arg20 : memref<128x128xf32, #tpu.memory_space<vmem>>) dst(%dma_wait3A_475 : memref<10000x128xf32, #tpu.memory_space<vmem_shared>>)
    } else {
    }
    %jit3A_177 = arith.constant 6 : i32
    %eq3A_178 = arith.constant 0 : i32
    %eq3A_179 = arith.cmpi eq, %jit3A_177, %eq3A_178 : i32
    %jit3A_180 = arith.constant 1 : i32
    %select_n3A_181 = arith.select %eq3A_179, %jit3A_180, %jit3A_177 : i32
    %rem3A_182 = arith.remsi %add3A_76, %select_n3A_181 : i32
    %ne3A_183 = arith.constant 0 : i32
    %ne3A_184 = arith.cmpi ne, %rem3A_182, %ne3A_183 : i32
    %lt3A_185 = arith.constant 0 : i32
    %lt3A_186 = arith.cmpi slt, %rem3A_182, %lt3A_185 : i32
    %lt3A_187 = arith.constant 0 : i32
    %lt3A_188 = arith.cmpi slt, %select_n3A_181, %lt3A_187 : i32
    %ne3A_189 = arith.xori %lt3A_186, %lt3A_188 : i1
    %and3A_190 = arith.andi %ne3A_189, %ne3A_184 : i1
    %add3A_191 = arith.addi %rem3A_182, %select_n3A_181 : i32
    %select_n3A_192 = arith.select %and3A_190, %add3A_191, %rem3A_182 : i32
    %eq3A_193 = arith.constant 5 : i32
    %eq3A_194 = arith.cmpi eq, %select_n3A_192, %eq3A_193 : i32
    %convert_element_type3A_195 = arith.extui %eq3A_194 : i1 to i32
    %cond3A_196 = arith.constant 0 : i32
    %cond3A_197 = arith.cmpi ne, %convert_element_type3A_195, %cond3A_196 : i32
    scf.if %cond3A_197 {
      %dma_wait3A_473 = arith.constant 0 : i32
      %dma_wait3A_474 = arith.constant 0 : i32
      %dma_wait3A_475 = tpu.memref_slice %arg40[%dma_wait3A_473, %dma_wait3A_474] : memref<10000x128xf32, #tpu.memory_space<vmem_shared>> -> memref<10000x128xf32, #tpu.memory_space<vmem_shared>>
      tpu.wait_indirect_dma semaphore(%arg39 : memref<!tpu.dma_semaphore, #tpu.memory_space<semaphore_mem>>) src(%arg21 : memref<128x128xf32, #tpu.memory_space<vmem>>) dst(%dma_wait3A_475 : memref<10000x128xf32, #tpu.memory_space<vmem_shared>>)
    } else {
    }
    %sub3A_198 = arith.constant 3 : i32
    %sub3A_199 = arith.subi %add3A_33, %sub3A_198 : i32
    %add3A_200 = arith.constant 1 : i32
    %add3A_201 = arith.addi %sub3A_199, %add3A_200 : i32
    %jit3A_202 = arith.constant 6 : i32
    %eq3A_203 = arith.constant 0 : i32
    %eq3A_204 = arith.cmpi eq, %jit3A_202, %eq3A_203 : i32
    %jit3A_205 = arith.constant 1 : i32
    %select_n3A_206 = arith.select %eq3A_204, %jit3A_205, %jit3A_202 : i32
    %rem3A_207 = arith.remsi %add3A_201, %select_n3A_206 : i32
    %ne3A_208 = arith.constant 0 : i32
    %ne3A_209 = arith.cmpi ne, %rem3A_207, %ne3A_208 : i32
    %lt3A_210 = arith.constant 0 : i32
    %lt3A_211 = arith.cmpi slt, %rem3A_207, %lt3A_210 : i32
    %lt3A_212 = arith.constant 0 : i32
    %lt3A_213 = arith.cmpi slt, %select_n3A_206, %lt3A_212 : i32
    %ne3A_214 = arith.xori %lt3A_211, %lt3A_213 : i1
    %and3A_215 = arith.andi %ne3A_214, %ne3A_209 : i1
    %add3A_216 = arith.addi %rem3A_207, %select_n3A_206 : i32
    %select_n3A_217 = arith.select %and3A_215, %add3A_216, %rem3A_207 : i32
    %eq3A_218 = arith.constant 0 : i32
    %eq3A_219 = arith.cmpi eq, %select_n3A_217, %eq3A_218 : i32
    %convert_element_type3A_220 = arith.extui %eq3A_219 : i1 to i32
    %cond3A_221 = arith.constant 0 : i32
    %cond3A_222 = arith.cmpi ne, %convert_element_type3A_220, %cond3A_221 : i32
    scf.if %cond3A_222 {
      %dma_wait3A_473 = arith.constant 0 : i32
      %dma_wait3A_474 = arith.constant 0 : i32
      %dma_wait3A_475 = tpu.memref_slice %arg40[%dma_wait3A_473, %dma_wait3A_474] : memref<10000x128xf32, #tpu.memory_space<vmem_shared>> -> memref<10000x128xf32, #tpu.memory_space<vmem_shared>>
      tpu.wait_indirect_dma semaphore(%arg37 : memref<!tpu.dma_semaphore, #tpu.memory_space<semaphore_mem>>) src(%arg19 : memref<128x128xf32, #tpu.memory_space<vmem>>) dst(%dma_wait3A_475 : memref<10000x128xf32, #tpu.memory_space<vmem_shared>>)
    } else {
    }
    %jit3A_223 = arith.constant 6 : i32
    %eq3A_224 = arith.constant 0 : i32
    %eq3A_225 = arith.cmpi eq, %jit3A_223, %eq3A_224 : i32
    %jit3A_226 = arith.constant 1 : i32
    %select_n3A_227 = arith.select %eq3A_225, %jit3A_226, %jit3A_223 : i32
    %rem3A_228 = arith.remsi %add3A_201, %select_n3A_227 : i32
    %ne3A_229 = arith.constant 0 : i32
    %ne3A_230 = arith.cmpi ne, %rem3A_228, %ne3A_229 : i32
    %lt3A_231 = arith.constant 0 : i32
    %lt3A_232 = arith.cmpi slt, %rem3A_228, %lt3A_231 : i32
    %lt3A_233 = arith.constant 0 : i32
    %lt3A_234 = arith.cmpi slt, %select_n3A_227, %lt3A_233 : i32
    %ne3A_235 = arith.xori %lt3A_232, %lt3A_234 : i1
    %and3A_236 = arith.andi %ne3A_235, %ne3A_230 : i1
    %add3A_237 = arith.addi %rem3A_228, %select_n3A_227 : i32
    %select_n3A_238 = arith.select %and3A_236, %add3A_237, %rem3A_228 : i32
    %eq3A_239 = arith.constant 1 : i32
    %eq3A_240 = arith.cmpi eq, %select_n3A_238, %eq3A_239 : i32
    %convert_element_type3A_241 = arith.extui %eq3A_240 : i1 to i32
    %cond3A_242 = arith.constant 0 : i32
    %cond3A_243 = arith.cmpi ne, %convert_element_type3A_241, %cond3A_242 : i32
    scf.if %cond3A_243 {
      %dma_wait3A_473 = arith.constant 0 : i32
      %dma_wait3A_474 = arith.constant 0 : i32
      %dma_wait3A_475 = tpu.memref_slice %arg40[%dma_wait3A_473, %dma_wait3A_474] : memref<10000x128xf32, #tpu.memory_space<vmem_shared>> -> memref<10000x128xf32, #tpu.memory_space<vmem_shared>>
      tpu.wait_indirect_dma semaphore(%arg38 : memref<!tpu.dma_semaphore, #tpu.memory_space<semaphore_mem>>) src(%arg20 : memref<128x128xf32, #tpu.memory_space<vmem>>) dst(%dma_wait3A_475 : memref<10000x128xf32, #tpu.memory_space<vmem_shared>>)
    } else {
    }
    %jit3A_244 = arith.constant 6 : i32
    %eq3A_245 = arith.constant 0 : i32
    %eq3A_246 = arith.cmpi eq, %jit3A_244, %eq3A_245 : i32
    %jit3A_247 = arith.constant 1 : i32
    %select_n3A_248 = arith.select %eq3A_246, %jit3A_247, %jit3A_244 : i32
    %rem3A_249 = arith.remsi %add3A_201, %select_n3A_248 : i32
    %ne3A_250 = arith.constant 0 : i32
    %ne3A_251 = arith.cmpi ne, %rem3A_249, %ne3A_250 : i32
    %lt3A_252 = arith.constant 0 : i32
    %lt3A_253 = arith.cmpi slt, %rem3A_249, %lt3A_252 : i32
    %lt3A_254 = arith.constant 0 : i32
    %lt3A_255 = arith.cmpi slt, %select_n3A_248, %lt3A_254 : i32
    %ne3A_256 = arith.xori %lt3A_253, %lt3A_255 : i1
    %and3A_257 = arith.andi %ne3A_256, %ne3A_251 : i1
    %add3A_258 = arith.addi %rem3A_249, %select_n3A_248 : i32
    %select_n3A_259 = arith.select %and3A_257, %add3A_258, %rem3A_249 : i32
    %eq3A_260 = arith.constant 2 : i32
    %eq3A_261 = arith.cmpi eq, %select_n3A_259, %eq3A_260 : i32
    %convert_element_type3A_262 = arith.extui %eq3A_261 : i1 to i32
    %cond3A_263 = arith.constant 0 : i32
    %cond3A_264 = arith.cmpi ne, %convert_element_type3A_262, %cond3A_263 : i32
    scf.if %cond3A_264 {
      %dma_wait3A_473 = arith.constant 0 : i32
      %dma_wait3A_474 = arith.constant 0 : i32
      %dma_wait3A_475 = tpu.memref_slice %arg40[%dma_wait3A_473, %dma_wait3A_474] : memref<10000x128xf32, #tpu.memory_space<vmem_shared>> -> memref<10000x128xf32, #tpu.memory_space<vmem_shared>>
      tpu.wait_indirect_dma semaphore(%arg39 : memref<!tpu.dma_semaphore, #tpu.memory_space<semaphore_mem>>) src(%arg21 : memref<128x128xf32, #tpu.memory_space<vmem>>) dst(%dma_wait3A_475 : memref<10000x128xf32, #tpu.memory_space<vmem_shared>>)
    } else {
    }
    %jit3A_265 = arith.constant 6 : i32
    %eq3A_266 = arith.constant 0 : i32
    %eq3A_267 = arith.cmpi eq, %jit3A_265, %eq3A_266 : i32
    %jit3A_268 = arith.constant 1 : i32
    %select_n3A_269 = arith.select %eq3A_267, %jit3A_268, %jit3A_265 : i32
    %rem3A_270 = arith.remsi %add3A_201, %select_n3A_269 : i32
    %ne3A_271 = arith.constant 0 : i32
    %ne3A_272 = arith.cmpi ne, %rem3A_270, %ne3A_271 : i32
    %lt3A_273 = arith.constant 0 : i32
    %lt3A_274 = arith.cmpi slt, %rem3A_270, %lt3A_273 : i32
    %lt3A_275 = arith.constant 0 : i32
    %lt3A_276 = arith.cmpi slt, %select_n3A_269, %lt3A_275 : i32
    %ne3A_277 = arith.xori %lt3A_274, %lt3A_276 : i1
    %and3A_278 = arith.andi %ne3A_277, %ne3A_272 : i1
    %add3A_279 = arith.addi %rem3A_270, %select_n3A_269 : i32
    %select_n3A_280 = arith.select %and3A_278, %add3A_279, %rem3A_270 : i32
    %eq3A_281 = arith.constant 3 : i32
    %eq3A_282 = arith.cmpi eq, %select_n3A_280, %eq3A_281 : i32
    %convert_element_type3A_283 = arith.extui %eq3A_282 : i1 to i32
    %cond3A_284 = arith.constant 0 : i32
    %cond3A_285 = arith.cmpi ne, %convert_element_type3A_283, %cond3A_284 : i32
    scf.if %cond3A_285 {
      %dma_wait3A_473 = arith.constant 0 : i32
      %dma_wait3A_474 = arith.constant 0 : i32
      %dma_wait3A_475 = tpu.memref_slice %arg40[%dma_wait3A_473, %dma_wait3A_474] : memref<10000x128xf32, #tpu.memory_space<vmem_shared>> -> memref<10000x128xf32, #tpu.memory_space<vmem_shared>>
      tpu.wait_indirect_dma semaphore(%arg37 : memref<!tpu.dma_semaphore, #tpu.memory_space<semaphore_mem>>) src(%arg19 : memref<128x128xf32, #tpu.memory_space<vmem>>) dst(%dma_wait3A_475 : memref<10000x128xf32, #tpu.memory_space<vmem_shared>>)
    } else {
    }
    %jit3A_286 = arith.constant 6 : i32
    %eq3A_287 = arith.constant 0 : i32
    %eq3A_288 = arith.cmpi eq, %jit3A_286, %eq3A_287 : i32
    %jit3A_289 = arith.constant 1 : i32
    %select_n3A_290 = arith.select %eq3A_288, %jit3A_289, %jit3A_286 : i32
    %rem3A_291 = arith.remsi %add3A_201, %select_n3A_290 : i32
    %ne3A_292 = arith.constant 0 : i32
    %ne3A_293 = arith.cmpi ne, %rem3A_291, %ne3A_292 : i32
    %lt3A_294 = arith.constant 0 : i32
    %lt3A_295 = arith.cmpi slt, %rem3A_291, %lt3A_294 : i32
    %lt3A_296 = arith.constant 0 : i32
    %lt3A_297 = arith.cmpi slt, %select_n3A_290, %lt3A_296 : i32
    %ne3A_298 = arith.xori %lt3A_295, %lt3A_297 : i1
    %and3A_299 = arith.andi %ne3A_298, %ne3A_293 : i1
    %add3A_300 = arith.addi %rem3A_291, %select_n3A_290 : i32
    %select_n3A_301 = arith.select %and3A_299, %add3A_300, %rem3A_291 : i32
    %eq3A_302 = arith.constant 4 : i32
    %eq3A_303 = arith.cmpi eq, %select_n3A_301, %eq3A_302 : i32
    %convert_element_type3A_304 = arith.extui %eq3A_303 : i1 to i32
    %cond3A_305 = arith.constant 0 : i32
    %cond3A_306 = arith.cmpi ne, %convert_element_type3A_304, %cond3A_305 : i32
    scf.if %cond3A_306 {
      %dma_wait3A_473 = arith.constant 0 : i32
      %dma_wait3A_474 = arith.constant 0 : i32
      %dma_wait3A_475 = tpu.memref_slice %arg40[%dma_wait3A_473, %dma_wait3A_474] : memref<10000x128xf32, #tpu.memory_space<vmem_shared>> -> memref<10000x128xf32, #tpu.memory_space<vmem_shared>>
      tpu.wait_indirect_dma semaphore(%arg38 : memref<!tpu.dma_semaphore, #tpu.memory_space<semaphore_mem>>) src(%arg20 : memref<128x128xf32, #tpu.memory_space<vmem>>) dst(%dma_wait3A_475 : memref<10000x128xf32, #tpu.memory_space<vmem_shared>>)
    } else {
    }
    %jit3A_307 = arith.constant 6 : i32
    %eq3A_308 = arith.constant 0 : i32
    %eq3A_309 = arith.cmpi eq, %jit3A_307, %eq3A_308 : i32
    %jit3A_310 = arith.constant 1 : i32
    %select_n3A_311 = arith.select %eq3A_309, %jit3A_310, %jit3A_307 : i32
    %rem3A_312 = arith.remsi %add3A_201, %select_n3A_311 : i32
    %ne3A_313 = arith.constant 0 : i32
    %ne3A_314 = arith.cmpi ne, %rem3A_312, %ne3A_313 : i32
    %lt3A_315 = arith.constant 0 : i32
    %lt3A_316 = arith.cmpi slt, %rem3A_312, %lt3A_315 : i32
    %lt3A_317 = arith.constant 0 : i32
    %lt3A_318 = arith.cmpi slt, %select_n3A_311, %lt3A_317 : i32
    %ne3A_319 = arith.xori %lt3A_316, %lt3A_318 : i1
    %and3A_320 = arith.andi %ne3A_319, %ne3A_314 : i1
    %add3A_321 = arith.addi %rem3A_312, %select_n3A_311 : i32
    %select_n3A_322 = arith.select %and3A_320, %add3A_321, %rem3A_312 : i32
    %eq3A_323 = arith.constant 5 : i32
    %eq3A_324 = arith.cmpi eq, %select_n3A_322, %eq3A_323 : i32
    %convert_element_type3A_325 = arith.extui %eq3A_324 : i1 to i32
    %cond3A_326 = arith.constant 0 : i32
    %cond3A_327 = arith.cmpi ne, %convert_element_type3A_325, %cond3A_326 : i32
    scf.if %cond3A_327 {
      %dma_wait3A_473 = arith.constant 0 : i32
      %dma_wait3A_474 = arith.constant 0 : i32
      %dma_wait3A_475 = tpu.memref_slice %arg40[%dma_wait3A_473, %dma_wait3A_474] : memref<10000x128xf32, #tpu.memory_space<vmem_shared>> -> memref<10000x128xf32, #tpu.memory_space<vmem_shared>>
      tpu.wait_indirect_dma semaphore(%arg39 : memref<!tpu.dma_semaphore, #tpu.memory_space<semaphore_mem>>) src(%arg21 : memref<128x128xf32, #tpu.memory_space<vmem>>) dst(%dma_wait3A_475 : memref<10000x128xf32, #tpu.memory_space<vmem_shared>>)
    } else {
    }
    %sub3A_328 = arith.constant 3 : i32
    %sub3A_329 = arith.subi %add3A_33, %sub3A_328 : i32
    %add3A_330 = arith.constant 2 : i32
    %add3A_331 = arith.addi %sub3A_329, %add3A_330 : i32
    %jit3A_332 = arith.constant 6 : i32
    %eq3A_333 = arith.constant 0 : i32
    %eq3A_334 = arith.cmpi eq, %jit3A_332, %eq3A_333 : i32
    %jit3A_335 = arith.constant 1 : i32
    %select_n3A_336 = arith.select %eq3A_334, %jit3A_335, %jit3A_332 : i32
    %rem3A_337 = arith.remsi %add3A_331, %select_n3A_336 : i32
    %ne3A_338 = arith.constant 0 : i32
    %ne3A_339 = arith.cmpi ne, %rem3A_337, %ne3A_338 : i32
    %lt3A_340 = arith.constant 0 : i32
    %lt3A_341 = arith.cmpi slt, %rem3A_337, %lt3A_340 : i32
    %lt3A_342 = arith.constant 0 : i32
    %lt3A_343 = arith.cmpi slt, %select_n3A_336, %lt3A_342 : i32
    %ne3A_344 = arith.xori %lt3A_341, %lt3A_343 : i1
    %and3A_345 = arith.andi %ne3A_344, %ne3A_339 : i1
    %add3A_346 = arith.addi %rem3A_337, %select_n3A_336 : i32
    %select_n3A_347 = arith.select %and3A_345, %add3A_346, %rem3A_337 : i32
    %eq3A_348 = arith.constant 0 : i32
    %eq3A_349 = arith.cmpi eq, %select_n3A_347, %eq3A_348 : i32
    %convert_element_type3A_350 = arith.extui %eq3A_349 : i1 to i32
    %cond3A_351 = arith.constant 0 : i32
    %cond3A_352 = arith.cmpi ne, %convert_element_type3A_350, %cond3A_351 : i32
    scf.if %cond3A_352 {
      %dma_wait3A_473 = arith.constant 0 : i32
      %dma_wait3A_474 = arith.constant 0 : i32
      %dma_wait3A_475 = tpu.memref_slice %arg40[%dma_wait3A_473, %dma_wait3A_474] : memref<10000x128xf32, #tpu.memory_space<vmem_shared>> -> memref<10000x128xf32, #tpu.memory_space<vmem_shared>>
      tpu.wait_indirect_dma semaphore(%arg37 : memref<!tpu.dma_semaphore, #tpu.memory_space<semaphore_mem>>) src(%arg19 : memref<128x128xf32, #tpu.memory_space<vmem>>) dst(%dma_wait3A_475 : memref<10000x128xf32, #tpu.memory_space<vmem_shared>>)
    } else {
    }
    %jit3A_353 = arith.constant 6 : i32
    %eq3A_354 = arith.constant 0 : i32
    %eq3A_355 = arith.cmpi eq, %jit3A_353, %eq3A_354 : i32
    %jit3A_356 = arith.constant 1 : i32
    %select_n3A_357 = arith.select %eq3A_355, %jit3A_356, %jit3A_353 : i32
    %rem3A_358 = arith.remsi %add3A_331, %select_n3A_357 : i32
    %ne3A_359 = arith.constant 0 : i32
    %ne3A_360 = arith.cmpi ne, %rem3A_358, %ne3A_359 : i32
    %lt3A_361 = arith.constant 0 : i32
    %lt3A_362 = arith.cmpi slt, %rem3A_358, %lt3A_361 : i32
    %lt3A_363 = arith.constant 0 : i32
    %lt3A_364 = arith.cmpi slt, %select_n3A_357, %lt3A_363 : i32
    %ne3A_365 = arith.xori %lt3A_362, %lt3A_364 : i1
    %and3A_366 = arith.andi %ne3A_365, %ne3A_360 : i1
    %add3A_367 = arith.addi %rem3A_358, %select_n3A_357 : i32
    %select_n3A_368 = arith.select %and3A_366, %add3A_367, %rem3A_358 : i32
    %eq3A_369 = arith.constant 1 : i32
    %eq3A_370 = arith.cmpi eq, %select_n3A_368, %eq3A_369 : i32
    %convert_element_type3A_371 = arith.extui %eq3A_370 : i1 to i32
    %cond3A_372 = arith.constant 0 : i32
    %cond3A_373 = arith.cmpi ne, %convert_element_type3A_371, %cond3A_372 : i32
    scf.if %cond3A_373 {
      %dma_wait3A_473 = arith.constant 0 : i32
      %dma_wait3A_474 = arith.constant 0 : i32
      %dma_wait3A_475 = tpu.memref_slice %arg40[%dma_wait3A_473, %dma_wait3A_474] : memref<10000x128xf32, #tpu.memory_space<vmem_shared>> -> memref<10000x128xf32, #tpu.memory_space<vmem_shared>>
      tpu.wait_indirect_dma semaphore(%arg38 : memref<!tpu.dma_semaphore, #tpu.memory_space<semaphore_mem>>) src(%arg20 : memref<128x128xf32, #tpu.memory_space<vmem>>) dst(%dma_wait3A_475 : memref<10000x128xf32, #tpu.memory_space<vmem_shared>>)
    } else {
    }
    %jit3A_374 = arith.constant 6 : i32
    %eq3A_375 = arith.constant 0 : i32
    %eq3A_376 = arith.cmpi eq, %jit3A_374, %eq3A_375 : i32
    %jit3A_377 = arith.constant 1 : i32
    %select_n3A_378 = arith.select %eq3A_376, %jit3A_377, %jit3A_374 : i32
    %rem3A_379 = arith.remsi %add3A_331, %select_n3A_378 : i32
    %ne3A_380 = arith.constant 0 : i32
    %ne3A_381 = arith.cmpi ne, %rem3A_379, %ne3A_380 : i32
    %lt3A_382 = arith.constant 0 : i32
    %lt3A_383 = arith.cmpi slt, %rem3A_379, %lt3A_382 : i32
    %lt3A_384 = arith.constant 0 : i32
    %lt3A_385 = arith.cmpi slt, %select_n3A_378, %lt3A_384 : i32
    %ne3A_386 = arith.xori %lt3A_383, %lt3A_385 : i1
    %and3A_387 = arith.andi %ne3A_386, %ne3A_381 : i1
    %add3A_388 = arith.addi %rem3A_379, %select_n3A_378 : i32
    %select_n3A_389 = arith.select %and3A_387, %add3A_388, %rem3A_379 : i32
    %eq3A_390 = arith.constant 2 : i32
    %eq3A_391 = arith.cmpi eq, %select_n3A_389, %eq3A_390 : i32
    %convert_element_type3A_392 = arith.extui %eq3A_391 : i1 to i32
    %cond3A_393 = arith.constant 0 : i32
    %cond3A_394 = arith.cmpi ne, %convert_element_type3A_392, %cond3A_393 : i32
    scf.if %cond3A_394 {
      %dma_wait3A_473 = arith.constant 0 : i32
      %dma_wait3A_474 = arith.constant 0 : i32
      %dma_wait3A_475 = tpu.memref_slice %arg40[%dma_wait3A_473, %dma_wait3A_474] : memref<10000x128xf32, #tpu.memory_space<vmem_shared>> -> memref<10000x128xf32, #tpu.memory_space<vmem_shared>>
      tpu.wait_indirect_dma semaphore(%arg39 : memref<!tpu.dma_semaphore, #tpu.memory_space<semaphore_mem>>) src(%arg21 : memref<128x128xf32, #tpu.memory_space<vmem>>) dst(%dma_wait3A_475 : memref<10000x128xf32, #tpu.memory_space<vmem_shared>>)
    } else {
    }
    %jit3A_395 = arith.constant 6 : i32
    %eq3A_396 = arith.constant 0 : i32
    %eq3A_397 = arith.cmpi eq, %jit3A_395, %eq3A_396 : i32
    %jit3A_398 = arith.constant 1 : i32
    %select_n3A_399 = arith.select %eq3A_397, %jit3A_398, %jit3A_395 : i32
    %rem3A_400 = arith.remsi %add3A_331, %select_n3A_399 : i32
    %ne3A_401 = arith.constant 0 : i32
    %ne3A_402 = arith.cmpi ne, %rem3A_400, %ne3A_401 : i32
    %lt3A_403 = arith.constant 0 : i32
    %lt3A_404 = arith.cmpi slt, %rem3A_400, %lt3A_403 : i32
    %lt3A_405 = arith.constant 0 : i32
    %lt3A_406 = arith.cmpi slt, %select_n3A_399, %lt3A_405 : i32
    %ne3A_407 = arith.xori %lt3A_404, %lt3A_406 : i1
    %and3A_408 = arith.andi %ne3A_407, %ne3A_402 : i1
    %add3A_409 = arith.addi %rem3A_400, %select_n3A_399 : i32
    %select_n3A_410 = arith.select %and3A_408, %add3A_409, %rem3A_400 : i32
    %eq3A_411 = arith.constant 3 : i32
    %eq3A_412 = arith.cmpi eq, %select_n3A_410, %eq3A_411 : i32
    %convert_element_type3A_413 = arith.extui %eq3A_412 : i1 to i32
    %cond3A_414 = arith.constant 0 : i32
    %cond3A_415 = arith.cmpi ne, %convert_element_type3A_413, %cond3A_414 : i32
    scf.if %cond3A_415 {
      %dma_wait3A_473 = arith.constant 0 : i32
      %dma_wait3A_474 = arith.constant 0 : i32
      %dma_wait3A_475 = tpu.memref_slice %arg40[%dma_wait3A_473, %dma_wait3A_474] : memref<10000x128xf32, #tpu.memory_space<vmem_shared>> -> memref<10000x128xf32, #tpu.memory_space<vmem_shared>>
      tpu.wait_indirect_dma semaphore(%arg37 : memref<!tpu.dma_semaphore, #tpu.memory_space<semaphore_mem>>) src(%arg19 : memref<128x128xf32, #tpu.memory_space<vmem>>) dst(%dma_wait3A_475 : memref<10000x128xf32, #tpu.memory_space<vmem_shared>>)
    } else {
    }
    %jit3A_416 = arith.constant 6 : i32
    %eq3A_417 = arith.constant 0 : i32
    %eq3A_418 = arith.cmpi eq, %jit3A_416, %eq3A_417 : i32
    %jit3A_419 = arith.constant 1 : i32
    %select_n3A_420 = arith.select %eq3A_418, %jit3A_419, %jit3A_416 : i32
    %rem3A_421 = arith.remsi %add3A_331, %select_n3A_420 : i32
    %ne3A_422 = arith.constant 0 : i32
    %ne3A_423 = arith.cmpi ne, %rem3A_421, %ne3A_422 : i32
    %lt3A_424 = arith.constant 0 : i32
    %lt3A_425 = arith.cmpi slt, %rem3A_421, %lt3A_424 : i32
    %lt3A_426 = arith.constant 0 : i32
    %lt3A_427 = arith.cmpi slt, %select_n3A_420, %lt3A_426 : i32
    %ne3A_428 = arith.xori %lt3A_425, %lt3A_427 : i1
    %and3A_429 = arith.andi %ne3A_428, %ne3A_423 : i1
    %add3A_430 = arith.addi %rem3A_421, %select_n3A_420 : i32
    %select_n3A_431 = arith.select %and3A_429, %add3A_430, %rem3A_421 : i32
    %eq3A_432 = arith.constant 4 : i32
    %eq3A_433 = arith.cmpi eq, %select_n3A_431, %eq3A_432 : i32
    %convert_element_type3A_434 = arith.extui %eq3A_433 : i1 to i32
    %cond3A_435 = arith.constant 0 : i32
    %cond3A_436 = arith.cmpi ne, %convert_element_type3A_434, %cond3A_435 : i32
    scf.if %cond3A_436 {
      %dma_wait3A_473 = arith.constant 0 : i32
      %dma_wait3A_474 = arith.constant 0 : i32
      %dma_wait3A_475 = tpu.memref_slice %arg40[%dma_wait3A_473, %dma_wait3A_474] : memref<10000x128xf32, #tpu.memory_space<vmem_shared>> -> memref<10000x128xf32, #tpu.memory_space<vmem_shared>>
      tpu.wait_indirect_dma semaphore(%arg38 : memref<!tpu.dma_semaphore, #tpu.memory_space<semaphore_mem>>) src(%arg20 : memref<128x128xf32, #tpu.memory_space<vmem>>) dst(%dma_wait3A_475 : memref<10000x128xf32, #tpu.memory_space<vmem_shared>>)
    } else {
    }
    %jit3A_437 = arith.constant 6 : i32
    %eq3A_438 = arith.constant 0 : i32
    %eq3A_439 = arith.cmpi eq, %jit3A_437, %eq3A_438 : i32
    %jit3A_440 = arith.constant 1 : i32
    %select_n3A_441 = arith.select %eq3A_439, %jit3A_440, %jit3A_437 : i32
    %rem3A_442 = arith.remsi %add3A_331, %select_n3A_441 : i32
    %ne3A_443 = arith.constant 0 : i32
    %ne3A_444 = arith.cmpi ne, %rem3A_442, %ne3A_443 : i32
    %lt3A_445 = arith.constant 0 : i32
    %lt3A_446 = arith.cmpi slt, %rem3A_442, %lt3A_445 : i32
    %lt3A_447 = arith.constant 0 : i32
    %lt3A_448 = arith.cmpi slt, %select_n3A_441, %lt3A_447 : i32
    %ne3A_449 = arith.xori %lt3A_446, %lt3A_448 : i1
    %and3A_450 = arith.andi %ne3A_449, %ne3A_444 : i1
    %add3A_451 = arith.addi %rem3A_442, %select_n3A_441 : i32
    %select_n3A_452 = arith.select %and3A_450, %add3A_451, %rem3A_442 : i32
    %eq3A_453 = arith.constant 5 : i32
    %eq3A_454 = arith.cmpi eq, %select_n3A_452, %eq3A_453 : i32
    %convert_element_type3A_455 = arith.extui %eq3A_454 : i1 to i32
    %cond3A_456 = arith.constant 0 : i32
    %cond3A_457 = arith.cmpi ne, %convert_element_type3A_455, %cond3A_456 : i32
    scf.if %cond3A_457 {
      %dma_wait3A_473 = arith.constant 0 : i32
      %dma_wait3A_474 = arith.constant 0 : i32
      %dma_wait3A_475 = tpu.memref_slice %arg40[%dma_wait3A_473, %dma_wait3A_474] : memref<10000x128xf32, #tpu.memory_space<vmem_shared>> -> memref<10000x128xf32, #tpu.memory_space<vmem_shared>>
      tpu.wait_indirect_dma semaphore(%arg39 : memref<!tpu.dma_semaphore, #tpu.memory_space<semaphore_mem>>) src(%arg21 : memref<128x128xf32, #tpu.memory_space<vmem>>) dst(%dma_wait3A_475 : memref<10000x128xf32, #tpu.memory_space<vmem_shared>>)
    } else {
    }
    %barrier3A_458 = arith.constant 0 : index
    tpu.barrier barrier_id(%barrier3A_458)
    %mul3A_459 = arith.constant 10000 : i32
    %mul3A_460 = arith.muli %arg0, %mul3A_459 : i32
    %add3A_461 = arith.addi %mul3A_460, %multiple_of3A_41 : i32
    %multiple_of3A_462 = tpu.assume_multiple %add3A_461, 8 : i32
    %lt3A_463 = arith.constant 15 : i32
    %lt3A_464 = arith.cmpi slt, %arg1, %lt3A_463 : i32
    %convert_element_type3A_465 = arith.extui %lt3A_464 : i1 to i32
    %cond3A_466 = arith.constant 0 : i32
    %cond3A_467 = arith.cmpi ne, %convert_element_type3A_465, %cond3A_466 : i32
    scf.if %cond3A_467 {
      "tpu.region"() ({
        %run_scoped3A = tpu.sem_alloc : memref<!tpu.dma_semaphore, #tpu.memory_space<semaphore_mem>>
        %dma_start3A_473 = arith.constant 0 : i32
        %dma_start3A_474 = tpu.memref_slice %arg6[%multiple_of3A_462, %dma_start3A_473] : memref<20000x128xf32, #tpu.memory_space<hbm>> -> memref<624x128xf32, #tpu.memory_space<hbm>>
        %dma_start3A_475 = arith.constant 0 : i32
        %dma_start3A_476 = tpu.memref_slice %arg40[%multiple_of3A_41, %dma_start3A_475] : memref<10000x128xf32, #tpu.memory_space<vmem_shared>> -> memref<624x128xf32, #tpu.memory_space<vmem_shared>>
        tpu.enqueue_dma source(%dma_start3A_476 : memref<624x128xf32, #tpu.memory_space<vmem_shared>>) target(%dma_start3A_474 : memref<624x128xf32, #tpu.memory_space<hbm>>) target_semaphore(%run_scoped3A : memref<!tpu.dma_semaphore, #tpu.memory_space<semaphore_mem>>)
        %dma_wait3A_477 = arith.constant 0 : i32
        %dma_wait3A_478 = tpu.memref_slice %arg6[%multiple_of3A_462, %dma_wait3A_477] : memref<20000x128xf32, #tpu.memory_space<hbm>> -> memref<624x128xf32, #tpu.memory_space<hbm>>
        %dma_wait3A_479 = arith.constant 0 : i32
        %dma_wait3A_480 = tpu.memref_slice %arg40[%multiple_of3A_41, %dma_wait3A_479] : memref<10000x128xf32, #tpu.memory_space<vmem_shared>> -> memref<624x128xf32, #tpu.memory_space<vmem_shared>>
        tpu.wait_dma2 semaphore(%run_scoped3A : memref<!tpu.dma_semaphore, #tpu.memory_space<semaphore_mem>>) src(%dma_wait3A_480 : memref<624x128xf32, #tpu.memory_space<vmem_shared>>) dst(%dma_wait3A_478 : memref<624x128xf32, #tpu.memory_space<hbm>>)
        tpu.yield
      }) : () -> ()
    } else {
    }
    %eq3A_468 = arith.constant 15 : i32
    %eq3A_469 = arith.cmpi eq, %arg1, %eq3A_468 : i32
    %convert_element_type3A_470 = arith.extui %eq3A_469 : i1 to i32
    %cond3A_471 = arith.constant 0 : i32
    %cond3A_472 = arith.cmpi ne, %convert_element_type3A_470, %cond3A_471 : i32
    scf.if %cond3A_472 {
      %mul3A_473 = arith.constant 10000 : i32
      %mul3A_474 = arith.muli %arg0, %mul3A_473 : i32
      %add3A_475 = arith.constant 9360 : i32
      %add3A_476 = arith.addi %mul3A_474, %add3A_475 : i32
      "tpu.region"() ({
        %run_scoped3A = tpu.sem_alloc : memref<!tpu.dma_semaphore, #tpu.memory_space<semaphore_mem>>
        %dma_start3A_477 = arith.constant 0 : i32
        %dma_start3A_478 = tpu.memref_slice %arg6[%add3A_476, %dma_start3A_477] : memref<20000x128xf32, #tpu.memory_space<hbm>> -> memref<640x128xf32, #tpu.memory_space<hbm>>
        %dma_start3A_479 = arith.constant 9360 : i32
        %dma_start3A_480 = arith.constant 0 : i32
        %dma_start3A_481 = tpu.memref_slice %arg40[%dma_start3A_479, %dma_start3A_480] : memref<10000x128xf32, #tpu.memory_space<vmem_shared>> -> memref<640x128xf32, #tpu.memory_space<vmem_shared>>
        tpu.enqueue_dma source(%dma_start3A_481 : memref<640x128xf32, #tpu.memory_space<vmem_shared>>) target(%dma_start3A_478 : memref<640x128xf32, #tpu.memory_space<hbm>>) target_semaphore(%run_scoped3A : memref<!tpu.dma_semaphore, #tpu.memory_space<semaphore_mem>>)
        %dma_wait3A_482 = arith.constant 0 : i32
        %dma_wait3A_483 = tpu.memref_slice %arg6[%add3A_476, %dma_wait3A_482] : memref<20000x128xf32, #tpu.memory_space<hbm>> -> memref<640x128xf32, #tpu.memory_space<hbm>>
        %dma_wait3A_484 = arith.constant 9360 : i32
        %dma_wait3A_485 = arith.constant 0 : i32
        %dma_wait3A_486 = tpu.memref_slice %arg40[%dma_wait3A_484, %dma_wait3A_485] : memref<10000x128xf32, #tpu.memory_space<vmem_shared>> -> memref<640x128xf32, #tpu.memory_space<vmem_shared>>
        tpu.wait_dma2 semaphore(%run_scoped3A : memref<!tpu.dma_semaphore, #tpu.memory_space<semaphore_mem>>) src(%dma_wait3A_486 : memref<640x128xf32, #tpu.memory_space<vmem_shared>>) dst(%dma_wait3A_483 : memref<640x128xf32, #tpu.memory_space<hbm>>)
        tpu.yield
      }) : () -> ()
    } else {
    }
    return
  }
}

module attributes {stable_mosaic.version = 14 : i64} {
  func.func @_mlp_body(%arg0: i32, %arg1: memref<1000x128xf32, #tpu.memory_space<vmem>>, %arg2: memref<1000x128xf32, #tpu.memory_space<vmem>>, %arg3: memref<1000x128xf32, #tpu.memory_space<vmem>>, %arg4: memref<128x128xf32, #tpu.memory_space<vmem>>, %arg5: memref<1x128xf32, #tpu.memory_space<vmem>>, %arg6: memref<128x128xf32, #tpu.memory_space<vmem>>, %arg7: memref<1x128xf32, #tpu.memory_space<vmem>>, %arg8: memref<1000x128xf32, #tpu.memory_space<vmem>>) attributes {dimension_semantics = [#tpu.dimension_semantics<arbitrary>], iteration_bounds = array<i64: 10>, scalar_prefetch = 0 : i64, scratch_operands = 0 : i64, tpu.core_type = #tpu.core_type<tc>, window_params = [{transform_indices = @transform_0, window_bounds = array<i64: 1000, 128>}, {transform_indices = @transform_1, window_bounds = array<i64: 1000, 128>}, {transform_indices = @transform_2, window_bounds = array<i64: 1000, 128>}, {pipeline_mode = #tpu.pipeline_mode<synchronous>, transform_indices = @transform_3, window_bounds = array<i64: 128, 128>}, {pipeline_mode = #tpu.pipeline_mode<synchronous>, transform_indices = @transform_4, window_bounds = array<i64: 1, 128>}, {pipeline_mode = #tpu.pipeline_mode<synchronous>, transform_indices = @transform_5, window_bounds = array<i64: 128, 128>}, {pipeline_mode = #tpu.pipeline_mode<synchronous>, transform_indices = @transform_6, window_bounds = array<i64: 1, 128>}, {transform_indices = @transform_7, window_bounds = array<i64: 1000, 128>}]} {
    %get3A = arith.constant 0 : index
    %get3A_0 = arith.constant 0 : index
    %get3A_1 = vector.load %arg1[%get3A, %get3A_0] : memref<1000x128xf32, #tpu.memory_space<vmem>>, vector<1000x128xf32>
    %get3A_2 = arith.constant 0 : index
    %get3A_3 = arith.constant 0 : index
    %get3A_4 = vector.load %arg2[%get3A_2, %get3A_3] : memref<1000x128xf32, #tpu.memory_space<vmem>>, vector<1000x128xf32>
    %add3A = arith.addf %get3A_1, %get3A_4 : vector<1000x128xf32>
    %get3A_5 = arith.constant 0 : index
    %get3A_6 = arith.constant 0 : index
    %get3A_7 = vector.load %arg3[%get3A_5, %get3A_6] : memref<1000x128xf32, #tpu.memory_space<vmem>>, vector<1000x128xf32>
    %add3A_8 = arith.addf %add3A, %get3A_7 : vector<1000x128xf32>
    %get3A_9 = arith.constant 0 : index
    %get3A_10 = arith.constant 0 : index
    %get3A_11 = vector.load %arg4[%get3A_9, %get3A_10] : memref<128x128xf32, #tpu.memory_space<vmem>>, vector<128x128xf32>
    %dot_general3A = arith.constant dense<0.000000e+00> : vector<1000x128xf32>
    %dot_general3A_12 = tpu.matmul %add3A_8, %get3A_11, %dot_general3A {dimension_numbers = #tpu.dot_dimension_numbers<[1], [0], [0], [1], [0, 0, 1, 1], [], []>, transpose_lhs_hint = false} : vector<1000x128xf32>, vector<128x128xf32>, vector<1000x128xf32> -> vector<1000x128xf32>
    %get3A_13 = arith.constant 0 : index
    %get3A_14 = arith.constant 0 : index
    %get3A_15 = vector.load %arg5[%get3A_13, %get3A_14] : memref<1x128xf32, #tpu.memory_space<vmem>>, vector<1x128xf32>
    %add3A_16 = vector.broadcast %get3A_15 : vector<1x128xf32> to vector<1000x128xf32>
    %add3A_17 = arith.addf %dot_general3A_12, %add3A_16 : vector<1000x128xf32>
    %max3A = arith.constant 0.000000e+00 : f32
    %max3A_18 = vector.broadcast %max3A : f32 to vector<1000x128xf32>
    %max3A_19 = arith.maximumf %add3A_17, %max3A_18 : vector<1000x128xf32>
    %get3A_20 = arith.constant 0 : index
    %get3A_21 = arith.constant 0 : index
    %get3A_22 = vector.load %arg6[%get3A_20, %get3A_21] : memref<128x128xf32, #tpu.memory_space<vmem>>, vector<128x128xf32>
    %dot_general3A_23 = arith.constant dense<0.000000e+00> : vector<1000x128xf32>
    %dot_general3A_24 = tpu.matmul %max3A_19, %get3A_22, %dot_general3A_23 {dimension_numbers = #tpu.dot_dimension_numbers<[1], [0], [0], [1], [0, 0, 1, 1], [], []>, transpose_lhs_hint = false} : vector<1000x128xf32>, vector<128x128xf32>, vector<1000x128xf32> -> vector<1000x128xf32>
    %get3A_25 = arith.constant 0 : index
    %get3A_26 = arith.constant 0 : index
    %get3A_27 = vector.load %arg7[%get3A_25, %get3A_26] : memref<1x128xf32, #tpu.memory_space<vmem>>, vector<1x128xf32>
    %add3A_28 = vector.broadcast %get3A_27 : vector<1x128xf32> to vector<1000x128xf32>
    %add3A_29 = arith.addf %dot_general3A_24, %add3A_28 : vector<1000x128xf32>
    %max3A_30 = arith.constant 0.000000e+00 : f32
    %max3A_31 = vector.broadcast %max3A_30 : f32 to vector<1000x128xf32>
    %max3A_32 = arith.maximumf %add3A_29, %max3A_31 : vector<1000x128xf32>
    %swap3A = arith.constant 0 : index
    %swap3A_33 = arith.constant 0 : index
    %swap3A_34 = vector.load %arg8[%swap3A, %swap3A_33] : memref<1000x128xf32, #tpu.memory_space<vmem>>, vector<1000x128xf32>
    tpu.vector_store %arg8[%swap3A, %swap3A_33], %max3A_32 {strides = array<i32>} : memref<1000x128xf32, #tpu.memory_space<vmem>>, vector<1000x128xf32>,
    return
  }
  func.func @transform_0(%arg0: i32) -> (i32, i32) {
    %c0_i32 = arith.constant 0 : i32
    %c0_i32_0 = arith.constant 0 : i32
    return %arg0, %c0_i32 : i32, i32
  }
  func.func @transform_1(%arg0: i32) -> (i32, i32) {
    %c0_i32 = arith.constant 0 : i32
    %c0_i32_0 = arith.constant 0 : i32
    return %arg0, %c0_i32 : i32, i32
  }
  func.func @transform_2(%arg0: i32) -> (i32, i32) {
    %add3A = arith.constant 10 : i32
    %add3A_0 = arith.addi %arg0, %add3A : i32
    %c0_i32 = arith.constant 0 : i32
    %c0_i32_1 = arith.constant 0 : i32
    return %add3A_0, %c0_i32 : i32, i32
  }
  func.func @transform_3(%arg0: i32) -> (i32, i32) {
    %c0_i32 = arith.constant 0 : i32
    %c0_i32_0 = arith.constant 0 : i32
    %c0_i32_1 = arith.constant 0 : i32
    return %c0_i32, %c0_i32_0 : i32, i32
  }
  func.func @transform_4(%arg0: i32) -> (i32, i32) {
    %c0_i32 = arith.constant 0 : i32
    %c0_i32_0 = arith.constant 0 : i32
    %c0_i32_1 = arith.constant 0 : i32
    return %c0_i32, %c0_i32_0 : i32, i32
  }
  func.func @transform_5(%arg0: i32) -> (i32, i32) {
    %c0_i32 = arith.constant 0 : i32
    %c0_i32_0 = arith.constant 0 : i32
    %c0_i32_1 = arith.constant 0 : i32
    return %c0_i32, %c0_i32_0 : i32, i32
  }
  func.func @transform_6(%arg0: i32) -> (i32, i32) {
    %c0_i32 = arith.constant 0 : i32
    %c0_i32_0 = arith.constant 0 : i32
    %c0_i32_1 = arith.constant 0 : i32
    return %c0_i32, %c0_i32_0 : i32, i32
  }
  func.func @transform_7(%arg0: i32) -> (i32, i32) {
    %c0_i32 = arith.constant 0 : i32
    %c0_i32_0 = arith.constant 0 : i32
    return %arg0, %c0_i32 : i32, i32
  }
}

module attributes {stable_mosaic.version = 14 : i64} {
  func.func @_final_body(%arg0: memref<10000x128xf32, #tpu.memory_space<vmem>>, %arg1: memref<10000x128xf32, #tpu.memory_space<vmem>>, %arg2: memref<10000x128xf32, #tpu.memory_space<vmem>>, %arg3: memref<128x128xf32, #tpu.memory_space<vmem>>, %arg4: memref<1x128xf32, #tpu.memory_space<vmem>>, %arg5: memref<128x128xf32, #tpu.memory_space<vmem>>, %arg6: memref<1x128xf32, #tpu.memory_space<vmem>>, %arg7: memref<128x128xf32, #tpu.memory_space<vmem>>, %arg8: memref<1x128xf32, #tpu.memory_space<vmem>>, %arg9: memref<1x128xf32, #tpu.memory_space<vmem>>, %arg10: memref<1x128xf32, #tpu.memory_space<vmem>>, %arg11: memref<1x128xf32, #tpu.memory_space<vmem>>, %arg12: memref<1x128xf32, #tpu.memory_space<vmem>>, %arg13: memref<1x1xf32, #tpu.memory_space<vmem>>, %arg14: memref<10000x128xf32, #tpu.memory_space<vmem>>, %arg15: memref<10000x128xf32, #tpu.memory_space<vmem>>) attributes {dimension_semantics = [], scalar_prefetch = 0 : i64, scratch_operands = 0 : i64, tpu.core_type = #tpu.core_type<tc>} {
    %get3A = arith.constant 0 : index
    %get3A_0 = arith.constant 0 : index
    %get3A_1 = vector.load %arg0[%get3A, %get3A_0] : memref<10000x128xf32, #tpu.memory_space<vmem>>, vector<10000x128xf32>
    %get3A_2 = arith.constant 0 : index
    %get3A_3 = arith.constant 0 : index
    %get3A_4 = vector.load %arg1[%get3A_2, %get3A_3] : memref<10000x128xf32, #tpu.memory_space<vmem>>, vector<10000x128xf32>
    %add3A = arith.addf %get3A_1, %get3A_4 : vector<10000x128xf32>
    %get3A_5 = arith.constant 0 : index
    %get3A_6 = arith.constant 0 : index
    %get3A_7 = vector.load %arg2[%get3A_5, %get3A_6] : memref<10000x128xf32, #tpu.memory_space<vmem>>, vector<10000x128xf32>
    %add3A_8 = arith.addf %add3A, %get3A_7 : vector<10000x128xf32>
    %get3A_9 = arith.constant 0 : index
    %get3A_10 = arith.constant 0 : index
    %get3A_11 = vector.load %arg3[%get3A_9, %get3A_10] : memref<128x128xf32, #tpu.memory_space<vmem>>, vector<128x128xf32>
    %dot_general3A = arith.constant dense<0.000000e+00> : vector<10000x128xf32>
    %dot_general3A_12 = tpu.matmul %add3A_8, %get3A_11, %dot_general3A {dimension_numbers = #tpu.dot_dimension_numbers<[1], [0], [0], [1], [0, 0, 1, 1], [], []>, transpose_lhs_hint = false} : vector<10000x128xf32>, vector<128x128xf32>, vector<10000x128xf32> -> vector<10000x128xf32>
    %get3A_13 = arith.constant 0 : index
    %get3A_14 = arith.constant 0 : index
    %get3A_15 = vector.load %arg4[%get3A_13, %get3A_14] : memref<1x128xf32, #tpu.memory_space<vmem>>, vector<1x128xf32>
    %add3A_16 = vector.broadcast %get3A_15 : vector<1x128xf32> to vector<10000x128xf32>
    %add3A_17 = arith.addf %dot_general3A_12, %add3A_16 : vector<10000x128xf32>
    %max3A = arith.constant 0.000000e+00 : f32
    %max3A_18 = vector.broadcast %max3A : f32 to vector<10000x128xf32>
    %max3A_19 = arith.maximumf %add3A_17, %max3A_18 : vector<10000x128xf32>
    %get3A_20 = arith.constant 0 : index
    %get3A_21 = arith.constant 0 : index
    %get3A_22 = vector.load %arg5[%get3A_20, %get3A_21] : memref<128x128xf32, #tpu.memory_space<vmem>>, vector<128x128xf32>
    %dot_general3A_23 = arith.constant dense<0.000000e+00> : vector<10000x128xf32>
    %dot_general3A_24 = tpu.matmul %max3A_19, %get3A_22, %dot_general3A_23 {dimension_numbers = #tpu.dot_dimension_numbers<[1], [0], [0], [1], [0, 0, 1, 1], [], []>, transpose_lhs_hint = false} : vector<10000x128xf32>, vector<128x128xf32>, vector<10000x128xf32> -> vector<10000x128xf32>
    %get3A_25 = arith.constant 0 : index
    %get3A_26 = arith.constant 0 : index
    %get3A_27 = vector.load %arg6[%get3A_25, %get3A_26] : memref<1x128xf32, #tpu.memory_space<vmem>>, vector<1x128xf32>
    %add3A_28 = vector.broadcast %get3A_27 : vector<1x128xf32> to vector<10000x128xf32>
    %add3A_29 = arith.addf %dot_general3A_24, %add3A_28 : vector<10000x128xf32>
    %max3A_30 = arith.constant 0.000000e+00 : f32
    %max3A_31 = vector.broadcast %max3A_30 : f32 to vector<10000x128xf32>
    %max3A_32 = arith.maximumf %add3A_29, %max3A_31 : vector<10000x128xf32>
    %reduce_sum3A = arith.constant dense<0.000000e+00> : vector<128xf32>
    %reduce_sum3A_33 = vector.multi_reduction <add>, %max3A_32, %reduce_sum3A [0] : vector<10000x128xf32> to vector<128xf32>
    %broadcast_in_dim3A = vector.shape_cast %reduce_sum3A_33 : vector<128xf32> to vector<1x128xf32>
    %div3A = arith.constant 1.000000e+04 : f32
    %div3A_34 = vector.broadcast %div3A : f32 to vector<1x128xf32>
    %div3A_35 = arith.divf %broadcast_in_dim3A, %div3A_34 : vector<1x128xf32>
    %sub3A = vector.broadcast %div3A_35 : vector<1x128xf32> to vector<10000x128xf32>
    %sub3A_36 = arith.subf %max3A_32, %sub3A : vector<10000x128xf32>
    %integer_pow3A = arith.mulf %sub3A_36, %sub3A_36 : vector<10000x128xf32>
    %reduce_sum3A_37 = arith.constant dense<0.000000e+00> : vector<128xf32>
    %reduce_sum3A_38 = vector.multi_reduction <add>, %integer_pow3A, %reduce_sum3A_37 [0] : vector<10000x128xf32> to vector<128xf32>
    %broadcast_in_dim3A_39 = vector.shape_cast %reduce_sum3A_38 : vector<128xf32> to vector<1x128xf32>
    %div3A_40 = arith.constant 1.000000e+04 : f32
    %div3A_41 = vector.broadcast %div3A_40 : f32 to vector<1x128xf32>
    %div3A_42 = arith.divf %broadcast_in_dim3A_39, %div3A_41 : vector<1x128xf32>
    %sub3A_43 = vector.broadcast %div3A_35 : vector<1x128xf32> to vector<10000x128xf32>
    %sub3A_44 = arith.subf %max3A_32, %sub3A_43 : vector<10000x128xf32>
    %add3A_45 = arith.constant 9.99999974E-6 : f32
    %add3A_46 = vector.broadcast %add3A_45 : f32 to vector<1x128xf32>
    %add3A_47 = arith.addf %div3A_42, %add3A_46 : vector<1x128xf32>
    %sqrt3A = math.sqrt %add3A_47 : vector<1x128xf32>
    %div3A_48 = vector.broadcast %sqrt3A : vector<1x128xf32> to vector<10000x128xf32>
    %div3A_49 = arith.divf %sub3A_44, %div3A_48 : vector<10000x128xf32>
    %get3A_50 = arith.constant 0 : index
    %get3A_51 = arith.constant 0 : index
    %get3A_52 = vector.load %arg9[%get3A_50, %get3A_51] : memref<1x128xf32, #tpu.memory_space<vmem>>, vector<1x128xf32>
    %mul3A = vector.broadcast %get3A_52 : vector<1x128xf32> to vector<10000x128xf32>
    %mul3A_53 = arith.mulf %div3A_49, %mul3A : vector<10000x128xf32>
    %get3A_54 = arith.constant 0 : index
    %get3A_55 = arith.constant 0 : index
    %get3A_56 = vector.load %arg10[%get3A_54, %get3A_55] : memref<1x128xf32, #tpu.memory_space<vmem>>, vector<1x128xf32>
    %add3A_57 = vector.broadcast %get3A_56 : vector<1x128xf32> to vector<10000x128xf32>
    %add3A_58 = arith.addf %mul3A_53, %add3A_57 : vector<10000x128xf32>
    %swap3A = arith.constant 0 : index
    %swap3A_59 = arith.constant 0 : index
    %swap3A_60 = vector.load %arg14[%swap3A, %swap3A_59] : memref<10000x128xf32, #tpu.memory_space<vmem>>, vector<10000x128xf32>
    tpu.vector_store %arg14[%swap3A, %swap3A_59], %add3A_58 {strides = array<i32>} : memref<10000x128xf32, #tpu.memory_space<vmem>>, vector<10000x128xf32>,
    %get3A_61 = arith.constant 0 : index
    %get3A_62 = arith.constant 0 : index
    %get3A_63 = vector.load %arg7[%get3A_61, %get3A_62] : memref<128x128xf32, #tpu.memory_space<vmem>>, vector<128x128xf32>
    %dot_general3A_64 = arith.constant dense<0.000000e+00> : vector<10000x128xf32>
    %dot_general3A_65 = tpu.matmul %add3A_58, %get3A_63, %dot_general3A_64 {dimension_numbers = #tpu.dot_dimension_numbers<[1], [0], [0], [1], [0, 0, 1, 1], [], []>, transpose_lhs_hint = false} : vector<10000x128xf32>, vector<128x128xf32>, vector<10000x128xf32> -> vector<10000x128xf32>
    %get3A_66 = arith.constant 0 : index
    %get3A_67 = arith.constant 0 : index
    %get3A_68 = vector.load %arg8[%get3A_66, %get3A_67] : memref<1x128xf32, #tpu.memory_space<vmem>>, vector<1x128xf32>
    %add3A_69 = vector.broadcast %get3A_68 : vector<1x128xf32> to vector<10000x128xf32>
    %add3A_70 = arith.addf %dot_general3A_65, %add3A_69 : vector<10000x128xf32>
    %reduce_sum3A_71 = arith.constant dense<0.000000e+00> : vector<128xf32>
    %reduce_sum3A_72 = vector.multi_reduction <add>, %add3A_70, %reduce_sum3A_71 [0] : vector<10000x128xf32> to vector<128xf32>
    %broadcast_in_dim3A_73 = vector.shape_cast %reduce_sum3A_72 : vector<128xf32> to vector<1x128xf32>
    %div3A_74 = arith.constant 1.000000e+04 : f32
    %div3A_75 = vector.broadcast %div3A_74 : f32 to vector<1x128xf32>
    %div3A_76 = arith.divf %broadcast_in_dim3A_73, %div3A_75 : vector<1x128xf32>
    %sub3A_77 = vector.broadcast %div3A_76 : vector<1x128xf32> to vector<10000x128xf32>
    %sub3A_78 = arith.subf %add3A_70, %sub3A_77 : vector<10000x128xf32>
    %integer_pow3A_79 = arith.mulf %sub3A_78, %sub3A_78 : vector<10000x128xf32>
    %reduce_sum3A_80 = arith.constant dense<0.000000e+00> : vector<128xf32>
    %reduce_sum3A_81 = vector.multi_reduction <add>, %integer_pow3A_79, %reduce_sum3A_80 [0] : vector<10000x128xf32> to vector<128xf32>
    %broadcast_in_dim3A_82 = vector.shape_cast %reduce_sum3A_81 : vector<128xf32> to vector<1x128xf32>
    %div3A_83 = arith.constant 1.000000e+04 : f32
    %div3A_84 = vector.broadcast %div3A_83 : f32 to vector<1x128xf32>
    %div3A_85 = arith.divf %broadcast_in_dim3A_82, %div3A_84 : vector<1x128xf32>
    %sub3A_86 = vector.broadcast %div3A_76 : vector<1x128xf32> to vector<10000x128xf32>
    %sub3A_87 = arith.subf %add3A_70, %sub3A_86 : vector<10000x128xf32>
    %add3A_88 = arith.constant 9.99999974E-6 : f32
    %add3A_89 = vector.broadcast %add3A_88 : f32 to vector<1x128xf32>
    %add3A_90 = arith.addf %div3A_85, %add3A_89 : vector<1x128xf32>
    %sqrt3A_91 = math.sqrt %add3A_90 : vector<1x128xf32>
    %div3A_92 = vector.broadcast %sqrt3A_91 : vector<1x128xf32> to vector<10000x128xf32>
    %div3A_93 = arith.divf %sub3A_87, %div3A_92 : vector<10000x128xf32>
    %get3A_94 = arith.constant 0 : index
    %get3A_95 = arith.constant 0 : index
    %get3A_96 = vector.load %arg11[%get3A_94, %get3A_95] : memref<1x128xf32, #tpu.memory_space<vmem>>, vector<1x128xf32>
    %mul3A_97 = vector.broadcast %get3A_96 : vector<1x128xf32> to vector<10000x128xf32>
    %mul3A_98 = arith.mulf %div3A_93, %mul3A_97 : vector<10000x128xf32>
    %get3A_99 = arith.constant 0 : index
    %get3A_100 = arith.constant 0 : index
    %get3A_101 = vector.load %arg12[%get3A_99, %get3A_100] : memref<1x128xf32, #tpu.memory_space<vmem>>, vector<1x128xf32>
    %add3A_102 = vector.broadcast %get3A_101 : vector<1x128xf32> to vector<10000x128xf32>
    %add3A_103 = arith.addf %mul3A_98, %add3A_102 : vector<10000x128xf32>
    %ge3A = arith.constant 0.000000e+00 : f32
    %ge3A_104 = vector.broadcast %ge3A : f32 to vector<10000x128xf32>
    %ge3A_105 = arith.cmpf oge, %add3A_103, %ge3A_104 : vector<10000x128xf32>
    %get3A_106 = arith.constant 0 : index
    %get3A_107 = arith.constant 0 : index
    %get3A_108 = vector.load %arg13[%get3A_106, %get3A_107] : memref<1x1xf32, #tpu.memory_space<vmem>>, vector<1x1xf32>
    %get3A_109 = vector.extract %get3A_108[0, 0] : f32 from vector<1x1xf32>
    %mul3A_110 = vector.broadcast %get3A_109 : f32 to vector<10000x128xf32>
    %mul3A_111 = arith.mulf %mul3A_110, %add3A_103 : vector<10000x128xf32>
    %select_n3A = arith.select %ge3A_105, %add3A_103, %mul3A_111 : vector<10000x128xi1>, vector<10000x128xf32>
    %swap3A_112 = arith.constant 0 : index
    %swap3A_113 = arith.constant 0 : index
    %swap3A_114 = vector.load %arg15[%swap3A_112, %swap3A_113] : memref<10000x128xf32, #tpu.memory_space<vmem>>, vector<10000x128xf32>
    tpu.vector_store %arg15[%swap3A_112, %swap3A_113], %select_n3A {strides = array<i32>} : memref<10000x128xf32, #tpu.memory_space<vmem>>, vector<10000x128xf32>,
    return
  }
}

</mosaic_0001>

<sc_bundles>
// kernel: kernel.6.cloned.1.call-start
scs
__scs_entry_jumppad:
0x0: {  	(pc) =	sbr.rel $0x88, $3  }
0x1: {  	(tag) =	ssettag $0x0;
	lr =	simm.s32 $0x1  }
0x2: {  	[smem:$0x3F90] =	sst lr;
	_ =	strace $0xD0000000  }
0x3: {  	_ = 	snop  }
0x4: {  	_ = 	snop  }
0x5: {  	_ = 	snop  }
0x6: {  	_ = 	snop  }
0x7: {  	_ = 	snop  }
__scs_overlays_trampoline_lowered:
0x8: {  	[smem:$0x3F9F] =	sst s0  }
0x9: {  	[smem:$0x3FA0] =	sst s1  }
0xa: {  	[smem:$0x3FA1] =	sst s2  }
0xb: {  	[smem:$0x3FA2] =	sst s3  }
0xc: {  	[smem:$0x3FA3] =	sst s4  }
0xd: {  	[smem:$0x3FA4] =	sst s5  }
0xe: {  	[smem:$0x3FA5] =	sst s6  }
0xf: {  	[smem:$0x3FA6] =	sst s7  }
0x10: {  	[smem:$0x3FA7] =	sst s8  }
0x11: {  	[smem:$0x3FA8] =	sst s9;
	s0 =	simm.s32 @!p0 $0x0  }
0x12: {  	s1 =	sld [smem:$0x3F8E];
	s0 =	simm.s32 @p0 $0x1  }
0x13: {  	[smem:$0x3FA9] =	sst s0;
	s0 =	simm.s32 @!p1 $0x0  }
0x14: {  	s2 =	sld [smem:$0x3F8D];
	s0 =	simm.s32 @p1 $0x1  }
0x15: {  	[smem:$0x3FAA] =	sst s0;
	s0 =	simm.s32 @!p2 $0x0  }
0x16: {  	s3 =	sld [smem:$0x3FDB];
	s0 =	simm.s32 @p2 $0x1  }
0x17: {  	s4 =	simm.s32 $0x1BF5;
	[smem:$0x3FAC] =	sst s0  }
0x18: {  	s0 =	sld [smem:$0x3F8F];
	_ =	swait.ge [sflag:s4], $0x0  }
0x19: {  	s7 =	sld [smem:$0x3F90]  }
0x1a: {  	s8 =	sadd.s32 $0xFFFFE003, lr  }
0x1b: {  	s9 =	sadd.s32 $0xFFFFFEF7, lr;
	s5 =	simm.s32 $0xFFFFFFFF;
	p2 =	slt.u32 s8, $0xFFFFF086  }
0x1c: {  	p1 =	slt.u32 s9, $0xF7A;
	s5 =	simm.s32 @!p2 $0x0  }
0x1d: {  	s5 =	simm.s32 @p1 $0x1;
	p0 =	seq.s32 s7, s2  }
0x1e: {  	s7 =	smul.u32 @!p0 $0xF7A, s2;
	p2 =	seq.s32 @!p0 s5, $0x0  }
0x1f: {  	s9 =	smul.u32 $0xF7A, s1;
	s8 =	simm.s32 @!p0 $0x1BF5;
	p2 =	por !p2, p0  }
0x20: {  	[sflag:s8] =	ssyncset.s32 @!p0 $0xFFFFF086;
	s6 =	sadd.s32 @!p0 s3, s7;
	s7 =	simm.s32 @!p0 $0x108  }
0x21: {  	s3 =	sadd.s32 s3, s9;
	s6 =	sadd.s32 @!p0 $0x88, s6;
	s7 =	simm.s32 @p2 $0x1082  }
0x22: {  	[simem:s7], [sflag:s8] =	dma.local @!p0 [hbm:s6], $0xF7A  }
0x23: {  	s9 =	sor.u32 $0xD0000000, s2;
	s6 =	simm.s32 $0x108;
	_ =	swait.ge @!p0 [sflag:s8], $0x0  }
0x24: {  	s3 =	sadd.s32 $0x88, s3;
	s6 =	simm.s32 @!p1 $0x1082;
	[sflag:s4] =	ssyncset.s32 $0xFFFFF086  }
0x25: {  	[simem:s6], [sflag:s4] =	dma.local [hbm:s3], $0xF7A  }
0x26: {  	[smem:$0x3F90] =	sst s1;
	(tag) =	ssettag s2;
	_ =	strace s9  }
0x27: {  	s1 =	sld [smem:$0x3FA0]  }
0x28: {  	s2 =	sld [smem:$0x3FA1]  }
0x29: {  	s4 =	sld [smem:$0x3FA3]  }
0x2a: {  	p0 =	seq.s32 s5, $0x0;
	s5 =	sld [smem:$0x3FA4]  }
0x2b: {  	s6 =	sld [smem:$0x3FA5]  }
0x2c: {  	s7 =	sld [smem:$0x3FA6]  }
0x2d: {  	s3 =	simm.s32 $0x108;
	s8 =	sld [smem:$0x3FA7]  }
0x2e: {  	s3 =	simm.s32 @!p0 $0x1082;
	s9 =	sld [smem:$0x3FA8]  }
0x2f: {  	lr =	sadd.s32 s0, s3;
	s0 =	sld [smem:$0x3F9F]  }
0x30: {  	s3 =	sld [smem:$0x3FA2]  }
0x31: {  	[smem:$0x3FAB] =	sst s10  }
0x32: {  	s10 =	sld [smem:$0x3FA9];
	_ =	sdelay $0x3  }
0x33: {  	p0 =	seq.s32 s10, $0x1;
	s10 =	sld [smem:$0x3FAB];
	_ =	sdelay $0x3  }
0x34: {  	[smem:$0x3FAB] =	sst s10  }
0x35: {  	s10 =	sld [smem:$0x3FAA];
	_ =	sdelay $0x3  }
0x36: {  	p1 =	seq.s32 s10, $0x1;
	s10 =	sld [smem:$0x3FAB];
	_ =	sdelay $0x3  }
0x37: {  	[smem:$0x3FAB] =	sst s10  }
0x38: {  	s10 =	sld [smem:$0x3FAC]  }
0x39: {  	_ = 	snop;
	(pc) =	sbr.ind lr, $3  }
0x3a: {  	_ = 	snop  }
0x3b: {  	_ = 	snop  }
0x3c: {  	p2 =	seq.s32 s10, $0x1;
	s10 =	sld [smem:$0x3FAB]  }
0x3d: {  	_ =	shalt  }
0x3e: {  	_ =	shalt  }
0x3f: {  	_ =	shalt  }
0x40: {  	_ =	shalt  }
0x41: {  	_ =	shalt  }
0x42: {  	_ =	shalt  }
0x43: {  	_ =	shalt  }
0x44: {  	_ =	shalt  }
0x45: {  	_ =	shalt  }
0x46: {  	_ =	shalt  }
0x47: {  	_ =	shalt  }
0x48: {  	_ =	shalt  }
0x49: {  	_ =	shalt  }
0x4a: {  	_ =	shalt  }
0x4b: {  	_ =	shalt  }
0x4c: {  	_ =	shalt  }
0x4d: {  	_ =	shalt  }
0x4e: {  	_ =	shalt  }
0x4f: {  	_ =	shalt  }
0x50: {  	_ =	shalt  }
0x51: {  	_ =	shalt  }
0x52: {  	_ =	shalt  }
0x53: {  	_ =	shalt  }
0x54: {  	_ =	shalt  }
0x55: {  	_ =	shalt  }
0x56: {  	_ =	shalt  }
0x57: {  	_ =	shalt  }
0x58: {  	_ =	shalt  }
0x59: {  	_ =	shalt  }
0x5a: {  	_ =	shalt  }
0x5b: {  	_ =	shalt  }
0x5c: {  	_ =	shalt  }
0x5d: {  	_ =	shalt  }
0x5e: {  	_ =	shalt  }
0x5f: {  	_ =	shalt  }
0x60: {  	_ =	shalt  }
0x61: {  	_ =	shalt  }
0x62: {  	_ =	shalt  }
0x63: {  	_ =	shalt  }
0x64: {  	_ =	shalt  }
0x65: {  	_ =	shalt  }
0x66: {  	_ =	shalt  }
0x67: {  	_ =	shalt  }
0x68: {  	_ =	shalt  }
0x69: {  	_ =	shalt  }
0x6a: {  	_ =	shalt  }
0x6b: {  	_ =	shalt  }
0x6c: {  	_ =	shalt  }
0x6d: {  	_ =	shalt  }
0x6e: {  	_ =	shalt  }
0x6f: {  	_ =	shalt  }
0x70: {  	_ =	shalt  }
0x71: {  	_ =	shalt  }
0x72: {  	_ =	shalt  }
0x73: {  	_ =	shalt  }
0x74: {  	_ =	shalt  }
0x75: {  	_ =	shalt  }
0x76: {  	_ =	shalt  }
0x77: {  	_ =	shalt  }
0x78: {  	_ =	shalt  }
0x79: {  	_ =	shalt  }
0x7a: {  	_ =	shalt  }
0x7b: {  	_ =	shalt  }
0x7c: {  	_ =	shalt  }
0x7d: {  	_ =	shalt  }
0x7e: {  	_ =	shalt  }
0x7f: {  	_ =	shalt  }
0x80: {  	_ =	shalt  }
0x81: {  	_ =	shalt  }
0x82: {  	_ =	shalt  }
0x83: {  	_ =	shalt  }
0x84: {  	_ =	shalt  }
0x85: {  	_ =	shalt  }
0x86: {  	_ =	shalt  }
0x87: {  	_ =	shalt  }
.Lfunc_end0:
.L_simem_size_0:
called_computation_lowered:
.L_overlay_start_0:
0x88: {  	s2 =	sld [smem:$0x3FD9]  }
0x89: {  	s3 =	sld [smem:$0x3FFE];
	_ =	sdelay $0x1  }
0x8a: {  	s1 =	srdreg.scid  }
0x8b: {  	s0 =	sand.u32 $0x1, s1  }
0x8c: {  	s14 =	sshll.u32 s0, $0xA;
	s2 =	sadd.s32 s3, s2  }
0x8d: {  	s2 =	sadd.s32 s2, s14  }
0x8e: {  	[smem:$0x3FB7] =	sst s2  }
0x8f: {  	_ = 	snop  }
0x90: {  	s2 =	sld [smem:$0x3FD0];
	_ =	sdelay $0x2  }
0x91: {  	s4 =	simm.s32 $0xA;
	s5 =	simm.s32 $0x10;
	s15 =	sld [smem:$0x3FC9]  }
0x92: {  	[smem:s5], [sflag:s4] =	dma.local [hbm:s2], $0x1  }
0x93: {  	_ =	swait.eq [sflag:s4], $0x1  }
0x94: {  	[sflag:s4] =	ssyncset.done $0x0  }
0x95: {  	[sflag:s4] =	ssyncadd.s32 $0xFFFFFFFF  }
0x96: {  	s16 =	sld [smem:$0x10];
	(tm) =	ssettm $0x1  }
0x97: {  	s17 =	sld [smem:$0x3FFB];
	_ =	sdelay $0x3  }
0x98: {  	_ =	strace s17  }
0x99: {  	s4 =	sld [smem:$0x3FFC];
	_ =	sdelay $0x3  }
0x9a: {  	_ =	strace s4  }
0x9b: {  	s4 =	sld [smem:$0x3FFD];
	_ =	sdelay $0x3  }
0x9c: {  	_ =	strace s4  }
0x9d: {  	_ =	strace $0x8FFFFFFF  }
0x9e: {  	s18 =	sld [smem:$0x3FDB];
	_ =	sdelay $0x1  }
0x9f: {  	s19 =	simm.s32 $_scs_section_size  }
0xa0: {  	s6 =	simm.s32 $_size__tile_overlayer_lowered;
	s7 =	simm.s32 $_tile_overlayer_lowered  }
0xa1: {  	s22 =	simm.s32 $0x1BFF;
	s21 =	sshll.u32 s7, $0x1;
	s4 =	sadd.s32 s19, s18  }
0xa2: {  	s8 =	simm.s32 $0x0;
	s20 =	sshll.u32 s6, $0x1;
	s6 =	sadd.s32 s21, s4  }
0xa3: {  	[timem:s8], [sflag:s22] =	dma.local [hbm:s6], s20  }
0xa4: {  	_ =	swait.ge [sflag:s22], s20  }
0xa5: {  	s5 =	ssub.s32 $0x0, s20;
	[sflag:s22] =	ssyncset.done $0x0  }
0xa6: {  	[sflag:s22] =	ssyncadd.s32 s5;
	_ =	sdelay $0x1  }
0xa7: {  	s23 =	simm.s32 $0x1B8B  }
0xa8: {  	_ =	swait.ge [sflag:s23], $0x1  }
0xa9: {  	[sflag:s23] =	ssyncset.done $0x0  }
0xaa: {  	s25 =	simm.s32 $0x1B8E;
	s24 =	sld [smem:$0x3FFE];
	[sflag:s23] =	ssyncadd.s32 $0xFFFFFFFF  }
0xab: {  	s26 =	simm.s32 $execute0_lowered;
	[smem:$0x3FD2] =	sst s25  }
0xac: {  	s6 =	sshll.u32 s26, $0x1;
	_ =	strace $0x80000046;
	[dreg:$0x1] =	wrdreg $0xFFFFFFFF  }
0xad: {  	s28 =	simm.s32 $_size_execute0_lowered;
	s4 =	sadd.s32 s4, s6;
	[dreg:$0x0] =	wrdreg $0x0  }
0xae: {  	s6 =	sshll.u32 s28, $0x1;
	[dreg:$0x2] =	wrdreg s4  }
0xaf: {  	[dreg:$0x3] =	wrdreg s6  }
0xb0: {  	[dreg:$0x4] =	wrdreg $0xC0  }
0xb1: {  	_ =	task [dreg:s8], $0x5FFFF  }
0xb2: {  	[dreg:$0x1] =	wrdreg $0xFFFFFFFF  }
0xb3: {  	[dreg:$0x0] =	wrdreg $0x60  }
0xb4: {  	[dreg:$0x2] =	wrdreg s24  }
0xb5: {  	[dreg:$0x3] =	wrdreg s16  }
0xb6: {  	[dreg:$0x4] =	wrdreg s15  }
0xb7: {  	[dreg:$0x5] =	wrdreg $0xC6000  }
0xb8: {  	[dreg:$0x6] =	wrdreg $0x9  }
0xb9: {  	_ =	task.clear_ibuf [dreg:s8], $0x7FFFF;
	_ =	strace $0x90000046  }
0xba: {  	s29 =	simm.s32 $0x9;
	_ =	strace $0x80000048  }
0xbb: {  	_ =	swait.ge [sflag:s29], $0x1  }
0xbc: {  	[sflag:s29] =	ssyncadd.s32 $0xFFFFFFFF  }
0xbd: {  	_ =	strace $0x90000048  }
0xbe: {  	_ =	sfence  }
0xbf: {  	s30 =	sld [smem:$0x0];
	_ =	sdelay $0x2  }
0xc0: {  	s31 =	sshll.u32 s1, $0xD;
	s1 =	sshrl.u32 s1, $0x2  }
0xc1: {  	s3 =	sand.u32 $0x4000, s31;
	s1 =	sadd.s32 s1, s30  }
0xc2: {  	s0 =	sor.u32 s3, s0;
	s1 =	sshll.u32 s1, $0x11  }
0xc3: {  	s0 =	sor.u32 s1, s0  }
0xc4: {  	s0 =	sadd.s32 $0x8F2B, s0  }
0xc5: {  	[sflag:s0] =	ssyncadd.remote.s32 $0x1  }
0xc6: {  	_ =	sfence.sel $0xFFFF  }
0xc7: {  	[dreg:$0x0] =	wrdreg $0xFFFFFFFF;
	(pc) =	sbr.abs _section_cstart, $3  }
0xc8: {  	[dreg:$0x1] =	wrdreg $0xFFFFFFFF  }
0xc9: {  	_ =	task.clear_ibuf [dreg:s8], $0x2FFFF;
	_ =	strace $0x9FFFFFFF  }
0xca: {  	(tm) =	ssettm $0x7FFFFFFF  }
0xcb: {  	_ =	shalt  }
tec
execute0_lowered:
.L_overlay_start_1:
0x0: {  	(tag) =	ssettag $0x1  }
0x1: {  	s6 =	rddreg [dreg:$0x0]  }
0x2: {  	s0 =	rddreg [dreg:$0x1]  }
0x3: {  	s1 =	rddreg [dreg:$0x2]  }
0x4: {  	s2 =	rddreg [dreg:$0x3];
	s3 =	simm.s32 $0x0;
	s5 =	srdreg.scid  }
0x5: {  	s25 =	stileid.u32;
	s11 =	simm.s32 $0x1;
	s13 =	simm.s32 $0x1  }
0x6: {  	s14 =	simm.s32 $0x1;
	s15 =	simm.s32 $0x1;
	s16 =	simm.s32 $0x1  }
0x7: {  	s28 =	simm.s32 $0x600;
	s29 =	simm.s32 $0xD;
	s30 =	simm.s32 $0x380  }
0x8: {  	s31 =	simm.s32 $0x0;
	[smem:$0x7FF] =	sst s3;
	s7 =	sand.u32 $0x1, s5  }
0x9: {  	s4 =	sadd.s32 $0x3200, s6;
	s5 =	sadd.s32 $0xD000, s6;
	s8 =	sshll.u32 s7, $0x4  }
0xa: {  	s9 =	sadd.s32 $0xF800, s6;
	s19 =	smul.u32 $0x2700, s25;
	s12 =	sor.u32 s25, s8  }
0xb: {  	s26 =	smul.u32 $0x4E, s25;
	s21 =	ssub.s32 $0x2, s7;
	p0 =	sgt.u32 s12, $0x6  }
0xc: {  	s10 =	sshrl.u32 s21, $0x1;
	s11 =	simm.s32 @!p0 $0x0;
	p0 =	sgt.u32 s12, $0xE  }
0xd: {  	s8 =	simm.s32 $0x1;
	s13 =	simm.s32 @!p0 $0x0;
	p0 =	seq.s32 s12, $0x6  }
0xe: {  	s10 =	ssub.s32 s21, s10;
	s8 =	simm.s32 @!p0 $0x0;
	p0 =	seq.s32 s12, $0xE  }
0xf: {  	s21 =	smul.u32 $0x27100, s7;
	s14 =	simm.s32 @!p0 $0x0;
	p0 =	seq.s32 s12, $0x16  }
0x10: {  	_ =	strace $0x80000047;
	s23 =	smul.u32 $0x4E, s12;
	s15 =	simm.s32 @!p0 $0x0  }
0x11: {  	s19 =	sadd.s32 s19, s21;
	p0 =	seq.s32 s12, $0x1E;
	s17 =	sadd.s32 s15, s14  }
0x12: {  	s6 =	sor.u32 s13, s23;
	s16 =	simm.s32 @!p0 $0x0;
	s22 =	sadd.s32 s8, s17  }
0x13: {  	s19 =	sadd.s32 s9, s19;
	s6 =	sadd.s32 s11, s6;
	s15 =	sadd.s32 s16, s22  }
0x14: {  	p0 =	sgt.u32 s12, $0x16;
	s14 =	simm.s32 $0x1;
	s18 =	smul.u32 $0x2B, s15  }
0x15: {  	s14 =	simm.s32 @!p0 $0x0;
	p0 =	seq.s32 s12, $0x1F;
	s12 =	simm.s32 $0x1  }
0x16: {  	[dreg:$0x6] =	wrdreg s19;
	s12 =	simm.s32 @!p0 $0x0;
	s20 =	sadd.s32 $0xC99, s18  }
0x17: {  	s23 =	sadd.s32 $0xCC4, s18;
	s24 =	sshrl.u32 s20, $0x8;
	s20 =	smul.u32 $0x4E0, s7  }
0x18: {  	s18 =	sadd.s32 $0xCEF, s18;
	s23 =	sshrl.u32 s23, $0x8;
	s24 =	smul.u32 $0x6, s24  }
0x19: {  	s22 =	sadd.s32 s14, s6;
	s18 =	sshrl.u32 s18, $0x8;
	s23 =	smul.u32 $0x6, s23  }
0x1a: {  	p0 =	seq.s32 s25, $0xF;
	s21 =	sadd.s32 s12, s22;
	s18 =	smul.u32 $0x6, s18  }
0x1b: {  	s20 =	sadd.s32 s26, s20;
	s26 =	smul.u32 $0x138800, s7;
	s7 =	sadd.s32 $0x4E, s15  }
0x1c: {  	s13 =	sor.u32 s13, s20;
	s20 =	smul.u32 $0x4E000, s25;
	s22 =	ssub.s32 s15, s24  }
0x1d: {  	s23 =	ssub.s32 s15, s23;
	s18 =	ssub.s32 s15, s18;
	s15 =	sshll.u32 s21, $0x4  }
0x1e: {  	s6 =	simm.s32 $0x1;
	s24 =	sadd.s32 $0x124800, s2;
	s21 =	sand.u32 $0x1FFFFFF0, s15  }
0x1f: {  	s11 =	sadd.s32 s11, s13;
	[dreg:$0x7] =	wrdreg s24;
	s19 =	sadd.s32 $0x10, s15  }
0x20: {  	s13 =	sadd.s32 $0x4C, s23;
	s18 =	sadd.s32 $0x4D, s18;
	s24 =	sadd.s32 s16, s17  }
0x21: {  	s16 =	smax.u32 s10, $0x1;
	s20 =	sshrl.u32 s20, $0x2;
	s11 =	sadd.s32 s14, s11  }
0x22: {  	s14 =	sadd.s32 s0, s21;
	s25 =	sand.u32 $0xFF, s18;
	s20 =	sadd.s32 s20, s2  }
0x23: {  	[dreg:$0x9] =	wrdreg s14;
	s11 =	sadd.s32 s12, s11;
	s14 =	sadd.s32 s0, s19  }
0x24: {  	[dreg:$0x5] =	wrdreg s20;
	s20 =	sshrl.u32 s26, $0x3;
	s26 =	sadd.s32 s4, s21  }
0x25: {  	s21 =	sadd.s32 $0x4B, s22;
	s11 =	sshll.u32 s11, $0x4;
	s9 =	sadd.s32 s9, s20  }
.Ltmp0:
0x26: {  	[dreg:$0x8] =	wrdreg s26;
	s20 =	sadd.s32 s4, s19;
	(pc) =	sbr.rel .LBB2_1-.Ltmp0, $4  }
0x27: {  	s23 =	sadd.s32 $0x20, s11;
	s26 =	sadd.s32 s8, s24;
	s24 =	sand.u32 $0xFF, s13  }
0x28: {  	[dreg:$0xa] =	wrdreg s20;
	s15 =	sadd.s32 $0x24900, s9;
	s9 =	sand.u32 $0x1FFFFF0, s23  }
0x29: {  	s19 =	sadd.s32 $0x4E, s26;
	s20 =	simm.s32 $0x80;
	s23 =	sand.u32 $0xFF, s21  }
0x2a: {  	s26 =	simm.s32 $0x2;
	s8 =	sadd.s32 s9, s4;
	s22 =	sadd.s32 s9, s0  }
.LBB2_10:
0x2b: {  	s9 =	sshll.u32 s6, s23  }
0x2c: {  	s9 =	sand.u32 $0x9, s9  }
0x2d: {  	p1 =	sne.s32 s9, $0x0  }
0x2e: {  	s9 =	simm.s32 @!p1 $0x1  }
0x2f: {  	s9 =	sshll.u32 @!p1 s9, s23  }
0x30: {  	s9 =	sand.u32 @!p1 $0x12, s9  }
0x31: {  	p2 =	sne.s32 @!p1 s9, $0x0  }
0x32: {  	p2 =	por !p2, p1  }
0x33: {  	s17 =	sshll.u32 s6, s24;
	s10 =	simm.s32 @!p2 $0x11  }
0x34: {  	s9 =	sand.u32 $0x9, s17;
	s10 =	simm.s32 @p2 $0x12  }
0x35: {  	s10 =	simm.s32 @p1 $0x10;
	p1 =	sne.s32 s9, $0x0  }
0x36: {  	s9 =	simm.s32 @!p1 $0x1  }
0x37: {  	s9 =	sshll.u32 @!p1 s9, s24  }
0x38: {  	s9 =	sand.u32 @!p1 $0x12, s9  }
0x39: {  	p2 =	sne.s32 @!p1 s9, $0x0  }
0x3a: {  	_ =	swait.ge [sflag:s10], $0x4000;
	p2 =	por !p2, p1  }
0x3b: {  	s18 =	sshll.u32 s6, s25;
	[sflag:s10] =	ssyncset.done $0x0;
	s9 =	simm.s32 @!p2 $0x11  }
0x3c: {  	[sflag:s10] =	ssyncadd.s32 $0xFFFFC000;
	s10 =	sand.u32 $0x9, s18;
	s9 =	simm.s32 @p2 $0x12  }
0x3d: {  	s9 =	simm.s32 @p1 $0x10;
	p1 =	sne.s32 s10, $0x0  }
0x3e: {  	s10 =	simm.s32 @!p1 $0x1  }
0x3f: {  	s10 =	sshll.u32 @!p1 s10, s25  }
0x40: {  	s10 =	sand.u32 @!p1 $0x12, s10  }
0x41: {  	p2 =	sne.s32 @!p1 s10, $0x0  }
0x42: {  	p2 =	por !p2, p1  }
0x43: {  	_ =	swait.ge [sflag:s9], $0x4000;
	s10 =	simm.s32 @!p2 $0x11  }
0x44: {  	[sflag:s9] =	ssyncset.done $0x0;
	s10 =	simm.s32 @p2 $0x12  }
0x45: {  	[sflag:s9] =	ssyncadd.s32 $0xFFFFC000;
	s10 =	simm.s32 @p1 $0x10  }
0x46: {  	_ =	swait.ge [sflag:s10], $0x4000  }
0x47: {  	[sflag:s10] =	ssyncset.done $0x0  }
0x48: {  	[sflag:s10] =	ssyncadd.s32 $0xFFFFC000  }
0x49: {  	s9 =	simm.s32 @p0 $0x1FD3;
	[bflag:$0x0] =	sbarrier.arrive $0xFFFF  }
0x4a: {  	[hbm:s15], [sflag:s9] =	dma.local @p0 [spmem:s0], $0x2800  }
0x4b: {  	s0 =	simm.s32 @p0 $0x13  }
0x4c: {  	_ =	swait.ge @p0 [sflag:s0], $0x2800  }
0x4d: {  	s31 =	sadd.s32 $0x1, s31;
	[sflag:s0] =	ssyncset.done @p0 $0x0  }
0x4e: {  	p1 =	sne.s32 s31, s16;
	[sflag:s0] =	ssyncadd.s32 @p0 $0xFFFFD800;
	s0 =	rddreg [dreg:$0x6]  }
0x4f: {  	[hbm:s0], [sflag:s4] =	dma.local @!p0 [spmem:s21], $0x2700  }
.Ltmp1:
0x50: {  	_ = 	snop;
	(pc) =	sbr.rel @!p1 .LBB2_11-.Ltmp1, $4  }
0x51: {  	s0 =	simm.s32 @!p0 $0x13  }
0x52: {  	_ =	swait.ge @!p0 [sflag:s0], $0x2700  }
0x53: {  	[sflag:s0] =	ssyncset.done @!p0 $0x0  }
0x54: {  	[sflag:s0] =	ssyncadd.s32 @!p0 $0xFFFFD900  }
.LBB2_1:
0x55: {  	s0 =	rddreg [dreg:$0x7]  }
0x56: {  	s4 =	simm.s32 @p0 $0x1FD3;
	s0 =	sshrl.u32 @p0 s0, $0x3  }
0x57: {  	[spmem:s0], [sflag:s4] =	dma.local @p0 [hbm:s5], $0x2800  }
0x58: {  	s4 =	simm.s32 @p0 $0x13  }
0x59: {  	s9 =	stileid.u32;
	_ =	swait.ge @p0 [sflag:s4], $0x2800  }
0x5a: {  	s9 =	sshll.u32 @!p0 s9, $0x6;
	[sflag:s4] =	ssyncset.done @p0 $0x0  }
0x5b: {  	[sflag:s4] =	ssyncadd.s32 @p0 $0xFFFFD800;
	s4 =	sor.u32 @!p0 $0x1C13, s9;
	s9 =	rddreg [dreg:$0x5]  }
0x5c: {  	s21 =	sshrl.u32 @!p0 s9, $0x3;
	s9 =	simm.s32 @!p0 $0x13  }
0x5d: {  	[spmem:s21], [sflag:s4] =	dma.local @!p0 [hbm:s5], $0x2700  }
0x5e: {  	_ =	swait.ge @!p0 [sflag:s9], $0x2700  }
0x5f: {  	[sflag:s9] =	ssyncset.done @!p0 $0x0  }
0x60: {  	[sflag:s9] =	ssyncadd.s32 @!p0 $0xFFFFD900  }
0x61: {  	[bflag:$0x0] =	sbarrier.arrive $0xFFFF  }
0x62: {  	s12 =	rddreg [dreg:$0x8]  }
0x63: {  	[tilespmem:s3], [sflag:$0x1] =	stream.linear.gather [hbm4b:s12+s3], $0x80, $0x38;
	[tilespmem:$0x1FE80] =	vst v63  }
0x64: {  	s13 =	rddreg [dreg:$0x9]  }
0x65: {  	[tilespmem:s20], [sflag:$0x2] =	stream.linear.gather [hbm4b:s13+s3], $0x80, $0x38;
	[tilespmem:$0x1FE80] =	vst v63  }
0x66: {  	s10 =	simm.s32 $0x100;
	s17 =	rddreg [dreg:$0xa]  }
0x67: {  	[tilespmem:s10], [sflag:$0x3] =	stream.linear.gather [hbm4b:s17+s3], $0x80, $0x38;
	[tilespmem:$0x1FE80] =	vst v63  }
0x68: {  	s18 =	simm.s32 $0x180  }
0x69: {  	[tilespmem:s18], [sflag:$0x4] =	stream.linear.gather [hbm4b:s14+s3], $0x80, $0x38;
	[tilespmem:$0x1FE80] =	vst v63  }
0x6a: {  	_ =	swait.ge [sflag:s6], $0x80  }
0x6b: {  	[sflag:s6] =	ssyncset.done $0x0  }
.Ltmp2:
0x6c: {  	[sflag:s6] =	ssyncadd.s32 $0xFFFFFF80;
	(pc) =	sbr.rel .LBB2_2-.Ltmp2, $4  }
0x6d: {  	_ =	swait.ge [sflag:s26], $0x80  }
0x6e: {  	s11 =	simm.s32 $0x0;
	[sflag:s26] =	ssyncset.done $0x0  }
0x6f: {  	s17 =	smov.u32 s8;
	s18 =	smov.u32 s22;
	[sflag:s26] =	ssyncadd.s32 $0xFFFFFF80  }
0x70: {  	[tilespmem:s28], [sflag:$0xD] =	stream.indirect.gather [hbm4b:s1+s20], $0x80, s3, s20, $0xb8;
	[tilespmem:$0x1FE80] =	vst v63  }
.LBB2_8:
0x71: {  	p1 =	sge.u32 s11, s7  }
0x72: {  	s9 =	simm.s32 @!p1 $0x11  }
0x73: {  	_ =	swait.ge @!p1 [sflag:s9], $0x4000  }
0x74: {  	[sflag:s9] =	ssyncset.done @!p1 $0x0  }
0x75: {  	[sflag:s9] =	ssyncadd.s32 @!p1 $0xFFFFC000;
	s9 =	simm.s32 @!p1 $0x9  }
0x76: {  	_ =	swait.ge @!p1 [sflag:s9], $0x80  }
0x77: {  	[sflag:s9] =	ssyncset.done @!p1 $0x0  }
0x78: {  	[sflag:s9] =	ssyncadd.s32 @!p1 $0xFFFFFF80;
	s9 =	simm.s32 @!p1 $0xA  }
0x79: {  	_ =	swait.ge @!p1 [sflag:s9], $0x80  }
0x7a: {  	s12 =	simm.s32 @!p1 $0x400;
	[sflag:s9] =	ssyncset.done @!p1 $0x0  }
0x7b: {  	s13 =	simm.s32 @!p1 $0x4600;
	[sflag:s9] =	ssyncadd.s32 @!p1 $0xFFFFFF80;
	s9 =	simm.s32 @!p1 $0x80  }
0x7c: {  	[tilespmem:s13], [sflag:$0xE] =	stream.indirect.gather @!p1 [hbm4b:s1+s9], $0x80, s12, s9, $0xb8;
	[tilespmem:$0x1FE80] =	vst v63  }
0x7d: {  	p1 =	sge.u32 s10, s7  }
0x7e: {  	s9 =	simm.s32 @!p1 $0x0;
	s10 =	simm.s32 @!p1 $0x500  }
0x7f: {  	[tilespmem:s10], [sflag:$0xB] =	stream.linear.gather @!p1 [hbm4b:s17+s9], $0x80, $0x38;
	[tilespmem:$0x1FE80] =	vst v63  }
0x80: {  	s10 =	simm.s32 @!p1 $0x580  }
0x81: {  	[tilespmem:s10], [sflag:$0xC] =	stream.linear.gather @!p1 [hbm4b:s18+s9], $0x80, $0x38;
	[tilespmem:$0x1FE80] =	vst v63  }
0x82: {  	_ =	swait.ge [sflag:s29], $0x4000  }
0x83: {  	[sflag:s29] =	ssyncset.done $0x0  }
0x84: {  	[sflag:s29] =	ssyncadd.s32 $0xFFFFC000  }
0x85: {  	[spmem:s2] =	stream.indirect.scatter.add.f32 [tilespmem:s28], [sflag:$0x10], $0x80, s30, s20, $0xb8;
	[tilespmem:$0x1FE80] =	vst v63  }
.LBB2_9:
0x86: {  	p1 =	sne.s32 s19, s11  }
.Ltmp3:
0x87: {  	_ = 	snop;
	(pc) =	sbr.rel @!p1 .LBB2_10-.Ltmp3, $2  }
0x88: {  	_ =	sdelay $0x2  }
0x89: {  	s17 =	sadd.s32 $0x10, s17;
	s18 =	sadd.s32 $0x10, s18  }
.LBB2_2:
0x8a: {  	s10 =	smulhi.u32 $0xAAAAAAAB, s11;
	_ =	sdelay $0x1  }
0x8b: {  	s10 =	sshrl.u32 s10, $0x2  }
0x8c: {  	s10 =	smul.u32 $0xFFFFFFFA, s10;
	_ =	sdelay $0x1  }
0x8d: {  	s12 =	sadd.s32 s10, s11  }
0x8e: {  	p1 =	sgt.s32 s12, $0x2  }
.Ltmp4:
0x8f: {  	_ = 	snop;
	(pc) =	sbr.rel @p1 .LBB2_5-.Ltmp4, $3  }
0x90: {  	_ =	sdelay $0x1  }
0x91: {  	s9 =	smov.u32 s11  }
0x92: {  	s11 =	sadd.s32 $0x1, s11;
	s10 =	sadd.s32 $0x2, s9  }
0x93: {  	p1 =	seq.s32 s12, $0x0  }
.Ltmp5:
0x94: {  	_ = 	snop;
	(pc) =	sbr.rel @p1 .LBB2_7-.Ltmp5, $1  }
0x95: {  	_ =	sdelay $0x3  }
0x96: {  	p1 =	seq.s32 s12, $0x1  }
0x97: {  	p3 =	sge.u32 @p1 s11, s7  }
0x98: {  	p2 =	por p3, !p1  }
0x99: {  	p4 =	slt.u32 @!p2 s9, $0x2  }
0x9a: {  	p3 =	por @p1 p4, p3  }
0x9b: {  	p3 =	por p3, !p1  }
0x9c: {  	s9 =	simm.s32 @!p3 $0x12  }
0x9d: {  	_ =	swait.ge @!p3 [sflag:s9], $0x4000  }
0x9e: {  	[sflag:s9] =	ssyncset.done @!p3 $0x0  }
0x9f: {  	[sflag:s9] =	ssyncadd.s32 @!p3 $0xFFFFC000;
	s9 =	simm.s32 @!p2 $0x5  }
0xa0: {  	_ =	swait.ge @!p2 [sflag:s9], $0x80  }
0xa1: {  	[sflag:s9] =	ssyncset.done @!p2 $0x0  }
0xa2: {  	[sflag:s9] =	ssyncadd.s32 @!p2 $0xFFFFFF80;
	s9 =	simm.s32 @!p2 $0x6  }
0xa3: {  	_ =	swait.ge @!p2 [sflag:s9], $0x80  }
0xa4: {  	s12 =	simm.s32 @!p2 $0x200;
	[sflag:s9] =	ssyncset.done @!p2 $0x0  }
0xa5: {  	s13 =	simm.s32 @!p2 $0x8600;
	[sflag:s9] =	ssyncadd.s32 @!p2 $0xFFFFFF80;
	s9 =	simm.s32 @!p2 $0x80  }
0xa6: {  	[tilespmem:s13], [sflag:$0xF] =	stream.indirect.gather @!p2 [hbm4b:s1+s9], $0x80, s12, s9, $0xb8;
	[tilespmem:$0x1FE80] =	vst v63  }
0xa7: {  	p2 =	sge.u32 @p1 s10, s7  }
0xa8: {  	p2 =	por p2, !p1  }
0xa9: {  	s9 =	simm.s32 @!p2 $0x0;
	s12 =	simm.s32 @!p2 $0x300  }
0xaa: {  	[tilespmem:s12], [sflag:$0x7] =	stream.linear.gather @!p2 [hbm4b:s17+s9], $0x80, $0x38;
	[tilespmem:$0x1FE80] =	vst v63  }
0xab: {  	s12 =	simm.s32 @!p2 $0x380  }
0xac: {  	[tilespmem:s12], [sflag:$0x8] =	stream.linear.gather @!p2 [hbm4b:s18+s9], $0x80, $0x38;
	[tilespmem:$0x1FE80] =	vst v63  }
0xad: {  	s9 =	simm.s32 @p1 $0xE  }
0xae: {  	s13 =	simm.s32 @p1 $0x4600;
	_ =	swait.ge @p1 [sflag:s9], $0x4000  }
0xaf: {  	s12 =	simm.s32 @p1 $0x180;
	p2 =	sge.u32 @!p1 s11, s7;
	[sflag:s9] =	ssyncset.done @p1 $0x0  }
0xb0: {  	p2 =	por p2, p1;
	[sflag:s9] =	ssyncadd.s32 @p1 $0xFFFFC000;
	s9 =	simm.s32 @p1 $0x80  }
0xb1: {  	[spmem:s2] =	stream.indirect.scatter.add.f32 @p1 [tilespmem:s13], [sflag:$0x11], $0x80, s12, s9, $0xb8;
	[tilespmem:$0x1FE80] =	vst v63  }
0xb2: {  	s9 =	simm.s32 @!p2 $0x10  }
0xb3: {  	_ =	swait.ge @!p2 [sflag:s9], $0x4000  }
0xb4: {  	[sflag:s9] =	ssyncset.done @!p2 $0x0  }
0xb5: {  	[sflag:s9] =	ssyncadd.s32 @!p2 $0xFFFFC000;
	s9 =	simm.s32 @!p2 $0x7  }
0xb6: {  	_ =	swait.ge @!p2 [sflag:s9], $0x80  }
0xb7: {  	[sflag:s9] =	ssyncset.done @!p2 $0x0  }
0xb8: {  	[sflag:s9] =	ssyncadd.s32 @!p2 $0xFFFFFF80;
	s9 =	simm.s32 @!p2 $0x8  }
0xb9: {  	_ =	swait.ge @!p2 [sflag:s9], $0x80  }
0xba: {  	s12 =	simm.s32 @!p2 $0x300;
	[sflag:s9] =	ssyncset.done @!p2 $0x0  }
0xbb: {  	s13 =	simm.s32 @!p2 $0x600;
	[sflag:s9] =	ssyncadd.s32 @!p2 $0xFFFFFF80;
	s9 =	simm.s32 @!p2 $0x80  }
0xbc: {  	[tilespmem:s13], [sflag:$0xD] =	stream.indirect.gather @!p2 [hbm4b:s1+s9], $0x80, s12, s9, $0xb8;
	[tilespmem:$0x1FE80] =	vst v63  }
0xbd: {  	p2 =	sge.u32 @!p1 s10, s7  }
0xbe: {  	p2 =	por p2, p1  }
0xbf: {  	s9 =	simm.s32 @!p2 $0x0;
	s10 =	simm.s32 @!p2 $0x400  }
0xc0: {  	[tilespmem:s10], [sflag:$0x9] =	stream.linear.gather @!p2 [hbm4b:s17+s9], $0x80, $0x38;
	[tilespmem:$0x1FE80] =	vst v63  }
0xc1: {  	s10 =	simm.s32 @!p2 $0x480  }
0xc2: {  	[tilespmem:s10], [sflag:$0xA] =	stream.linear.gather @!p2 [hbm4b:s18+s9], $0x80, $0x38;
	[tilespmem:$0x1FE80] =	vst v63  }
.Ltmp6:
0xc3: {  	s9 =	simm.s32 @!p1 $0xF;
	(pc) =	sbr.rel .LBB2_9-.Ltmp6, $4  }
0xc4: {  	_ =	swait.ge @!p1 [sflag:s9], $0x4000  }
0xc5: {  	s12 =	simm.s32 @!p1 $0x8600;
	[sflag:s9] =	ssyncset.done @!p1 $0x0  }
0xc6: {  	s10 =	simm.s32 @!p1 $0x280;
	[sflag:s9] =	ssyncadd.s32 @!p1 $0xFFFFC000;
	s9 =	simm.s32 @!p1 $0x80  }
0xc7: {  	[spmem:s2] =	stream.indirect.scatter.add.f32 @!p1 [tilespmem:s12], [sflag:$0x12], $0x80, s10, s9, $0xb8;
	[tilespmem:$0x1FE80] =	vst v63  }
.LBB2_5:
0xc8: {  	p1 =	seq.s32 s12, $0x3  }
.Ltmp7:
0xc9: {  	_ = 	snop;
	(pc) =	sbr.rel @p1 .LBB2_8-.Ltmp7, $1  }
0xca: {  	_ =	sdelay $0x3  }
0xcb: {  	p1 =	seq.s32 s12, $0x4  }
0xcc: {  	p2 =	sge.u32 @p1 s11, s7  }
0xcd: {  	p2 =	por p2, !p1  }
0xce: {  	s9 =	simm.s32 @!p2 $0x12  }
0xcf: {  	_ =	swait.ge @!p2 [sflag:s9], $0x4000  }
0xd0: {  	[sflag:s9] =	ssyncset.done @!p2 $0x0  }
0xd1: {  	[sflag:s9] =	ssyncadd.s32 @!p2 $0xFFFFC000;
	s9 =	simm.s32 @!p2 $0xB  }
0xd2: {  	_ =	swait.ge @!p2 [sflag:s9], $0x80  }
0xd3: {  	[sflag:s9] =	ssyncset.done @!p2 $0x0  }
0xd4: {  	[sflag:s9] =	ssyncadd.s32 @!p2 $0xFFFFFF80;
	s9 =	simm.s32 @!p2 $0xC  }
0xd5: {  	_ =	swait.ge @!p2 [sflag:s9], $0x80  }
0xd6: {  	s12 =	simm.s32 @!p2 $0x500;
	[sflag:s9] =	ssyncset.done @!p2 $0x0  }
0xd7: {  	s13 =	simm.s32 @!p2 $0x8600;
	[sflag:s9] =	ssyncadd.s32 @!p2 $0xFFFFFF80;
	s9 =	simm.s32 @!p2 $0x80  }
0xd8: {  	[tilespmem:s13], [sflag:$0xF] =	stream.indirect.gather @!p2 [hbm4b:s1+s9], $0x80, s12, s9, $0xb8;
	[tilespmem:$0x1FE80] =	vst v63  }
0xd9: {  	p2 =	sge.u32 @p1 s10, s7  }
0xda: {  	p2 =	por p2, !p1  }
0xdb: {  	s9 =	simm.s32 @!p2 $0x0  }
0xdc: {  	[tilespmem:s9], [sflag:$0x1] =	stream.linear.gather @!p2 [hbm4b:s17+s9], $0x80, $0x38;
	[tilespmem:$0x1FE80] =	vst v63  }
0xdd: {  	s12 =	simm.s32 @!p2 $0x80  }
0xde: {  	[tilespmem:s12], [sflag:$0x2] =	stream.linear.gather @!p2 [hbm4b:s18+s9], $0x80, $0x38;
	[tilespmem:$0x1FE80] =	vst v63  }
0xdf: {  	s9 =	simm.s32 @p1 $0xE  }
0xe0: {  	s13 =	simm.s32 @p1 $0x4600;
	_ =	swait.ge @p1 [sflag:s9], $0x4000  }
0xe1: {  	s12 =	simm.s32 @p1 $0x480;
	p2 =	sge.u32 @!p1 s11, s7;
	[sflag:s9] =	ssyncset.done @p1 $0x0  }
0xe2: {  	p2 =	por p2, p1;
	[sflag:s9] =	ssyncadd.s32 @p1 $0xFFFFC000;
	s9 =	simm.s32 @p1 $0x80  }
0xe3: {  	[spmem:s2] =	stream.indirect.scatter.add.f32 @p1 [tilespmem:s13], [sflag:$0x11], $0x80, s12, s9, $0xb8;
	[tilespmem:$0x1FE80] =	vst v63  }
0xe4: {  	s9 =	simm.s32 @!p2 $0x10  }
0xe5: {  	_ =	swait.ge @!p2 [sflag:s9], $0x4000  }
0xe6: {  	[sflag:s9] =	ssyncset.done @!p2 $0x0  }
0xe7: {  	[sflag:s9] =	ssyncadd.s32 @!p2 $0xFFFFC000;
	s9 =	simm.s32 @!p2 $0x1  }
0xe8: {  	_ =	swait.ge @!p2 [sflag:s9], $0x80  }
0xe9: {  	[sflag:s9] =	ssyncset.done @!p2 $0x0  }
0xea: {  	[sflag:s9] =	ssyncadd.s32 @!p2 $0xFFFFFF80;
	s9 =	simm.s32 @!p2 $0x2  }
0xeb: {  	_ =	swait.ge @!p2 [sflag:s9], $0x80  }
0xec: {  	s12 =	simm.s32 @!p2 $0x0;
	[sflag:s9] =	ssyncset.done @!p2 $0x0  }
0xed: {  	s13 =	simm.s32 @!p2 $0x600;
	[sflag:s9] =	ssyncadd.s32 @!p2 $0xFFFFFF80;
	s9 =	simm.s32 @!p2 $0x80  }
0xee: {  	[tilespmem:s13], [sflag:$0xD] =	stream.indirect.gather @!p2 [hbm4b:s1+s9], $0x80, s12, s9, $0xb8;
	[tilespmem:$0x1FE80] =	vst v63  }
0xef: {  	p2 =	sge.u32 @!p1 s10, s7  }
0xf0: {  	p2 =	por p2, p1  }
0xf1: {  	s9 =	simm.s32 @!p2 $0x0;
	s10 =	simm.s32 @!p2 $0x100  }
0xf2: {  	[tilespmem:s10], [sflag:$0x3] =	stream.linear.gather @!p2 [hbm4b:s17+s9], $0x80, $0x38;
	[tilespmem:$0x1FE80] =	vst v63  }
0xf3: {  	s10 =	simm.s32 @!p2 $0x180  }
0xf4: {  	[tilespmem:s10], [sflag:$0x4] =	stream.linear.gather @!p2 [hbm4b:s18+s9], $0x80, $0x38;
	[tilespmem:$0x1FE80] =	vst v63  }
.Ltmp8:
0xf5: {  	s9 =	simm.s32 @!p1 $0xF;
	(pc) =	sbr.rel .LBB2_9-.Ltmp8, $4  }
0xf6: {  	_ =	swait.ge @!p1 [sflag:s9], $0x4000  }
0xf7: {  	s12 =	simm.s32 @!p1 $0x8600;
	[sflag:s9] =	ssyncset.done @!p1 $0x0  }
0xf8: {  	s10 =	simm.s32 @!p1 $0x580;
	[sflag:s9] =	ssyncadd.s32 @!p1 $0xFFFFC000;
	s9 =	simm.s32 @!p1 $0x80  }
0xf9: {  	[spmem:s2] =	stream.indirect.scatter.add.f32 @!p1 [tilespmem:s12], [sflag:$0x12], $0x80, s10, s9, $0xb8;
	[tilespmem:$0x1FE80] =	vst v63  }
.LBB2_7:
0xfa: {  	p1 =	sge.u32 s11, s7  }
0xfb: {  	p2 =	slt.u32 @!p1 s9, $0x2  }
0xfc: {  	p2 =	por p2, p1  }
0xfd: {  	s9 =	simm.s32 @!p2 $0x11  }
0xfe: {  	_ =	swait.ge @!p2 [sflag:s9], $0x4000  }
0xff: {  	[sflag:s9] =	ssyncset.done @!p2 $0x0  }
0x100: {  	[sflag:s9] =	ssyncadd.s32 @!p2 $0xFFFFC000;
	s9 =	simm.s32 @!p1 $0x3  }
0x101: {  	_ =	swait.ge @!p1 [sflag:s9], $0x80  }
0x102: {  	[sflag:s9] =	ssyncset.done @!p1 $0x0  }
0x103: {  	[sflag:s9] =	ssyncadd.s32 @!p1 $0xFFFFFF80;
	s9 =	simm.s32 @!p1 $0x4  }
0x104: {  	_ =	swait.ge @!p1 [sflag:s9], $0x80  }
0x105: {  	s12 =	simm.s32 @!p1 $0x100;
	[sflag:s9] =	ssyncset.done @!p1 $0x0  }
0x106: {  	s13 =	simm.s32 @!p1 $0x4600;
	[sflag:s9] =	ssyncadd.s32 @!p1 $0xFFFFFF80;
	s9 =	simm.s32 @!p1 $0x80  }
0x107: {  	[tilespmem:s13], [sflag:$0xE] =	stream.indirect.gather @!p1 [hbm4b:s1+s9], $0x80, s12, s9, $0xb8;
	[tilespmem:$0x1FE80] =	vst v63  }
0x108: {  	p1 =	sge.u32 s10, s7  }
0x109: {  	s9 =	simm.s32 @!p1 $0x0;
	s10 =	simm.s32 @!p1 $0x200  }
0x10a: {  	[tilespmem:s10], [sflag:$0x5] =	stream.linear.gather @!p1 [hbm4b:s17+s9], $0x80, $0x38;
	[tilespmem:$0x1FE80] =	vst v63  }
0x10b: {  	s10 =	simm.s32 @!p1 $0x280  }
0x10c: {  	[tilespmem:s10], [sflag:$0x6] =	stream.linear.gather @!p1 [hbm4b:s18+s9], $0x80, $0x38;
	[tilespmem:$0x1FE80] =	vst v63  }
.Ltmp9:
0x10d: {  	_ = 	snop;
	(pc) =	sbr.rel .LBB2_9-.Ltmp9, $4  }
0x10e: {  	_ =	swait.ge [sflag:s29], $0x4000  }
0x10f: {  	[sflag:s29] =	ssyncset.done $0x0  }
0x110: {  	[sflag:s29] =	ssyncadd.s32 $0xFFFFC000  }
0x111: {  	[spmem:s2] =	stream.indirect.scatter.add.f32 [tilespmem:s28], [sflag:$0x10], $0x80, s20, s20, $0xb8;
	[tilespmem:$0x1FE80] =	vst v63  }
.LBB2_11:
0x112: {  	_ =	sfence.sel $0x180000  }
0x113: {  	[bflag:$0x0] =	sbarrier.arrive $0xFFFF  }
0x114: {  	_ =	strace $0x90000047  }
0x115: {  	s0 =	stileid.u32;
	[bflag:$0x2] =	sbarrier.arrive $0xFFFF  }
0x116: {  	p0 =	sne.s32 s0, $0x0;
	s0 =	rddreg [dreg:$0x4]  }
0x117: {  	s0 =	sadd.s32 @!p0 $0x100000, s0  }
0x118: {  	[sflag:s0] =	ssyncadd.tile.s32 @!p0 $0x1;
	_ =	shalt  }
.Lfunc_end2:
_tile_overlayer_lowered:
.L_overlay_start_2:
0x119: {  	(tag) =	ssettag $0x2  }
0x11a: {  	s0 =	rddreg [dreg:$0x0];
	s2 =	stileid.u32  }
0x11b: {  	s1 =	rddreg [dreg:$0x1];
	p0 =	sne.s32 s2, $0x0  }
0x11c: {  	s3 =	rddreg [dreg:$0x2];
	[bflag:$0x3] =	sbarrier.arrive $0xFFFF;
	s2 =	simm.s32 @!p0 $0x1C13  }
0x11d: {  	[timem:s3], [sflag:s2] =	dma.local @!p0 [hbm:s0], s1  }
0x11e: {  	s0 =	simm.s32 @!p0 $0x13  }
0x11f: {  	_ =	swait.ge @!p0 [sflag:s0], s1  }
0x120: {  	s1 =	ssub.s32 @!p0 $0x0, s1;
	[sflag:s0] =	ssyncset.done @!p0 $0x0  }
0x121: {  	[sflag:s0] =	ssyncadd.s32 @!p0 s1  }
0x122: {  	[bflag:$0x3] =	sbarrier.arrive $0xFFFF  }
0x123: {  	_ =	shalt  }

// kernel: kernel.9.cloned.1.call-start
scs
__scs_entry_jumppad:
0x0: {  	(pc) =	sbr.rel $0x88, $3  }
0x1: {  	(tag) =	ssettag $0x0;
	lr =	simm.s32 $0x1  }
0x2: {  	[smem:$0x3F90] =	sst lr;
	_ =	strace $0xD0000000  }
0x3: {  	_ = 	snop  }
0x4: {  	_ = 	snop  }
0x5: {  	_ = 	snop  }
0x6: {  	_ = 	snop  }
0x7: {  	_ = 	snop  }
__scs_overlays_trampoline_lowered:
0x8: {  	[smem:$0x3F9F] =	sst s0  }
0x9: {  	[smem:$0x3FA0] =	sst s1  }
0xa: {  	[smem:$0x3FA1] =	sst s2  }
0xb: {  	[smem:$0x3FA2] =	sst s3  }
0xc: {  	[smem:$0x3FA3] =	sst s4  }
0xd: {  	[smem:$0x3FA4] =	sst s5  }
0xe: {  	[smem:$0x3FA5] =	sst s6  }
0xf: {  	[smem:$0x3FA6] =	sst s7  }
0x10: {  	[smem:$0x3FA7] =	sst s8  }
0x11: {  	[smem:$0x3FA8] =	sst s9;
	s0 =	simm.s32 @!p0 $0x0  }
0x12: {  	s1 =	sld [smem:$0x3F8E];
	s0 =	simm.s32 @p0 $0x1  }
0x13: {  	[smem:$0x3FA9] =	sst s0;
	s0 =	simm.s32 @!p1 $0x0  }
0x14: {  	s2 =	sld [smem:$0x3F8D];
	s0 =	simm.s32 @p1 $0x1  }
0x15: {  	[smem:$0x3FAA] =	sst s0;
	s0 =	simm.s32 @!p2 $0x0  }
0x16: {  	s3 =	sld [smem:$0x3FDB];
	s0 =	simm.s32 @p2 $0x1  }
0x17: {  	s4 =	simm.s32 $0x1BF5;
	[smem:$0x3FAC] =	sst s0  }
0x18: {  	s0 =	sld [smem:$0x3F8F];
	_ =	swait.ge [sflag:s4], $0x0  }
0x19: {  	s7 =	sld [smem:$0x3F90]  }
0x1a: {  	s8 =	sadd.s32 $0xFFFFE003, lr  }
0x1b: {  	s9 =	sadd.s32 $0xFFFFFEF7, lr;
	s5 =	simm.s32 $0xFFFFFFFF;
	p2 =	slt.u32 s8, $0xFFFFF086  }
0x1c: {  	p1 =	slt.u32 s9, $0xF7A;
	s5 =	simm.s32 @!p2 $0x0  }
0x1d: {  	s5 =	simm.s32 @p1 $0x1;
	p0 =	seq.s32 s7, s2  }
0x1e: {  	s7 =	smul.u32 @!p0 $0xF7A, s2;
	p2 =	seq.s32 @!p0 s5, $0x0  }
0x1f: {  	s9 =	smul.u32 $0xF7A, s1;
	s8 =	simm.s32 @!p0 $0x1BF5;
	p2 =	por !p2, p0  }
0x20: {  	[sflag:s8] =	ssyncset.s32 @!p0 $0xFFFFF086;
	s6 =	sadd.s32 @!p0 s3, s7;
	s7 =	simm.s32 @!p0 $0x108  }
0x21: {  	s3 =	sadd.s32 s3, s9;
	s6 =	sadd.s32 @!p0 $0x88, s6;
	s7 =	simm.s32 @p2 $0x1082  }
0x22: {  	[simem:s7], [sflag:s8] =	dma.local @!p0 [hbm:s6], $0xF7A  }
0x23: {  	s9 =	sor.u32 $0xD0000000, s2;
	s6 =	simm.s32 $0x108;
	_ =	swait.ge @!p0 [sflag:s8], $0x0  }
0x24: {  	s3 =	sadd.s32 $0x88, s3;
	s6 =	simm.s32 @!p1 $0x1082;
	[sflag:s4] =	ssyncset.s32 $0xFFFFF086  }
0x25: {  	[simem:s6], [sflag:s4] =	dma.local [hbm:s3], $0xF7A  }
0x26: {  	[smem:$0x3F90] =	sst s1;
	(tag) =	ssettag s2;
	_ =	strace s9  }
0x27: {  	s1 =	sld [smem:$0x3FA0]  }
0x28: {  	s2 =	sld [smem:$0x3FA1]  }
0x29: {  	s4 =	sld [smem:$0x3FA3]  }
0x2a: {  	p0 =	seq.s32 s5, $0x0;
	s5 =	sld [smem:$0x3FA4]  }
0x2b: {  	s6 =	sld [smem:$0x3FA5]  }
0x2c: {  	s7 =	sld [smem:$0x3FA6]  }
0x2d: {  	s3 =	simm.s32 $0x108;
	s8 =	sld [smem:$0x3FA7]  }
0x2e: {  	s3 =	simm.s32 @!p0 $0x1082;
	s9 =	sld [smem:$0x3FA8]  }
0x2f: {  	lr =	sadd.s32 s0, s3;
	s0 =	sld [smem:$0x3F9F]  }
0x30: {  	s3 =	sld [smem:$0x3FA2]  }
0x31: {  	[smem:$0x3FAB] =	sst s10  }
0x32: {  	s10 =	sld [smem:$0x3FA9];
	_ =	sdelay $0x3  }
0x33: {  	p0 =	seq.s32 s10, $0x1;
	s10 =	sld [smem:$0x3FAB];
	_ =	sdelay $0x3  }
0x34: {  	[smem:$0x3FAB] =	sst s10  }
0x35: {  	s10 =	sld [smem:$0x3FAA];
	_ =	sdelay $0x3  }
0x36: {  	p1 =	seq.s32 s10, $0x1;
	s10 =	sld [smem:$0x3FAB];
	_ =	sdelay $0x3  }
0x37: {  	[smem:$0x3FAB] =	sst s10  }
0x38: {  	s10 =	sld [smem:$0x3FAC]  }
0x39: {  	_ = 	snop;
	(pc) =	sbr.ind lr, $3  }
0x3a: {  	_ = 	snop  }
0x3b: {  	_ = 	snop  }
0x3c: {  	p2 =	seq.s32 s10, $0x1;
	s10 =	sld [smem:$0x3FAB]  }
0x3d: {  	_ =	shalt  }
0x3e: {  	_ =	shalt  }
0x3f: {  	_ =	shalt  }
0x40: {  	_ =	shalt  }
0x41: {  	_ =	shalt  }
0x42: {  	_ =	shalt  }
0x43: {  	_ =	shalt  }
0x44: {  	_ =	shalt  }
0x45: {  	_ =	shalt  }
0x46: {  	_ =	shalt  }
0x47: {  	_ =	shalt  }
0x48: {  	_ =	shalt  }
0x49: {  	_ =	shalt  }
0x4a: {  	_ =	shalt  }
0x4b: {  	_ =	shalt  }
0x4c: {  	_ =	shalt  }
0x4d: {  	_ =	shalt  }
0x4e: {  	_ =	shalt  }
0x4f: {  	_ =	shalt  }
0x50: {  	_ =	shalt  }
0x51: {  	_ =	shalt  }
0x52: {  	_ =	shalt  }
0x53: {  	_ =	shalt  }
0x54: {  	_ =	shalt  }
0x55: {  	_ =	shalt  }
0x56: {  	_ =	shalt  }
0x57: {  	_ =	shalt  }
0x58: {  	_ =	shalt  }
0x59: {  	_ =	shalt  }
0x5a: {  	_ =	shalt  }
0x5b: {  	_ =	shalt  }
0x5c: {  	_ =	shalt  }
0x5d: {  	_ =	shalt  }
0x5e: {  	_ =	shalt  }
0x5f: {  	_ =	shalt  }
0x60: {  	_ =	shalt  }
0x61: {  	_ =	shalt  }
0x62: {  	_ =	shalt  }
0x63: {  	_ =	shalt  }
0x64: {  	_ =	shalt  }
0x65: {  	_ =	shalt  }
0x66: {  	_ =	shalt  }
0x67: {  	_ =	shalt  }
0x68: {  	_ =	shalt  }
0x69: {  	_ =	shalt  }
0x6a: {  	_ =	shalt  }
0x6b: {  	_ =	shalt  }
0x6c: {  	_ =	shalt  }
0x6d: {  	_ =	shalt  }
0x6e: {  	_ =	shalt  }
0x6f: {  	_ =	shalt  }
0x70: {  	_ =	shalt  }
0x71: {  	_ =	shalt  }
0x72: {  	_ =	shalt  }
0x73: {  	_ =	shalt  }
0x74: {  	_ =	shalt  }
0x75: {  	_ =	shalt  }
0x76: {  	_ =	shalt  }
0x77: {  	_ =	shalt  }
0x78: {  	_ =	shalt  }
0x79: {  	_ =	shalt  }
0x7a: {  	_ =	shalt  }
0x7b: {  	_ =	shalt  }
0x7c: {  	_ =	shalt  }
0x7d: {  	_ =	shalt  }
0x7e: {  	_ =	shalt  }
0x7f: {  	_ =	shalt  }
0x80: {  	_ =	shalt  }
0x81: {  	_ =	shalt  }
0x82: {  	_ =	shalt  }
0x83: {  	_ =	shalt  }
0x84: {  	_ =	shalt  }
0x85: {  	_ =	shalt  }
0x86: {  	_ =	shalt  }
0x87: {  	_ =	shalt  }
.Lfunc_end0:
.L_simem_size_0:
called_computation.1_lowered:
.L_overlay_start_0:
0x88: {  	s2 =	sld [smem:$0x3FD9]  }
0x89: {  	s3 =	sld [smem:$0x3FFE];
	_ =	sdelay $0x1  }
0x8a: {  	s1 =	srdreg.scid  }
0x8b: {  	s0 =	sand.u32 $0x1, s1  }
0x8c: {  	s14 =	sshll.u32 s0, $0xA;
	s2 =	sadd.s32 s3, s2  }
0x8d: {  	s2 =	sadd.s32 s2, s14  }
0x8e: {  	[smem:$0x3FB7] =	sst s2  }
0x8f: {  	_ = 	snop  }
0x90: {  	s2 =	sld [smem:$0x3FD0];
	_ =	sdelay $0x2  }
0x91: {  	s15 =	simm.s32 $0xA;
	s4 =	simm.s32 $0x10  }
0x92: {  	[smem:s4], [sflag:s15] =	dma.local [hbm:s2], $0x1  }
0x93: {  	_ =	swait.eq [sflag:s15], $0x1  }
0x94: {  	[sflag:s15] =	ssyncset.done $0x0  }
0x95: {  	s16 =	sld [smem:$0x10];
	[sflag:s15] =	ssyncadd.s32 $0xFFFFFFFF  }
0x96: {  	s17 =	sld [smem:$0x11];
	(tm) =	ssettm $0x1  }
0x97: {  	s18 =	sld [smem:$0x3FFB];
	_ =	sdelay $0x3  }
0x98: {  	_ =	strace s18  }
0x99: {  	s4 =	sld [smem:$0x3FFC];
	_ =	sdelay $0x3  }
0x9a: {  	_ =	strace s4  }
0x9b: {  	s4 =	sld [smem:$0x3FFD];
	_ =	sdelay $0x3  }
0x9c: {  	_ =	strace s4  }
0x9d: {  	_ =	strace $0x8FFFFFFF  }
0x9e: {  	s19 =	sld [smem:$0x3FDB];
	_ =	sdelay $0x1  }
0x9f: {  	s5 =	simm.s32 $_scs_section_size  }
0xa0: {  	s6 =	simm.s32 $_size__tile_overlayer_lowered;
	s7 =	simm.s32 $_tile_overlayer_lowered  }
0xa1: {  	s22 =	simm.s32 $0x1BFF;
	s21 =	sshll.u32 s7, $0x1;
	s4 =	sadd.s32 s5, s19  }
0xa2: {  	s8 =	simm.s32 $0x0;
	s20 =	sshll.u32 s6, $0x1;
	s6 =	sadd.s32 s21, s4  }
0xa3: {  	[timem:s8], [sflag:s22] =	dma.local [hbm:s6], s20  }
0xa4: {  	_ =	swait.ge [sflag:s22], s20  }
0xa5: {  	s5 =	ssub.s32 $0x0, s20;
	[sflag:s22] =	ssyncset.done $0x0  }
0xa6: {  	[sflag:s22] =	ssyncadd.s32 s5;
	_ =	sdelay $0x1  }
0xa7: {  	s23 =	simm.s32 $0x1B8B  }
0xa8: {  	_ =	swait.ge [sflag:s23], $0x1  }
0xa9: {  	[sflag:s23] =	ssyncset.done $0x0  }
0xaa: {  	s25 =	simm.s32 $0x1B8E;
	s24 =	sld [smem:$0x3FFE];
	[sflag:s23] =	ssyncadd.s32 $0xFFFFFFFF  }
0xab: {  	s26 =	simm.s32 $execute0_lowered;
	[smem:$0x3FD2] =	sst s25  }
0xac: {  	s6 =	sshll.u32 s26, $0x1;
	_ =	strace $0x80000049;
	[dreg:$0x1] =	wrdreg $0xFFFFFFFF  }
0xad: {  	s28 =	simm.s32 $_size_execute0_lowered;
	s4 =	sadd.s32 s4, s6;
	[dreg:$0x0] =	wrdreg $0x0  }
0xae: {  	s6 =	sshll.u32 s28, $0x1;
	[dreg:$0x2] =	wrdreg s4  }
0xaf: {  	[dreg:$0x3] =	wrdreg s6  }
0xb0: {  	[dreg:$0x4] =	wrdreg $0xC0  }
0xb1: {  	_ =	task [dreg:s8], $0x5FFFF  }
0xb2: {  	[dreg:$0x1] =	wrdreg $0xFFFFFFFF  }
0xb3: {  	[dreg:$0x0] =	wrdreg $0x60  }
0xb4: {  	[dreg:$0x2] =	wrdreg s24  }
0xb5: {  	[dreg:$0x3] =	wrdreg s16  }
0xb6: {  	[dreg:$0x4] =	wrdreg s17  }
0xb7: {  	[dreg:$0x5] =	wrdreg $0xC6000  }
0xb8: {  	[dreg:$0x6] =	wrdreg $0x9  }
0xb9: {  	_ =	task.clear_ibuf [dreg:s8], $0x7FFFF;
	_ =	strace $0x90000049  }
0xba: {  	s29 =	simm.s32 $0x9;
	_ =	strace $0x8000004B  }
0xbb: {  	_ =	swait.ge [sflag:s29], $0x1  }
0xbc: {  	[sflag:s29] =	ssyncadd.s32 $0xFFFFFFFF  }
0xbd: {  	_ =	strace $0x9000004B  }
0xbe: {  	_ =	sfence  }
0xbf: {  	s30 =	sld [smem:$0x0];
	_ =	sdelay $0x2  }
0xc0: {  	s31 =	sshll.u32 s1, $0xD;
	s1 =	sshrl.u32 s1, $0x2  }
0xc1: {  	s3 =	sand.u32 $0x4000, s31;
	s1 =	sadd.s32 s1, s30  }
0xc2: {  	s0 =	sor.u32 s3, s0;
	s1 =	sshll.u32 s1, $0x11  }
0xc3: {  	s0 =	sor.u32 s1, s0  }
0xc4: {  	s0 =	sadd.s32 $0x8F2B, s0  }
0xc5: {  	[sflag:s0] =	ssyncadd.remote.s32 $0x1  }
0xc6: {  	_ =	sfence.sel $0xFFFF  }
0xc7: {  	[dreg:$0x0] =	wrdreg $0xFFFFFFFF;
	(pc) =	sbr.abs _section_cstart, $3  }
0xc8: {  	[dreg:$0x1] =	wrdreg $0xFFFFFFFF  }
0xc9: {  	_ =	task.clear_ibuf [dreg:s8], $0x2FFFF;
	_ =	strace $0x9FFFFFFF  }
0xca: {  	(tm) =	ssettm $0x7FFFFFFF  }
0xcb: {  	_ =	shalt  }
tec
execute0_lowered:
.L_overlay_start_1:
0x0: {  	(tag) =	ssettag $0x1  }
0x1: {  	s6 =	rddreg [dreg:$0x0]  }
0x2: {  	s0 =	rddreg [dreg:$0x1]  }
0x3: {  	s1 =	rddreg [dreg:$0x2]  }
0x4: {  	s2 =	rddreg [dreg:$0x3];
	s3 =	simm.s32 $0x0;
	s5 =	srdreg.scid  }
0x5: {  	s25 =	stileid.u32;
	s11 =	simm.s32 $0x1;
	s13 =	simm.s32 $0x1  }
0x6: {  	s14 =	simm.s32 $0x1;
	s15 =	simm.s32 $0x1;
	s16 =	simm.s32 $0x1  }
0x7: {  	s28 =	simm.s32 $0x600;
	s29 =	simm.s32 $0xD;
	s30 =	simm.s32 $0x380  }
0x8: {  	s31 =	simm.s32 $0x0;
	[smem:$0x7FF] =	sst s3;
	s7 =	sand.u32 $0x1, s5  }
0x9: {  	s4 =	sadd.s32 $0x3200, s6;
	s5 =	sadd.s32 $0xD000, s6;
	s8 =	sshll.u32 s7, $0x4  }
0xa: {  	s9 =	sadd.s32 $0xF800, s6;
	s19 =	smul.u32 $0x2700, s25;
	s12 =	sor.u32 s25, s8  }
0xb: {  	s26 =	smul.u32 $0x4E, s25;
	s21 =	ssub.s32 $0x2, s7;
	p0 =	sgt.u32 s12, $0x6  }
0xc: {  	s10 =	sshrl.u32 s21, $0x1;
	s11 =	simm.s32 @!p0 $0x0;
	p0 =	sgt.u32 s12, $0xE  }
0xd: {  	s8 =	simm.s32 $0x1;
	s13 =	simm.s32 @!p0 $0x0;
	p0 =	seq.s32 s12, $0x6  }
0xe: {  	s10 =	ssub.s32 s21, s10;
	s8 =	simm.s32 @!p0 $0x0;
	p0 =	seq.s32 s12, $0xE  }
0xf: {  	s21 =	smul.u32 $0x27100, s7;
	s14 =	simm.s32 @!p0 $0x0;
	p0 =	seq.s32 s12, $0x16  }
0x10: {  	_ =	strace $0x8000004A;
	s23 =	smul.u32 $0x4E, s12;
	s15 =	simm.s32 @!p0 $0x0  }
0x11: {  	s19 =	sadd.s32 s19, s21;
	p0 =	seq.s32 s12, $0x1E;
	s17 =	sadd.s32 s15, s14  }
0x12: {  	s6 =	sor.u32 s13, s23;
	s16 =	simm.s32 @!p0 $0x0;
	s22 =	sadd.s32 s8, s17  }
0x13: {  	s19 =	sadd.s32 s9, s19;
	s6 =	sadd.s32 s11, s6;
	s15 =	sadd.s32 s16, s22  }
0x14: {  	p0 =	sgt.u32 s12, $0x16;
	s14 =	simm.s32 $0x1;
	s18 =	smul.u32 $0x2B, s15  }
0x15: {  	s14 =	simm.s32 @!p0 $0x0;
	p0 =	seq.s32 s12, $0x1F;
	s12 =	simm.s32 $0x1  }
0x16: {  	[dreg:$0x6] =	wrdreg s19;
	s12 =	simm.s32 @!p0 $0x0;
	s20 =	sadd.s32 $0xC99, s18  }
0x17: {  	s23 =	sadd.s32 $0xCC4, s18;
	s24 =	sshrl.u32 s20, $0x8;
	s20 =	smul.u32 $0x4E0, s7  }
0x18: {  	s18 =	sadd.s32 $0xCEF, s18;
	s23 =	sshrl.u32 s23, $0x8;
	s24 =	smul.u32 $0x6, s24  }
0x19: {  	s22 =	sadd.s32 s14, s6;
	s18 =	sshrl.u32 s18, $0x8;
	s23 =	smul.u32 $0x6, s23  }
0x1a: {  	p0 =	seq.s32 s25, $0xF;
	s21 =	sadd.s32 s12, s22;
	s18 =	smul.u32 $0x6, s18  }
0x1b: {  	s20 =	sadd.s32 s26, s20;
	s26 =	smul.u32 $0x138800, s7;
	s7 =	sadd.s32 $0x4E, s15  }
0x1c: {  	s13 =	sor.u32 s13, s20;
	s20 =	smul.u32 $0x4E000, s25;
	s22 =	ssub.s32 s15, s24  }
0x1d: {  	s23 =	ssub.s32 s15, s23;
	s18 =	ssub.s32 s15, s18;
	s15 =	sshll.u32 s21, $0x4  }
0x1e: {  	s6 =	simm.s32 $0x1;
	s24 =	sadd.s32 $0x124800, s2;
	s21 =	sand.u32 $0x1FFFFFF0, s15  }
0x1f: {  	s11 =	sadd.s32 s11, s13;
	[dreg:$0x7] =	wrdreg s24;
	s19 =	sadd.s32 $0x10, s15  }
0x20: {  	s13 =	sadd.s32 $0x4C, s23;
	s18 =	sadd.s32 $0x4D, s18;
	s24 =	sadd.s32 s16, s17  }
0x21: {  	s16 =	smax.u32 s10, $0x1;
	s20 =	sshrl.u32 s20, $0x2;
	s11 =	sadd.s32 s14, s11  }
0x22: {  	s14 =	sadd.s32 s0, s21;
	s25 =	sand.u32 $0xFF, s18;
	s20 =	sadd.s32 s20, s2  }
0x23: {  	[dreg:$0x9] =	wrdreg s14;
	s11 =	sadd.s32 s12, s11;
	s14 =	sadd.s32 s0, s19  }
0x24: {  	[dreg:$0x5] =	wrdreg s20;
	s20 =	sshrl.u32 s26, $0x3;
	s26 =	sadd.s32 s4, s21  }
0x25: {  	s21 =	sadd.s32 $0x4B, s22;
	s11 =	sshll.u32 s11, $0x4;
	s9 =	sadd.s32 s9, s20  }
.Ltmp0:
0x26: {  	[dreg:$0x8] =	wrdreg s26;
	s20 =	sadd.s32 s4, s19;
	(pc) =	sbr.rel .LBB2_1-.Ltmp0, $4  }
0x27: {  	s23 =	sadd.s32 $0x20, s11;
	s26 =	sadd.s32 s8, s24;
	s24 =	sand.u32 $0xFF, s13  }
0x28: {  	[dreg:$0xa] =	wrdreg s20;
	s15 =	sadd.s32 $0x24900, s9;
	s9 =	sand.u32 $0x1FFFFF0, s23  }
0x29: {  	s19 =	sadd.s32 $0x4E, s26;
	s20 =	simm.s32 $0x80;
	s23 =	sand.u32 $0xFF, s21  }
0x2a: {  	s26 =	simm.s32 $0x2;
	s8 =	sadd.s32 s9, s4;
	s22 =	sadd.s32 s9, s0  }
.LBB2_10:
0x2b: {  	s9 =	sshll.u32 s6, s23  }
0x2c: {  	s9 =	sand.u32 $0x9, s9  }
0x2d: {  	p1 =	sne.s32 s9, $0x0  }
0x2e: {  	s9 =	simm.s32 @!p1 $0x1  }
0x2f: {  	s9 =	sshll.u32 @!p1 s9, s23  }
0x30: {  	s9 =	sand.u32 @!p1 $0x12, s9  }
0x31: {  	p2 =	sne.s32 @!p1 s9, $0x0  }
0x32: {  	p2 =	por !p2, p1  }
0x33: {  	s17 =	sshll.u32 s6, s24;
	s10 =	simm.s32 @!p2 $0x11  }
0x34: {  	s9 =	sand.u32 $0x9, s17;
	s10 =	simm.s32 @p2 $0x12  }
0x35: {  	s10 =	simm.s32 @p1 $0x10;
	p1 =	sne.s32 s9, $0x0  }
0x36: {  	s9 =	simm.s32 @!p1 $0x1  }
0x37: {  	s9 =	sshll.u32 @!p1 s9, s24  }
0x38: {  	s9 =	sand.u32 @!p1 $0x12, s9  }
0x39: {  	p2 =	sne.s32 @!p1 s9, $0x0  }
0x3a: {  	_ =	swait.ge [sflag:s10], $0x4000;
	p2 =	por !p2, p1  }
0x3b: {  	s18 =	sshll.u32 s6, s25;
	[sflag:s10] =	ssyncset.done $0x0;
	s9 =	simm.s32 @!p2 $0x11  }
0x3c: {  	[sflag:s10] =	ssyncadd.s32 $0xFFFFC000;
	s10 =	sand.u32 $0x9, s18;
	s9 =	simm.s32 @p2 $0x12  }
0x3d: {  	s9 =	simm.s32 @p1 $0x10;
	p1 =	sne.s32 s10, $0x0  }
0x3e: {  	s10 =	simm.s32 @!p1 $0x1  }
0x3f: {  	s10 =	sshll.u32 @!p1 s10, s25  }
0x40: {  	s10 =	sand.u32 @!p1 $0x12, s10  }
0x41: {  	p2 =	sne.s32 @!p1 s10, $0x0  }
0x42: {  	p2 =	por !p2, p1  }
0x43: {  	_ =	swait.ge [sflag:s9], $0x4000;
	s10 =	simm.s32 @!p2 $0x11  }
0x44: {  	[sflag:s9] =	ssyncset.done $0x0;
	s10 =	simm.s32 @p2 $0x12  }
0x45: {  	[sflag:s9] =	ssyncadd.s32 $0xFFFFC000;
	s10 =	simm.s32 @p1 $0x10  }
0x46: {  	_ =	swait.ge [sflag:s10], $0x4000  }
0x47: {  	[sflag:s10] =	ssyncset.done $0x0  }
0x48: {  	[sflag:s10] =	ssyncadd.s32 $0xFFFFC000  }
0x49: {  	s9 =	simm.s32 @p0 $0x1FD3;
	[bflag:$0x0] =	sbarrier.arrive $0xFFFF  }
0x4a: {  	[hbm:s15], [sflag:s9] =	dma.local @p0 [spmem:s0], $0x2800  }
0x4b: {  	s0 =	simm.s32 @p0 $0x13  }
0x4c: {  	_ =	swait.ge @p0 [sflag:s0], $0x2800  }
0x4d: {  	s31 =	sadd.s32 $0x1, s31;
	[sflag:s0] =	ssyncset.done @p0 $0x0  }
0x4e: {  	p1 =	sne.s32 s31, s16;
	[sflag:s0] =	ssyncadd.s32 @p0 $0xFFFFD800;
	s0 =	rddreg [dreg:$0x6]  }
0x4f: {  	[hbm:s0], [sflag:s4] =	dma.local @!p0 [spmem:s21], $0x2700  }
.Ltmp1:
0x50: {  	_ = 	snop;
	(pc) =	sbr.rel @!p1 .LBB2_11-.Ltmp1, $4  }
0x51: {  	s0 =	simm.s32 @!p0 $0x13  }
0x52: {  	_ =	swait.ge @!p0 [sflag:s0], $0x2700  }
0x53: {  	[sflag:s0] =	ssyncset.done @!p0 $0x0  }
0x54: {  	[sflag:s0] =	ssyncadd.s32 @!p0 $0xFFFFD900  }
.LBB2_1:
0x55: {  	s0 =	rddreg [dreg:$0x7]  }
0x56: {  	s4 =	simm.s32 @p0 $0x1FD3;
	s0 =	sshrl.u32 @p0 s0, $0x3  }
0x57: {  	[spmem:s0], [sflag:s4] =	dma.local @p0 [hbm:s5], $0x2800  }
0x58: {  	s4 =	simm.s32 @p0 $0x13  }
0x59: {  	s9 =	stileid.u32;
	_ =	swait.ge @p0 [sflag:s4], $0x2800  }
0x5a: {  	s9 =	sshll.u32 @!p0 s9, $0x6;
	[sflag:s4] =	ssyncset.done @p0 $0x0  }
0x5b: {  	[sflag:s4] =	ssyncadd.s32 @p0 $0xFFFFD800;
	s4 =	sor.u32 @!p0 $0x1C13, s9;
	s9 =	rddreg [dreg:$0x5]  }
0x5c: {  	s21 =	sshrl.u32 @!p0 s9, $0x3;
	s9 =	simm.s32 @!p0 $0x13  }
0x5d: {  	[spmem:s21], [sflag:s4] =	dma.local @!p0 [hbm:s5], $0x2700  }
0x5e: {  	_ =	swait.ge @!p0 [sflag:s9], $0x2700  }
0x5f: {  	[sflag:s9] =	ssyncset.done @!p0 $0x0  }
0x60: {  	[sflag:s9] =	ssyncadd.s32 @!p0 $0xFFFFD900  }
0x61: {  	[bflag:$0x0] =	sbarrier.arrive $0xFFFF  }
0x62: {  	s12 =	rddreg [dreg:$0x8]  }
0x63: {  	[tilespmem:s3], [sflag:$0x1] =	stream.linear.gather [hbm4b:s12+s3], $0x80, $0x38;
	[tilespmem:$0x1FE80] =	vst v63  }
0x64: {  	s13 =	rddreg [dreg:$0x9]  }
0x65: {  	[tilespmem:s20], [sflag:$0x2] =	stream.linear.gather [hbm4b:s13+s3], $0x80, $0x38;
	[tilespmem:$0x1FE80] =	vst v63  }
0x66: {  	s10 =	simm.s32 $0x100;
	s17 =	rddreg [dreg:$0xa]  }
0x67: {  	[tilespmem:s10], [sflag:$0x3] =	stream.linear.gather [hbm4b:s17+s3], $0x80, $0x38;
	[tilespmem:$0x1FE80] =	vst v63  }
0x68: {  	s18 =	simm.s32 $0x180  }
0x69: {  	[tilespmem:s18], [sflag:$0x4] =	stream.linear.gather [hbm4b:s14+s3], $0x80, $0x38;
	[tilespmem:$0x1FE80] =	vst v63  }
0x6a: {  	_ =	swait.ge [sflag:s6], $0x80  }
0x6b: {  	[sflag:s6] =	ssyncset.done $0x0  }
.Ltmp2:
0x6c: {  	[sflag:s6] =	ssyncadd.s32 $0xFFFFFF80;
	(pc) =	sbr.rel .LBB2_2-.Ltmp2, $4  }
0x6d: {  	_ =	swait.ge [sflag:s26], $0x80  }
0x6e: {  	s11 =	simm.s32 $0x0;
	[sflag:s26] =	ssyncset.done $0x0  }
0x6f: {  	s17 =	smov.u32 s8;
	s18 =	smov.u32 s22;
	[sflag:s26] =	ssyncadd.s32 $0xFFFFFF80  }
0x70: {  	[tilespmem:s28], [sflag:$0xD] =	stream.indirect.gather [hbm4b:s1+s20], $0x80, s3, s20, $0xb8;
	[tilespmem:$0x1FE80] =	vst v63  }
.LBB2_8:
0x71: {  	p1 =	sge.u32 s11, s7  }
0x72: {  	s9 =	simm.s32 @!p1 $0x11  }
0x73: {  	_ =	swait.ge @!p1 [sflag:s9], $0x4000  }
0x74: {  	[sflag:s9] =	ssyncset.done @!p1 $0x0  }
0x75: {  	[sflag:s9] =	ssyncadd.s32 @!p1 $0xFFFFC000;
	s9 =	simm.s32 @!p1 $0x9  }
0x76: {  	_ =	swait.ge @!p1 [sflag:s9], $0x80  }
0x77: {  	[sflag:s9] =	ssyncset.done @!p1 $0x0  }
0x78: {  	[sflag:s9] =	ssyncadd.s32 @!p1 $0xFFFFFF80;
	s9 =	simm.s32 @!p1 $0xA  }
0x79: {  	_ =	swait.ge @!p1 [sflag:s9], $0x80  }
0x7a: {  	s12 =	simm.s32 @!p1 $0x400;
	[sflag:s9] =	ssyncset.done @!p1 $0x0  }
0x7b: {  	s13 =	simm.s32 @!p1 $0x4600;
	[sflag:s9] =	ssyncadd.s32 @!p1 $0xFFFFFF80;
	s9 =	simm.s32 @!p1 $0x80  }
0x7c: {  	[tilespmem:s13], [sflag:$0xE] =	stream.indirect.gather @!p1 [hbm4b:s1+s9], $0x80, s12, s9, $0xb8;
	[tilespmem:$0x1FE80] =	vst v63  }
0x7d: {  	p1 =	sge.u32 s10, s7  }
0x7e: {  	s9 =	simm.s32 @!p1 $0x0;
	s10 =	simm.s32 @!p1 $0x500  }
0x7f: {  	[tilespmem:s10], [sflag:$0xB] =	stream.linear.gather @!p1 [hbm4b:s17+s9], $0x80, $0x38;
	[tilespmem:$0x1FE80] =	vst v63  }
0x80: {  	s10 =	simm.s32 @!p1 $0x580  }
0x81: {  	[tilespmem:s10], [sflag:$0xC] =	stream.linear.gather @!p1 [hbm4b:s18+s9], $0x80, $0x38;
	[tilespmem:$0x1FE80] =	vst v63  }
0x82: {  	_ =	swait.ge [sflag:s29], $0x4000  }
0x83: {  	[sflag:s29] =	ssyncset.done $0x0  }
0x84: {  	[sflag:s29] =	ssyncadd.s32 $0xFFFFC000  }
0x85: {  	[spmem:s2] =	stream.indirect.scatter.add.f32 [tilespmem:s28], [sflag:$0x10], $0x80, s30, s20, $0xb8;
	[tilespmem:$0x1FE80] =	vst v63  }
.LBB2_9:
0x86: {  	p1 =	sne.s32 s19, s11  }
.Ltmp3:
0x87: {  	_ = 	snop;
	(pc) =	sbr.rel @!p1 .LBB2_10-.Ltmp3, $2  }
0x88: {  	_ =	sdelay $0x2  }
0x89: {  	s17 =	sadd.s32 $0x10, s17;
	s18 =	sadd.s32 $0x10, s18  }
.LBB2_2:
0x8a: {  	s10 =	smulhi.u32 $0xAAAAAAAB, s11;
	_ =	sdelay $0x1  }
0x8b: {  	s10 =	sshrl.u32 s10, $0x2  }
0x8c: {  	s10 =	smul.u32 $0xFFFFFFFA, s10;
	_ =	sdelay $0x1  }
0x8d: {  	s12 =	sadd.s32 s10, s11  }
0x8e: {  	p1 =	sgt.s32 s12, $0x2  }
.Ltmp4:
0x8f: {  	_ = 	snop;
	(pc) =	sbr.rel @p1 .LBB2_5-.Ltmp4, $3  }
0x90: {  	_ =	sdelay $0x1  }
0x91: {  	s9 =	smov.u32 s11  }
0x92: {  	s11 =	sadd.s32 $0x1, s11;
	s10 =	sadd.s32 $0x2, s9  }
0x93: {  	p1 =	seq.s32 s12, $0x0  }
.Ltmp5:
0x94: {  	_ = 	snop;
	(pc) =	sbr.rel @p1 .LBB2_7-.Ltmp5, $1  }
0x95: {  	_ =	sdelay $0x3  }
0x96: {  	p1 =	seq.s32 s12, $0x1  }
0x97: {  	p3 =	sge.u32 @p1 s11, s7  }
0x98: {  	p2 =	por p3, !p1  }
0x99: {  	p4 =	slt.u32 @!p2 s9, $0x2  }
0x9a: {  	p3 =	por @p1 p4, p3  }
0x9b: {  	p3 =	por p3, !p1  }
0x9c: {  	s9 =	simm.s32 @!p3 $0x12  }
0x9d: {  	_ =	swait.ge @!p3 [sflag:s9], $0x4000  }
0x9e: {  	[sflag:s9] =	ssyncset.done @!p3 $0x0  }
0x9f: {  	[sflag:s9] =	ssyncadd.s32 @!p3 $0xFFFFC000;
	s9 =	simm.s32 @!p2 $0x5  }
0xa0: {  	_ =	swait.ge @!p2 [sflag:s9], $0x80  }
0xa1: {  	[sflag:s9] =	ssyncset.done @!p2 $0x0  }
0xa2: {  	[sflag:s9] =	ssyncadd.s32 @!p2 $0xFFFFFF80;
	s9 =	simm.s32 @!p2 $0x6  }
0xa3: {  	_ =	swait.ge @!p2 [sflag:s9], $0x80  }
0xa4: {  	s12 =	simm.s32 @!p2 $0x200;
	[sflag:s9] =	ssyncset.done @!p2 $0x0  }
0xa5: {  	s13 =	simm.s32 @!p2 $0x8600;
	[sflag:s9] =	ssyncadd.s32 @!p2 $0xFFFFFF80;
	s9 =	simm.s32 @!p2 $0x80  }
0xa6: {  	[tilespmem:s13], [sflag:$0xF] =	stream.indirect.gather @!p2 [hbm4b:s1+s9], $0x80, s12, s9, $0xb8;
	[tilespmem:$0x1FE80] =	vst v63  }
0xa7: {  	p2 =	sge.u32 @p1 s10, s7  }
0xa8: {  	p2 =	por p2, !p1  }
0xa9: {  	s9 =	simm.s32 @!p2 $0x0;
	s12 =	simm.s32 @!p2 $0x300  }
0xaa: {  	[tilespmem:s12], [sflag:$0x7] =	stream.linear.gather @!p2 [hbm4b:s17+s9], $0x80, $0x38;
	[tilespmem:$0x1FE80] =	vst v63  }
0xab: {  	s12 =	simm.s32 @!p2 $0x380  }
0xac: {  	[tilespmem:s12], [sflag:$0x8] =	stream.linear.gather @!p2 [hbm4b:s18+s9], $0x80, $0x38;
	[tilespmem:$0x1FE80] =	vst v63  }
0xad: {  	s9 =	simm.s32 @p1 $0xE  }
0xae: {  	s13 =	simm.s32 @p1 $0x4600;
	_ =	swait.ge @p1 [sflag:s9], $0x4000  }
0xaf: {  	s12 =	simm.s32 @p1 $0x180;
	p2 =	sge.u32 @!p1 s11, s7;
	[sflag:s9] =	ssyncset.done @p1 $0x0  }
0xb0: {  	p2 =	por p2, p1;
	[sflag:s9] =	ssyncadd.s32 @p1 $0xFFFFC000;
	s9 =	simm.s32 @p1 $0x80  }
0xb1: {  	[spmem:s2] =	stream.indirect.scatter.add.f32 @p1 [tilespmem:s13], [sflag:$0x11], $0x80, s12, s9, $0xb8;
	[tilespmem:$0x1FE80] =	vst v63  }
0xb2: {  	s9 =	simm.s32 @!p2 $0x10  }
0xb3: {  	_ =	swait.ge @!p2 [sflag:s9], $0x4000  }
0xb4: {  	[sflag:s9] =	ssyncset.done @!p2 $0x0  }
0xb5: {  	[sflag:s9] =	ssyncadd.s32 @!p2 $0xFFFFC000;
	s9 =	simm.s32 @!p2 $0x7  }
0xb6: {  	_ =	swait.ge @!p2 [sflag:s9], $0x80  }
0xb7: {  	[sflag:s9] =	ssyncset.done @!p2 $0x0  }
0xb8: {  	[sflag:s9] =	ssyncadd.s32 @!p2 $0xFFFFFF80;
	s9 =	simm.s32 @!p2 $0x8  }
0xb9: {  	_ =	swait.ge @!p2 [sflag:s9], $0x80  }
0xba: {  	s12 =	simm.s32 @!p2 $0x300;
	[sflag:s9] =	ssyncset.done @!p2 $0x0  }
0xbb: {  	s13 =	simm.s32 @!p2 $0x600;
	[sflag:s9] =	ssyncadd.s32 @!p2 $0xFFFFFF80;
	s9 =	simm.s32 @!p2 $0x80  }
0xbc: {  	[tilespmem:s13], [sflag:$0xD] =	stream.indirect.gather @!p2 [hbm4b:s1+s9], $0x80, s12, s9, $0xb8;
	[tilespmem:$0x1FE80] =	vst v63  }
0xbd: {  	p2 =	sge.u32 @!p1 s10, s7  }
0xbe: {  	p2 =	por p2, p1  }
0xbf: {  	s9 =	simm.s32 @!p2 $0x0;
	s10 =	simm.s32 @!p2 $0x400  }
0xc0: {  	[tilespmem:s10], [sflag:$0x9] =	stream.linear.gather @!p2 [hbm4b:s17+s9], $0x80, $0x38;
	[tilespmem:$0x1FE80] =	vst v63  }
0xc1: {  	s10 =	simm.s32 @!p2 $0x480  }
0xc2: {  	[tilespmem:s10], [sflag:$0xA] =	stream.linear.gather @!p2 [hbm4b:s18+s9], $0x80, $0x38;
	[tilespmem:$0x1FE80] =	vst v63  }
.Ltmp6:
0xc3: {  	s9 =	simm.s32 @!p1 $0xF;
	(pc) =	sbr.rel .LBB2_9-.Ltmp6, $4  }
0xc4: {  	_ =	swait.ge @!p1 [sflag:s9], $0x4000  }
0xc5: {  	s12 =	simm.s32 @!p1 $0x8600;
	[sflag:s9] =	ssyncset.done @!p1 $0x0  }
0xc6: {  	s10 =	simm.s32 @!p1 $0x280;
	[sflag:s9] =	ssyncadd.s32 @!p1 $0xFFFFC000;
	s9 =	simm.s32 @!p1 $0x80  }
0xc7: {  	[spmem:s2] =	stream.indirect.scatter.add.f32 @!p1 [tilespmem:s12], [sflag:$0x12], $0x80, s10, s9, $0xb8;
	[tilespmem:$0x1FE80] =	vst v63  }
.LBB2_5:
0xc8: {  	p1 =	seq.s32 s12, $0x3  }
.Ltmp7:
0xc9: {  	_ = 	snop;
	(pc) =	sbr.rel @p1 .LBB2_8-.Ltmp7, $1  }
0xca: {  	_ =	sdelay $0x3  }
0xcb: {  	p1 =	seq.s32 s12, $0x4  }
0xcc: {  	p2 =	sge.u32 @p1 s11, s7  }
0xcd: {  	p2 =	por p2, !p1  }
0xce: {  	s9 =	simm.s32 @!p2 $0x12  }
0xcf: {  	_ =	swait.ge @!p2 [sflag:s9], $0x4000  }
0xd0: {  	[sflag:s9] =	ssyncset.done @!p2 $0x0  }
0xd1: {  	[sflag:s9] =	ssyncadd.s32 @!p2 $0xFFFFC000;
	s9 =	simm.s32 @!p2 $0xB  }
0xd2: {  	_ =	swait.ge @!p2 [sflag:s9], $0x80  }
0xd3: {  	[sflag:s9] =	ssyncset.done @!p2 $0x0  }
0xd4: {  	[sflag:s9] =	ssyncadd.s32 @!p2 $0xFFFFFF80;
	s9 =	simm.s32 @!p2 $0xC  }
0xd5: {  	_ =	swait.ge @!p2 [sflag:s9], $0x80  }
0xd6: {  	s12 =	simm.s32 @!p2 $0x500;
	[sflag:s9] =	ssyncset.done @!p2 $0x0  }
0xd7: {  	s13 =	simm.s32 @!p2 $0x8600;
	[sflag:s9] =	ssyncadd.s32 @!p2 $0xFFFFFF80;
	s9 =	simm.s32 @!p2 $0x80  }
0xd8: {  	[tilespmem:s13], [sflag:$0xF] =	stream.indirect.gather @!p2 [hbm4b:s1+s9], $0x80, s12, s9, $0xb8;
	[tilespmem:$0x1FE80] =	vst v63  }
0xd9: {  	p2 =	sge.u32 @p1 s10, s7  }
0xda: {  	p2 =	por p2, !p1  }
0xdb: {  	s9 =	simm.s32 @!p2 $0x0  }
0xdc: {  	[tilespmem:s9], [sflag:$0x1] =	stream.linear.gather @!p2 [hbm4b:s17+s9], $0x80, $0x38;
	[tilespmem:$0x1FE80] =	vst v63  }
0xdd: {  	s12 =	simm.s32 @!p2 $0x80  }
0xde: {  	[tilespmem:s12], [sflag:$0x2] =	stream.linear.gather @!p2 [hbm4b:s18+s9], $0x80, $0x38;
	[tilespmem:$0x1FE80] =	vst v63  }
0xdf: {  	s9 =	simm.s32 @p1 $0xE  }
0xe0: {  	s13 =	simm.s32 @p1 $0x4600;
	_ =	swait.ge @p1 [sflag:s9], $0x4000  }
0xe1: {  	s12 =	simm.s32 @p1 $0x480;
	p2 =	sge.u32 @!p1 s11, s7;
	[sflag:s9] =	ssyncset.done @p1 $0x0  }
0xe2: {  	p2 =	por p2, p1;
	[sflag:s9] =	ssyncadd.s32 @p1 $0xFFFFC000;
	s9 =	simm.s32 @p1 $0x80  }
0xe3: {  	[spmem:s2] =	stream.indirect.scatter.add.f32 @p1 [tilespmem:s13], [sflag:$0x11], $0x80, s12, s9, $0xb8;
	[tilespmem:$0x1FE80] =	vst v63  }
0xe4: {  	s9 =	simm.s32 @!p2 $0x10  }
0xe5: {  	_ =	swait.ge @!p2 [sflag:s9], $0x4000  }
0xe6: {  	[sflag:s9] =	ssyncset.done @!p2 $0x0  }
0xe7: {  	[sflag:s9] =	ssyncadd.s32 @!p2 $0xFFFFC000;
	s9 =	simm.s32 @!p2 $0x1  }
0xe8: {  	_ =	swait.ge @!p2 [sflag:s9], $0x80  }
0xe9: {  	[sflag:s9] =	ssyncset.done @!p2 $0x0  }
0xea: {  	[sflag:s9] =	ssyncadd.s32 @!p2 $0xFFFFFF80;
	s9 =	simm.s32 @!p2 $0x2  }
0xeb: {  	_ =	swait.ge @!p2 [sflag:s9], $0x80  }
0xec: {  	s12 =	simm.s32 @!p2 $0x0;
	[sflag:s9] =	ssyncset.done @!p2 $0x0  }
0xed: {  	s13 =	simm.s32 @!p2 $0x600;
	[sflag:s9] =	ssyncadd.s32 @!p2 $0xFFFFFF80;
	s9 =	simm.s32 @!p2 $0x80  }
0xee: {  	[tilespmem:s13], [sflag:$0xD] =	stream.indirect.gather @!p2 [hbm4b:s1+s9], $0x80, s12, s9, $0xb8;
	[tilespmem:$0x1FE80] =	vst v63  }
0xef: {  	p2 =	sge.u32 @!p1 s10, s7  }
0xf0: {  	p2 =	por p2, p1  }
0xf1: {  	s9 =	simm.s32 @!p2 $0x0;
	s10 =	simm.s32 @!p2 $0x100  }
0xf2: {  	[tilespmem:s10], [sflag:$0x3] =	stream.linear.gather @!p2 [hbm4b:s17+s9], $0x80, $0x38;
	[tilespmem:$0x1FE80] =	vst v63  }
0xf3: {  	s10 =	simm.s32 @!p2 $0x180  }
0xf4: {  	[tilespmem:s10], [sflag:$0x4] =	stream.linear.gather @!p2 [hbm4b:s18+s9], $0x80, $0x38;
	[tilespmem:$0x1FE80] =	vst v63  }
.Ltmp8:
0xf5: {  	s9 =	simm.s32 @!p1 $0xF;
	(pc) =	sbr.rel .LBB2_9-.Ltmp8, $4  }
0xf6: {  	_ =	swait.ge @!p1 [sflag:s9], $0x4000  }
0xf7: {  	s12 =	simm.s32 @!p1 $0x8600;
	[sflag:s9] =	ssyncset.done @!p1 $0x0  }
0xf8: {  	s10 =	simm.s32 @!p1 $0x580;
	[sflag:s9] =	ssyncadd.s32 @!p1 $0xFFFFC000;
	s9 =	simm.s32 @!p1 $0x80  }
0xf9: {  	[spmem:s2] =	stream.indirect.scatter.add.f32 @!p1 [tilespmem:s12], [sflag:$0x12], $0x80, s10, s9, $0xb8;
	[tilespmem:$0x1FE80] =	vst v63  }
.LBB2_7:
0xfa: {  	p1 =	sge.u32 s11, s7  }
0xfb: {  	p2 =	slt.u32 @!p1 s9, $0x2  }
0xfc: {  	p2 =	por p2, p1  }
0xfd: {  	s9 =	simm.s32 @!p2 $0x11  }
0xfe: {  	_ =	swait.ge @!p2 [sflag:s9], $0x4000  }
0xff: {  	[sflag:s9] =	ssyncset.done @!p2 $0x0  }
0x100: {  	[sflag:s9] =	ssyncadd.s32 @!p2 $0xFFFFC000;
	s9 =	simm.s32 @!p1 $0x3  }
0x101: {  	_ =	swait.ge @!p1 [sflag:s9], $0x80  }
0x102: {  	[sflag:s9] =	ssyncset.done @!p1 $0x0  }
0x103: {  	[sflag:s9] =	ssyncadd.s32 @!p1 $0xFFFFFF80;
	s9 =	simm.s32 @!p1 $0x4  }
0x104: {  	_ =	swait.ge @!p1 [sflag:s9], $0x80  }
0x105: {  	s12 =	simm.s32 @!p1 $0x100;
	[sflag:s9] =	ssyncset.done @!p1 $0x0  }
0x106: {  	s13 =	simm.s32 @!p1 $0x4600;
	[sflag:s9] =	ssyncadd.s32 @!p1 $0xFFFFFF80;
	s9 =	simm.s32 @!p1 $0x80  }
0x107: {  	[tilespmem:s13], [sflag:$0xE] =	stream.indirect.gather @!p1 [hbm4b:s1+s9], $0x80, s12, s9, $0xb8;
	[tilespmem:$0x1FE80] =	vst v63  }
0x108: {  	p1 =	sge.u32 s10, s7  }
0x109: {  	s9 =	simm.s32 @!p1 $0x0;
	s10 =	simm.s32 @!p1 $0x200  }
0x10a: {  	[tilespmem:s10], [sflag:$0x5] =	stream.linear.gather @!p1 [hbm4b:s17+s9], $0x80, $0x38;
	[tilespmem:$0x1FE80] =	vst v63  }
0x10b: {  	s10 =	simm.s32 @!p1 $0x280  }
0x10c: {  	[tilespmem:s10], [sflag:$0x6] =	stream.linear.gather @!p1 [hbm4b:s18+s9], $0x80, $0x38;
	[tilespmem:$0x1FE80] =	vst v63  }
.Ltmp9:
0x10d: {  	_ = 	snop;
	(pc) =	sbr.rel .LBB2_9-.Ltmp9, $4  }
0x10e: {  	_ =	swait.ge [sflag:s29], $0x4000  }
0x10f: {  	[sflag:s29] =	ssyncset.done $0x0  }
0x110: {  	[sflag:s29] =	ssyncadd.s32 $0xFFFFC000  }
0x111: {  	[spmem:s2] =	stream.indirect.scatter.add.f32 [tilespmem:s28], [sflag:$0x10], $0x80, s20, s20, $0xb8;
	[tilespmem:$0x1FE80] =	vst v63  }
.LBB2_11:
0x112: {  	_ =	sfence.sel $0x180000  }
0x113: {  	[bflag:$0x0] =	sbarrier.arrive $0xFFFF  }
0x114: {  	_ =	strace $0x9000004A  }
0x115: {  	s0 =	stileid.u32;
	[bflag:$0x2] =	sbarrier.arrive $0xFFFF  }
0x116: {  	p0 =	sne.s32 s0, $0x0;
	s0 =	rddreg [dreg:$0x4]  }
0x117: {  	s0 =	sadd.s32 @!p0 $0x100000, s0  }
0x118: {  	[sflag:s0] =	ssyncadd.tile.s32 @!p0 $0x1;
	_ =	shalt  }
.Lfunc_end2:
_tile_overlayer_lowered:
.L_overlay_start_2:
0x119: {  	(tag) =	ssettag $0x2  }
0x11a: {  	s0 =	rddreg [dreg:$0x0];
	s2 =	stileid.u32  }
0x11b: {  	s1 =	rddreg [dreg:$0x1];
	p0 =	sne.s32 s2, $0x0  }
0x11c: {  	s3 =	rddreg [dreg:$0x2];
	[bflag:$0x3] =	sbarrier.arrive $0xFFFF;
	s2 =	simm.s32 @!p0 $0x1C13  }
0x11d: {  	[timem:s3], [sflag:s2] =	dma.local @!p0 [hbm:s0], s1  }
0x11e: {  	s0 =	simm.s32 @!p0 $0x13  }
0x11f: {  	_ =	swait.ge @!p0 [sflag:s0], s1  }
0x120: {  	s1 =	ssub.s32 @!p0 $0x0, s1;
	[sflag:s0] =	ssyncset.done @!p0 $0x0  }
0x121: {  	[sflag:s0] =	ssyncadd.s32 @!p0 s1  }
0x122: {  	[bflag:$0x3] =	sbarrier.arrive $0xFFFF  }
0x123: {  	_ =	shalt  }

</sc_bundles>
